<compile_context>
chip_gen: v7x
topology: tpu7x:2x2x1
jax: 0.10.2.dev20260603
libtpu: 0.0.44.dev20260713+nightly
codegen_flags: <defaults>
</compile_context>

<pallas_src>
import jax
import jax.numpy as jnp
import numpy as np
from jax import lax
from jax.experimental import pallas as pl
from jax.experimental.pallas import tpu as pltpu
from jax.experimental.pallas import tpu_sc as plsc

MAXLEN = 200
EMBED_DIM = 64
SCALE = 8.0

NC = 2
NS = 16
NW = NC * NS

B = 4096
BCH = B // NW


def _positional_encoding_np(position, d_model):
    pos = np.arange(position)[:, np.newaxis].astype(np.float64)
    i = np.arange(d_model)[np.newaxis, :].astype(np.float64)
    angle_rates = 1.0 / np.power(10000.0, 2.0 * (i // 2) / np.float32(d_model))
    angle_rads = pos * angle_rates
    angle_rads[:, 0::2] = np.sin(angle_rads[:, 0::2])
    angle_rads[:, 1::2] = np.cos(angle_rads[:, 1::2])
    return angle_rads.astype(np.float32)


def _sc_body(xt_hbm, tp_hbm, pos_hbm, out_hbm, idx_slab, pos_v,
             gidx0, gidx1, gbuf0, gbuf1, wbuf0, wbuf1,
             gsem0, gsem1, wsem0, wsem1):
    wid = lax.axis_index("s") * NC + lax.axis_index("c")
    b0 = wid * BCH
    gidxs = (gidx0, gidx1)
    gbufs = (gbuf0, gbuf1)
    wbufs = (wbuf0, wbuf1)
    gsems = (gsem0, gsem1)
    wsems = (wsem0, wsem1)

    pltpu.sync_copy(xt_hbm.at[:, pl.ds(b0, BCH)], idx_slab)
    pltpu.sync_copy(pos_hbm, pos_v)

    def start_gather(s, slot):
        for kb in range(8):
            sl = pl.ds(16 * kb, 16)
            gidxs[slot][sl] = idx_slab[s, sl]
        pltpu.async_copy(tp_hbm.at[gidxs[slot]], gbufs[slot], gsems[slot])

    def wait_gather(slot):
        pltpu.make_async_copy(tp_hbm.at[gidxs[slot]], gbufs[slot],
                              gsems[slot]).wait()

    def start_write(s, slot):
        pltpu.async_copy(wbufs[slot], out_hbm.at[s, pl.ds(wid * 64, 64)],
                         wsems[slot])

    def wait_write(s, slot):
        pltpu.make_async_copy(wbufs[slot], out_hbm.at[s, pl.ds(wid * 64, 64)],
                              wsems[slot]).wait()

    def compute(s, slot):
        g, w = gbufs[slot], wbufs[slot]
        pq = [pos_v[s, pl.ds(16 * q, 16)] for q in range(4)]

        @plsc.parallel_loop(0, BCH // 2, unroll=8)
        def bp_body(bp):
            for h in range(2):
                for q in range(4):
                    val = g[2 * bp + h, pl.ds(16 * q, 16)] * SCALE + pq[q]
                    w[bp, pl.ds(64 * h + 16 * q, 16)] = val

    start_gather(0, 0)
    start_gather(1, 1)

    for slot in range(2):
        wait_gather(slot)
        compute(slot, slot)
        start_write(slot, slot)
        start_gather(slot + 2, slot)

    def group(k, carry):
        for slot in range(2):
            s = 2 * k + slot
            wait_gather(slot)
            wait_write(s - 2, slot)
            compute(s, slot)
            start_write(s, slot)
            start_gather(s + 2, slot)
        return carry

    lax.fori_loop(1, MAXLEN // 2 - 1, group, 0)

    for slot in range(2):
        s = MAXLEN - 2 + slot
        wait_gather(slot)
        wait_write(s - 2, slot)
        compute(s, slot)
        start_write(s, slot)

    wait_write(MAXLEN - 2, 0)
    wait_write(MAXLEN - 1, 1)


@jax.jit
def kernel(x, token_table):
    pos_np = _positional_encoding_np(MAXLEN, EMBED_DIM)
    pos_pad = np.zeros((MAXLEN, 128), np.float32)
    pos_pad[:, :EMBED_DIM] = pos_np
    posc = jnp.asarray(pos_pad)

    xt = jnp.transpose(x.astype(jnp.int32))
    tpad = jnp.pad(token_table, ((0, 0), (0, 128 - EMBED_DIM)))

    mesh = plsc.VectorSubcoreMesh(core_axis_name="c", subcore_axis_name="s")
    fn = pl.kernel(
        _sc_body,
        out_type=jax.ShapeDtypeStruct((MAXLEN, B // 2, 128), jnp.float32),
        mesh=mesh,
        scratch_types=[
            pltpu.VMEM((MAXLEN, BCH), jnp.int32),
            pltpu.VMEM((MAXLEN, 128), jnp.float32),
            pltpu.VMEM((BCH,), jnp.int32),
            pltpu.VMEM((BCH,), jnp.int32),
            pltpu.VMEM((BCH, 128), jnp.float32),
            pltpu.VMEM((BCH, 128), jnp.float32),
            pltpu.VMEM((BCH // 2, 128), jnp.float32),
            pltpu.VMEM((BCH // 2, 128), jnp.float32),
            pltpu.SemaphoreType.DMA,
            pltpu.SemaphoreType.DMA,
            pltpu.SemaphoreType.DMA,
            pltpu.SemaphoreType.DMA,
        ],
        compiler_params=pltpu.CompilerParams(use_tc_tiling_on_sc=True,
                                             needs_layout_passes=False),
    )
    out3 = fn(xt, tpad, posc)
    return jnp.transpose(out3.reshape(MAXLEN, B, EMBED_DIM), (1, 0, 2))

# --- scband reference (transcript-rebuilt; emitter-appended) ---
"""Pipeline reference for scband-token-and-position-embedding-36584531427372 (READ-ONLY COPY).

The authoritative reference and input builder live on the scoring server;
editing this copy changes nothing except your own understanding.
"""

import jax, jax.numpy as jnp
import numpy as np

MAXLEN = 200
VOCAB_SIZE = 1000000
EMBED_DIM = 64


def _positional_encoding(position, d_model):
    pos = np.arange(position)[:, np.newaxis].astype(np.float64)
    i = np.arange(d_model)[np.newaxis, :].astype(np.float64)
    angle_rates = 1.0 / np.power(10000.0, 2.0 * (i // 2) / np.float32(d_model))
    angle_rads = pos * angle_rates
    angle_rads[:, 0::2] = np.sin(angle_rads[:, 0::2])
    angle_rads[:, 1::2] = np.cos(angle_rads[:, 1::2])
    pos_encoding = angle_rads[np.newaxis, ...]
    return jnp.asarray(pos_encoding, dtype=jnp.float32)


def setup_inputs(seed: int = 0) -> dict:
    key = jax.random.key(seed)
    k_idx, k_tab = jax.random.split(key)
    x = jax.random.randint(k_idx, (4096, MAXLEN), 0, VOCAB_SIZE, dtype=jnp.int64 if jax.config.jax_enable_x64 else jnp.int32)
    # learned token embedding table (keras Embedding default: uniform init)
    token_table = jax.random.uniform(k_tab, (VOCAB_SIZE, EMBED_DIM), dtype=jnp.float32, minval=-0.05, maxval=0.05)
    return {"x": x, "token_table": token_table}


def reference(x, token_table):
    pos_enc = _positional_encoding(MAXLEN, EMBED_DIM)  # [1, MAXLEN, EMBED_DIM], constant buffer
    emb = jnp.take(token_table, x, axis=0)  # [B, MAXLEN, EMBED_DIM] gather
    emb = emb * jnp.sqrt(jnp.asarray(EMBED_DIM, dtype=jnp.float32))
    out = emb + pos_enc[:, :MAXLEN, :]
    return out

if __name__ == "__main__":
    import jax
    _d = setup_inputs()
    print(jax.jit(kernel)(*tuple(_d.values())))

</pallas_src>

<mosaic_0001>
#map = affine_map<(d0, d1) -> (0, 0)>
#map1 = affine_map<(d0, d1) -> (0, 0, 0)>
module attributes {stable_mosaic.version = 14 : i64} {
  func.func @_sc_body(%arg0: i32, %arg1: i32, %arg2: memref<200x4096xi32, #tpu.memory_space<hbm>>, %arg3: memref<1000000x128xf32, #tpu.memory_space<hbm>>, %arg4: memref<200x128xf32, #tpu.memory_space<hbm>>, %arg5: memref<200x2048x128xf32, #tpu.memory_space<hbm>>, %arg6: memref<200x128xi32, #tpu.memory_space<vmem>>, %arg7: memref<200x128xf32, #tpu.memory_space<vmem>>, %arg8: memref<128xi32, #tpu.memory_space<vmem>>, %arg9: memref<128xi32, #tpu.memory_space<vmem>>, %arg10: memref<128x128xf32, #tpu.memory_space<vmem>>, %arg11: memref<128x128xf32, #tpu.memory_space<vmem>>, %arg12: memref<64x128xf32, #tpu.memory_space<vmem>>, %arg13: memref<64x128xf32, #tpu.memory_space<vmem>>, %arg14: memref<!tpu.dma_semaphore, #tpu.memory_space<semaphore_mem>>, %arg15: memref<!tpu.dma_semaphore, #tpu.memory_space<semaphore_mem>>, %arg16: memref<!tpu.dma_semaphore, #tpu.memory_space<semaphore_mem>>, %arg17: memref<!tpu.dma_semaphore, #tpu.memory_space<semaphore_mem>>) attributes {dimension_semantics = [#tpu.dimension_semantics<core_parallel>, #tpu.dimension_semantics<subcore_parallel>], iteration_bounds = array<i64: 2, 16>, scalar_prefetch = 0 : i64, scratch_operands = 12 : i64, tpu.core_type = #tpu.core_type<sc_vector_subcore>, window_params = [{transform_indices = #map}, {transform_indices = #map}, {transform_indices = #map}, {transform_indices = #map1}]} {
    %mul3A = arith.constant 2 : i32
    %mul3A_0 = arith.muli %arg1, %mul3A : i32
    %add3A = arith.addi %mul3A_0, %arg0 : i32
    %mul3A_1 = arith.constant 128 : i32
    %mul3A_2 = arith.muli %add3A, %mul3A_1 : i32
    "tpu.region"() ({
      %run_scoped3A = tpu.sem_alloc : memref<!tpu.dma_semaphore, #tpu.memory_space<semaphore_mem>>
      %dma_start3A_367 = arith.constant 0 : i32
      %dma_start3A_368 = tpu.memref_slice %arg2[%dma_start3A_367, %mul3A_2] : memref<200x4096xi32, #tpu.memory_space<hbm>> -> memref<200x128xi32, #tpu.memory_space<hbm>>
      %dma_start3A_369 = arith.constant 0 : i32
      %dma_start3A_370 = tpu.memref_slice %arg2[%dma_start3A_369, %mul3A_2] : memref<200x4096xi32, #tpu.memory_space<hbm>> -> memref<200x128xi32, #tpu.memory_space<hbm>>
      tpu.enqueue_dma source(%dma_start3A_370 : memref<200x128xi32, #tpu.memory_space<hbm>>) target(%arg6 : memref<200x128xi32, #tpu.memory_space<vmem>>) target_semaphore(%run_scoped3A : memref<!tpu.dma_semaphore, #tpu.memory_space<semaphore_mem>>)
      %dma_wait3A_371 = arith.constant 0 : i32
      %dma_wait3A_372 = tpu.memref_slice %arg2[%dma_wait3A_371, %mul3A_2] : memref<200x4096xi32, #tpu.memory_space<hbm>> -> memref<200x128xi32, #tpu.memory_space<hbm>>
      %dma_wait3A_373 = arith.constant 0 : i32
      %dma_wait3A_374 = tpu.memref_slice %arg2[%dma_wait3A_373, %mul3A_2] : memref<200x4096xi32, #tpu.memory_space<hbm>> -> memref<200x128xi32, #tpu.memory_space<hbm>>
      tpu.wait_dma2 semaphore(%run_scoped3A : memref<!tpu.dma_semaphore, #tpu.memory_space<semaphore_mem>>) src(%dma_wait3A_374 : memref<200x128xi32, #tpu.memory_space<hbm>>) dst(%arg6 : memref<200x128xi32, #tpu.memory_space<vmem>>)
      tpu.yield
    }) : () -> ()
    "tpu.region"() ({
      %run_scoped3A = tpu.sem_alloc : memref<!tpu.dma_semaphore, #tpu.memory_space<semaphore_mem>>
      tpu.enqueue_dma source(%arg4 : memref<200x128xf32, #tpu.memory_space<hbm>>) target(%arg7 : memref<200x128xf32, #tpu.memory_space<vmem>>) target_semaphore(%run_scoped3A : memref<!tpu.dma_semaphore, #tpu.memory_space<semaphore_mem>>)
      tpu.wait_dma2 semaphore(%run_scoped3A : memref<!tpu.dma_semaphore, #tpu.memory_space<semaphore_mem>>) src(%arg4 : memref<200x128xf32, #tpu.memory_space<hbm>>) dst(%arg7 : memref<200x128xf32, #tpu.memory_space<vmem>>)
      tpu.yield
    }) : () -> ()
    %get3A = arith.constant 0 : i32
    %get3A_3 = arith.index_cast %get3A : i32 to index
    %get3A_4 = arith.constant 0 : index
    %get3A_5 = tpu.vector_load %arg6[%get3A_3, %get3A_4] {strides = array<i32>} : memref<200x128xi32, #tpu.memory_space<vmem>>, vector<16xi32>,
    %swap3A = arith.constant 0 : index
    %swap3A_6 = tpu.vector_load %arg8[%swap3A] {strides = array<i32>} : memref<128xi32, #tpu.memory_space<vmem>>, vector<16xi32>,
    tpu.vector_store %arg8[%swap3A], %get3A_5 {strides = array<i32>} : memref<128xi32, #tpu.memory_space<vmem>>, vector<16xi32>,
    %get3A_7 = arith.constant 0 : i32
    %get3A_8 = arith.index_cast %get3A_7 : i32 to index
    %get3A_9 = arith.constant 16 : index
    %get3A_10 = tpu.vector_load %arg6[%get3A_8, %get3A_9] {strides = array<i32>} : memref<200x128xi32, #tpu.memory_space<vmem>>, vector<16xi32>,
    %swap3A_11 = arith.constant 16 : index
    %swap3A_12 = tpu.vector_load %arg8[%swap3A_11] {strides = array<i32>} : memref<128xi32, #tpu.memory_space<vmem>>, vector<16xi32>,
    tpu.vector_store %arg8[%swap3A_11], %get3A_10 {strides = array<i32>} : memref<128xi32, #tpu.memory_space<vmem>>, vector<16xi32>,
    %get3A_13 = arith.constant 0 : i32
    %get3A_14 = arith.index_cast %get3A_13 : i32 to index
    %get3A_15 = arith.constant 32 : index
    %get3A_16 = tpu.vector_load %arg6[%get3A_14, %get3A_15] {strides = array<i32>} : memref<200x128xi32, #tpu.memory_space<vmem>>, vector<16xi32>,
    %swap3A_17 = arith.constant 32 : index
    %swap3A_18 = tpu.vector_load %arg8[%swap3A_17] {strides = array<i32>} : memref<128xi32, #tpu.memory_space<vmem>>, vector<16xi32>,
    tpu.vector_store %arg8[%swap3A_17], %get3A_16 {strides = array<i32>} : memref<128xi32, #tpu.memory_space<vmem>>, vector<16xi32>,
    %get3A_19 = arith.constant 0 : i32
    %get3A_20 = arith.index_cast %get3A_19 : i32 to index
    %get3A_21 = arith.constant 48 : index
    %get3A_22 = tpu.vector_load %arg6[%get3A_20, %get3A_21] {strides = array<i32>} : memref<200x128xi32, #tpu.memory_space<vmem>>, vector<16xi32>,
    %swap3A_23 = arith.constant 48 : index
    %swap3A_24 = tpu.vector_load %arg8[%swap3A_23] {strides = array<i32>} : memref<128xi32, #tpu.memory_space<vmem>>, vector<16xi32>,
    tpu.vector_store %arg8[%swap3A_23], %get3A_22 {strides = array<i32>} : memref<128xi32, #tpu.memory_space<vmem>>, vector<16xi32>,
    %get3A_25 = arith.constant 0 : i32
    %get3A_26 = arith.index_cast %get3A_25 : i32 to index
    %get3A_27 = arith.constant 64 : index
    %get3A_28 = tpu.vector_load %arg6[%get3A_26, %get3A_27] {strides = array<i32>} : memref<200x128xi32, #tpu.memory_space<vmem>>, vector<16xi32>,
    %swap3A_29 = arith.constant 64 : index
    %swap3A_30 = tpu.vector_load %arg8[%swap3A_29] {strides = array<i32>} : memref<128xi32, #tpu.memory_space<vmem>>, vector<16xi32>,
    tpu.vector_store %arg8[%swap3A_29], %get3A_28 {strides = array<i32>} : memref<128xi32, #tpu.memory_space<vmem>>, vector<16xi32>,
    %get3A_31 = arith.constant 0 : i32
    %get3A_32 = arith.index_cast %get3A_31 : i32 to index
    %get3A_33 = arith.constant 80 : index
    %get3A_34 = tpu.vector_load %arg6[%get3A_32, %get3A_33] {strides = array<i32>} : memref<200x128xi32, #tpu.memory_space<vmem>>, vector<16xi32>,
    %swap3A_35 = arith.constant 80 : index
    %swap3A_36 = tpu.vector_load %arg8[%swap3A_35] {strides = array<i32>} : memref<128xi32, #tpu.memory_space<vmem>>, vector<16xi32>,
    tpu.vector_store %arg8[%swap3A_35], %get3A_34 {strides = array<i32>} : memref<128xi32, #tpu.memory_space<vmem>>, vector<16xi32>,
    %get3A_37 = arith.constant 0 : i32
    %get3A_38 = arith.index_cast %get3A_37 : i32 to index
    %get3A_39 = arith.constant 96 : index
    %get3A_40 = tpu.vector_load %arg6[%get3A_38, %get3A_39] {strides = array<i32>} : memref<200x128xi32, #tpu.memory_space<vmem>>, vector<16xi32>,
    %swap3A_41 = arith.constant 96 : index
    %swap3A_42 = tpu.vector_load %arg8[%swap3A_41] {strides = array<i32>} : memref<128xi32, #tpu.memory_space<vmem>>, vector<16xi32>,
    tpu.vector_store %arg8[%swap3A_41], %get3A_40 {strides = array<i32>} : memref<128xi32, #tpu.memory_space<vmem>>, vector<16xi32>,
    %get3A_43 = arith.constant 0 : i32
    %get3A_44 = arith.index_cast %get3A_43 : i32 to index
    %get3A_45 = arith.constant 112 : index
    %get3A_46 = tpu.vector_load %arg6[%get3A_44, %get3A_45] {strides = array<i32>} : memref<200x128xi32, #tpu.memory_space<vmem>>, vector<16xi32>,
    %swap3A_47 = arith.constant 112 : index
    %swap3A_48 = tpu.vector_load %arg8[%swap3A_47] {strides = array<i32>} : memref<128xi32, #tpu.memory_space<vmem>>, vector<16xi32>,
    tpu.vector_store %arg8[%swap3A_47], %get3A_46 {strides = array<i32>} : memref<128xi32, #tpu.memory_space<vmem>>, vector<16xi32>,
    %dma_start3A = arith.constant 0 : i32
    %dma_start3A_49 = arith.constant 0 : i32
    %dma_start3A_50 = tpu.memref_slice %arg3[%dma_start3A, %dma_start3A_49] : memref<1000000x128xf32, #tpu.memory_space<hbm>> -> memref<1000000x128xf32, #tpu.memory_space<hbm>>
    tpu.enqueue_indirect_dma source(%dma_start3A_50 : memref<1000000x128xf32, #tpu.memory_space<hbm>>) target(%arg10 : memref<128x128xf32, #tpu.memory_space<vmem>>) offsets(%arg8 : memref<128xi32, #tpu.memory_space<vmem>>) semaphore(%arg14 : memref<!tpu.dma_semaphore, #tpu.memory_space<semaphore_mem>>)
    %get3A_51 = arith.constant 1 : i32
    %get3A_52 = arith.index_cast %get3A_51 : i32 to index
    %get3A_53 = arith.constant 0 : index
    %get3A_54 = tpu.vector_load %arg6[%get3A_52, %get3A_53] {strides = array<i32>} : memref<200x128xi32, #tpu.memory_space<vmem>>, vector<16xi32>,
    %swap3A_55 = arith.constant 0 : index
    %swap3A_56 = tpu.vector_load %arg9[%swap3A_55] {strides = array<i32>} : memref<128xi32, #tpu.memory_space<vmem>>, vector<16xi32>,
    tpu.vector_store %arg9[%swap3A_55], %get3A_54 {strides = array<i32>} : memref<128xi32, #tpu.memory_space<vmem>>, vector<16xi32>,
    %get3A_57 = arith.constant 1 : i32
    %get3A_58 = arith.index_cast %get3A_57 : i32 to index
    %get3A_59 = arith.constant 16 : index
    %get3A_60 = tpu.vector_load %arg6[%get3A_58, %get3A_59] {strides = array<i32>} : memref<200x128xi32, #tpu.memory_space<vmem>>, vector<16xi32>,
    %swap3A_61 = arith.constant 16 : index
    %swap3A_62 = tpu.vector_load %arg9[%swap3A_61] {strides = array<i32>} : memref<128xi32, #tpu.memory_space<vmem>>, vector<16xi32>,
    tpu.vector_store %arg9[%swap3A_61], %get3A_60 {strides = array<i32>} : memref<128xi32, #tpu.memory_space<vmem>>, vector<16xi32>,
    %get3A_63 = arith.constant 1 : i32
    %get3A_64 = arith.index_cast %get3A_63 : i32 to index
    %get3A_65 = arith.constant 32 : index
    %get3A_66 = tpu.vector_load %arg6[%get3A_64, %get3A_65] {strides = array<i32>} : memref<200x128xi32, #tpu.memory_space<vmem>>, vector<16xi32>,
    %swap3A_67 = arith.constant 32 : index
    %swap3A_68 = tpu.vector_load %arg9[%swap3A_67] {strides = array<i32>} : memref<128xi32, #tpu.memory_space<vmem>>, vector<16xi32>,
    tpu.vector_store %arg9[%swap3A_67], %get3A_66 {strides = array<i32>} : memref<128xi32, #tpu.memory_space<vmem>>, vector<16xi32>,
    %get3A_69 = arith.constant 1 : i32
    %get3A_70 = arith.index_cast %get3A_69 : i32 to index
    %get3A_71 = arith.constant 48 : index
    %get3A_72 = tpu.vector_load %arg6[%get3A_70, %get3A_71] {strides = array<i32>} : memref<200x128xi32, #tpu.memory_space<vmem>>, vector<16xi32>,
    %swap3A_73 = arith.constant 48 : index
    %swap3A_74 = tpu.vector_load %arg9[%swap3A_73] {strides = array<i32>} : memref<128xi32, #tpu.memory_space<vmem>>, vector<16xi32>,
    tpu.vector_store %arg9[%swap3A_73], %get3A_72 {strides = array<i32>} : memref<128xi32, #tpu.memory_space<vmem>>, vector<16xi32>,
    %get3A_75 = arith.constant 1 : i32
    %get3A_76 = arith.index_cast %get3A_75 : i32 to index
    %get3A_77 = arith.constant 64 : index
    %get3A_78 = tpu.vector_load %arg6[%get3A_76, %get3A_77] {strides = array<i32>} : memref<200x128xi32, #tpu.memory_space<vmem>>, vector<16xi32>,
    %swap3A_79 = arith.constant 64 : index
    %swap3A_80 = tpu.vector_load %arg9[%swap3A_79] {strides = array<i32>} : memref<128xi32, #tpu.memory_space<vmem>>, vector<16xi32>,
    tpu.vector_store %arg9[%swap3A_79], %get3A_78 {strides = array<i32>} : memref<128xi32, #tpu.memory_space<vmem>>, vector<16xi32>,
    %get3A_81 = arith.constant 1 : i32
    %get3A_82 = arith.index_cast %get3A_81 : i32 to index
    %get3A_83 = arith.constant 80 : index
    %get3A_84 = tpu.vector_load %arg6[%get3A_82, %get3A_83] {strides = array<i32>} : memref<200x128xi32, #tpu.memory_space<vmem>>, vector<16xi32>,
    %swap3A_85 = arith.constant 80 : index
    %swap3A_86 = tpu.vector_load %arg9[%swap3A_85] {strides = array<i32>} : memref<128xi32, #tpu.memory_space<vmem>>, vector<16xi32>,
    tpu.vector_store %arg9[%swap3A_85], %get3A_84 {strides = array<i32>} : memref<128xi32, #tpu.memory_space<vmem>>, vector<16xi32>,
    %get3A_87 = arith.constant 1 : i32
    %get3A_88 = arith.index_cast %get3A_87 : i32 to index
    %get3A_89 = arith.constant 96 : index
    %get3A_90 = tpu.vector_load %arg6[%get3A_88, %get3A_89] {strides = array<i32>} : memref<200x128xi32, #tpu.memory_space<vmem>>, vector<16xi32>,
    %swap3A_91 = arith.constant 96 : index
    %swap3A_92 = tpu.vector_load %arg9[%swap3A_91] {strides = array<i32>} : memref<128xi32, #tpu.memory_space<vmem>>, vector<16xi32>,
    tpu.vector_store %arg9[%swap3A_91], %get3A_90 {strides = array<i32>} : memref<128xi32, #tpu.memory_space<vmem>>, vector<16xi32>,
    %get3A_93 = arith.constant 1 : i32
    %get3A_94 = arith.index_cast %get3A_93 : i32 to index
    %get3A_95 = arith.constant 112 : index
    %get3A_96 = tpu.vector_load %arg6[%get3A_94, %get3A_95] {strides = array<i32>} : memref<200x128xi32, #tpu.memory_space<vmem>>, vector<16xi32>,
    %swap3A_97 = arith.constant 112 : index
    %swap3A_98 = tpu.vector_load %arg9[%swap3A_97] {strides = array<i32>} : memref<128xi32, #tpu.memory_space<vmem>>, vector<16xi32>,
    tpu.vector_store %arg9[%swap3A_97], %get3A_96 {strides = array<i32>} : memref<128xi32, #tpu.memory_space<vmem>>, vector<16xi32>,
    %dma_start3A_99 = arith.constant 0 : i32
    %dma_start3A_100 = arith.constant 0 : i32
    %dma_start3A_101 = tpu.memref_slice %arg3[%dma_start3A_99, %dma_start3A_100] : memref<1000000x128xf32, #tpu.memory_space<hbm>> -> memref<1000000x128xf32, #tpu.memory_space<hbm>>
    tpu.enqueue_indirect_dma source(%dma_start3A_101 : memref<1000000x128xf32, #tpu.memory_space<hbm>>) target(%arg11 : memref<128x128xf32, #tpu.memory_space<vmem>>) offsets(%arg9 : memref<128xi32, #tpu.memory_space<vmem>>) semaphore(%arg15 : memref<!tpu.dma_semaphore, #tpu.memory_space<semaphore_mem>>)
    %dma_wait3A = arith.constant 0 : i32
    %dma_wait3A_102 = arith.constant 0 : i32
    %dma_wait3A_103 = tpu.memref_slice %arg3[%dma_wait3A, %dma_wait3A_102] : memref<1000000x128xf32, #tpu.memory_space<hbm>> -> memref<1000000x128xf32, #tpu.memory_space<hbm>>
    tpu.wait_indirect_dma semaphore(%arg14 : memref<!tpu.dma_semaphore, #tpu.memory_space<semaphore_mem>>) src(%dma_wait3A_103 : memref<1000000x128xf32, #tpu.memory_space<hbm>>) dst(%arg10 : memref<128x128xf32, #tpu.memory_space<vmem>>)
    %get3A_104 = arith.constant 0 : i32
    %get3A_105 = arith.index_cast %get3A_104 : i32 to index
    %get3A_106 = arith.constant 0 : index
    %get3A_107 = tpu.vector_load %arg7[%get3A_105, %get3A_106] {strides = array<i32>} : memref<200x128xf32, #tpu.memory_space<vmem>>, vector<16xf32>,
    %get3A_108 = arith.constant 0 : i32
    %get3A_109 = arith.index_cast %get3A_108 : i32 to index
    %get3A_110 = arith.constant 16 : index
    %get3A_111 = tpu.vector_load %arg7[%get3A_109, %get3A_110] {strides = array<i32>} : memref<200x128xf32, #tpu.memory_space<vmem>>, vector<16xf32>,
    %get3A_112 = arith.constant 0 : i32
    %get3A_113 = arith.index_cast %get3A_112 : i32 to index
    %get3A_114 = arith.constant 32 : index
    %get3A_115 = tpu.vector_load %arg7[%get3A_113, %get3A_114] {strides = array<i32>} : memref<200x128xf32, #tpu.memory_space<vmem>>, vector<16xf32>,
    %get3A_116 = arith.constant 0 : i32
    %get3A_117 = arith.index_cast %get3A_116 : i32 to index
    %get3A_118 = arith.constant 48 : index
    %get3A_119 = tpu.vector_load %arg7[%get3A_117, %get3A_118] {strides = array<i32>} : memref<200x128xf32, #tpu.memory_space<vmem>>, vector<16xf32>,
    %parallel_loop3A = arith.constant 0 : i32
    %parallel_loop3A_120 = arith.constant 64 : i32
    %parallel_loop3A_121 = arith.constant 1 : i32
    scf.for %parallel_loop3A_367 = %parallel_loop3A to %parallel_loop3A_120 step %parallel_loop3A_121  : i32 {
      %parallel_loop3A_368 = arith.constant 2 : i32
      %parallel_loop3A_369 = arith.muli %parallel_loop3A_368, %parallel_loop3A_367 : i32
      %parallel_loop3A_370 = arith.constant 0 : i32
      %parallel_loop3A_371 = arith.addi %parallel_loop3A_369, %parallel_loop3A_370 : i32
      %parallel_loop3A_372 = arith.index_cast %parallel_loop3A_371 : i32 to index
      %parallel_loop3A_373 = arith.constant 0 : index
      %parallel_loop3A_374 = tpu.vector_load %arg10[%parallel_loop3A_372, %parallel_loop3A_373] {strides = array<i32>} : memref<128x128xf32, #tpu.memory_space<vmem>>, vector<16xf32>,
      %parallel_loop3A_375 = arith.constant 8.000000e+00 : f32
      %parallel_loop3A_376 = vector.broadcast %parallel_loop3A_375 : f32 to vector<16xf32>
      %parallel_loop3A_377 = arith.mulf %parallel_loop3A_374, %parallel_loop3A_376 : vector<16xf32>
      %parallel_loop3A_378 = arith.addf %parallel_loop3A_377, %get3A_107 : vector<16xf32>
      %parallel_loop3A_379 = arith.index_cast %parallel_loop3A_367 : i32 to index
      %parallel_loop3A_380 = arith.constant 0 : index
      %parallel_loop3A_381 = tpu.vector_load %arg12[%parallel_loop3A_379, %parallel_loop3A_380] {strides = array<i32>} : memref<64x128xf32, #tpu.memory_space<vmem>>, vector<16xf32>,
      tpu.vector_store %arg12[%parallel_loop3A_379, %parallel_loop3A_380], %parallel_loop3A_378 {strides = array<i32>} : memref<64x128xf32, #tpu.memory_space<vmem>>, vector<16xf32>,
      %parallel_loop3A_382 = arith.constant 2 : i32
      %parallel_loop3A_383 = arith.muli %parallel_loop3A_382, %parallel_loop3A_367 : i32
      %parallel_loop3A_384 = arith.constant 0 : i32
      %parallel_loop3A_385 = arith.addi %parallel_loop3A_383, %parallel_loop3A_384 : i32
      %parallel_loop3A_386 = arith.index_cast %parallel_loop3A_385 : i32 to index
      %parallel_loop3A_387 = arith.constant 16 : index
      %parallel_loop3A_388 = tpu.vector_load %arg10[%parallel_loop3A_386, %parallel_loop3A_387] {strides = array<i32>} : memref<128x128xf32, #tpu.memory_space<vmem>>, vector<16xf32>,
      %parallel_loop3A_389 = arith.constant 8.000000e+00 : f32
      %parallel_loop3A_390 = vector.broadcast %parallel_loop3A_389 : f32 to vector<16xf32>
      %parallel_loop3A_391 = arith.mulf %parallel_loop3A_388, %parallel_loop3A_390 : vector<16xf32>
      %parallel_loop3A_392 = arith.addf %parallel_loop3A_391, %get3A_111 : vector<16xf32>
      %parallel_loop3A_393 = arith.index_cast %parallel_loop3A_367 : i32 to index
      %parallel_loop3A_394 = arith.constant 16 : index
      %parallel_loop3A_395 = tpu.vector_load %arg12[%parallel_loop3A_393, %parallel_loop3A_394] {strides = array<i32>} : memref<64x128xf32, #tpu.memory_space<vmem>>, vector<16xf32>,
      tpu.vector_store %arg12[%parallel_loop3A_393, %parallel_loop3A_394], %parallel_loop3A_392 {strides = array<i32>} : memref<64x128xf32, #tpu.memory_space<vmem>>, vector<16xf32>,
      %parallel_loop3A_396 = arith.constant 2 : i32
      %parallel_loop3A_397 = arith.muli %parallel_loop3A_396, %parallel_loop3A_367 : i32
      %parallel_loop3A_398 = arith.constant 0 : i32
      %parallel_loop3A_399 = arith.addi %parallel_loop3A_397, %parallel_loop3A_398 : i32
      %parallel_loop3A_400 = arith.index_cast %parallel_loop3A_399 : i32 to index
      %parallel_loop3A_401 = arith.constant 32 : index
      %parallel_loop3A_402 = tpu.vector_load %arg10[%parallel_loop3A_400, %parallel_loop3A_401] {strides = array<i32>} : memref<128x128xf32, #tpu.memory_space<vmem>>, vector<16xf32>,
      %parallel_loop3A_403 = arith.constant 8.000000e+00 : f32
      %parallel_loop3A_404 = vector.broadcast %parallel_loop3A_403 : f32 to vector<16xf32>
      %parallel_loop3A_405 = arith.mulf %parallel_loop3A_402, %parallel_loop3A_404 : vector<16xf32>
      %parallel_loop3A_406 = arith.addf %parallel_loop3A_405, %get3A_115 : vector<16xf32>
      %parallel_loop3A_407 = arith.index_cast %parallel_loop3A_367 : i32 to index
      %parallel_loop3A_408 = arith.constant 32 : index
      %parallel_loop3A_409 = tpu.vector_load %arg12[%parallel_loop3A_407, %parallel_loop3A_408] {strides = array<i32>} : memref<64x128xf32, #tpu.memory_space<vmem>>, vector<16xf32>,
      tpu.vector_store %arg12[%parallel_loop3A_407, %parallel_loop3A_408], %parallel_loop3A_406 {strides = array<i32>} : memref<64x128xf32, #tpu.memory_space<vmem>>, vector<16xf32>,
      %parallel_loop3A_410 = arith.constant 2 : i32
      %parallel_loop3A_411 = arith.muli %parallel_loop3A_410, %parallel_loop3A_367 : i32
      %parallel_loop3A_412 = arith.constant 0 : i32
      %parallel_loop3A_413 = arith.addi %parallel_loop3A_411, %parallel_loop3A_412 : i32
      %parallel_loop3A_414 = arith.index_cast %parallel_loop3A_413 : i32 to index
      %parallel_loop3A_415 = arith.constant 48 : index
      %parallel_loop3A_416 = tpu.vector_load %arg10[%parallel_loop3A_414, %parallel_loop3A_415] {strides = array<i32>} : memref<128x128xf32, #tpu.memory_space<vmem>>, vector<16xf32>,
      %parallel_loop3A_417 = arith.constant 8.000000e+00 : f32
      %parallel_loop3A_418 = vector.broadcast %parallel_loop3A_417 : f32 to vector<16xf32>
      %parallel_loop3A_419 = arith.mulf %parallel_loop3A_416, %parallel_loop3A_418 : vector<16xf32>
      %parallel_loop3A_420 = arith.addf %parallel_loop3A_419, %get3A_119 : vector<16xf32>
      %parallel_loop3A_421 = arith.index_cast %parallel_loop3A_367 : i32 to index
      %parallel_loop3A_422 = arith.constant 48 : index
      %parallel_loop3A_423 = tpu.vector_load %arg12[%parallel_loop3A_421, %parallel_loop3A_422] {strides = array<i32>} : memref<64x128xf32, #tpu.memory_space<vmem>>, vector<16xf32>,
      tpu.vector_store %arg12[%parallel_loop3A_421, %parallel_loop3A_422], %parallel_loop3A_420 {strides = array<i32>} : memref<64x128xf32, #tpu.memory_space<vmem>>, vector<16xf32>,
      %parallel_loop3A_424 = arith.constant 2 : i32
      %parallel_loop3A_425 = arith.muli %parallel_loop3A_424, %parallel_loop3A_367 : i32
      %parallel_loop3A_426 = arith.constant 1 : i32
      %parallel_loop3A_427 = arith.addi %parallel_loop3A_425, %parallel_loop3A_426 : i32
      %parallel_loop3A_428 = arith.index_cast %parallel_loop3A_427 : i32 to index
      %parallel_loop3A_429 = arith.constant 0 : index
      %parallel_loop3A_430 = tpu.vector_load %arg10[%parallel_loop3A_428, %parallel_loop3A_429] {strides = array<i32>} : memref<128x128xf32, #tpu.memory_space<vmem>>, vector<16xf32>,
      %parallel_loop3A_431 = arith.constant 8.000000e+00 : f32
      %parallel_loop3A_432 = vector.broadcast %parallel_loop3A_431 : f32 to vector<16xf32>
      %parallel_loop3A_433 = arith.mulf %parallel_loop3A_430, %parallel_loop3A_432 : vector<16xf32>
      %parallel_loop3A_434 = arith.addf %parallel_loop3A_433, %get3A_107 : vector<16xf32>
      %parallel_loop3A_435 = arith.index_cast %parallel_loop3A_367 : i32 to index
      %parallel_loop3A_436 = arith.constant 64 : index
      %parallel_loop3A_437 = tpu.vector_load %arg12[%parallel_loop3A_435, %parallel_loop3A_436] {strides = array<i32>} : memref<64x128xf32, #tpu.memory_space<vmem>>, vector<16xf32>,
      tpu.vector_store %arg12[%parallel_loop3A_435, %parallel_loop3A_436], %parallel_loop3A_434 {strides = array<i32>} : memref<64x128xf32, #tpu.memory_space<vmem>>, vector<16xf32>,
      %parallel_loop3A_438 = arith.constant 2 : i32
      %parallel_loop3A_439 = arith.muli %parallel_loop3A_438, %parallel_loop3A_367 : i32
      %parallel_loop3A_440 = arith.constant 1 : i32
      %parallel_loop3A_441 = arith.addi %parallel_loop3A_439, %parallel_loop3A_440 : i32
      %parallel_loop3A_442 = arith.index_cast %parallel_loop3A_441 : i32 to index
      %parallel_loop3A_443 = arith.constant 16 : index
      %parallel_loop3A_444 = tpu.vector_load %arg10[%parallel_loop3A_442, %parallel_loop3A_443] {strides = array<i32>} : memref<128x128xf32, #tpu.memory_space<vmem>>, vector<16xf32>,
      %parallel_loop3A_445 = arith.constant 8.000000e+00 : f32
      %parallel_loop3A_446 = vector.broadcast %parallel_loop3A_445 : f32 to vector<16xf32>
      %parallel_loop3A_447 = arith.mulf %parallel_loop3A_444, %parallel_loop3A_446 : vector<16xf32>
      %parallel_loop3A_448 = arith.addf %parallel_loop3A_447, %get3A_111 : vector<16xf32>
      %parallel_loop3A_449 = arith.index_cast %parallel_loop3A_367 : i32 to index
      %parallel_loop3A_450 = arith.constant 80 : index
      %parallel_loop3A_451 = tpu.vector_load %arg12[%parallel_loop3A_449, %parallel_loop3A_450] {strides = array<i32>} : memref<64x128xf32, #tpu.memory_space<vmem>>, vector<16xf32>,
      tpu.vector_store %arg12[%parallel_loop3A_449, %parallel_loop3A_450], %parallel_loop3A_448 {strides = array<i32>} : memref<64x128xf32, #tpu.memory_space<vmem>>, vector<16xf32>,
      %parallel_loop3A_452 = arith.constant 2 : i32
      %parallel_loop3A_453 = arith.muli %parallel_loop3A_452, %parallel_loop3A_367 : i32
      %parallel_loop3A_454 = arith.constant 1 : i32
      %parallel_loop3A_455 = arith.addi %parallel_loop3A_453, %parallel_loop3A_454 : i32
      %parallel_loop3A_456 = arith.index_cast %parallel_loop3A_455 : i32 to index
      %parallel_loop3A_457 = arith.constant 32 : index
      %parallel_loop3A_458 = tpu.vector_load %arg10[%parallel_loop3A_456, %parallel_loop3A_457] {strides = array<i32>} : memref<128x128xf32, #tpu.memory_space<vmem>>, vector<16xf32>,
      %parallel_loop3A_459 = arith.constant 8.000000e+00 : f32
      %parallel_loop3A_460 = vector.broadcast %parallel_loop3A_459 : f32 to vector<16xf32>
      %parallel_loop3A_461 = arith.mulf %parallel_loop3A_458, %parallel_loop3A_460 : vector<16xf32>
      %parallel_loop3A_462 = arith.addf %parallel_loop3A_461, %get3A_115 : vector<16xf32>
      %parallel_loop3A_463 = arith.index_cast %parallel_loop3A_367 : i32 to index
      %parallel_loop3A_464 = arith.constant 96 : index
      %parallel_loop3A_465 = tpu.vector_load %arg12[%parallel_loop3A_463, %parallel_loop3A_464] {strides = array<i32>} : memref<64x128xf32, #tpu.memory_space<vmem>>, vector<16xf32>,
      tpu.vector_store %arg12[%parallel_loop3A_463, %parallel_loop3A_464], %parallel_loop3A_462 {strides = array<i32>} : memref<64x128xf32, #tpu.memory_space<vmem>>, vector<16xf32>,
      %parallel_loop3A_466 = arith.constant 2 : i32
      %parallel_loop3A_467 = arith.muli %parallel_loop3A_466, %parallel_loop3A_367 : i32
      %parallel_loop3A_468 = arith.constant 1 : i32
      %parallel_loop3A_469 = arith.addi %parallel_loop3A_467, %parallel_loop3A_468 : i32
      %parallel_loop3A_470 = arith.index_cast %parallel_loop3A_469 : i32 to index
      %parallel_loop3A_471 = arith.constant 48 : index
      %parallel_loop3A_472 = tpu.vector_load %arg10[%parallel_loop3A_470, %parallel_loop3A_471] {strides = array<i32>} : memref<128x128xf32, #tpu.memory_space<vmem>>, vector<16xf32>,
      %parallel_loop3A_473 = arith.constant 8.000000e+00 : f32
      %parallel_loop3A_474 = vector.broadcast %parallel_loop3A_473 : f32 to vector<16xf32>
      %parallel_loop3A_475 = arith.mulf %parallel_loop3A_472, %parallel_loop3A_474 : vector<16xf32>
      %parallel_loop3A_476 = arith.addf %parallel_loop3A_475, %get3A_119 : vector<16xf32>
      %parallel_loop3A_477 = arith.index_cast %parallel_loop3A_367 : i32 to index
      %parallel_loop3A_478 = arith.constant 112 : index
      %parallel_loop3A_479 = tpu.vector_load %arg12[%parallel_loop3A_477, %parallel_loop3A_478] {strides = array<i32>} : memref<64x128xf32, #tpu.memory_space<vmem>>, vector<16xf32>,
      tpu.vector_store %arg12[%parallel_loop3A_477, %parallel_loop3A_478], %parallel_loop3A_476 {strides = array<i32>} : memref<64x128xf32, #tpu.memory_space<vmem>>, vector<16xf32>,
    } {sc.loop_unroll_factor = 8 : i64, sc.parallel_access}
    %mul3A_122 = arith.constant 64 : i32
    %mul3A_123 = arith.muli %add3A, %mul3A_122 : i32
    %dma_start3A_124 = arith.constant 0 : i32
    %dma_start3A_125 = arith.constant 0 : i32
    %dma_start3A_126 = tpu.memref_slice %arg5[%dma_start3A_124, %mul3A_123, %dma_start3A_125] : memref<200x2048x128xf32, #tpu.memory_space<hbm>> -> memref<1x64x128xf32, #tpu.memory_space<hbm>>
    %dma_start3A_127 = tpu.memref_squeeze %dma_start3A_126 : memref<1x64x128xf32, #tpu.memory_space<hbm>> -> memref<64x128xf32, #tpu.memory_space<hbm>>
    %dma_start3A_128 = arith.constant 0 : i32
    %dma_start3A_129 = tpu.memref_slice %arg5[%dma_start3A_124, %mul3A_123, %dma_start3A_128] : memref<200x2048x128xf32, #tpu.memory_space<hbm>> -> memref<1x64x128xf32, #tpu.memory_space<hbm>>
    %dma_start3A_130 = tpu.memref_squeeze %dma_start3A_129 : memref<1x64x128xf32, #tpu.memory_space<hbm>> -> memref<64x128xf32, #tpu.memory_space<hbm>>
    tpu.enqueue_dma source(%arg12 : memref<64x128xf32, #tpu.memory_space<vmem>>) target(%dma_start3A_130 : memref<64x128xf32, #tpu.memory_space<hbm>>) target_semaphore(%arg16 : memref<!tpu.dma_semaphore, #tpu.memory_space<semaphore_mem>>)
    %get3A_131 = arith.constant 2 : i32
    %get3A_132 = arith.index_cast %get3A_131 : i32 to index
    %get3A_133 = arith.constant 0 : index
    %get3A_134 = tpu.vector_load %arg6[%get3A_132, %get3A_133] {strides = array<i32>} : memref<200x128xi32, #tpu.memory_space<vmem>>, vector<16xi32>,
    %swap3A_135 = arith.constant 0 : index
    %swap3A_136 = tpu.vector_load %arg8[%swap3A_135] {strides = array<i32>} : memref<128xi32, #tpu.memory_space<vmem>>, vector<16xi32>,
    tpu.vector_store %arg8[%swap3A_135], %get3A_134 {strides = array<i32>} : memref<128xi32, #tpu.memory_space<vmem>>, vector<16xi32>,
    %get3A_137 = arith.constant 2 : i32
    %get3A_138 = arith.index_cast %get3A_137 : i32 to index
    %get3A_139 = arith.constant 16 : index
    %get3A_140 = tpu.vector_load %arg6[%get3A_138, %get3A_139] {strides = array<i32>} : memref<200x128xi32, #tpu.memory_space<vmem>>, vector<16xi32>,
    %swap3A_141 = arith.constant 16 : index
    %swap3A_142 = tpu.vector_load %arg8[%swap3A_141] {strides = array<i32>} : memref<128xi32, #tpu.memory_space<vmem>>, vector<16xi32>,
    tpu.vector_store %arg8[%swap3A_141], %get3A_140 {strides = array<i32>} : memref<128xi32, #tpu.memory_space<vmem>>, vector<16xi32>,
    %get3A_143 = arith.constant 2 : i32
    %get3A_144 = arith.index_cast %get3A_143 : i32 to index
    %get3A_145 = arith.constant 32 : index
    %get3A_146 = tpu.vector_load %arg6[%get3A_144, %get3A_145] {strides = array<i32>} : memref<200x128xi32, #tpu.memory_space<vmem>>, vector<16xi32>,
    %swap3A_147 = arith.constant 32 : index
    %swap3A_148 = tpu.vector_load %arg8[%swap3A_147] {strides = array<i32>} : memref<128xi32, #tpu.memory_space<vmem>>, vector<16xi32>,
    tpu.vector_store %arg8[%swap3A_147], %get3A_146 {strides = array<i32>} : memref<128xi32, #tpu.memory_space<vmem>>, vector<16xi32>,
    %get3A_149 = arith.constant 2 : i32
    %get3A_150 = arith.index_cast %get3A_149 : i32 to index
    %get3A_151 = arith.constant 48 : index
    %get3A_152 = tpu.vector_load %arg6[%get3A_150, %get3A_151] {strides = array<i32>} : memref<200x128xi32, #tpu.memory_space<vmem>>, vector<16xi32>,
    %swap3A_153 = arith.constant 48 : index
    %swap3A_154 = tpu.vector_load %arg8[%swap3A_153] {strides = array<i32>} : memref<128xi32, #tpu.memory_space<vmem>>, vector<16xi32>,
    tpu.vector_store %arg8[%swap3A_153], %get3A_152 {strides = array<i32>} : memref<128xi32, #tpu.memory_space<vmem>>, vector<16xi32>,
    %get3A_155 = arith.constant 2 : i32
    %get3A_156 = arith.index_cast %get3A_155 : i32 to index
    %get3A_157 = arith.constant 64 : index
    %get3A_158 = tpu.vector_load %arg6[%get3A_156, %get3A_157] {strides = array<i32>} : memref<200x128xi32, #tpu.memory_space<vmem>>, vector<16xi32>,
    %swap3A_159 = arith.constant 64 : index
    %swap3A_160 = tpu.vector_load %arg8[%swap3A_159] {strides = array<i32>} : memref<128xi32, #tpu.memory_space<vmem>>, vector<16xi32>,
    tpu.vector_store %arg8[%swap3A_159], %get3A_158 {strides = array<i32>} : memref<128xi32, #tpu.memory_space<vmem>>, vector<16xi32>,
    %get3A_161 = arith.constant 2 : i32
    %get3A_162 = arith.index_cast %get3A_161 : i32 to index
    %get3A_163 = arith.constant 80 : index
    %get3A_164 = tpu.vector_load %arg6[%get3A_162, %get3A_163] {strides = array<i32>} : memref<200x128xi32, #tpu.memory_space<vmem>>, vector<16xi32>,
    %swap3A_165 = arith.constant 80 : index
    %swap3A_166 = tpu.vector_load %arg8[%swap3A_165] {strides = array<i32>} : memref<128xi32, #tpu.memory_space<vmem>>, vector<16xi32>,
    tpu.vector_store %arg8[%swap3A_165], %get3A_164 {strides = array<i32>} : memref<128xi32, #tpu.memory_space<vmem>>, vector<16xi32>,
    %get3A_167 = arith.constant 2 : i32
    %get3A_168 = arith.index_cast %get3A_167 : i32 to index
    %get3A_169 = arith.constant 96 : index
    %get3A_170 = tpu.vector_load %arg6[%get3A_168, %get3A_169] {strides = array<i32>} : memref<200x128xi32, #tpu.memory_space<vmem>>, vector<16xi32>,
    %swap3A_171 = arith.constant 96 : index
    %swap3A_172 = tpu.vector_load %arg8[%swap3A_171] {strides = array<i32>} : memref<128xi32, #tpu.memory_space<vmem>>, vector<16xi32>,
    tpu.vector_store %arg8[%swap3A_171], %get3A_170 {strides = array<i32>} : memref<128xi32, #tpu.memory_space<vmem>>, vector<16xi32>,
    %get3A_173 = arith.constant 2 : i32
    %get3A_174 = arith.index_cast %get3A_173 : i32 to index
    %get3A_175 = arith.constant 112 : index
    %get3A_176 = tpu.vector_load %arg6[%get3A_174, %get3A_175] {strides = array<i32>} : memref<200x128xi32, #tpu.memory_space<vmem>>, vector<16xi32>,
    %swap3A_177 = arith.constant 112 : index
    %swap3A_178 = tpu.vector_load %arg8[%swap3A_177] {strides = array<i32>} : memref<128xi32, #tpu.memory_space<vmem>>, vector<16xi32>,
    tpu.vector_store %arg8[%swap3A_177], %get3A_176 {strides = array<i32>} : memref<128xi32, #tpu.memory_space<vmem>>, vector<16xi32>,
    %dma_start3A_179 = arith.constant 0 : i32
    %dma_start3A_180 = arith.constant 0 : i32
    %dma_start3A_181 = tpu.memref_slice %arg3[%dma_start3A_179, %dma_start3A_180] : memref<1000000x128xf32, #tpu.memory_space<hbm>> -> memref<1000000x128xf32, #tpu.memory_space<hbm>>
    tpu.enqueue_indirect_dma source(%dma_start3A_181 : memref<1000000x128xf32, #tpu.memory_space<hbm>>) target(%arg10 : memref<128x128xf32, #tpu.memory_space<vmem>>) offsets(%arg8 : memref<128xi32, #tpu.memory_space<vmem>>) semaphore(%arg14 : memref<!tpu.dma_semaphore, #tpu.memory_space<semaphore_mem>>)
    %dma_wait3A_182 = arith.constant 0 : i32
    %dma_wait3A_183 = arith.constant 0 : i32
    %dma_wait3A_184 = tpu.memref_slice %arg3[%dma_wait3A_182, %dma_wait3A_183] : memref<1000000x128xf32, #tpu.memory_space<hbm>> -> memref<1000000x128xf32, #tpu.memory_space<hbm>>
    tpu.wait_indirect_dma semaphore(%arg15 : memref<!tpu.dma_semaphore, #tpu.memory_space<semaphore_mem>>) src(%dma_wait3A_184 : memref<1000000x128xf32, #tpu.memory_space<hbm>>) dst(%arg11 : memref<128x128xf32, #tpu.memory_space<vmem>>)
    %get3A_185 = arith.constant 1 : i32
    %get3A_186 = arith.index_cast %get3A_185 : i32 to index
    %get3A_187 = arith.constant 0 : index
    %get3A_188 = tpu.vector_load %arg7[%get3A_186, %get3A_187] {strides = array<i32>} : memref<200x128xf32, #tpu.memory_space<vmem>>, vector<16xf32>,
    %get3A_189 = arith.constant 1 : i32
    %get3A_190 = arith.index_cast %get3A_189 : i32 to index
    %get3A_191 = arith.constant 16 : index
    %get3A_192 = tpu.vector_load %arg7[%get3A_190, %get3A_191] {strides = array<i32>} : memref<200x128xf32, #tpu.memory_space<vmem>>, vector<16xf32>,
    %get3A_193 = arith.constant 1 : i32
    %get3A_194 = arith.index_cast %get3A_193 : i32 to index
    %get3A_195 = arith.constant 32 : index
    %get3A_196 = tpu.vector_load %arg7[%get3A_194, %get3A_195] {strides = array<i32>} : memref<200x128xf32, #tpu.memory_space<vmem>>, vector<16xf32>,
    %get3A_197 = arith.constant 1 : i32
    %get3A_198 = arith.index_cast %get3A_197 : i32 to index
    %get3A_199 = arith.constant 48 : index
    %get3A_200 = tpu.vector_load %arg7[%get3A_198, %get3A_199] {strides = array<i32>} : memref<200x128xf32, #tpu.memory_space<vmem>>, vector<16xf32>,
    %parallel_loop3A_201 = arith.constant 0 : i32
    %parallel_loop3A_202 = arith.constant 64 : i32
    %parallel_loop3A_203 = arith.constant 1 : i32
    scf.for %parallel_loop3A_367 = %parallel_loop3A_201 to %parallel_loop3A_202 step %parallel_loop3A_203  : i32 {
      %parallel_loop3A_368 = arith.constant 2 : i32
      %parallel_loop3A_369 = arith.muli %parallel_loop3A_368, %parallel_loop3A_367 : i32
      %parallel_loop3A_370 = arith.constant 0 : i32
      %parallel_loop3A_371 = arith.addi %parallel_loop3A_369, %parallel_loop3A_370 : i32
      %parallel_loop3A_372 = arith.index_cast %parallel_loop3A_371 : i32 to index
      %parallel_loop3A_373 = arith.constant 0 : index
      %parallel_loop3A_374 = tpu.vector_load %arg11[%parallel_loop3A_372, %parallel_loop3A_373] {strides = array<i32>} : memref<128x128xf32, #tpu.memory_space<vmem>>, vector<16xf32>,
      %parallel_loop3A_375 = arith.constant 8.000000e+00 : f32
      %parallel_loop3A_376 = vector.broadcast %parallel_loop3A_375 : f32 to vector<16xf32>
      %parallel_loop3A_377 = arith.mulf %parallel_loop3A_374, %parallel_loop3A_376 : vector<16xf32>
      %parallel_loop3A_378 = arith.addf %parallel_loop3A_377, %get3A_188 : vector<16xf32>
      %parallel_loop3A_379 = arith.index_cast %parallel_loop3A_367 : i32 to index
      %parallel_loop3A_380 = arith.constant 0 : index
      %parallel_loop3A_381 = tpu.vector_load %arg13[%parallel_loop3A_379, %parallel_loop3A_380] {strides = array<i32>} : memref<64x128xf32, #tpu.memory_space<vmem>>, vector<16xf32>,
      tpu.vector_store %arg13[%parallel_loop3A_379, %parallel_loop3A_380], %parallel_loop3A_378 {strides = array<i32>} : memref<64x128xf32, #tpu.memory_space<vmem>>, vector<16xf32>,
      %parallel_loop3A_382 = arith.constant 2 : i32
      %parallel_loop3A_383 = arith.muli %parallel_loop3A_382, %parallel_loop3A_367 : i32
      %parallel_loop3A_384 = arith.constant 0 : i32
      %parallel_loop3A_385 = arith.addi %parallel_loop3A_383, %parallel_loop3A_384 : i32
      %parallel_loop3A_386 = arith.index_cast %parallel_loop3A_385 : i32 to index
      %parallel_loop3A_387 = arith.constant 16 : index
      %parallel_loop3A_388 = tpu.vector_load %arg11[%parallel_loop3A_386, %parallel_loop3A_387] {strides = array<i32>} : memref<128x128xf32, #tpu.memory_space<vmem>>, vector<16xf32>,
      %parallel_loop3A_389 = arith.constant 8.000000e+00 : f32
      %parallel_loop3A_390 = vector.broadcast %parallel_loop3A_389 : f32 to vector<16xf32>
      %parallel_loop3A_391 = arith.mulf %parallel_loop3A_388, %parallel_loop3A_390 : vector<16xf32>
      %parallel_loop3A_392 = arith.addf %parallel_loop3A_391, %get3A_192 : vector<16xf32>
      %parallel_loop3A_393 = arith.index_cast %parallel_loop3A_367 : i32 to index
      %parallel_loop3A_394 = arith.constant 16 : index
      %parallel_loop3A_395 = tpu.vector_load %arg13[%parallel_loop3A_393, %parallel_loop3A_394] {strides = array<i32>} : memref<64x128xf32, #tpu.memory_space<vmem>>, vector<16xf32>,
      tpu.vector_store %arg13[%parallel_loop3A_393, %parallel_loop3A_394], %parallel_loop3A_392 {strides = array<i32>} : memref<64x128xf32, #tpu.memory_space<vmem>>, vector<16xf32>,
      %parallel_loop3A_396 = arith.constant 2 : i32
      %parallel_loop3A_397 = arith.muli %parallel_loop3A_396, %parallel_loop3A_367 : i32
      %parallel_loop3A_398 = arith.constant 0 : i32
      %parallel_loop3A_399 = arith.addi %parallel_loop3A_397, %parallel_loop3A_398 : i32
      %parallel_loop3A_400 = arith.index_cast %parallel_loop3A_399 : i32 to index
      %parallel_loop3A_401 = arith.constant 32 : index
      %parallel_loop3A_402 = tpu.vector_load %arg11[%parallel_loop3A_400, %parallel_loop3A_401] {strides = array<i32>} : memref<128x128xf32, #tpu.memory_space<vmem>>, vector<16xf32>,
      %parallel_loop3A_403 = arith.constant 8.000000e+00 : f32
      %parallel_loop3A_404 = vector.broadcast %parallel_loop3A_403 : f32 to vector<16xf32>
      %parallel_loop3A_405 = arith.mulf %parallel_loop3A_402, %parallel_loop3A_404 : vector<16xf32>
      %parallel_loop3A_406 = arith.addf %parallel_loop3A_405, %get3A_196 : vector<16xf32>
      %parallel_loop3A_407 = arith.index_cast %parallel_loop3A_367 : i32 to index
      %parallel_loop3A_408 = arith.constant 32 : index
      %parallel_loop3A_409 = tpu.vector_load %arg13[%parallel_loop3A_407, %parallel_loop3A_408] {strides = array<i32>} : memref<64x128xf32, #tpu.memory_space<vmem>>, vector<16xf32>,
      tpu.vector_store %arg13[%parallel_loop3A_407, %parallel_loop3A_408], %parallel_loop3A_406 {strides = array<i32>} : memref<64x128xf32, #tpu.memory_space<vmem>>, vector<16xf32>,
      %parallel_loop3A_410 = arith.constant 2 : i32
      %parallel_loop3A_411 = arith.muli %parallel_loop3A_410, %parallel_loop3A_367 : i32
      %parallel_loop3A_412 = arith.constant 0 : i32
      %parallel_loop3A_413 = arith.addi %parallel_loop3A_411, %parallel_loop3A_412 : i32
      %parallel_loop3A_414 = arith.index_cast %parallel_loop3A_413 : i32 to index
      %parallel_loop3A_415 = arith.constant 48 : index
      %parallel_loop3A_416 = tpu.vector_load %arg11[%parallel_loop3A_414, %parallel_loop3A_415] {strides = array<i32>} : memref<128x128xf32, #tpu.memory_space<vmem>>, vector<16xf32>,
      %parallel_loop3A_417 = arith.constant 8.000000e+00 : f32
      %parallel_loop3A_418 = vector.broadcast %parallel_loop3A_417 : f32 to vector<16xf32>
      %parallel_loop3A_419 = arith.mulf %parallel_loop3A_416, %parallel_loop3A_418 : vector<16xf32>
      %parallel_loop3A_420 = arith.addf %parallel_loop3A_419, %get3A_200 : vector<16xf32>
      %parallel_loop3A_421 = arith.index_cast %parallel_loop3A_367 : i32 to index
      %parallel_loop3A_422 = arith.constant 48 : index
      %parallel_loop3A_423 = tpu.vector_load %arg13[%parallel_loop3A_421, %parallel_loop3A_422] {strides = array<i32>} : memref<64x128xf32, #tpu.memory_space<vmem>>, vector<16xf32>,
      tpu.vector_store %arg13[%parallel_loop3A_421, %parallel_loop3A_422], %parallel_loop3A_420 {strides = array<i32>} : memref<64x128xf32, #tpu.memory_space<vmem>>, vector<16xf32>,
      %parallel_loop3A_424 = arith.constant 2 : i32
      %parallel_loop3A_425 = arith.muli %parallel_loop3A_424, %parallel_loop3A_367 : i32
      %parallel_loop3A_426 = arith.constant 1 : i32
      %parallel_loop3A_427 = arith.addi %parallel_loop3A_425, %parallel_loop3A_426 : i32
      %parallel_loop3A_428 = arith.index_cast %parallel_loop3A_427 : i32 to index
      %parallel_loop3A_429 = arith.constant 0 : index
      %parallel_loop3A_430 = tpu.vector_load %arg11[%parallel_loop3A_428, %parallel_loop3A_429] {strides = array<i32>} : memref<128x128xf32, #tpu.memory_space<vmem>>, vector<16xf32>,
      %parallel_loop3A_431 = arith.constant 8.000000e+00 : f32
      %parallel_loop3A_432 = vector.broadcast %parallel_loop3A_431 : f32 to vector<16xf32>
      %parallel_loop3A_433 = arith.mulf %parallel_loop3A_430, %parallel_loop3A_432 : vector<16xf32>
      %parallel_loop3A_434 = arith.addf %parallel_loop3A_433, %get3A_188 : vector<16xf32>
      %parallel_loop3A_435 = arith.index_cast %parallel_loop3A_367 : i32 to index
      %parallel_loop3A_436 = arith.constant 64 : index
      %parallel_loop3A_437 = tpu.vector_load %arg13[%parallel_loop3A_435, %parallel_loop3A_436] {strides = array<i32>} : memref<64x128xf32, #tpu.memory_space<vmem>>, vector<16xf32>,
      tpu.vector_store %arg13[%parallel_loop3A_435, %parallel_loop3A_436], %parallel_loop3A_434 {strides = array<i32>} : memref<64x128xf32, #tpu.memory_space<vmem>>, vector<16xf32>,
      %parallel_loop3A_438 = arith.constant 2 : i32
      %parallel_loop3A_439 = arith.muli %parallel_loop3A_438, %parallel_loop3A_367 : i32
      %parallel_loop3A_440 = arith.constant 1 : i32
      %parallel_loop3A_441 = arith.addi %parallel_loop3A_439, %parallel_loop3A_440 : i32
      %parallel_loop3A_442 = arith.index_cast %parallel_loop3A_441 : i32 to index
      %parallel_loop3A_443 = arith.constant 16 : index
      %parallel_loop3A_444 = tpu.vector_load %arg11[%parallel_loop3A_442, %parallel_loop3A_443] {strides = array<i32>} : memref<128x128xf32, #tpu.memory_space<vmem>>, vector<16xf32>,
      %parallel_loop3A_445 = arith.constant 8.000000e+00 : f32
      %parallel_loop3A_446 = vector.broadcast %parallel_loop3A_445 : f32 to vector<16xf32>
      %parallel_loop3A_447 = arith.mulf %parallel_loop3A_444, %parallel_loop3A_446 : vector<16xf32>
      %parallel_loop3A_448 = arith.addf %parallel_loop3A_447, %get3A_192 : vector<16xf32>
      %parallel_loop3A_449 = arith.index_cast %parallel_loop3A_367 : i32 to index
      %parallel_loop3A_450 = arith.constant 80 : index
      %parallel_loop3A_451 = tpu.vector_load %arg13[%parallel_loop3A_449, %parallel_loop3A_450] {strides = array<i32>} : memref<64x128xf32, #tpu.memory_space<vmem>>, vector<16xf32>,
      tpu.vector_store %arg13[%parallel_loop3A_449, %parallel_loop3A_450], %parallel_loop3A_448 {strides = array<i32>} : memref<64x128xf32, #tpu.memory_space<vmem>>, vector<16xf32>,
      %parallel_loop3A_452 = arith.constant 2 : i32
      %parallel_loop3A_453 = arith.muli %parallel_loop3A_452, %parallel_loop3A_367 : i32
      %parallel_loop3A_454 = arith.constant 1 : i32
      %parallel_loop3A_455 = arith.addi %parallel_loop3A_453, %parallel_loop3A_454 : i32
      %parallel_loop3A_456 = arith.index_cast %parallel_loop3A_455 : i32 to index
      %parallel_loop3A_457 = arith.constant 32 : index
      %parallel_loop3A_458 = tpu.vector_load %arg11[%parallel_loop3A_456, %parallel_loop3A_457] {strides = array<i32>} : memref<128x128xf32, #tpu.memory_space<vmem>>, vector<16xf32>,
      %parallel_loop3A_459 = arith.constant 8.000000e+00 : f32
      %parallel_loop3A_460 = vector.broadcast %parallel_loop3A_459 : f32 to vector<16xf32>
      %parallel_loop3A_461 = arith.mulf %parallel_loop3A_458, %parallel_loop3A_460 : vector<16xf32>
      %parallel_loop3A_462 = arith.addf %parallel_loop3A_461, %get3A_196 : vector<16xf32>
      %parallel_loop3A_463 = arith.index_cast %parallel_loop3A_367 : i32 to index
      %parallel_loop3A_464 = arith.constant 96 : index
      %parallel_loop3A_465 = tpu.vector_load %arg13[%parallel_loop3A_463, %parallel_loop3A_464] {strides = array<i32>} : memref<64x128xf32, #tpu.memory_space<vmem>>, vector<16xf32>,
      tpu.vector_store %arg13[%parallel_loop3A_463, %parallel_loop3A_464], %parallel_loop3A_462 {strides = array<i32>} : memref<64x128xf32, #tpu.memory_space<vmem>>, vector<16xf32>,
      %parallel_loop3A_466 = arith.constant 2 : i32
      %parallel_loop3A_467 = arith.muli %parallel_loop3A_466, %parallel_loop3A_367 : i32
      %parallel_loop3A_468 = arith.constant 1 : i32
      %parallel_loop3A_469 = arith.addi %parallel_loop3A_467, %parallel_loop3A_468 : i32
      %parallel_loop3A_470 = arith.index_cast %parallel_loop3A_469 : i32 to index
      %parallel_loop3A_471 = arith.constant 48 : index
      %parallel_loop3A_472 = tpu.vector_load %arg11[%parallel_loop3A_470, %parallel_loop3A_471] {strides = array<i32>} : memref<128x128xf32, #tpu.memory_space<vmem>>, vector<16xf32>,
      %parallel_loop3A_473 = arith.constant 8.000000e+00 : f32
      %parallel_loop3A_474 = vector.broadcast %parallel_loop3A_473 : f32 to vector<16xf32>
      %parallel_loop3A_475 = arith.mulf %parallel_loop3A_472, %parallel_loop3A_474 : vector<16xf32>
      %parallel_loop3A_476 = arith.addf %parallel_loop3A_475, %get3A_200 : vector<16xf32>
      %parallel_loop3A_477 = arith.index_cast %parallel_loop3A_367 : i32 to index
      %parallel_loop3A_478 = arith.constant 112 : index
      %parallel_loop3A_479 = tpu.vector_load %arg13[%parallel_loop3A_477, %parallel_loop3A_478] {strides = array<i32>} : memref<64x128xf32, #tpu.memory_space<vmem>>, vector<16xf32>,
      tpu.vector_store %arg13[%parallel_loop3A_477, %parallel_loop3A_478], %parallel_loop3A_476 {strides = array<i32>} : memref<64x128xf32, #tpu.memory_space<vmem>>, vector<16xf32>,
    } {sc.loop_unroll_factor = 8 : i64, sc.parallel_access}
    %mul3A_204 = arith.constant 64 : i32
    %mul3A_205 = arith.muli %add3A, %mul3A_204 : i32
    %dma_start3A_206 = arith.constant 1 : i32
    %dma_start3A_207 = arith.constant 0 : i32
    %dma_start3A_208 = tpu.memref_slice %arg5[%dma_start3A_206, %mul3A_205, %dma_start3A_207] : memref<200x2048x128xf32, #tpu.memory_space<hbm>> -> memref<1x64x128xf32, #tpu.memory_space<hbm>>
    %dma_start3A_209 = tpu.memref_squeeze %dma_start3A_208 : memref<1x64x128xf32, #tpu.memory_space<hbm>> -> memref<64x128xf32, #tpu.memory_space<hbm>>
    %dma_start3A_210 = arith.constant 0 : i32
    %dma_start3A_211 = tpu.memref_slice %arg5[%dma_start3A_206, %mul3A_205, %dma_start3A_210] : memref<200x2048x128xf32, #tpu.memory_space<hbm>> -> memref<1x64x128xf32, #tpu.memory_space<hbm>>
    %dma_start3A_212 = tpu.memref_squeeze %dma_start3A_211 : memref<1x64x128xf32, #tpu.memory_space<hbm>> -> memref<64x128xf32, #tpu.memory_space<hbm>>
    tpu.enqueue_dma source(%arg13 : memref<64x128xf32, #tpu.memory_space<vmem>>) target(%dma_start3A_212 : memref<64x128xf32, #tpu.memory_space<hbm>>) target_semaphore(%arg17 : memref<!tpu.dma_semaphore, #tpu.memory_space<semaphore_mem>>)
    %get3A_213 = arith.constant 3 : i32
    %get3A_214 = arith.index_cast %get3A_213 : i32 to index
    %get3A_215 = arith.constant 0 : index
    %get3A_216 = tpu.vector_load %arg6[%get3A_214, %get3A_215] {strides = array<i32>} : memref<200x128xi32, #tpu.memory_space<vmem>>, vector<16xi32>,
    %swap3A_217 = arith.constant 0 : index
    %swap3A_218 = tpu.vector_load %arg9[%swap3A_217] {strides = array<i32>} : memref<128xi32, #tpu.memory_space<vmem>>, vector<16xi32>,
    tpu.vector_store %arg9[%swap3A_217], %get3A_216 {strides = array<i32>} : memref<128xi32, #tpu.memory_space<vmem>>, vector<16xi32>,
    %get3A_219 = arith.constant 3 : i32
    %get3A_220 = arith.index_cast %get3A_219 : i32 to index
    %get3A_221 = arith.constant 16 : index
    %get3A_222 = tpu.vector_load %arg6[%get3A_220, %get3A_221] {strides = array<i32>} : memref<200x128xi32, #tpu.memory_space<vmem>>, vector<16xi32>,
    %swap3A_223 = arith.constant 16 : index
    %swap3A_224 = tpu.vector_load %arg9[%swap3A_223] {strides = array<i32>} : memref<128xi32, #tpu.memory_space<vmem>>, vector<16xi32>,
    tpu.vector_store %arg9[%swap3A_223], %get3A_222 {strides = array<i32>} : memref<128xi32, #tpu.memory_space<vmem>>, vector<16xi32>,
    %get3A_225 = arith.constant 3 : i32
    %get3A_226 = arith.index_cast %get3A_225 : i32 to index
    %get3A_227 = arith.constant 32 : index
    %get3A_228 = tpu.vector_load %arg6[%get3A_226, %get3A_227] {strides = array<i32>} : memref<200x128xi32, #tpu.memory_space<vmem>>, vector<16xi32>,
    %swap3A_229 = arith.constant 32 : index
    %swap3A_230 = tpu.vector_load %arg9[%swap3A_229] {strides = array<i32>} : memref<128xi32, #tpu.memory_space<vmem>>, vector<16xi32>,
    tpu.vector_store %arg9[%swap3A_229], %get3A_228 {strides = array<i32>} : memref<128xi32, #tpu.memory_space<vmem>>, vector<16xi32>,
    %get3A_231 = arith.constant 3 : i32
    %get3A_232 = arith.index_cast %get3A_231 : i32 to index
    %get3A_233 = arith.constant 48 : index
    %get3A_234 = tpu.vector_load %arg6[%get3A_232, %get3A_233] {strides = array<i32>} : memref<200x128xi32, #tpu.memory_space<vmem>>, vector<16xi32>,
    %swap3A_235 = arith.constant 48 : index
    %swap3A_236 = tpu.vector_load %arg9[%swap3A_235] {strides = array<i32>} : memref<128xi32, #tpu.memory_space<vmem>>, vector<16xi32>,
    tpu.vector_store %arg9[%swap3A_235], %get3A_234 {strides = array<i32>} : memref<128xi32, #tpu.memory_space<vmem>>, vector<16xi32>,
    %get3A_237 = arith.constant 3 : i32
    %get3A_238 = arith.index_cast %get3A_237 : i32 to index
    %get3A_239 = arith.constant 64 : index
    %get3A_240 = tpu.vector_load %arg6[%get3A_238, %get3A_239] {strides = array<i32>} : memref<200x128xi32, #tpu.memory_space<vmem>>, vector<16xi32>,
    %swap3A_241 = arith.constant 64 : index
    %swap3A_242 = tpu.vector_load %arg9[%swap3A_241] {strides = array<i32>} : memref<128xi32, #tpu.memory_space<vmem>>, vector<16xi32>,
    tpu.vector_store %arg9[%swap3A_241], %get3A_240 {strides = array<i32>} : memref<128xi32, #tpu.memory_space<vmem>>, vector<16xi32>,
    %get3A_243 = arith.constant 3 : i32
    %get3A_244 = arith.index_cast %get3A_243 : i32 to index
    %get3A_245 = arith.constant 80 : index
    %get3A_246 = tpu.vector_load %arg6[%get3A_244, %get3A_245] {strides = array<i32>} : memref<200x128xi32, #tpu.memory_space<vmem>>, vector<16xi32>,
    %swap3A_247 = arith.constant 80 : index
    %swap3A_248 = tpu.vector_load %arg9[%swap3A_247] {strides = array<i32>} : memref<128xi32, #tpu.memory_space<vmem>>, vector<16xi32>,
    tpu.vector_store %arg9[%swap3A_247], %get3A_246 {strides = array<i32>} : memref<128xi32, #tpu.memory_space<vmem>>, vector<16xi32>,
    %get3A_249 = arith.constant 3 : i32
    %get3A_250 = arith.index_cast %get3A_249 : i32 to index
    %get3A_251 = arith.constant 96 : index
    %get3A_252 = tpu.vector_load %arg6[%get3A_250, %get3A_251] {strides = array<i32>} : memref<200x128xi32, #tpu.memory_space<vmem>>, vector<16xi32>,
    %swap3A_253 = arith.constant 96 : index
    %swap3A_254 = tpu.vector_load %arg9[%swap3A_253] {strides = array<i32>} : memref<128xi32, #tpu.memory_space<vmem>>, vector<16xi32>,
    tpu.vector_store %arg9[%swap3A_253], %get3A_252 {strides = array<i32>} : memref<128xi32, #tpu.memory_space<vmem>>, vector<16xi32>,
    %get3A_255 = arith.constant 3 : i32
    %get3A_256 = arith.index_cast %get3A_255 : i32 to index
    %get3A_257 = arith.constant 112 : index
    %get3A_258 = tpu.vector_load %arg6[%get3A_256, %get3A_257] {strides = array<i32>} : memref<200x128xi32, #tpu.memory_space<vmem>>, vector<16xi32>,
    %swap3A_259 = arith.constant 112 : index
    %swap3A_260 = tpu.vector_load %arg9[%swap3A_259] {strides = array<i32>} : memref<128xi32, #tpu.memory_space<vmem>>, vector<16xi32>,
    tpu.vector_store %arg9[%swap3A_259], %get3A_258 {strides = array<i32>} : memref<128xi32, #tpu.memory_space<vmem>>, vector<16xi32>,
    %dma_start3A_261 = arith.constant 0 : i32
    %dma_start3A_262 = arith.constant 0 : i32
    %dma_start3A_263 = tpu.memref_slice %arg3[%dma_start3A_261, %dma_start3A_262] : memref<1000000x128xf32, #tpu.memory_space<hbm>> -> memref<1000000x128xf32, #tpu.memory_space<hbm>>
    tpu.enqueue_indirect_dma source(%dma_start3A_263 : memref<1000000x128xf32, #tpu.memory_space<hbm>>) target(%arg11 : memref<128x128xf32, #tpu.memory_space<vmem>>) offsets(%arg9 : memref<128xi32, #tpu.memory_space<vmem>>) semaphore(%arg15 : memref<!tpu.dma_semaphore, #tpu.memory_space<semaphore_mem>>)
    %scan3A = arith.constant 0 : i32
    %scan3A_264 = arith.constant 1 : i32
    %scan3A_265 = arith.constant 98 : i32
    %scan3A_266 = arith.addi %scan3A_264, %scan3A_265 : i32
    %scan3A_267 = arith.constant 1 : i32
    scf.for %scan3A_367 = %scan3A_264 to %scan3A_266 step %scan3A_267  : i32 {
      %mul3A_368 = arith.constant 2 : i32
      %mul3A_369 = arith.muli %mul3A_368, %scan3A_367 : i32
      %add3A_370 = arith.constant 0 : i32
      %add3A_371 = arith.addi %mul3A_369, %add3A_370 : i32
      %dma_wait3A_372 = arith.constant 0 : i32
      %dma_wait3A_373 = arith.constant 0 : i32
      %dma_wait3A_374 = tpu.memref_slice %arg3[%dma_wait3A_372, %dma_wait3A_373] : memref<1000000x128xf32, #tpu.memory_space<hbm>> -> memref<1000000x128xf32, #tpu.memory_space<hbm>>
      tpu.wait_indirect_dma semaphore(%arg14 : memref<!tpu.dma_semaphore, #tpu.memory_space<semaphore_mem>>) src(%dma_wait3A_374 : memref<1000000x128xf32, #tpu.memory_space<hbm>>) dst(%arg10 : memref<128x128xf32, #tpu.memory_space<vmem>>)
      %sub3A = arith.constant 2 : i32
      %sub3A_375 = arith.subi %add3A_371, %sub3A : i32
      %mul3A_376 = arith.constant 64 : i32
      %mul3A_377 = arith.muli %add3A, %mul3A_376 : i32
      %dma_wait3A_378 = arith.constant 0 : i32
      %dma_wait3A_379 = tpu.memref_slice %arg5[%sub3A_375, %mul3A_377, %dma_wait3A_378] : memref<200x2048x128xf32, #tpu.memory_space<hbm>> -> memref<1x64x128xf32, #tpu.memory_space<hbm>>
      %dma_wait3A_380 = tpu.memref_squeeze %dma_wait3A_379 : memref<1x64x128xf32, #tpu.memory_space<hbm>> -> memref<64x128xf32, #tpu.memory_space<hbm>>
      %dma_wait3A_381 = arith.constant 0 : i32
      %dma_wait3A_382 = tpu.memref_slice %arg5[%sub3A_375, %mul3A_377, %dma_wait3A_381] : memref<200x2048x128xf32, #tpu.memory_space<hbm>> -> memref<1x64x128xf32, #tpu.memory_space<hbm>>
      %dma_wait3A_383 = tpu.memref_squeeze %dma_wait3A_382 : memref<1x64x128xf32, #tpu.memory_space<hbm>> -> memref<64x128xf32, #tpu.memory_space<hbm>>
      tpu.wait_dma2 semaphore(%arg16 : memref<!tpu.dma_semaphore, #tpu.memory_space<semaphore_mem>>) src(%arg12 : memref<64x128xf32, #tpu.memory_space<vmem>>) dst(%dma_wait3A_383 : memref<64x128xf32, #tpu.memory_space<hbm>>)
      %get3A_384 = arith.index_cast %add3A_371 : i32 to index
      %get3A_385 = arith.constant 0 : index
      %get3A_386 = tpu.vector_load %arg7[%get3A_384, %get3A_385] {strides = array<i32>} : memref<200x128xf32, #tpu.memory_space<vmem>>, vector<16xf32>,
      %get3A_387 = arith.index_cast %add3A_371 : i32 to index
      %get3A_388 = arith.constant 16 : index
      %get3A_389 = tpu.vector_load %arg7[%get3A_387, %get3A_388] {strides = array<i32>} : memref<200x128xf32, #tpu.memory_space<vmem>>, vector<16xf32>,
      %get3A_390 = arith.index_cast %add3A_371 : i32 to index
      %get3A_391 = arith.constant 32 : index
      %get3A_392 = tpu.vector_load %arg7[%get3A_390, %get3A_391] {strides = array<i32>} : memref<200x128xf32, #tpu.memory_space<vmem>>, vector<16xf32>,
      %get3A_393 = arith.index_cast %add3A_371 : i32 to index
      %get3A_394 = arith.constant 48 : index
      %get3A_395 = tpu.vector_load %arg7[%get3A_393, %get3A_394] {strides = array<i32>} : memref<200x128xf32, #tpu.memory_space<vmem>>, vector<16xf32>,
      %parallel_loop3A_396 = arith.constant 0 : i32
      %parallel_loop3A_397 = arith.constant 64 : i32
      %parallel_loop3A_398 = arith.constant 1 : i32
      scf.for %parallel_loop3A_537 = %parallel_loop3A_396 to %parallel_loop3A_397 step %parallel_loop3A_398  : i32 {
        %parallel_loop3A_538 = arith.constant 2 : i32
        %parallel_loop3A_539 = arith.muli %parallel_loop3A_538, %parallel_loop3A_537 : i32
        %parallel_loop3A_540 = arith.constant 0 : i32
        %parallel_loop3A_541 = arith.addi %parallel_loop3A_539, %parallel_loop3A_540 : i32
        %parallel_loop3A_542 = arith.index_cast %parallel_loop3A_541 : i32 to index
        %parallel_loop3A_543 = arith.constant 0 : index
        %parallel_loop3A_544 = tpu.vector_load %arg10[%parallel_loop3A_542, %parallel_loop3A_543] {strides = array<i32>} : memref<128x128xf32, #tpu.memory_space<vmem>>, vector<16xf32>,
        %parallel_loop3A_545 = arith.constant 8.000000e+00 : f32
        %parallel_loop3A_546 = vector.broadcast %parallel_loop3A_545 : f32 to vector<16xf32>
        %parallel_loop3A_547 = arith.mulf %parallel_loop3A_544, %parallel_loop3A_546 : vector<16xf32>
        %parallel_loop3A_548 = arith.addf %parallel_loop3A_547, %get3A_386 : vector<16xf32>
        %parallel_loop3A_549 = arith.index_cast %parallel_loop3A_537 : i32 to index
        %parallel_loop3A_550 = arith.constant 0 : index
        %parallel_loop3A_551 = tpu.vector_load %arg12[%parallel_loop3A_549, %parallel_loop3A_550] {strides = array<i32>} : memref<64x128xf32, #tpu.memory_space<vmem>>, vector<16xf32>,
        tpu.vector_store %arg12[%parallel_loop3A_549, %parallel_loop3A_550], %parallel_loop3A_548 {strides = array<i32>} : memref<64x128xf32, #tpu.memory_space<vmem>>, vector<16xf32>,
        %parallel_loop3A_552 = arith.constant 2 : i32
        %parallel_loop3A_553 = arith.muli %parallel_loop3A_552, %parallel_loop3A_537 : i32
        %parallel_loop3A_554 = arith.constant 0 : i32
        %parallel_loop3A_555 = arith.addi %parallel_loop3A_553, %parallel_loop3A_554 : i32
        %parallel_loop3A_556 = arith.index_cast %parallel_loop3A_555 : i32 to index
        %parallel_loop3A_557 = arith.constant 16 : index
        %parallel_loop3A_558 = tpu.vector_load %arg10[%parallel_loop3A_556, %parallel_loop3A_557] {strides = array<i32>} : memref<128x128xf32, #tpu.memory_space<vmem>>, vector<16xf32>,
        %parallel_loop3A_559 = arith.constant 8.000000e+00 : f32
        %parallel_loop3A_560 = vector.broadcast %parallel_loop3A_559 : f32 to vector<16xf32>
        %parallel_loop3A_561 = arith.mulf %parallel_loop3A_558, %parallel_loop3A_560 : vector<16xf32>
        %parallel_loop3A_562 = arith.addf %parallel_loop3A_561, %get3A_389 : vector<16xf32>
        %parallel_loop3A_563 = arith.index_cast %parallel_loop3A_537 : i32 to index
        %parallel_loop3A_564 = arith.constant 16 : index
        %parallel_loop3A_565 = tpu.vector_load %arg12[%parallel_loop3A_563, %parallel_loop3A_564] {strides = array<i32>} : memref<64x128xf32, #tpu.memory_space<vmem>>, vector<16xf32>,
        tpu.vector_store %arg12[%parallel_loop3A_563, %parallel_loop3A_564], %parallel_loop3A_562 {strides = array<i32>} : memref<64x128xf32, #tpu.memory_space<vmem>>, vector<16xf32>,
        %parallel_loop3A_566 = arith.constant 2 : i32
        %parallel_loop3A_567 = arith.muli %parallel_loop3A_566, %parallel_loop3A_537 : i32
        %parallel_loop3A_568 = arith.constant 0 : i32
        %parallel_loop3A_569 = arith.addi %parallel_loop3A_567, %parallel_loop3A_568 : i32
        %parallel_loop3A_570 = arith.index_cast %parallel_loop3A_569 : i32 to index
        %parallel_loop3A_571 = arith.constant 32 : index
        %parallel_loop3A_572 = tpu.vector_load %arg10[%parallel_loop3A_570, %parallel_loop3A_571] {strides = array<i32>} : memref<128x128xf32, #tpu.memory_space<vmem>>, vector<16xf32>,
        %parallel_loop3A_573 = arith.constant 8.000000e+00 : f32
        %parallel_loop3A_574 = vector.broadcast %parallel_loop3A_573 : f32 to vector<16xf32>
        %parallel_loop3A_575 = arith.mulf %parallel_loop3A_572, %parallel_loop3A_574 : vector<16xf32>
        %parallel_loop3A_576 = arith.addf %parallel_loop3A_575, %get3A_392 : vector<16xf32>
        %parallel_loop3A_577 = arith.index_cast %parallel_loop3A_537 : i32 to index
        %parallel_loop3A_578 = arith.constant 32 : index
        %parallel_loop3A_579 = tpu.vector_load %arg12[%parallel_loop3A_577, %parallel_loop3A_578] {strides = array<i32>} : memref<64x128xf32, #tpu.memory_space<vmem>>, vector<16xf32>,
        tpu.vector_store %arg12[%parallel_loop3A_577, %parallel_loop3A_578], %parallel_loop3A_576 {strides = array<i32>} : memref<64x128xf32, #tpu.memory_space<vmem>>, vector<16xf32>,
        %parallel_loop3A_580 = arith.constant 2 : i32
        %parallel_loop3A_581 = arith.muli %parallel_loop3A_580, %parallel_loop3A_537 : i32
        %parallel_loop3A_582 = arith.constant 0 : i32
        %parallel_loop3A_583 = arith.addi %parallel_loop3A_581, %parallel_loop3A_582 : i32
        %parallel_loop3A_584 = arith.index_cast %parallel_loop3A_583 : i32 to index
        %parallel_loop3A_585 = arith.constant 48 : index
        %parallel_loop3A_586 = tpu.vector_load %arg10[%parallel_loop3A_584, %parallel_loop3A_585] {strides = array<i32>} : memref<128x128xf32, #tpu.memory_space<vmem>>, vector<16xf32>,
        %parallel_loop3A_587 = arith.constant 8.000000e+00 : f32
        %parallel_loop3A_588 = vector.broadcast %parallel_loop3A_587 : f32 to vector<16xf32>
        %parallel_loop3A_589 = arith.mulf %parallel_loop3A_586, %parallel_loop3A_588 : vector<16xf32>
        %parallel_loop3A_590 = arith.addf %parallel_loop3A_589, %get3A_395 : vector<16xf32>
        %parallel_loop3A_591 = arith.index_cast %parallel_loop3A_537 : i32 to index
        %parallel_loop3A_592 = arith.constant 48 : index
        %parallel_loop3A_593 = tpu.vector_load %arg12[%parallel_loop3A_591, %parallel_loop3A_592] {strides = array<i32>} : memref<64x128xf32, #tpu.memory_space<vmem>>, vector<16xf32>,
        tpu.vector_store %arg12[%parallel_loop3A_591, %parallel_loop3A_592], %parallel_loop3A_590 {strides = array<i32>} : memref<64x128xf32, #tpu.memory_space<vmem>>, vector<16xf32>,
        %parallel_loop3A_594 = arith.constant 2 : i32
        %parallel_loop3A_595 = arith.muli %parallel_loop3A_594, %parallel_loop3A_537 : i32
        %parallel_loop3A_596 = arith.constant 1 : i32
        %parallel_loop3A_597 = arith.addi %parallel_loop3A_595, %parallel_loop3A_596 : i32
        %parallel_loop3A_598 = arith.index_cast %parallel_loop3A_597 : i32 to index
        %parallel_loop3A_599 = arith.constant 0 : index
        %parallel_loop3A_600 = tpu.vector_load %arg10[%parallel_loop3A_598, %parallel_loop3A_599] {strides = array<i32>} : memref<128x128xf32, #tpu.memory_space<vmem>>, vector<16xf32>,
        %parallel_loop3A_601 = arith.constant 8.000000e+00 : f32
        %parallel_loop3A_602 = vector.broadcast %parallel_loop3A_601 : f32 to vector<16xf32>
        %parallel_loop3A_603 = arith.mulf %parallel_loop3A_600, %parallel_loop3A_602 : vector<16xf32>
        %parallel_loop3A_604 = arith.addf %parallel_loop3A_603, %get3A_386 : vector<16xf32>
        %parallel_loop3A_605 = arith.index_cast %parallel_loop3A_537 : i32 to index
        %parallel_loop3A_606 = arith.constant 64 : index
        %parallel_loop3A_607 = tpu.vector_load %arg12[%parallel_loop3A_605, %parallel_loop3A_606] {strides = array<i32>} : memref<64x128xf32, #tpu.memory_space<vmem>>, vector<16xf32>,
        tpu.vector_store %arg12[%parallel_loop3A_605, %parallel_loop3A_606], %parallel_loop3A_604 {strides = array<i32>} : memref<64x128xf32, #tpu.memory_space<vmem>>, vector<16xf32>,
        %parallel_loop3A_608 = arith.constant 2 : i32
        %parallel_loop3A_609 = arith.muli %parallel_loop3A_608, %parallel_loop3A_537 : i32
        %parallel_loop3A_610 = arith.constant 1 : i32
        %parallel_loop3A_611 = arith.addi %parallel_loop3A_609, %parallel_loop3A_610 : i32
        %parallel_loop3A_612 = arith.index_cast %parallel_loop3A_611 : i32 to index
        %parallel_loop3A_613 = arith.constant 16 : index
        %parallel_loop3A_614 = tpu.vector_load %arg10[%parallel_loop3A_612, %parallel_loop3A_613] {strides = array<i32>} : memref<128x128xf32, #tpu.memory_space<vmem>>, vector<16xf32>,
        %parallel_loop3A_615 = arith.constant 8.000000e+00 : f32
        %parallel_loop3A_616 = vector.broadcast %parallel_loop3A_615 : f32 to vector<16xf32>
        %parallel_loop3A_617 = arith.mulf %parallel_loop3A_614, %parallel_loop3A_616 : vector<16xf32>
        %parallel_loop3A_618 = arith.addf %parallel_loop3A_617, %get3A_389 : vector<16xf32>
        %parallel_loop3A_619 = arith.index_cast %parallel_loop3A_537 : i32 to index
        %parallel_loop3A_620 = arith.constant 80 : index
        %parallel_loop3A_621 = tpu.vector_load %arg12[%parallel_loop3A_619, %parallel_loop3A_620] {strides = array<i32>} : memref<64x128xf32, #tpu.memory_space<vmem>>, vector<16xf32>,
        tpu.vector_store %arg12[%parallel_loop3A_619, %parallel_loop3A_620], %parallel_loop3A_618 {strides = array<i32>} : memref<64x128xf32, #tpu.memory_space<vmem>>, vector<16xf32>,
        %parallel_loop3A_622 = arith.constant 2 : i32
        %parallel_loop3A_623 = arith.muli %parallel_loop3A_622, %parallel_loop3A_537 : i32
        %parallel_loop3A_624 = arith.constant 1 : i32
        %parallel_loop3A_625 = arith.addi %parallel_loop3A_623, %parallel_loop3A_624 : i32
        %parallel_loop3A_626 = arith.index_cast %parallel_loop3A_625 : i32 to index
        %parallel_loop3A_627 = arith.constant 32 : index
        %parallel_loop3A_628 = tpu.vector_load %arg10[%parallel_loop3A_626, %parallel_loop3A_627] {strides = array<i32>} : memref<128x128xf32, #tpu.memory_space<vmem>>, vector<16xf32>,
        %parallel_loop3A_629 = arith.constant 8.000000e+00 : f32
        %parallel_loop3A_630 = vector.broadcast %parallel_loop3A_629 : f32 to vector<16xf32>
        %parallel_loop3A_631 = arith.mulf %parallel_loop3A_628, %parallel_loop3A_630 : vector<16xf32>
        %parallel_loop3A_632 = arith.addf %parallel_loop3A_631, %get3A_392 : vector<16xf32>
        %parallel_loop3A_633 = arith.index_cast %parallel_loop3A_537 : i32 to index
        %parallel_loop3A_634 = arith.constant 96 : index
        %parallel_loop3A_635 = tpu.vector_load %arg12[%parallel_loop3A_633, %parallel_loop3A_634] {strides = array<i32>} : memref<64x128xf32, #tpu.memory_space<vmem>>, vector<16xf32>,
        tpu.vector_store %arg12[%parallel_loop3A_633, %parallel_loop3A_634], %parallel_loop3A_632 {strides = array<i32>} : memref<64x128xf32, #tpu.memory_space<vmem>>, vector<16xf32>,
        %parallel_loop3A_636 = arith.constant 2 : i32
        %parallel_loop3A_637 = arith.muli %parallel_loop3A_636, %parallel_loop3A_537 : i32
        %parallel_loop3A_638 = arith.constant 1 : i32
        %parallel_loop3A_639 = arith.addi %parallel_loop3A_637, %parallel_loop3A_638 : i32
        %parallel_loop3A_640 = arith.index_cast %parallel_loop3A_639 : i32 to index
        %parallel_loop3A_641 = arith.constant 48 : index
        %parallel_loop3A_642 = tpu.vector_load %arg10[%parallel_loop3A_640, %parallel_loop3A_641] {strides = array<i32>} : memref<128x128xf32, #tpu.memory_space<vmem>>, vector<16xf32>,
        %parallel_loop3A_643 = arith.constant 8.000000e+00 : f32
        %parallel_loop3A_644 = vector.broadcast %parallel_loop3A_643 : f32 to vector<16xf32>
        %parallel_loop3A_645 = arith.mulf %parallel_loop3A_642, %parallel_loop3A_644 : vector<16xf32>
        %parallel_loop3A_646 = arith.addf %parallel_loop3A_645, %get3A_395 : vector<16xf32>
        %parallel_loop3A_647 = arith.index_cast %parallel_loop3A_537 : i32 to index
        %parallel_loop3A_648 = arith.constant 112 : index
        %parallel_loop3A_649 = tpu.vector_load %arg12[%parallel_loop3A_647, %parallel_loop3A_648] {strides = array<i32>} : memref<64x128xf32, #tpu.memory_space<vmem>>, vector<16xf32>,
        tpu.vector_store %arg12[%parallel_loop3A_647, %parallel_loop3A_648], %parallel_loop3A_646 {strides = array<i32>} : memref<64x128xf32, #tpu.memory_space<vmem>>, vector<16xf32>,
      } {sc.loop_unroll_factor = 8 : i64, sc.parallel_access}
      %mul3A_399 = arith.constant 64 : i32
      %mul3A_400 = arith.muli %add3A, %mul3A_399 : i32
      %dma_start3A_401 = arith.constant 0 : i32
      %dma_start3A_402 = tpu.memref_slice %arg5[%add3A_371, %mul3A_400, %dma_start3A_401] : memref<200x2048x128xf32, #tpu.memory_space<hbm>> -> memref<1x64x128xf32, #tpu.memory_space<hbm>>
      %dma_start3A_403 = tpu.memref_squeeze %dma_start3A_402 : memref<1x64x128xf32, #tpu.memory_space<hbm>> -> memref<64x128xf32, #tpu.memory_space<hbm>>
      %dma_start3A_404 = arith.constant 0 : i32
      %dma_start3A_405 = tpu.memref_slice %arg5[%add3A_371, %mul3A_400, %dma_start3A_404] : memref<200x2048x128xf32, #tpu.memory_space<hbm>> -> memref<1x64x128xf32, #tpu.memory_space<hbm>>
      %dma_start3A_406 = tpu.memref_squeeze %dma_start3A_405 : memref<1x64x128xf32, #tpu.memory_space<hbm>> -> memref<64x128xf32, #tpu.memory_space<hbm>>
      tpu.enqueue_dma source(%arg12 : memref<64x128xf32, #tpu.memory_space<vmem>>) target(%dma_start3A_406 : memref<64x128xf32, #tpu.memory_space<hbm>>) target_semaphore(%arg16 : memref<!tpu.dma_semaphore, #tpu.memory_space<semaphore_mem>>)
      %add3A_407 = arith.constant 2 : i32
      %add3A_408 = arith.addi %add3A_371, %add3A_407 : i32
      %get3A_409 = arith.index_cast %add3A_408 : i32 to index
      %get3A_410 = arith.constant 0 : index
      %get3A_411 = tpu.vector_load %arg6[%get3A_409, %get3A_410] {strides = array<i32>} : memref<200x128xi32, #tpu.memory_space<vmem>>, vector<16xi32>,
      %swap3A_412 = arith.constant 0 : index
      %swap3A_413 = tpu.vector_load %arg8[%swap3A_412] {strides = array<i32>} : memref<128xi32, #tpu.memory_space<vmem>>, vector<16xi32>,
      tpu.vector_store %arg8[%swap3A_412], %get3A_411 {strides = array<i32>} : memref<128xi32, #tpu.memory_space<vmem>>, vector<16xi32>,
      %get3A_414 = arith.index_cast %add3A_408 : i32 to index
      %get3A_415 = arith.constant 16 : index
      %get3A_416 = tpu.vector_load %arg6[%get3A_414, %get3A_415] {strides = array<i32>} : memref<200x128xi32, #tpu.memory_space<vmem>>, vector<16xi32>,
      %swap3A_417 = arith.constant 16 : index
      %swap3A_418 = tpu.vector_load %arg8[%swap3A_417] {strides = array<i32>} : memref<128xi32, #tpu.memory_space<vmem>>, vector<16xi32>,
      tpu.vector_store %arg8[%swap3A_417], %get3A_416 {strides = array<i32>} : memref<128xi32, #tpu.memory_space<vmem>>, vector<16xi32>,
      %get3A_419 = arith.index_cast %add3A_408 : i32 to index
      %get3A_420 = arith.constant 32 : index
      %get3A_421 = tpu.vector_load %arg6[%get3A_419, %get3A_420] {strides = array<i32>} : memref<200x128xi32, #tpu.memory_space<vmem>>, vector<16xi32>,
      %swap3A_422 = arith.constant 32 : index
      %swap3A_423 = tpu.vector_load %arg8[%swap3A_422] {strides = array<i32>} : memref<128xi32, #tpu.memory_space<vmem>>, vector<16xi32>,
      tpu.vector_store %arg8[%swap3A_422], %get3A_421 {strides = array<i32>} : memref<128xi32, #tpu.memory_space<vmem>>, vector<16xi32>,
      %get3A_424 = arith.index_cast %add3A_408 : i32 to index
      %get3A_425 = arith.constant 48 : index
      %get3A_426 = tpu.vector_load %arg6[%get3A_424, %get3A_425] {strides = array<i32>} : memref<200x128xi32, #tpu.memory_space<vmem>>, vector<16xi32>,
      %swap3A_427 = arith.constant 48 : index
      %swap3A_428 = tpu.vector_load %arg8[%swap3A_427] {strides = array<i32>} : memref<128xi32, #tpu.memory_space<vmem>>, vector<16xi32>,
      tpu.vector_store %arg8[%swap3A_427], %get3A_426 {strides = array<i32>} : memref<128xi32, #tpu.memory_space<vmem>>, vector<16xi32>,
      %get3A_429 = arith.index_cast %add3A_408 : i32 to index
      %get3A_430 = arith.constant 64 : index
      %get3A_431 = tpu.vector_load %arg6[%get3A_429, %get3A_430] {strides = array<i32>} : memref<200x128xi32, #tpu.memory_space<vmem>>, vector<16xi32>,
      %swap3A_432 = arith.constant 64 : index
      %swap3A_433 = tpu.vector_load %arg8[%swap3A_432] {strides = array<i32>} : memref<128xi32, #tpu.memory_space<vmem>>, vector<16xi32>,
      tpu.vector_store %arg8[%swap3A_432], %get3A_431 {strides = array<i32>} : memref<128xi32, #tpu.memory_space<vmem>>, vector<16xi32>,
      %get3A_434 = arith.index_cast %add3A_408 : i32 to index
      %get3A_435 = arith.constant 80 : index
      %get3A_436 = tpu.vector_load %arg6[%get3A_434, %get3A_435] {strides = array<i32>} : memref<200x128xi32, #tpu.memory_space<vmem>>, vector<16xi32>,
      %swap3A_437 = arith.constant 80 : index
      %swap3A_438 = tpu.vector_load %arg8[%swap3A_437] {strides = array<i32>} : memref<128xi32, #tpu.memory_space<vmem>>, vector<16xi32>,
      tpu.vector_store %arg8[%swap3A_437], %get3A_436 {strides = array<i32>} : memref<128xi32, #tpu.memory_space<vmem>>, vector<16xi32>,
      %get3A_439 = arith.index_cast %add3A_408 : i32 to index
      %get3A_440 = arith.constant 96 : index
      %get3A_441 = tpu.vector_load %arg6[%get3A_439, %get3A_440] {strides = array<i32>} : memref<200x128xi32, #tpu.memory_space<vmem>>, vector<16xi32>,
      %swap3A_442 = arith.constant 96 : index
      %swap3A_443 = tpu.vector_load %arg8[%swap3A_442] {strides = array<i32>} : memref<128xi32, #tpu.memory_space<vmem>>, vector<16xi32>,
      tpu.vector_store %arg8[%swap3A_442], %get3A_441 {strides = array<i32>} : memref<128xi32, #tpu.memory_space<vmem>>, vector<16xi32>,
      %get3A_444 = arith.index_cast %add3A_408 : i32 to index
      %get3A_445 = arith.constant 112 : index
      %get3A_446 = tpu.vector_load %arg6[%get3A_444, %get3A_445] {strides = array<i32>} : memref<200x128xi32, #tpu.memory_space<vmem>>, vector<16xi32>,
      %swap3A_447 = arith.constant 112 : index
      %swap3A_448 = tpu.vector_load %arg8[%swap3A_447] {strides = array<i32>} : memref<128xi32, #tpu.memory_space<vmem>>, vector<16xi32>,
      tpu.vector_store %arg8[%swap3A_447], %get3A_446 {strides = array<i32>} : memref<128xi32, #tpu.memory_space<vmem>>, vector<16xi32>,
      %dma_start3A_449 = arith.constant 0 : i32
      %dma_start3A_450 = arith.constant 0 : i32
      %dma_start3A_451 = tpu.memref_slice %arg3[%dma_start3A_449, %dma_start3A_450] : memref<1000000x128xf32, #tpu.memory_space<hbm>> -> memref<1000000x128xf32, #tpu.memory_space<hbm>>
      tpu.enqueue_indirect_dma source(%dma_start3A_451 : memref<1000000x128xf32, #tpu.memory_space<hbm>>) target(%arg10 : memref<128x128xf32, #tpu.memory_space<vmem>>) offsets(%arg8 : memref<128xi32, #tpu.memory_space<vmem>>) semaphore(%arg14 : memref<!tpu.dma_semaphore, #tpu.memory_space<semaphore_mem>>)
      %mul3A_452 = arith.constant 2 : i32
      %mul3A_453 = arith.muli %mul3A_452, %scan3A_367 : i32
      %add3A_454 = arith.constant 1 : i32
      %add3A_455 = arith.addi %mul3A_453, %add3A_454 : i32
      %dma_wait3A_456 = arith.constant 0 : i32
      %dma_wait3A_457 = arith.constant 0 : i32
      %dma_wait3A_458 = tpu.memref_slice %arg3[%dma_wait3A_456, %dma_wait3A_457] : memref<1000000x128xf32, #tpu.memory_space<hbm>> -> memref<1000000x128xf32, #tpu.memory_space<hbm>>
      tpu.wait_indirect_dma semaphore(%arg15 : memref<!tpu.dma_semaphore, #tpu.memory_space<semaphore_mem>>) src(%dma_wait3A_458 : memref<1000000x128xf32, #tpu.memory_space<hbm>>) dst(%arg11 : memref<128x128xf32, #tpu.memory_space<vmem>>)
      %sub3A_459 = arith.constant 2 : i32
      %sub3A_460 = arith.subi %add3A_455, %sub3A_459 : i32
      %mul3A_461 = arith.constant 64 : i32
      %mul3A_462 = arith.muli %add3A, %mul3A_461 : i32
      %dma_wait3A_463 = arith.constant 0 : i32
      %dma_wait3A_464 = tpu.memref_slice %arg5[%sub3A_460, %mul3A_462, %dma_wait3A_463] : memref<200x2048x128xf32, #tpu.memory_space<hbm>> -> memref<1x64x128xf32, #tpu.memory_space<hbm>>
      %dma_wait3A_465 = tpu.memref_squeeze %dma_wait3A_464 : memref<1x64x128xf32, #tpu.memory_space<hbm>> -> memref<64x128xf32, #tpu.memory_space<hbm>>
      %dma_wait3A_466 = arith.constant 0 : i32
      %dma_wait3A_467 = tpu.memref_slice %arg5[%sub3A_460, %mul3A_462, %dma_wait3A_466] : memref<200x2048x128xf32, #tpu.memory_space<hbm>> -> memref<1x64x128xf32, #tpu.memory_space<hbm>>
      %dma_wait3A_468 = tpu.memref_squeeze %dma_wait3A_467 : memref<1x64x128xf32, #tpu.memory_space<hbm>> -> memref<64x128xf32, #tpu.memory_space<hbm>>
      tpu.wait_dma2 semaphore(%arg17 : memref<!tpu.dma_semaphore, #tpu.memory_space<semaphore_mem>>) src(%arg13 : memref<64x128xf32, #tpu.memory_space<vmem>>) dst(%dma_wait3A_468 : memref<64x128xf32, #tpu.memory_space<hbm>>)
      %get3A_469 = arith.index_cast %add3A_455 : i32 to index
      %get3A_470 = arith.constant 0 : index
      %get3A_471 = tpu.vector_load %arg7[%get3A_469, %get3A_470] {strides = array<i32>} : memref<200x128xf32, #tpu.memory_space<vmem>>, vector<16xf32>,
      %get3A_472 = arith.index_cast %add3A_455 : i32 to index
      %get3A_473 = arith.constant 16 : index
      %get3A_474 = tpu.vector_load %arg7[%get3A_472, %get3A_473] {strides = array<i32>} : memref<200x128xf32, #tpu.memory_space<vmem>>, vector<16xf32>,
      %get3A_475 = arith.index_cast %add3A_455 : i32 to index
      %get3A_476 = arith.constant 32 : index
      %get3A_477 = tpu.vector_load %arg7[%get3A_475, %get3A_476] {strides = array<i32>} : memref<200x128xf32, #tpu.memory_space<vmem>>, vector<16xf32>,
      %get3A_478 = arith.index_cast %add3A_455 : i32 to index
      %get3A_479 = arith.constant 48 : index
      %get3A_480 = tpu.vector_load %arg7[%get3A_478, %get3A_479] {strides = array<i32>} : memref<200x128xf32, #tpu.memory_space<vmem>>, vector<16xf32>,
      %parallel_loop3A_481 = arith.constant 0 : i32
      %parallel_loop3A_482 = arith.constant 64 : i32
      %parallel_loop3A_483 = arith.constant 1 : i32
      scf.for %parallel_loop3A_537 = %parallel_loop3A_481 to %parallel_loop3A_482 step %parallel_loop3A_483  : i32 {
        %parallel_loop3A_538 = arith.constant 2 : i32
        %parallel_loop3A_539 = arith.muli %parallel_loop3A_538, %parallel_loop3A_537 : i32
        %parallel_loop3A_540 = arith.constant 0 : i32
        %parallel_loop3A_541 = arith.addi %parallel_loop3A_539, %parallel_loop3A_540 : i32
        %parallel_loop3A_542 = arith.index_cast %parallel_loop3A_541 : i32 to index
        %parallel_loop3A_543 = arith.constant 0 : index
        %parallel_loop3A_544 = tpu.vector_load %arg11[%parallel_loop3A_542, %parallel_loop3A_543] {strides = array<i32>} : memref<128x128xf32, #tpu.memory_space<vmem>>, vector<16xf32>,
        %parallel_loop3A_545 = arith.constant 8.000000e+00 : f32
        %parallel_loop3A_546 = vector.broadcast %parallel_loop3A_545 : f32 to vector<16xf32>
        %parallel_loop3A_547 = arith.mulf %parallel_loop3A_544, %parallel_loop3A_546 : vector<16xf32>
        %parallel_loop3A_548 = arith.addf %parallel_loop3A_547, %get3A_471 : vector<16xf32>
        %parallel_loop3A_549 = arith.index_cast %parallel_loop3A_537 : i32 to index
        %parallel_loop3A_550 = arith.constant 0 : index
        %parallel_loop3A_551 = tpu.vector_load %arg13[%parallel_loop3A_549, %parallel_loop3A_550] {strides = array<i32>} : memref<64x128xf32, #tpu.memory_space<vmem>>, vector<16xf32>,
        tpu.vector_store %arg13[%parallel_loop3A_549, %parallel_loop3A_550], %parallel_loop3A_548 {strides = array<i32>} : memref<64x128xf32, #tpu.memory_space<vmem>>, vector<16xf32>,
        %parallel_loop3A_552 = arith.constant 2 : i32
        %parallel_loop3A_553 = arith.muli %parallel_loop3A_552, %parallel_loop3A_537 : i32
        %parallel_loop3A_554 = arith.constant 0 : i32
        %parallel_loop3A_555 = arith.addi %parallel_loop3A_553, %parallel_loop3A_554 : i32
        %parallel_loop3A_556 = arith.index_cast %parallel_loop3A_555 : i32 to index
        %parallel_loop3A_557 = arith.constant 16 : index
        %parallel_loop3A_558 = tpu.vector_load %arg11[%parallel_loop3A_556, %parallel_loop3A_557] {strides = array<i32>} : memref<128x128xf32, #tpu.memory_space<vmem>>, vector<16xf32>,
        %parallel_loop3A_559 = arith.constant 8.000000e+00 : f32
        %parallel_loop3A_560 = vector.broadcast %parallel_loop3A_559 : f32 to vector<16xf32>
        %parallel_loop3A_561 = arith.mulf %parallel_loop3A_558, %parallel_loop3A_560 : vector<16xf32>
        %parallel_loop3A_562 = arith.addf %parallel_loop3A_561, %get3A_474 : vector<16xf32>
        %parallel_loop3A_563 = arith.index_cast %parallel_loop3A_537 : i32 to index
        %parallel_loop3A_564 = arith.constant 16 : index
        %parallel_loop3A_565 = tpu.vector_load %arg13[%parallel_loop3A_563, %parallel_loop3A_564] {strides = array<i32>} : memref<64x128xf32, #tpu.memory_space<vmem>>, vector<16xf32>,
        tpu.vector_store %arg13[%parallel_loop3A_563, %parallel_loop3A_564], %parallel_loop3A_562 {strides = array<i32>} : memref<64x128xf32, #tpu.memory_space<vmem>>, vector<16xf32>,
        %parallel_loop3A_566 = arith.constant 2 : i32
        %parallel_loop3A_567 = arith.muli %parallel_loop3A_566, %parallel_loop3A_537 : i32
        %parallel_loop3A_568 = arith.constant 0 : i32
        %parallel_loop3A_569 = arith.addi %parallel_loop3A_567, %parallel_loop3A_568 : i32
        %parallel_loop3A_570 = arith.index_cast %parallel_loop3A_569 : i32 to index
        %parallel_loop3A_571 = arith.constant 32 : index
        %parallel_loop3A_572 = tpu.vector_load %arg11[%parallel_loop3A_570, %parallel_loop3A_571] {strides = array<i32>} : memref<128x128xf32, #tpu.memory_space<vmem>>, vector<16xf32>,
        %parallel_loop3A_573 = arith.constant 8.000000e+00 : f32
        %parallel_loop3A_574 = vector.broadcast %parallel_loop3A_573 : f32 to vector<16xf32>
        %parallel_loop3A_575 = arith.mulf %parallel_loop3A_572, %parallel_loop3A_574 : vector<16xf32>
        %parallel_loop3A_576 = arith.addf %parallel_loop3A_575, %get3A_477 : vector<16xf32>
        %parallel_loop3A_577 = arith.index_cast %parallel_loop3A_537 : i32 to index
        %parallel_loop3A_578 = arith.constant 32 : index
        %parallel_loop3A_579 = tpu.vector_load %arg13[%parallel_loop3A_577, %parallel_loop3A_578] {strides = array<i32>} : memref<64x128xf32, #tpu.memory_space<vmem>>, vector<16xf32>,
        tpu.vector_store %arg13[%parallel_loop3A_577, %parallel_loop3A_578], %parallel_loop3A_576 {strides = array<i32>} : memref<64x128xf32, #tpu.memory_space<vmem>>, vector<16xf32>,
        %parallel_loop3A_580 = arith.constant 2 : i32
        %parallel_loop3A_581 = arith.muli %parallel_loop3A_580, %parallel_loop3A_537 : i32
        %parallel_loop3A_582 = arith.constant 0 : i32
        %parallel_loop3A_583 = arith.addi %parallel_loop3A_581, %parallel_loop3A_582 : i32
        %parallel_loop3A_584 = arith.index_cast %parallel_loop3A_583 : i32 to index
        %parallel_loop3A_585 = arith.constant 48 : index
        %parallel_loop3A_586 = tpu.vector_load %arg11[%parallel_loop3A_584, %parallel_loop3A_585] {strides = array<i32>} : memref<128x128xf32, #tpu.memory_space<vmem>>, vector<16xf32>,
        %parallel_loop3A_587 = arith.constant 8.000000e+00 : f32
        %parallel_loop3A_588 = vector.broadcast %parallel_loop3A_587 : f32 to vector<16xf32>
        %parallel_loop3A_589 = arith.mulf %parallel_loop3A_586, %parallel_loop3A_588 : vector<16xf32>
        %parallel_loop3A_590 = arith.addf %parallel_loop3A_589, %get3A_480 : vector<16xf32>
        %parallel_loop3A_591 = arith.index_cast %parallel_loop3A_537 : i32 to index
        %parallel_loop3A_592 = arith.constant 48 : index
        %parallel_loop3A_593 = tpu.vector_load %arg13[%parallel_loop3A_591, %parallel_loop3A_592] {strides = array<i32>} : memref<64x128xf32, #tpu.memory_space<vmem>>, vector<16xf32>,
        tpu.vector_store %arg13[%parallel_loop3A_591, %parallel_loop3A_592], %parallel_loop3A_590 {strides = array<i32>} : memref<64x128xf32, #tpu.memory_space<vmem>>, vector<16xf32>,
        %parallel_loop3A_594 = arith.constant 2 : i32
        %parallel_loop3A_595 = arith.muli %parallel_loop3A_594, %parallel_loop3A_537 : i32
        %parallel_loop3A_596 = arith.constant 1 : i32
        %parallel_loop3A_597 = arith.addi %parallel_loop3A_595, %parallel_loop3A_596 : i32
        %parallel_loop3A_598 = arith.index_cast %parallel_loop3A_597 : i32 to index
        %parallel_loop3A_599 = arith.constant 0 : index
        %parallel_loop3A_600 = tpu.vector_load %arg11[%parallel_loop3A_598, %parallel_loop3A_599] {strides = array<i32>} : memref<128x128xf32, #tpu.memory_space<vmem>>, vector<16xf32>,
        %parallel_loop3A_601 = arith.constant 8.000000e+00 : f32
        %parallel_loop3A_602 = vector.broadcast %parallel_loop3A_601 : f32 to vector<16xf32>
        %parallel_loop3A_603 = arith.mulf %parallel_loop3A_600, %parallel_loop3A_602 : vector<16xf32>
        %parallel_loop3A_604 = arith.addf %parallel_loop3A_603, %get3A_471 : vector<16xf32>
        %parallel_loop3A_605 = arith.index_cast %parallel_loop3A_537 : i32 to index
        %parallel_loop3A_606 = arith.constant 64 : index
        %parallel_loop3A_607 = tpu.vector_load %arg13[%parallel_loop3A_605, %parallel_loop3A_606] {strides = array<i32>} : memref<64x128xf32, #tpu.memory_space<vmem>>, vector<16xf32>,
        tpu.vector_store %arg13[%parallel_loop3A_605, %parallel_loop3A_606], %parallel_loop3A_604 {strides = array<i32>} : memref<64x128xf32, #tpu.memory_space<vmem>>, vector<16xf32>,
        %parallel_loop3A_608 = arith.constant 2 : i32
        %parallel_loop3A_609 = arith.muli %parallel_loop3A_608, %parallel_loop3A_537 : i32
        %parallel_loop3A_610 = arith.constant 1 : i32
        %parallel_loop3A_611 = arith.addi %parallel_loop3A_609, %parallel_loop3A_610 : i32
        %parallel_loop3A_612 = arith.index_cast %parallel_loop3A_611 : i32 to index
        %parallel_loop3A_613 = arith.constant 16 : index
        %parallel_loop3A_614 = tpu.vector_load %arg11[%parallel_loop3A_612, %parallel_loop3A_613] {strides = array<i32>} : memref<128x128xf32, #tpu.memory_space<vmem>>, vector<16xf32>,
        %parallel_loop3A_615 = arith.constant 8.000000e+00 : f32
        %parallel_loop3A_616 = vector.broadcast %parallel_loop3A_615 : f32 to vector<16xf32>
        %parallel_loop3A_617 = arith.mulf %parallel_loop3A_614, %parallel_loop3A_616 : vector<16xf32>
        %parallel_loop3A_618 = arith.addf %parallel_loop3A_617, %get3A_474 : vector<16xf32>
        %parallel_loop3A_619 = arith.index_cast %parallel_loop3A_537 : i32 to index
        %parallel_loop3A_620 = arith.constant 80 : index
        %parallel_loop3A_621 = tpu.vector_load %arg13[%parallel_loop3A_619, %parallel_loop3A_620] {strides = array<i32>} : memref<64x128xf32, #tpu.memory_space<vmem>>, vector<16xf32>,
        tpu.vector_store %arg13[%parallel_loop3A_619, %parallel_loop3A_620], %parallel_loop3A_618 {strides = array<i32>} : memref<64x128xf32, #tpu.memory_space<vmem>>, vector<16xf32>,
        %parallel_loop3A_622 = arith.constant 2 : i32
        %parallel_loop3A_623 = arith.muli %parallel_loop3A_622, %parallel_loop3A_537 : i32
        %parallel_loop3A_624 = arith.constant 1 : i32
        %parallel_loop3A_625 = arith.addi %parallel_loop3A_623, %parallel_loop3A_624 : i32
        %parallel_loop3A_626 = arith.index_cast %parallel_loop3A_625 : i32 to index
        %parallel_loop3A_627 = arith.constant 32 : index
        %parallel_loop3A_628 = tpu.vector_load %arg11[%parallel_loop3A_626, %parallel_loop3A_627] {strides = array<i32>} : memref<128x128xf32, #tpu.memory_space<vmem>>, vector<16xf32>,
        %parallel_loop3A_629 = arith.constant 8.000000e+00 : f32
        %parallel_loop3A_630 = vector.broadcast %parallel_loop3A_629 : f32 to vector<16xf32>
        %parallel_loop3A_631 = arith.mulf %parallel_loop3A_628, %parallel_loop3A_630 : vector<16xf32>
        %parallel_loop3A_632 = arith.addf %parallel_loop3A_631, %get3A_477 : vector<16xf32>
        %parallel_loop3A_633 = arith.index_cast %parallel_loop3A_537 : i32 to index
        %parallel_loop3A_634 = arith.constant 96 : index
        %parallel_loop3A_635 = tpu.vector_load %arg13[%parallel_loop3A_633, %parallel_loop3A_634] {strides = array<i32>} : memref<64x128xf32, #tpu.memory_space<vmem>>, vector<16xf32>,
        tpu.vector_store %arg13[%parallel_loop3A_633, %parallel_loop3A_634], %parallel_loop3A_632 {strides = array<i32>} : memref<64x128xf32, #tpu.memory_space<vmem>>, vector<16xf32>,
        %parallel_loop3A_636 = arith.constant 2 : i32
        %parallel_loop3A_637 = arith.muli %parallel_loop3A_636, %parallel_loop3A_537 : i32
        %parallel_loop3A_638 = arith.constant 1 : i32
        %parallel_loop3A_639 = arith.addi %parallel_loop3A_637, %parallel_loop3A_638 : i32
        %parallel_loop3A_640 = arith.index_cast %parallel_loop3A_639 : i32 to index
        %parallel_loop3A_641 = arith.constant 48 : index
        %parallel_loop3A_642 = tpu.vector_load %arg11[%parallel_loop3A_640, %parallel_loop3A_641] {strides = array<i32>} : memref<128x128xf32, #tpu.memory_space<vmem>>, vector<16xf32>,
        %parallel_loop3A_643 = arith.constant 8.000000e+00 : f32
        %parallel_loop3A_644 = vector.broadcast %parallel_loop3A_643 : f32 to vector<16xf32>
        %parallel_loop3A_645 = arith.mulf %parallel_loop3A_642, %parallel_loop3A_644 : vector<16xf32>
        %parallel_loop3A_646 = arith.addf %parallel_loop3A_645, %get3A_480 : vector<16xf32>
        %parallel_loop3A_647 = arith.index_cast %parallel_loop3A_537 : i32 to index
        %parallel_loop3A_648 = arith.constant 112 : index
        %parallel_loop3A_649 = tpu.vector_load %arg13[%parallel_loop3A_647, %parallel_loop3A_648] {strides = array<i32>} : memref<64x128xf32, #tpu.memory_space<vmem>>, vector<16xf32>,
        tpu.vector_store %arg13[%parallel_loop3A_647, %parallel_loop3A_648], %parallel_loop3A_646 {strides = array<i32>} : memref<64x128xf32, #tpu.memory_space<vmem>>, vector<16xf32>,
      } {sc.loop_unroll_factor = 8 : i64, sc.parallel_access}
      %mul3A_484 = arith.constant 64 : i32
      %mul3A_485 = arith.muli %add3A, %mul3A_484 : i32
      %dma_start3A_486 = arith.constant 0 : i32
      %dma_start3A_487 = tpu.memref_slice %arg5[%add3A_455, %mul3A_485, %dma_start3A_486] : memref<200x2048x128xf32, #tpu.memory_space<hbm>> -> memref<1x64x128xf32, #tpu.memory_space<hbm>>
      %dma_start3A_488 = tpu.memref_squeeze %dma_start3A_487 : memref<1x64x128xf32, #tpu.memory_space<hbm>> -> memref<64x128xf32, #tpu.memory_space<hbm>>
      %dma_start3A_489 = arith.constant 0 : i32
      %dma_start3A_490 = tpu.memref_slice %arg5[%add3A_455, %mul3A_485, %dma_start3A_489] : memref<200x2048x128xf32, #tpu.memory_space<hbm>> -> memref<1x64x128xf32, #tpu.memory_space<hbm>>
      %dma_start3A_491 = tpu.memref_squeeze %dma_start3A_490 : memref<1x64x128xf32, #tpu.memory_space<hbm>> -> memref<64x128xf32, #tpu.memory_space<hbm>>
      tpu.enqueue_dma source(%arg13 : memref<64x128xf32, #tpu.memory_space<vmem>>) target(%dma_start3A_491 : memref<64x128xf32, #tpu.memory_space<hbm>>) target_semaphore(%arg17 : memref<!tpu.dma_semaphore, #tpu.memory_space<semaphore_mem>>)
      %add3A_492 = arith.constant 2 : i32
      %add3A_493 = arith.addi %add3A_455, %add3A_492 : i32
      %get3A_494 = arith.index_cast %add3A_493 : i32 to index
      %get3A_495 = arith.constant 0 : index
      %get3A_496 = tpu.vector_load %arg6[%get3A_494, %get3A_495] {strides = array<i32>} : memref<200x128xi32, #tpu.memory_space<vmem>>, vector<16xi32>,
      %swap3A_497 = arith.constant 0 : index
      %swap3A_498 = tpu.vector_load %arg9[%swap3A_497] {strides = array<i32>} : memref<128xi32, #tpu.memory_space<vmem>>, vector<16xi32>,
      tpu.vector_store %arg9[%swap3A_497], %get3A_496 {strides = array<i32>} : memref<128xi32, #tpu.memory_space<vmem>>, vector<16xi32>,
      %get3A_499 = arith.index_cast %add3A_493 : i32 to index
      %get3A_500 = arith.constant 16 : index
      %get3A_501 = tpu.vector_load %arg6[%get3A_499, %get3A_500] {strides = array<i32>} : memref<200x128xi32, #tpu.memory_space<vmem>>, vector<16xi32>,
      %swap3A_502 = arith.constant 16 : index
      %swap3A_503 = tpu.vector_load %arg9[%swap3A_502] {strides = array<i32>} : memref<128xi32, #tpu.memory_space<vmem>>, vector<16xi32>,
      tpu.vector_store %arg9[%swap3A_502], %get3A_501 {strides = array<i32>} : memref<128xi32, #tpu.memory_space<vmem>>, vector<16xi32>,
      %get3A_504 = arith.index_cast %add3A_493 : i32 to index
      %get3A_505 = arith.constant 32 : index
      %get3A_506 = tpu.vector_load %arg6[%get3A_504, %get3A_505] {strides = array<i32>} : memref<200x128xi32, #tpu.memory_space<vmem>>, vector<16xi32>,
      %swap3A_507 = arith.constant 32 : index
      %swap3A_508 = tpu.vector_load %arg9[%swap3A_507] {strides = array<i32>} : memref<128xi32, #tpu.memory_space<vmem>>, vector<16xi32>,
      tpu.vector_store %arg9[%swap3A_507], %get3A_506 {strides = array<i32>} : memref<128xi32, #tpu.memory_space<vmem>>, vector<16xi32>,
      %get3A_509 = arith.index_cast %add3A_493 : i32 to index
      %get3A_510 = arith.constant 48 : index
      %get3A_511 = tpu.vector_load %arg6[%get3A_509, %get3A_510] {strides = array<i32>} : memref<200x128xi32, #tpu.memory_space<vmem>>, vector<16xi32>,
      %swap3A_512 = arith.constant 48 : index
      %swap3A_513 = tpu.vector_load %arg9[%swap3A_512] {strides = array<i32>} : memref<128xi32, #tpu.memory_space<vmem>>, vector<16xi32>,
      tpu.vector_store %arg9[%swap3A_512], %get3A_511 {strides = array<i32>} : memref<128xi32, #tpu.memory_space<vmem>>, vector<16xi32>,
      %get3A_514 = arith.index_cast %add3A_493 : i32 to index
      %get3A_515 = arith.constant 64 : index
      %get3A_516 = tpu.vector_load %arg6[%get3A_514, %get3A_515] {strides = array<i32>} : memref<200x128xi32, #tpu.memory_space<vmem>>, vector<16xi32>,
      %swap3A_517 = arith.constant 64 : index
      %swap3A_518 = tpu.vector_load %arg9[%swap3A_517] {strides = array<i32>} : memref<128xi32, #tpu.memory_space<vmem>>, vector<16xi32>,
      tpu.vector_store %arg9[%swap3A_517], %get3A_516 {strides = array<i32>} : memref<128xi32, #tpu.memory_space<vmem>>, vector<16xi32>,
      %get3A_519 = arith.index_cast %add3A_493 : i32 to index
      %get3A_520 = arith.constant 80 : index
      %get3A_521 = tpu.vector_load %arg6[%get3A_519, %get3A_520] {strides = array<i32>} : memref<200x128xi32, #tpu.memory_space<vmem>>, vector<16xi32>,
      %swap3A_522 = arith.constant 80 : index
      %swap3A_523 = tpu.vector_load %arg9[%swap3A_522] {strides = array<i32>} : memref<128xi32, #tpu.memory_space<vmem>>, vector<16xi32>,
      tpu.vector_store %arg9[%swap3A_522], %get3A_521 {strides = array<i32>} : memref<128xi32, #tpu.memory_space<vmem>>, vector<16xi32>,
      %get3A_524 = arith.index_cast %add3A_493 : i32 to index
      %get3A_525 = arith.constant 96 : index
      %get3A_526 = tpu.vector_load %arg6[%get3A_524, %get3A_525] {strides = array<i32>} : memref<200x128xi32, #tpu.memory_space<vmem>>, vector<16xi32>,
      %swap3A_527 = arith.constant 96 : index
      %swap3A_528 = tpu.vector_load %arg9[%swap3A_527] {strides = array<i32>} : memref<128xi32, #tpu.memory_space<vmem>>, vector<16xi32>,
      tpu.vector_store %arg9[%swap3A_527], %get3A_526 {strides = array<i32>} : memref<128xi32, #tpu.memory_space<vmem>>, vector<16xi32>,
      %get3A_529 = arith.index_cast %add3A_493 : i32 to index
      %get3A_530 = arith.constant 112 : index
      %get3A_531 = tpu.vector_load %arg6[%get3A_529, %get3A_530] {strides = array<i32>} : memref<200x128xi32, #tpu.memory_space<vmem>>, vector<16xi32>,
      %swap3A_532 = arith.constant 112 : index
      %swap3A_533 = tpu.vector_load %arg9[%swap3A_532] {strides = array<i32>} : memref<128xi32, #tpu.memory_space<vmem>>, vector<16xi32>,
      tpu.vector_store %arg9[%swap3A_532], %get3A_531 {strides = array<i32>} : memref<128xi32, #tpu.memory_space<vmem>>, vector<16xi32>,
      %dma_start3A_534 = arith.constant 0 : i32
      %dma_start3A_535 = arith.constant 0 : i32
      %dma_start3A_536 = tpu.memref_slice %arg3[%dma_start3A_534, %dma_start3A_535] : memref<1000000x128xf32, #tpu.memory_space<hbm>> -> memref<1000000x128xf32, #tpu.memory_space<hbm>>
      tpu.enqueue_indirect_dma source(%dma_start3A_536 : memref<1000000x128xf32, #tpu.memory_space<hbm>>) target(%arg11 : memref<128x128xf32, #tpu.memory_space<vmem>>) offsets(%arg9 : memref<128xi32, #tpu.memory_space<vmem>>) semaphore(%arg15 : memref<!tpu.dma_semaphore, #tpu.memory_space<semaphore_mem>>)
    }
    %scan3A_268 = arith.constant 98 : i32
    %dma_wait3A_269 = arith.constant 0 : i32
    %dma_wait3A_270 = arith.constant 0 : i32
    %dma_wait3A_271 = tpu.memref_slice %arg3[%dma_wait3A_269, %dma_wait3A_270] : memref<1000000x128xf32, #tpu.memory_space<hbm>> -> memref<1000000x128xf32, #tpu.memory_space<hbm>>
    tpu.wait_indirect_dma semaphore(%arg14 : memref<!tpu.dma_semaphore, #tpu.memory_space<semaphore_mem>>) src(%dma_wait3A_271 : memref<1000000x128xf32, #tpu.memory_space<hbm>>) dst(%arg10 : memref<128x128xf32, #tpu.memory_space<vmem>>)
    %mul3A_272 = arith.constant 64 : i32
    %mul3A_273 = arith.muli %add3A, %mul3A_272 : i32
    %dma_wait3A_274 = arith.constant 196 : i32
    %dma_wait3A_275 = arith.constant 0 : i32
    %dma_wait3A_276 = tpu.memref_slice %arg5[%dma_wait3A_274, %mul3A_273, %dma_wait3A_275] : memref<200x2048x128xf32, #tpu.memory_space<hbm>> -> memref<1x64x128xf32, #tpu.memory_space<hbm>>
    %dma_wait3A_277 = tpu.memref_squeeze %dma_wait3A_276 : memref<1x64x128xf32, #tpu.memory_space<hbm>> -> memref<64x128xf32, #tpu.memory_space<hbm>>
    %dma_wait3A_278 = arith.constant 0 : i32
    %dma_wait3A_279 = tpu.memref_slice %arg5[%dma_wait3A_274, %mul3A_273, %dma_wait3A_278] : memref<200x2048x128xf32, #tpu.memory_space<hbm>> -> memref<1x64x128xf32, #tpu.memory_space<hbm>>
    %dma_wait3A_280 = tpu.memref_squeeze %dma_wait3A_279 : memref<1x64x128xf32, #tpu.memory_space<hbm>> -> memref<64x128xf32, #tpu.memory_space<hbm>>
    tpu.wait_dma2 semaphore(%arg16 : memref<!tpu.dma_semaphore, #tpu.memory_space<semaphore_mem>>) src(%arg12 : memref<64x128xf32, #tpu.memory_space<vmem>>) dst(%dma_wait3A_280 : memref<64x128xf32, #tpu.memory_space<hbm>>)
    %get3A_281 = arith.constant 198 : i32
    %get3A_282 = arith.index_cast %get3A_281 : i32 to index
    %get3A_283 = arith.constant 0 : index
    %get3A_284 = tpu.vector_load %arg7[%get3A_282, %get3A_283] {strides = array<i32>} : memref<200x128xf32, #tpu.memory_space<vmem>>, vector<16xf32>,
    %get3A_285 = arith.constant 198 : i32
    %get3A_286 = arith.index_cast %get3A_285 : i32 to index
    %get3A_287 = arith.constant 16 : index
    %get3A_288 = tpu.vector_load %arg7[%get3A_286, %get3A_287] {strides = array<i32>} : memref<200x128xf32, #tpu.memory_space<vmem>>, vector<16xf32>,
    %get3A_289 = arith.constant 198 : i32
    %get3A_290 = arith.index_cast %get3A_289 : i32 to index
    %get3A_291 = arith.constant 32 : index
    %get3A_292 = tpu.vector_load %arg7[%get3A_290, %get3A_291] {strides = array<i32>} : memref<200x128xf32, #tpu.memory_space<vmem>>, vector<16xf32>,
    %get3A_293 = arith.constant 198 : i32
    %get3A_294 = arith.index_cast %get3A_293 : i32 to index
    %get3A_295 = arith.constant 48 : index
    %get3A_296 = tpu.vector_load %arg7[%get3A_294, %get3A_295] {strides = array<i32>} : memref<200x128xf32, #tpu.memory_space<vmem>>, vector<16xf32>,
    %parallel_loop3A_297 = arith.constant 0 : i32
    %parallel_loop3A_298 = arith.constant 64 : i32
    %parallel_loop3A_299 = arith.constant 1 : i32
    scf.for %parallel_loop3A_367 = %parallel_loop3A_297 to %parallel_loop3A_298 step %parallel_loop3A_299  : i32 {
      %parallel_loop3A_368 = arith.constant 2 : i32
      %parallel_loop3A_369 = arith.muli %parallel_loop3A_368, %parallel_loop3A_367 : i32
      %parallel_loop3A_370 = arith.constant 0 : i32
      %parallel_loop3A_371 = arith.addi %parallel_loop3A_369, %parallel_loop3A_370 : i32
      %parallel_loop3A_372 = arith.index_cast %parallel_loop3A_371 : i32 to index
      %parallel_loop3A_373 = arith.constant 0 : index
      %parallel_loop3A_374 = tpu.vector_load %arg10[%parallel_loop3A_372, %parallel_loop3A_373] {strides = array<i32>} : memref<128x128xf32, #tpu.memory_space<vmem>>, vector<16xf32>,
      %parallel_loop3A_375 = arith.constant 8.000000e+00 : f32
      %parallel_loop3A_376 = vector.broadcast %parallel_loop3A_375 : f32 to vector<16xf32>
      %parallel_loop3A_377 = arith.mulf %parallel_loop3A_374, %parallel_loop3A_376 : vector<16xf32>
      %parallel_loop3A_378 = arith.addf %parallel_loop3A_377, %get3A_284 : vector<16xf32>
      %parallel_loop3A_379 = arith.index_cast %parallel_loop3A_367 : i32 to index
      %parallel_loop3A_380 = arith.constant 0 : index
      %parallel_loop3A_381 = tpu.vector_load %arg12[%parallel_loop3A_379, %parallel_loop3A_380] {strides = array<i32>} : memref<64x128xf32, #tpu.memory_space<vmem>>, vector<16xf32>,
      tpu.vector_store %arg12[%parallel_loop3A_379, %parallel_loop3A_380], %parallel_loop3A_378 {strides = array<i32>} : memref<64x128xf32, #tpu.memory_space<vmem>>, vector<16xf32>,
      %parallel_loop3A_382 = arith.constant 2 : i32
      %parallel_loop3A_383 = arith.muli %parallel_loop3A_382, %parallel_loop3A_367 : i32
      %parallel_loop3A_384 = arith.constant 0 : i32
      %parallel_loop3A_385 = arith.addi %parallel_loop3A_383, %parallel_loop3A_384 : i32
      %parallel_loop3A_386 = arith.index_cast %parallel_loop3A_385 : i32 to index
      %parallel_loop3A_387 = arith.constant 16 : index
      %parallel_loop3A_388 = tpu.vector_load %arg10[%parallel_loop3A_386, %parallel_loop3A_387] {strides = array<i32>} : memref<128x128xf32, #tpu.memory_space<vmem>>, vector<16xf32>,
      %parallel_loop3A_389 = arith.constant 8.000000e+00 : f32
      %parallel_loop3A_390 = vector.broadcast %parallel_loop3A_389 : f32 to vector<16xf32>
      %parallel_loop3A_391 = arith.mulf %parallel_loop3A_388, %parallel_loop3A_390 : vector<16xf32>
      %parallel_loop3A_392 = arith.addf %parallel_loop3A_391, %get3A_288 : vector<16xf32>
      %parallel_loop3A_393 = arith.index_cast %parallel_loop3A_367 : i32 to index
      %parallel_loop3A_394 = arith.constant 16 : index
      %parallel_loop3A_395 = tpu.vector_load %arg12[%parallel_loop3A_393, %parallel_loop3A_394] {strides = array<i32>} : memref<64x128xf32, #tpu.memory_space<vmem>>, vector<16xf32>,
      tpu.vector_store %arg12[%parallel_loop3A_393, %parallel_loop3A_394], %parallel_loop3A_392 {strides = array<i32>} : memref<64x128xf32, #tpu.memory_space<vmem>>, vector<16xf32>,
      %parallel_loop3A_396 = arith.constant 2 : i32
      %parallel_loop3A_397 = arith.muli %parallel_loop3A_396, %parallel_loop3A_367 : i32
      %parallel_loop3A_398 = arith.constant 0 : i32
      %parallel_loop3A_399 = arith.addi %parallel_loop3A_397, %parallel_loop3A_398 : i32
      %parallel_loop3A_400 = arith.index_cast %parallel_loop3A_399 : i32 to index
      %parallel_loop3A_401 = arith.constant 32 : index
      %parallel_loop3A_402 = tpu.vector_load %arg10[%parallel_loop3A_400, %parallel_loop3A_401] {strides = array<i32>} : memref<128x128xf32, #tpu.memory_space<vmem>>, vector<16xf32>,
      %parallel_loop3A_403 = arith.constant 8.000000e+00 : f32
      %parallel_loop3A_404 = vector.broadcast %parallel_loop3A_403 : f32 to vector<16xf32>
      %parallel_loop3A_405 = arith.mulf %parallel_loop3A_402, %parallel_loop3A_404 : vector<16xf32>
      %parallel_loop3A_406 = arith.addf %parallel_loop3A_405, %get3A_292 : vector<16xf32>
      %parallel_loop3A_407 = arith.index_cast %parallel_loop3A_367 : i32 to index
      %parallel_loop3A_408 = arith.constant 32 : index
      %parallel_loop3A_409 = tpu.vector_load %arg12[%parallel_loop3A_407, %parallel_loop3A_408] {strides = array<i32>} : memref<64x128xf32, #tpu.memory_space<vmem>>, vector<16xf32>,
      tpu.vector_store %arg12[%parallel_loop3A_407, %parallel_loop3A_408], %parallel_loop3A_406 {strides = array<i32>} : memref<64x128xf32, #tpu.memory_space<vmem>>, vector<16xf32>,
      %parallel_loop3A_410 = arith.constant 2 : i32
      %parallel_loop3A_411 = arith.muli %parallel_loop3A_410, %parallel_loop3A_367 : i32
      %parallel_loop3A_412 = arith.constant 0 : i32
      %parallel_loop3A_413 = arith.addi %parallel_loop3A_411, %parallel_loop3A_412 : i32
      %parallel_loop3A_414 = arith.index_cast %parallel_loop3A_413 : i32 to index
      %parallel_loop3A_415 = arith.constant 48 : index
      %parallel_loop3A_416 = tpu.vector_load %arg10[%parallel_loop3A_414, %parallel_loop3A_415] {strides = array<i32>} : memref<128x128xf32, #tpu.memory_space<vmem>>, vector<16xf32>,
      %parallel_loop3A_417 = arith.constant 8.000000e+00 : f32
      %parallel_loop3A_418 = vector.broadcast %parallel_loop3A_417 : f32 to vector<16xf32>
      %parallel_loop3A_419 = arith.mulf %parallel_loop3A_416, %parallel_loop3A_418 : vector<16xf32>
      %parallel_loop3A_420 = arith.addf %parallel_loop3A_419, %get3A_296 : vector<16xf32>
      %parallel_loop3A_421 = arith.index_cast %parallel_loop3A_367 : i32 to index
      %parallel_loop3A_422 = arith.constant 48 : index
      %parallel_loop3A_423 = tpu.vector_load %arg12[%parallel_loop3A_421, %parallel_loop3A_422] {strides = array<i32>} : memref<64x128xf32, #tpu.memory_space<vmem>>, vector<16xf32>,
      tpu.vector_store %arg12[%parallel_loop3A_421, %parallel_loop3A_422], %parallel_loop3A_420 {strides = array<i32>} : memref<64x128xf32, #tpu.memory_space<vmem>>, vector<16xf32>,
      %parallel_loop3A_424 = arith.constant 2 : i32
      %parallel_loop3A_425 = arith.muli %parallel_loop3A_424, %parallel_loop3A_367 : i32
      %parallel_loop3A_426 = arith.constant 1 : i32
      %parallel_loop3A_427 = arith.addi %parallel_loop3A_425, %parallel_loop3A_426 : i32
      %parallel_loop3A_428 = arith.index_cast %parallel_loop3A_427 : i32 to index
      %parallel_loop3A_429 = arith.constant 0 : index
      %parallel_loop3A_430 = tpu.vector_load %arg10[%parallel_loop3A_428, %parallel_loop3A_429] {strides = array<i32>} : memref<128x128xf32, #tpu.memory_space<vmem>>, vector<16xf32>,
      %parallel_loop3A_431 = arith.constant 8.000000e+00 : f32
      %parallel_loop3A_432 = vector.broadcast %parallel_loop3A_431 : f32 to vector<16xf32>
      %parallel_loop3A_433 = arith.mulf %parallel_loop3A_430, %parallel_loop3A_432 : vector<16xf32>
      %parallel_loop3A_434 = arith.addf %parallel_loop3A_433, %get3A_284 : vector<16xf32>
      %parallel_loop3A_435 = arith.index_cast %parallel_loop3A_367 : i32 to index
      %parallel_loop3A_436 = arith.constant 64 : index
      %parallel_loop3A_437 = tpu.vector_load %arg12[%parallel_loop3A_435, %parallel_loop3A_436] {strides = array<i32>} : memref<64x128xf32, #tpu.memory_space<vmem>>, vector<16xf32>,
      tpu.vector_store %arg12[%parallel_loop3A_435, %parallel_loop3A_436], %parallel_loop3A_434 {strides = array<i32>} : memref<64x128xf32, #tpu.memory_space<vmem>>, vector<16xf32>,
      %parallel_loop3A_438 = arith.constant 2 : i32
      %parallel_loop3A_439 = arith.muli %parallel_loop3A_438, %parallel_loop3A_367 : i32
      %parallel_loop3A_440 = arith.constant 1 : i32
      %parallel_loop3A_441 = arith.addi %parallel_loop3A_439, %parallel_loop3A_440 : i32
      %parallel_loop3A_442 = arith.index_cast %parallel_loop3A_441 : i32 to index
      %parallel_loop3A_443 = arith.constant 16 : index
      %parallel_loop3A_444 = tpu.vector_load %arg10[%parallel_loop3A_442, %parallel_loop3A_443] {strides = array<i32>} : memref<128x128xf32, #tpu.memory_space<vmem>>, vector<16xf32>,
      %parallel_loop3A_445 = arith.constant 8.000000e+00 : f32
      %parallel_loop3A_446 = vector.broadcast %parallel_loop3A_445 : f32 to vector<16xf32>
      %parallel_loop3A_447 = arith.mulf %parallel_loop3A_444, %parallel_loop3A_446 : vector<16xf32>
      %parallel_loop3A_448 = arith.addf %parallel_loop3A_447, %get3A_288 : vector<16xf32>
      %parallel_loop3A_449 = arith.index_cast %parallel_loop3A_367 : i32 to index
      %parallel_loop3A_450 = arith.constant 80 : index
      %parallel_loop3A_451 = tpu.vector_load %arg12[%parallel_loop3A_449, %parallel_loop3A_450] {strides = array<i32>} : memref<64x128xf32, #tpu.memory_space<vmem>>, vector<16xf32>,
      tpu.vector_store %arg12[%parallel_loop3A_449, %parallel_loop3A_450], %parallel_loop3A_448 {strides = array<i32>} : memref<64x128xf32, #tpu.memory_space<vmem>>, vector<16xf32>,
      %parallel_loop3A_452 = arith.constant 2 : i32
      %parallel_loop3A_453 = arith.muli %parallel_loop3A_452, %parallel_loop3A_367 : i32
      %parallel_loop3A_454 = arith.constant 1 : i32
      %parallel_loop3A_455 = arith.addi %parallel_loop3A_453, %parallel_loop3A_454 : i32
      %parallel_loop3A_456 = arith.index_cast %parallel_loop3A_455 : i32 to index
      %parallel_loop3A_457 = arith.constant 32 : index
      %parallel_loop3A_458 = tpu.vector_load %arg10[%parallel_loop3A_456, %parallel_loop3A_457] {strides = array<i32>} : memref<128x128xf32, #tpu.memory_space<vmem>>, vector<16xf32>,
      %parallel_loop3A_459 = arith.constant 8.000000e+00 : f32
      %parallel_loop3A_460 = vector.broadcast %parallel_loop3A_459 : f32 to vector<16xf32>
      %parallel_loop3A_461 = arith.mulf %parallel_loop3A_458, %parallel_loop3A_460 : vector<16xf32>
      %parallel_loop3A_462 = arith.addf %parallel_loop3A_461, %get3A_292 : vector<16xf32>
      %parallel_loop3A_463 = arith.index_cast %parallel_loop3A_367 : i32 to index
      %parallel_loop3A_464 = arith.constant 96 : index
      %parallel_loop3A_465 = tpu.vector_load %arg12[%parallel_loop3A_463, %parallel_loop3A_464] {strides = array<i32>} : memref<64x128xf32, #tpu.memory_space<vmem>>, vector<16xf32>,
      tpu.vector_store %arg12[%parallel_loop3A_463, %parallel_loop3A_464], %parallel_loop3A_462 {strides = array<i32>} : memref<64x128xf32, #tpu.memory_space<vmem>>, vector<16xf32>,
      %parallel_loop3A_466 = arith.constant 2 : i32
      %parallel_loop3A_467 = arith.muli %parallel_loop3A_466, %parallel_loop3A_367 : i32
      %parallel_loop3A_468 = arith.constant 1 : i32
      %parallel_loop3A_469 = arith.addi %parallel_loop3A_467, %parallel_loop3A_468 : i32
      %parallel_loop3A_470 = arith.index_cast %parallel_loop3A_469 : i32 to index
      %parallel_loop3A_471 = arith.constant 48 : index
      %parallel_loop3A_472 = tpu.vector_load %arg10[%parallel_loop3A_470, %parallel_loop3A_471] {strides = array<i32>} : memref<128x128xf32, #tpu.memory_space<vmem>>, vector<16xf32>,
      %parallel_loop3A_473 = arith.constant 8.000000e+00 : f32
      %parallel_loop3A_474 = vector.broadcast %parallel_loop3A_473 : f32 to vector<16xf32>
      %parallel_loop3A_475 = arith.mulf %parallel_loop3A_472, %parallel_loop3A_474 : vector<16xf32>
      %parallel_loop3A_476 = arith.addf %parallel_loop3A_475, %get3A_296 : vector<16xf32>
      %parallel_loop3A_477 = arith.index_cast %parallel_loop3A_367 : i32 to index
      %parallel_loop3A_478 = arith.constant 112 : index
      %parallel_loop3A_479 = tpu.vector_load %arg12[%parallel_loop3A_477, %parallel_loop3A_478] {strides = array<i32>} : memref<64x128xf32, #tpu.memory_space<vmem>>, vector<16xf32>,
      tpu.vector_store %arg12[%parallel_loop3A_477, %parallel_loop3A_478], %parallel_loop3A_476 {strides = array<i32>} : memref<64x128xf32, #tpu.memory_space<vmem>>, vector<16xf32>,
    } {sc.loop_unroll_factor = 8 : i64, sc.parallel_access}
    %mul3A_300 = arith.constant 64 : i32
    %mul3A_301 = arith.muli %add3A, %mul3A_300 : i32
    %dma_start3A_302 = arith.constant 198 : i32
    %dma_start3A_303 = arith.constant 0 : i32
    %dma_start3A_304 = tpu.memref_slice %arg5[%dma_start3A_302, %mul3A_301, %dma_start3A_303] : memref<200x2048x128xf32, #tpu.memory_space<hbm>> -> memref<1x64x128xf32, #tpu.memory_space<hbm>>
    %dma_start3A_305 = tpu.memref_squeeze %dma_start3A_304 : memref<1x64x128xf32, #tpu.memory_space<hbm>> -> memref<64x128xf32, #tpu.memory_space<hbm>>
    %dma_start3A_306 = arith.constant 0 : i32
    %dma_start3A_307 = tpu.memref_slice %arg5[%dma_start3A_302, %mul3A_301, %dma_start3A_306] : memref<200x2048x128xf32, #tpu.memory_space<hbm>> -> memref<1x64x128xf32, #tpu.memory_space<hbm>>
    %dma_start3A_308 = tpu.memref_squeeze %dma_start3A_307 : memref<1x64x128xf32, #tpu.memory_space<hbm>> -> memref<64x128xf32, #tpu.memory_space<hbm>>
    tpu.enqueue_dma source(%arg12 : memref<64x128xf32, #tpu.memory_space<vmem>>) target(%dma_start3A_308 : memref<64x128xf32, #tpu.memory_space<hbm>>) target_semaphore(%arg16 : memref<!tpu.dma_semaphore, #tpu.memory_space<semaphore_mem>>)
    %dma_wait3A_309 = arith.constant 0 : i32
    %dma_wait3A_310 = arith.constant 0 : i32
    %dma_wait3A_311 = tpu.memref_slice %arg3[%dma_wait3A_309, %dma_wait3A_310] : memref<1000000x128xf32, #tpu.memory_space<hbm>> -> memref<1000000x128xf32, #tpu.memory_space<hbm>>
    tpu.wait_indirect_dma semaphore(%arg15 : memref<!tpu.dma_semaphore, #tpu.memory_space<semaphore_mem>>) src(%dma_wait3A_311 : memref<1000000x128xf32, #tpu.memory_space<hbm>>) dst(%arg11 : memref<128x128xf32, #tpu.memory_space<vmem>>)
    %mul3A_312 = arith.constant 64 : i32
    %mul3A_313 = arith.muli %add3A, %mul3A_312 : i32
    %dma_wait3A_314 = arith.constant 197 : i32
    %dma_wait3A_315 = arith.constant 0 : i32
    %dma_wait3A_316 = tpu.memref_slice %arg5[%dma_wait3A_314, %mul3A_313, %dma_wait3A_315] : memref<200x2048x128xf32, #tpu.memory_space<hbm>> -> memref<1x64x128xf32, #tpu.memory_space<hbm>>
    %dma_wait3A_317 = tpu.memref_squeeze %dma_wait3A_316 : memref<1x64x128xf32, #tpu.memory_space<hbm>> -> memref<64x128xf32, #tpu.memory_space<hbm>>
    %dma_wait3A_318 = arith.constant 0 : i32
    %dma_wait3A_319 = tpu.memref_slice %arg5[%dma_wait3A_314, %mul3A_313, %dma_wait3A_318] : memref<200x2048x128xf32, #tpu.memory_space<hbm>> -> memref<1x64x128xf32, #tpu.memory_space<hbm>>
    %dma_wait3A_320 = tpu.memref_squeeze %dma_wait3A_319 : memref<1x64x128xf32, #tpu.memory_space<hbm>> -> memref<64x128xf32, #tpu.memory_space<hbm>>
    tpu.wait_dma2 semaphore(%arg17 : memref<!tpu.dma_semaphore, #tpu.memory_space<semaphore_mem>>) src(%arg13 : memref<64x128xf32, #tpu.memory_space<vmem>>) dst(%dma_wait3A_320 : memref<64x128xf32, #tpu.memory_space<hbm>>)
    %get3A_321 = arith.constant 199 : i32
    %get3A_322 = arith.index_cast %get3A_321 : i32 to index
    %get3A_323 = arith.constant 0 : index
    %get3A_324 = tpu.vector_load %arg7[%get3A_322, %get3A_323] {strides = array<i32>} : memref<200x128xf32, #tpu.memory_space<vmem>>, vector<16xf32>,
    %get3A_325 = arith.constant 199 : i32
    %get3A_326 = arith.index_cast %get3A_325 : i32 to index
    %get3A_327 = arith.constant 16 : index
    %get3A_328 = tpu.vector_load %arg7[%get3A_326, %get3A_327] {strides = array<i32>} : memref<200x128xf32, #tpu.memory_space<vmem>>, vector<16xf32>,
    %get3A_329 = arith.constant 199 : i32
    %get3A_330 = arith.index_cast %get3A_329 : i32 to index
    %get3A_331 = arith.constant 32 : index
    %get3A_332 = tpu.vector_load %arg7[%get3A_330, %get3A_331] {strides = array<i32>} : memref<200x128xf32, #tpu.memory_space<vmem>>, vector<16xf32>,
    %get3A_333 = arith.constant 199 : i32
    %get3A_334 = arith.index_cast %get3A_333 : i32 to index
    %get3A_335 = arith.constant 48 : index
    %get3A_336 = tpu.vector_load %arg7[%get3A_334, %get3A_335] {strides = array<i32>} : memref<200x128xf32, #tpu.memory_space<vmem>>, vector<16xf32>,
    %parallel_loop3A_337 = arith.constant 0 : i32
    %parallel_loop3A_338 = arith.constant 64 : i32
    %parallel_loop3A_339 = arith.constant 1 : i32
    scf.for %parallel_loop3A_367 = %parallel_loop3A_337 to %parallel_loop3A_338 step %parallel_loop3A_339  : i32 {
      %parallel_loop3A_368 = arith.constant 2 : i32
      %parallel_loop3A_369 = arith.muli %parallel_loop3A_368, %parallel_loop3A_367 : i32
      %parallel_loop3A_370 = arith.constant 0 : i32
      %parallel_loop3A_371 = arith.addi %parallel_loop3A_369, %parallel_loop3A_370 : i32
      %parallel_loop3A_372 = arith.index_cast %parallel_loop3A_371 : i32 to index
      %parallel_loop3A_373 = arith.constant 0 : index
      %parallel_loop3A_374 = tpu.vector_load %arg11[%parallel_loop3A_372, %parallel_loop3A_373] {strides = array<i32>} : memref<128x128xf32, #tpu.memory_space<vmem>>, vector<16xf32>,
      %parallel_loop3A_375 = arith.constant 8.000000e+00 : f32
      %parallel_loop3A_376 = vector.broadcast %parallel_loop3A_375 : f32 to vector<16xf32>
      %parallel_loop3A_377 = arith.mulf %parallel_loop3A_374, %parallel_loop3A_376 : vector<16xf32>
      %parallel_loop3A_378 = arith.addf %parallel_loop3A_377, %get3A_324 : vector<16xf32>
      %parallel_loop3A_379 = arith.index_cast %parallel_loop3A_367 : i32 to index
      %parallel_loop3A_380 = arith.constant 0 : index
      %parallel_loop3A_381 = tpu.vector_load %arg13[%parallel_loop3A_379, %parallel_loop3A_380] {strides = array<i32>} : memref<64x128xf32, #tpu.memory_space<vmem>>, vector<16xf32>,
      tpu.vector_store %arg13[%parallel_loop3A_379, %parallel_loop3A_380], %parallel_loop3A_378 {strides = array<i32>} : memref<64x128xf32, #tpu.memory_space<vmem>>, vector<16xf32>,
      %parallel_loop3A_382 = arith.constant 2 : i32
      %parallel_loop3A_383 = arith.muli %parallel_loop3A_382, %parallel_loop3A_367 : i32
      %parallel_loop3A_384 = arith.constant 0 : i32
      %parallel_loop3A_385 = arith.addi %parallel_loop3A_383, %parallel_loop3A_384 : i32
      %parallel_loop3A_386 = arith.index_cast %parallel_loop3A_385 : i32 to index
      %parallel_loop3A_387 = arith.constant 16 : index
      %parallel_loop3A_388 = tpu.vector_load %arg11[%parallel_loop3A_386, %parallel_loop3A_387] {strides = array<i32>} : memref<128x128xf32, #tpu.memory_space<vmem>>, vector<16xf32>,
      %parallel_loop3A_389 = arith.constant 8.000000e+00 : f32
      %parallel_loop3A_390 = vector.broadcast %parallel_loop3A_389 : f32 to vector<16xf32>
      %parallel_loop3A_391 = arith.mulf %parallel_loop3A_388, %parallel_loop3A_390 : vector<16xf32>
      %parallel_loop3A_392 = arith.addf %parallel_loop3A_391, %get3A_328 : vector<16xf32>
      %parallel_loop3A_393 = arith.index_cast %parallel_loop3A_367 : i32 to index
      %parallel_loop3A_394 = arith.constant 16 : index
      %parallel_loop3A_395 = tpu.vector_load %arg13[%parallel_loop3A_393, %parallel_loop3A_394] {strides = array<i32>} : memref<64x128xf32, #tpu.memory_space<vmem>>, vector<16xf32>,
      tpu.vector_store %arg13[%parallel_loop3A_393, %parallel_loop3A_394], %parallel_loop3A_392 {strides = array<i32>} : memref<64x128xf32, #tpu.memory_space<vmem>>, vector<16xf32>,
      %parallel_loop3A_396 = arith.constant 2 : i32
      %parallel_loop3A_397 = arith.muli %parallel_loop3A_396, %parallel_loop3A_367 : i32
      %parallel_loop3A_398 = arith.constant 0 : i32
      %parallel_loop3A_399 = arith.addi %parallel_loop3A_397, %parallel_loop3A_398 : i32
      %parallel_loop3A_400 = arith.index_cast %parallel_loop3A_399 : i32 to index
      %parallel_loop3A_401 = arith.constant 32 : index
      %parallel_loop3A_402 = tpu.vector_load %arg11[%parallel_loop3A_400, %parallel_loop3A_401] {strides = array<i32>} : memref<128x128xf32, #tpu.memory_space<vmem>>, vector<16xf32>,
      %parallel_loop3A_403 = arith.constant 8.000000e+00 : f32
      %parallel_loop3A_404 = vector.broadcast %parallel_loop3A_403 : f32 to vector<16xf32>
      %parallel_loop3A_405 = arith.mulf %parallel_loop3A_402, %parallel_loop3A_404 : vector<16xf32>
      %parallel_loop3A_406 = arith.addf %parallel_loop3A_405, %get3A_332 : vector<16xf32>
      %parallel_loop3A_407 = arith.index_cast %parallel_loop3A_367 : i32 to index
      %parallel_loop3A_408 = arith.constant 32 : index
      %parallel_loop3A_409 = tpu.vector_load %arg13[%parallel_loop3A_407, %parallel_loop3A_408] {strides = array<i32>} : memref<64x128xf32, #tpu.memory_space<vmem>>, vector<16xf32>,
      tpu.vector_store %arg13[%parallel_loop3A_407, %parallel_loop3A_408], %parallel_loop3A_406 {strides = array<i32>} : memref<64x128xf32, #tpu.memory_space<vmem>>, vector<16xf32>,
      %parallel_loop3A_410 = arith.constant 2 : i32
      %parallel_loop3A_411 = arith.muli %parallel_loop3A_410, %parallel_loop3A_367 : i32
      %parallel_loop3A_412 = arith.constant 0 : i32
      %parallel_loop3A_413 = arith.addi %parallel_loop3A_411, %parallel_loop3A_412 : i32
      %parallel_loop3A_414 = arith.index_cast %parallel_loop3A_413 : i32 to index
      %parallel_loop3A_415 = arith.constant 48 : index
      %parallel_loop3A_416 = tpu.vector_load %arg11[%parallel_loop3A_414, %parallel_loop3A_415] {strides = array<i32>} : memref<128x128xf32, #tpu.memory_space<vmem>>, vector<16xf32>,
      %parallel_loop3A_417 = arith.constant 8.000000e+00 : f32
      %parallel_loop3A_418 = vector.broadcast %parallel_loop3A_417 : f32 to vector<16xf32>
      %parallel_loop3A_419 = arith.mulf %parallel_loop3A_416, %parallel_loop3A_418 : vector<16xf32>
      %parallel_loop3A_420 = arith.addf %parallel_loop3A_419, %get3A_336 : vector<16xf32>
      %parallel_loop3A_421 = arith.index_cast %parallel_loop3A_367 : i32 to index
      %parallel_loop3A_422 = arith.constant 48 : index
      %parallel_loop3A_423 = tpu.vector_load %arg13[%parallel_loop3A_421, %parallel_loop3A_422] {strides = array<i32>} : memref<64x128xf32, #tpu.memory_space<vmem>>, vector<16xf32>,
      tpu.vector_store %arg13[%parallel_loop3A_421, %parallel_loop3A_422], %parallel_loop3A_420 {strides = array<i32>} : memref<64x128xf32, #tpu.memory_space<vmem>>, vector<16xf32>,
      %parallel_loop3A_424 = arith.constant 2 : i32
      %parallel_loop3A_425 = arith.muli %parallel_loop3A_424, %parallel_loop3A_367 : i32
      %parallel_loop3A_426 = arith.constant 1 : i32
      %parallel_loop3A_427 = arith.addi %parallel_loop3A_425, %parallel_loop3A_426 : i32
      %parallel_loop3A_428 = arith.index_cast %parallel_loop3A_427 : i32 to index
      %parallel_loop3A_429 = arith.constant 0 : index
      %parallel_loop3A_430 = tpu.vector_load %arg11[%parallel_loop3A_428, %parallel_loop3A_429] {strides = array<i32>} : memref<128x128xf32, #tpu.memory_space<vmem>>, vector<16xf32>,
      %parallel_loop3A_431 = arith.constant 8.000000e+00 : f32
      %parallel_loop3A_432 = vector.broadcast %parallel_loop3A_431 : f32 to vector<16xf32>
      %parallel_loop3A_433 = arith.mulf %parallel_loop3A_430, %parallel_loop3A_432 : vector<16xf32>
      %parallel_loop3A_434 = arith.addf %parallel_loop3A_433, %get3A_324 : vector<16xf32>
      %parallel_loop3A_435 = arith.index_cast %parallel_loop3A_367 : i32 to index
      %parallel_loop3A_436 = arith.constant 64 : index
      %parallel_loop3A_437 = tpu.vector_load %arg13[%parallel_loop3A_435, %parallel_loop3A_436] {strides = array<i32>} : memref<64x128xf32, #tpu.memory_space<vmem>>, vector<16xf32>,
      tpu.vector_store %arg13[%parallel_loop3A_435, %parallel_loop3A_436], %parallel_loop3A_434 {strides = array<i32>} : memref<64x128xf32, #tpu.memory_space<vmem>>, vector<16xf32>,
      %parallel_loop3A_438 = arith.constant 2 : i32
      %parallel_loop3A_439 = arith.muli %parallel_loop3A_438, %parallel_loop3A_367 : i32
      %parallel_loop3A_440 = arith.constant 1 : i32
      %parallel_loop3A_441 = arith.addi %parallel_loop3A_439, %parallel_loop3A_440 : i32
      %parallel_loop3A_442 = arith.index_cast %parallel_loop3A_441 : i32 to index
      %parallel_loop3A_443 = arith.constant 16 : index
      %parallel_loop3A_444 = tpu.vector_load %arg11[%parallel_loop3A_442, %parallel_loop3A_443] {strides = array<i32>} : memref<128x128xf32, #tpu.memory_space<vmem>>, vector<16xf32>,
      %parallel_loop3A_445 = arith.constant 8.000000e+00 : f32
      %parallel_loop3A_446 = vector.broadcast %parallel_loop3A_445 : f32 to vector<16xf32>
      %parallel_loop3A_447 = arith.mulf %parallel_loop3A_444, %parallel_loop3A_446 : vector<16xf32>
      %parallel_loop3A_448 = arith.addf %parallel_loop3A_447, %get3A_328 : vector<16xf32>
      %parallel_loop3A_449 = arith.index_cast %parallel_loop3A_367 : i32 to index
      %parallel_loop3A_450 = arith.constant 80 : index
      %parallel_loop3A_451 = tpu.vector_load %arg13[%parallel_loop3A_449, %parallel_loop3A_450] {strides = array<i32>} : memref<64x128xf32, #tpu.memory_space<vmem>>, vector<16xf32>,
      tpu.vector_store %arg13[%parallel_loop3A_449, %parallel_loop3A_450], %parallel_loop3A_448 {strides = array<i32>} : memref<64x128xf32, #tpu.memory_space<vmem>>, vector<16xf32>,
      %parallel_loop3A_452 = arith.constant 2 : i32
      %parallel_loop3A_453 = arith.muli %parallel_loop3A_452, %parallel_loop3A_367 : i32
      %parallel_loop3A_454 = arith.constant 1 : i32
      %parallel_loop3A_455 = arith.addi %parallel_loop3A_453, %parallel_loop3A_454 : i32
      %parallel_loop3A_456 = arith.index_cast %parallel_loop3A_455 : i32 to index
      %parallel_loop3A_457 = arith.constant 32 : index
      %parallel_loop3A_458 = tpu.vector_load %arg11[%parallel_loop3A_456, %parallel_loop3A_457] {strides = array<i32>} : memref<128x128xf32, #tpu.memory_space<vmem>>, vector<16xf32>,
      %parallel_loop3A_459 = arith.constant 8.000000e+00 : f32
      %parallel_loop3A_460 = vector.broadcast %parallel_loop3A_459 : f32 to vector<16xf32>
      %parallel_loop3A_461 = arith.mulf %parallel_loop3A_458, %parallel_loop3A_460 : vector<16xf32>
      %parallel_loop3A_462 = arith.addf %parallel_loop3A_461, %get3A_332 : vector<16xf32>
      %parallel_loop3A_463 = arith.index_cast %parallel_loop3A_367 : i32 to index
      %parallel_loop3A_464 = arith.constant 96 : index
      %parallel_loop3A_465 = tpu.vector_load %arg13[%parallel_loop3A_463, %parallel_loop3A_464] {strides = array<i32>} : memref<64x128xf32, #tpu.memory_space<vmem>>, vector<16xf32>,
      tpu.vector_store %arg13[%parallel_loop3A_463, %parallel_loop3A_464], %parallel_loop3A_462 {strides = array<i32>} : memref<64x128xf32, #tpu.memory_space<vmem>>, vector<16xf32>,
      %parallel_loop3A_466 = arith.constant 2 : i32
      %parallel_loop3A_467 = arith.muli %parallel_loop3A_466, %parallel_loop3A_367 : i32
      %parallel_loop3A_468 = arith.constant 1 : i32
      %parallel_loop3A_469 = arith.addi %parallel_loop3A_467, %parallel_loop3A_468 : i32
      %parallel_loop3A_470 = arith.index_cast %parallel_loop3A_469 : i32 to index
      %parallel_loop3A_471 = arith.constant 48 : index
      %parallel_loop3A_472 = tpu.vector_load %arg11[%parallel_loop3A_470, %parallel_loop3A_471] {strides = array<i32>} : memref<128x128xf32, #tpu.memory_space<vmem>>, vector<16xf32>,
      %parallel_loop3A_473 = arith.constant 8.000000e+00 : f32
      %parallel_loop3A_474 = vector.broadcast %parallel_loop3A_473 : f32 to vector<16xf32>
      %parallel_loop3A_475 = arith.mulf %parallel_loop3A_472, %parallel_loop3A_474 : vector<16xf32>
      %parallel_loop3A_476 = arith.addf %parallel_loop3A_475, %get3A_336 : vector<16xf32>
      %parallel_loop3A_477 = arith.index_cast %parallel_loop3A_367 : i32 to index
      %parallel_loop3A_478 = arith.constant 112 : index
      %parallel_loop3A_479 = tpu.vector_load %arg13[%parallel_loop3A_477, %parallel_loop3A_478] {strides = array<i32>} : memref<64x128xf32, #tpu.memory_space<vmem>>, vector<16xf32>,
      tpu.vector_store %arg13[%parallel_loop3A_477, %parallel_loop3A_478], %parallel_loop3A_476 {strides = array<i32>} : memref<64x128xf32, #tpu.memory_space<vmem>>, vector<16xf32>,
    } {sc.loop_unroll_factor = 8 : i64, sc.parallel_access}
    %mul3A_340 = arith.constant 64 : i32
    %mul3A_341 = arith.muli %add3A, %mul3A_340 : i32
    %dma_start3A_342 = arith.constant 199 : i32
    %dma_start3A_343 = arith.constant 0 : i32
    %dma_start3A_344 = tpu.memref_slice %arg5[%dma_start3A_342, %mul3A_341, %dma_start3A_343] : memref<200x2048x128xf32, #tpu.memory_space<hbm>> -> memref<1x64x128xf32, #tpu.memory_space<hbm>>
    %dma_start3A_345 = tpu.memref_squeeze %dma_start3A_344 : memref<1x64x128xf32, #tpu.memory_space<hbm>> -> memref<64x128xf32, #tpu.memory_space<hbm>>
    %dma_start3A_346 = arith.constant 0 : i32
    %dma_start3A_347 = tpu.memref_slice %arg5[%dma_start3A_342, %mul3A_341, %dma_start3A_346] : memref<200x2048x128xf32, #tpu.memory_space<hbm>> -> memref<1x64x128xf32, #tpu.memory_space<hbm>>
    %dma_start3A_348 = tpu.memref_squeeze %dma_start3A_347 : memref<1x64x128xf32, #tpu.memory_space<hbm>> -> memref<64x128xf32, #tpu.memory_space<hbm>>
    tpu.enqueue_dma source(%arg13 : memref<64x128xf32, #tpu.memory_space<vmem>>) target(%dma_start3A_348 : memref<64x128xf32, #tpu.memory_space<hbm>>) target_semaphore(%arg17 : memref<!tpu.dma_semaphore, #tpu.memory_space<semaphore_mem>>)
    %mul3A_349 = arith.constant 64 : i32
    %mul3A_350 = arith.muli %add3A, %mul3A_349 : i32
    %dma_wait3A_351 = arith.constant 198 : i32
    %dma_wait3A_352 = arith.constant 0 : i32
    %dma_wait3A_353 = tpu.memref_slice %arg5[%dma_wait3A_351, %mul3A_350, %dma_wait3A_352] : memref<200x2048x128xf32, #tpu.memory_space<hbm>> -> memref<1x64x128xf32, #tpu.memory_space<hbm>>
    %dma_wait3A_354 = tpu.memref_squeeze %dma_wait3A_353 : memref<1x64x128xf32, #tpu.memory_space<hbm>> -> memref<64x128xf32, #tpu.memory_space<hbm>>
    %dma_wait3A_355 = arith.constant 0 : i32
    %dma_wait3A_356 = tpu.memref_slice %arg5[%dma_wait3A_351, %mul3A_350, %dma_wait3A_355] : memref<200x2048x128xf32, #tpu.memory_space<hbm>> -> memref<1x64x128xf32, #tpu.memory_space<hbm>>
    %dma_wait3A_357 = tpu.memref_squeeze %dma_wait3A_356 : memref<1x64x128xf32, #tpu.memory_space<hbm>> -> memref<64x128xf32, #tpu.memory_space<hbm>>
    tpu.wait_dma2 semaphore(%arg16 : memref<!tpu.dma_semaphore, #tpu.memory_space<semaphore_mem>>) src(%arg12 : memref<64x128xf32, #tpu.memory_space<vmem>>) dst(%dma_wait3A_357 : memref<64x128xf32, #tpu.memory_space<hbm>>)
    %mul3A_358 = arith.constant 64 : i32
    %mul3A_359 = arith.muli %add3A, %mul3A_358 : i32
    %dma_wait3A_360 = arith.constant 199 : i32
    %dma_wait3A_361 = arith.constant 0 : i32
    %dma_wait3A_362 = tpu.memref_slice %arg5[%dma_wait3A_360, %mul3A_359, %dma_wait3A_361] : memref<200x2048x128xf32, #tpu.memory_space<hbm>> -> memref<1x64x128xf32, #tpu.memory_space<hbm>>
    %dma_wait3A_363 = tpu.memref_squeeze %dma_wait3A_362 : memref<1x64x128xf32, #tpu.memory_space<hbm>> -> memref<64x128xf32, #tpu.memory_space<hbm>>
    %dma_wait3A_364 = arith.constant 0 : i32
    %dma_wait3A_365 = tpu.memref_slice %arg5[%dma_wait3A_360, %mul3A_359, %dma_wait3A_364] : memref<200x2048x128xf32, #tpu.memory_space<hbm>> -> memref<1x64x128xf32, #tpu.memory_space<hbm>>
    %dma_wait3A_366 = tpu.memref_squeeze %dma_wait3A_365 : memref<1x64x128xf32, #tpu.memory_space<hbm>> -> memref<64x128xf32, #tpu.memory_space<hbm>>
    tpu.wait_dma2 semaphore(%arg17 : memref<!tpu.dma_semaphore, #tpu.memory_space<semaphore_mem>>) src(%arg13 : memref<64x128xf32, #tpu.memory_space<vmem>>) dst(%dma_wait3A_366 : memref<64x128xf32, #tpu.memory_space<hbm>>)
    return
  }
}

</mosaic_0001>

<sc_bundles>
// kernel: kernel.3.cloned.1.call-start
scs
__scs_entry_jumppad:
0x0: {  	(pc) =	sbr.rel $0x88, $3  }
0x1: {  	(tag) =	ssettag $0x0;
	lr =	simm.s32 $0x1  }
0x2: {  	[smem:$0x3F9F] =	sst lr;
	_ =	strace $0xD0000000  }
0x3: {  	_ = 	snop  }
0x4: {  	_ = 	snop  }
0x5: {  	_ = 	snop  }
0x6: {  	_ = 	snop  }
0x7: {  	_ = 	snop  }
__scs_overlays_trampoline_lowered:
0x8: {  	[smem:$0x3FAE] =	sst s0  }
0x9: {  	[smem:$0x3FAF] =	sst s1  }
0xa: {  	[smem:$0x3FB0] =	sst s2  }
0xb: {  	[smem:$0x3FB1] =	sst s3  }
0xc: {  	[smem:$0x3FB2] =	sst s4  }
0xd: {  	[smem:$0x3FB3] =	sst s5  }
0xe: {  	[smem:$0x3FB4] =	sst s6  }
0xf: {  	[smem:$0x3FB5] =	sst s7  }
0x10: {  	[smem:$0x3FB6] =	sst s8  }
0x11: {  	[smem:$0x3FB7] =	sst s9;
	s0 =	simm.s32 @!p0 $0x0  }
0x12: {  	s1 =	sld [smem:$0x3F9D];
	s0 =	simm.s32 @p0 $0x1  }
0x13: {  	[smem:$0x3FB8] =	sst s0;
	s0 =	simm.s32 @!p1 $0x0  }
0x14: {  	s2 =	sld [smem:$0x3F9C];
	s0 =	simm.s32 @p1 $0x1  }
0x15: {  	[smem:$0x3FB9] =	sst s0;
	s0 =	simm.s32 @!p2 $0x0  }
0x16: {  	s3 =	sld [smem:$0x3FDB];
	s0 =	simm.s32 @p2 $0x1  }
0x17: {  	s4 =	simm.s32 $0x1BF5;
	[smem:$0x3FBB] =	sst s0  }
0x18: {  	s0 =	sld [smem:$0x3F9E];
	_ =	swait.ge [sflag:s4], $0x0  }
0x19: {  	s7 =	sld [smem:$0x3F9F]  }
0x1a: {  	s8 =	sadd.s32 $0xFFFFE003, lr  }
0x1b: {  	s9 =	sadd.s32 $0xFFFFFEF7, lr;
	s5 =	simm.s32 $0xFFFFFFFF;
	p2 =	slt.u32 s8, $0xFFFFF086  }
0x1c: {  	p1 =	slt.u32 s9, $0xF7A;
	s5 =	simm.s32 @!p2 $0x0  }
0x1d: {  	s5 =	simm.s32 @p1 $0x1;
	p0 =	seq.s32 s7, s2  }
0x1e: {  	s7 =	smul.u32 @!p0 $0xF7A, s2;
	p2 =	seq.s32 @!p0 s5, $0x0  }
0x1f: {  	s9 =	smul.u32 $0xF7A, s1;
	s8 =	simm.s32 @!p0 $0x1BF5;
	p2 =	por !p2, p0  }
0x20: {  	[sflag:s8] =	ssyncset.s32 @!p0 $0xFFFFF086;
	s6 =	sadd.s32 @!p0 s3, s7;
	s7 =	simm.s32 @!p0 $0x108  }
0x21: {  	s3 =	sadd.s32 s3, s9;
	s6 =	sadd.s32 @!p0 $0x88, s6;
	s7 =	simm.s32 @p2 $0x1082  }
0x22: {  	[simem:s7], [sflag:s8] =	dma.local @!p0 [hbm:s6], $0xF7A  }
0x23: {  	s9 =	sor.u32 $0xD0000000, s2;
	s6 =	simm.s32 $0x108;
	_ =	swait.ge @!p0 [sflag:s8], $0x0  }
0x24: {  	s3 =	sadd.s32 $0x88, s3;
	s6 =	simm.s32 @!p1 $0x1082;
	[sflag:s4] =	ssyncset.s32 $0xFFFFF086  }
0x25: {  	[simem:s6], [sflag:s4] =	dma.local [hbm:s3], $0xF7A  }
0x26: {  	[smem:$0x3F9F] =	sst s1;
	(tag) =	ssettag s2;
	_ =	strace s9  }
0x27: {  	s1 =	sld [smem:$0x3FAF]  }
0x28: {  	s2 =	sld [smem:$0x3FB0]  }
0x29: {  	s4 =	sld [smem:$0x3FB2]  }
0x2a: {  	p0 =	seq.s32 s5, $0x0;
	s5 =	sld [smem:$0x3FB3]  }
0x2b: {  	s6 =	sld [smem:$0x3FB4]  }
0x2c: {  	s7 =	sld [smem:$0x3FB5]  }
0x2d: {  	s3 =	simm.s32 $0x108;
	s8 =	sld [smem:$0x3FB6]  }
0x2e: {  	s3 =	simm.s32 @!p0 $0x1082;
	s9 =	sld [smem:$0x3FB7]  }
0x2f: {  	lr =	sadd.s32 s0, s3;
	s0 =	sld [smem:$0x3FAE]  }
0x30: {  	s3 =	sld [smem:$0x3FB1]  }
0x31: {  	[smem:$0x3FBA] =	sst s10  }
0x32: {  	s10 =	sld [smem:$0x3FB8];
	_ =	sdelay $0x3  }
0x33: {  	p0 =	seq.s32 s10, $0x1;
	s10 =	sld [smem:$0x3FBA];
	_ =	sdelay $0x3  }
0x34: {  	[smem:$0x3FBA] =	sst s10  }
0x35: {  	s10 =	sld [smem:$0x3FB9];
	_ =	sdelay $0x3  }
0x36: {  	p1 =	seq.s32 s10, $0x1;
	s10 =	sld [smem:$0x3FBA];
	_ =	sdelay $0x3  }
0x37: {  	[smem:$0x3FBA] =	sst s10  }
0x38: {  	s10 =	sld [smem:$0x3FBB]  }
0x39: {  	_ = 	snop;
	(pc) =	sbr.ind lr, $3  }
0x3a: {  	_ = 	snop  }
0x3b: {  	_ = 	snop  }
0x3c: {  	p2 =	seq.s32 s10, $0x1;
	s10 =	sld [smem:$0x3FBA]  }
0x3d: {  	_ =	shalt  }
0x3e: {  	_ =	shalt  }
0x3f: {  	_ =	shalt  }
0x40: {  	_ =	shalt  }
0x41: {  	_ =	shalt  }
0x42: {  	_ =	shalt  }
0x43: {  	_ =	shalt  }
0x44: {  	_ =	shalt  }
0x45: {  	_ =	shalt  }
0x46: {  	_ =	shalt  }
0x47: {  	_ =	shalt  }
0x48: {  	_ =	shalt  }
0x49: {  	_ =	shalt  }
0x4a: {  	_ =	shalt  }
0x4b: {  	_ =	shalt  }
0x4c: {  	_ =	shalt  }
0x4d: {  	_ =	shalt  }
0x4e: {  	_ =	shalt  }
0x4f: {  	_ =	shalt  }
0x50: {  	_ =	shalt  }
0x51: {  	_ =	shalt  }
0x52: {  	_ =	shalt  }
0x53: {  	_ =	shalt  }
0x54: {  	_ =	shalt  }
0x55: {  	_ =	shalt  }
0x56: {  	_ =	shalt  }
0x57: {  	_ =	shalt  }
0x58: {  	_ =	shalt  }
0x59: {  	_ =	shalt  }
0x5a: {  	_ =	shalt  }
0x5b: {  	_ =	shalt  }
0x5c: {  	_ =	shalt  }
0x5d: {  	_ =	shalt  }
0x5e: {  	_ =	shalt  }
0x5f: {  	_ =	shalt  }
0x60: {  	_ =	shalt  }
0x61: {  	_ =	shalt  }
0x62: {  	_ =	shalt  }
0x63: {  	_ =	shalt  }
0x64: {  	_ =	shalt  }
0x65: {  	_ =	shalt  }
0x66: {  	_ =	shalt  }
0x67: {  	_ =	shalt  }
0x68: {  	_ =	shalt  }
0x69: {  	_ =	shalt  }
0x6a: {  	_ =	shalt  }
0x6b: {  	_ =	shalt  }
0x6c: {  	_ =	shalt  }
0x6d: {  	_ =	shalt  }
0x6e: {  	_ =	shalt  }
0x6f: {  	_ =	shalt  }
0x70: {  	_ =	shalt  }
0x71: {  	_ =	shalt  }
0x72: {  	_ =	shalt  }
0x73: {  	_ =	shalt  }
0x74: {  	_ =	shalt  }
0x75: {  	_ =	shalt  }
0x76: {  	_ =	shalt  }
0x77: {  	_ =	shalt  }
0x78: {  	_ =	shalt  }
0x79: {  	_ =	shalt  }
0x7a: {  	_ =	shalt  }
0x7b: {  	_ =	shalt  }
0x7c: {  	_ =	shalt  }
0x7d: {  	_ =	shalt  }
0x7e: {  	_ =	shalt  }
0x7f: {  	_ =	shalt  }
0x80: {  	_ =	shalt  }
0x81: {  	_ =	shalt  }
0x82: {  	_ =	shalt  }
0x83: {  	_ =	shalt  }
0x84: {  	_ =	shalt  }
0x85: {  	_ =	shalt  }
0x86: {  	_ =	shalt  }
0x87: {  	_ =	shalt  }
.Lfunc_end0:
.L_simem_size_0:
called_computation.1_lowered:
.L_overlay_start_0:
0x88: {  	s2 =	sld [smem:$0x3FD9]  }
0x89: {  	s3 =	sld [smem:$0x3FFE];
	_ =	sdelay $0x1  }
0x8a: {  	s1 =	srdreg.scid  }
0x8b: {  	s0 =	sand.u32 $0x1, s1  }
0x8c: {  	s17 =	sshll.u32 s0, $0xA;
	s2 =	sadd.s32 s3, s2  }
0x8d: {  	s2 =	sadd.s32 s2, s17  }
0x8e: {  	[smem:$0x3FC6] =	sst s2  }
0x8f: {  	_ = 	snop  }
0x90: {  	s2 =	sld [smem:$0x3FC9]  }
0x91: {  	s18 =	sld [smem:$0x3FD0];
	(tm) =	ssettm $0x1  }
0x92: {  	s4 =	sld [smem:$0x3FFB];
	_ =	sdelay $0x3  }
0x93: {  	_ =	strace s4  }
0x94: {  	s4 =	sld [smem:$0x3FFC];
	_ =	sdelay $0x3  }
0x95: {  	_ =	strace s4  }
0x96: {  	s4 =	sld [smem:$0x3FFD];
	_ =	sdelay $0x3  }
0x97: {  	_ =	strace s4  }
0x98: {  	_ =	strace $0x8FFFFFFF  }
0x99: {  	s19 =	sld [smem:$0x3FDB];
	_ =	sdelay $0x1  }
0x9a: {  	s5 =	simm.s32 $_scs_section_size  }
0x9b: {  	s6 =	simm.s32 $_size__tile_overlayer_lowered;
	s7 =	simm.s32 $_tile_overlayer_lowered  }
0x9c: {  	s22 =	simm.s32 $0x1BFF;
	s21 =	sshll.u32 s7, $0x1;
	s4 =	sadd.s32 s5, s19  }
0x9d: {  	s8 =	simm.s32 $0x0;
	s20 =	sshll.u32 s6, $0x1;
	s6 =	sadd.s32 s21, s4  }
0x9e: {  	[timem:s8], [sflag:s22] =	dma.local [hbm:s6], s20  }
0x9f: {  	_ =	swait.ge [sflag:s22], s20  }
0xa0: {  	s5 =	ssub.s32 $0x0, s20;
	[sflag:s22] =	ssyncset.done $0x0  }
0xa1: {  	[sflag:s22] =	ssyncadd.s32 s5;
	_ =	sdelay $0x1  }
0xa2: {  	s23 =	simm.s32 $0x1B8B  }
0xa3: {  	_ =	swait.ge [sflag:s23], $0x1  }
0xa4: {  	[sflag:s23] =	ssyncset.done $0x0  }
0xa5: {  	s25 =	simm.s32 $0x1B8E;
	s24 =	sld [smem:$0x3FFE];
	[sflag:s23] =	ssyncadd.s32 $0xFFFFFFFF  }
0xa6: {  	s26 =	simm.s32 $execute0_lowered;
	[smem:$0x3FD2] =	sst s25  }
0xa7: {  	s6 =	sshll.u32 s26, $0x1;
	_ =	strace $0x80000046;
	[dreg:$0x1] =	wrdreg $0xFFFFFFFF  }
0xa8: {  	s28 =	simm.s32 $_size_execute0_lowered;
	s4 =	sadd.s32 s4, s6;
	[dreg:$0x0] =	wrdreg $0x0  }
0xa9: {  	s6 =	sshll.u32 s28, $0x1;
	[dreg:$0x2] =	wrdreg s4  }
0xaa: {  	[dreg:$0x3] =	wrdreg s6  }
0xab: {  	[dreg:$0x4] =	wrdreg $0xC0  }
0xac: {  	_ =	task [dreg:s8], $0x5FFFF  }
0xad: {  	[dreg:$0x1] =	wrdreg $0xFFFFFFFF  }
0xae: {  	[dreg:$0x0] =	wrdreg $0x60  }
0xaf: {  	[dreg:$0x2] =	wrdreg s2  }
0xb0: {  	[dreg:$0x3] =	wrdreg s24  }
0xb1: {  	[dreg:$0x4] =	wrdreg s18  }
0xb2: {  	[dreg:$0x5] =	wrdreg $0x9  }
0xb3: {  	_ =	task.clear_ibuf [dreg:s8], $0x6FFFF;
	_ =	strace $0x90000046  }
0xb4: {  	s29 =	simm.s32 $0x9;
	_ =	strace $0x80000048  }
0xb5: {  	_ =	swait.ge [sflag:s29], $0x1  }
0xb6: {  	[sflag:s29] =	ssyncadd.s32 $0xFFFFFFFF  }
0xb7: {  	_ =	strace $0x90000048  }
0xb8: {  	_ =	sfence  }
0xb9: {  	s30 =	sld [smem:$0x0];
	_ =	sdelay $0x2  }
0xba: {  	s31 =	sshll.u32 s1, $0xD;
	s1 =	sshrl.u32 s1, $0x2  }
0xbb: {  	s3 =	sand.u32 $0x4000, s31;
	s1 =	sadd.s32 s1, s30  }
0xbc: {  	s0 =	sor.u32 s3, s0;
	s1 =	sshll.u32 s1, $0x11  }
0xbd: {  	s0 =	sor.u32 s1, s0  }
0xbe: {  	s0 =	sadd.s32 $0x8F2B, s0  }
0xbf: {  	[sflag:s0] =	ssyncadd.remote.s32 $0x1  }
0xc0: {  	_ =	sfence.sel $0xFFFF  }
0xc1: {  	[dreg:$0x0] =	wrdreg $0xFFFFFFFF;
	(pc) =	sbr.abs _section_cstart, $3  }
0xc2: {  	[dreg:$0x1] =	wrdreg $0xFFFFFFFF  }
0xc3: {  	_ =	task.clear_ibuf [dreg:s8], $0x2FFFF;
	_ =	strace $0x9FFFFFFF  }
0xc4: {  	(tm) =	ssettm $0x7FFFFFFF  }
0xc5: {  	_ =	shalt  }
tec
execute0_lowered:
.L_overlay_start_1:
0x0: {  	(tag) =	ssettag $0x1  }
0x1: {  	s0 =	rddreg [dreg:$0x0]  }
0x2: {  	s2 =	rddreg [dreg:$0x1]  }
0x3: {  	s1 =	rddreg [dreg:$0x2]  }
0x4: {  	s3 =	simm.s32 $0x0;
	s5 =	srdreg.scid;
	s6 =	stileid.u32  }
0x5: {  	s15 =	simm.s32 $0x5;
	s17 =	simm.s32 $0x80;
	s18 =	simm.s32 $0xC800  }
0x6: {  	s19 =	simm.s32 $0xC900;
	s20 =	simm.s32 $0xC880;
	s21 =	simm.s32 $0x10900  }
0x7: {  	s22 =	simm.s32 $0x1;
	s23 =	simm.s32 $0x14900;
	s24 =	simm.s32 $0x2  }
0x8: {  	s25 =	simm.s32 $0x16900;
	s26 =	simm.s32 $0x3;
	s28 =	simm.s32 $0x4  }
0x9: {  	s29 =	simm.s32 $0x0;
	[smem:$0x7FF] =	sst s3;
	s4 =	sadd.s32 $0xF42E00, s2  }
0xa: {  	s5 =	sand.u32 $0x1, s5;
	s6 =	sshll.u32 s6, $0x1;
	s2 =	sadd.s32 $0xA00, s2  }
0xb: {  	_ =	strace $0x80000047;
	s30 =	ssub.s32 $0x2, s5;
	s5 =	sor.u32 s5, s6  }
0xc: {  	[dreg:$0x4] =	wrdreg s2;
	s7 =	sshll.u32 s5, $0x7;
	s8 =	sshll.u32 s5, $0xA  }
0xd: {  	s31 =	sshrl.u32 s30, $0x1;
	s6 =	sadd.s32 s0, s7;
	s7 =	sadd.s32 s1, s8  }
0xe: {  	s2 =	ssub.s32 s30, s31;
	s8 =	sshll.u32 s5, $0xD;
	s9 =	sadd.s32 $0x8000, s7  }
0xf: {  	s10 =	sadd.s32 $0x630000, s7;
	s11 =	sadd.s32 $0x638000, s7;
	s12 =	smax.u32 s2, $0x1  }
.LBB2_1:
0x10: {  	s0 =	simm.s32 $0x400;
	s2 =	simm.s32 $0x8000  }
0x11: {  	[tilespmem:s3], [sflag:$0x5] =	stream.strided.gather [hbm4b:s6+s0], $0x6400, s2, s0, $0x38;
	[tilespmem:$0x18900] =	vst v63  }
0x12: {  	_ =	swait.ge [sflag:s15], $0x6400  }
0x13: {  	[sflag:s15] =	ssyncset.done $0x0  }
0x14: {  	s31 =	simm.s32 $0x6400;
	s30 =	rddreg [dreg:$0x4];
	[sflag:s15] =	ssyncadd.s32 $0xFFFF9C00  }
0x15: {  	[tilespmem:s31], [sflag:$0x5] =	stream.linear.gather [hbm4b:s30+s3], $0x6400, $0x38;
	[tilespmem:$0x18900] =	vst v63  }
0x16: {  	_ =	swait.ge [sflag:s15], $0x6400  }
0x17: {  	[sflag:s15] =	ssyncset.done $0x0  }
0x18: {  	[sflag:s15] =	ssyncadd.s32 $0xFFFF9C00  }
0x19: {  	v0 =	vld [tilespmem:$0x0]  }
0x1a: {  	v1 =	vld [tilespmem:$0x10]  }
0x1b: {  	v2 =	vld [tilespmem:$0x20]  }
0x1c: {  	v3 =	vld [tilespmem:$0x30]  }
0x1d: {  	v4 =	vld [tilespmem:$0x40]  }
0x1e: {  	[tilespmem:$0xC800] =	vst v0;
	v0 =	vld [tilespmem:$0x50]  }
0x1f: {  	[tilespmem:$0xC810] =	vst v1;
	v1 =	vld [tilespmem:$0x60]  }
0x20: {  	[tilespmem:$0xC820] =	vst v2;
	v2 =	vld [tilespmem:$0x70]  }
0x21: {  	[tilespmem:$0xC830] =	vst v3  }
0x22: {  	[tilespmem:$0xC840] =	vst v4  }
0x23: {  	[tilespmem:$0xC850] =	vst v0  }
0x24: {  	[tilespmem:$0xC860] =	vst v1  }
0x25: {  	[tilespmem:$0xC870] =	vst v2  }
0x26: {  	[tilespmem:s19], [sflag:$0x1] =	stream.indirect.gather [hbm4b:s4+s17], $0x80, s18, s17, $0xb8;
	[tilespmem:$0x18900] =	vst v63  }
0x27: {  	v0 =	vld [tilespmem:$0x80]  }
0x28: {  	v1 =	vld [tilespmem:$0x90]  }
0x29: {  	v2 =	vld [tilespmem:$0xA0]  }
0x2a: {  	v3 =	vld [tilespmem:$0xB0]  }
0x2b: {  	v4 =	vld [tilespmem:$0xC0]  }
0x2c: {  	[tilespmem:$0xC880] =	vst v0;
	v0 =	vld [tilespmem:$0xD0]  }
0x2d: {  	[tilespmem:$0xC890] =	vst v1;
	v1 =	vld [tilespmem:$0xE0]  }
0x2e: {  	[tilespmem:$0xC8A0] =	vst v2;
	v2 =	vld [tilespmem:$0xF0]  }
0x2f: {  	[tilespmem:$0xC8B0] =	vst v3  }
0x30: {  	[tilespmem:$0xC8C0] =	vst v4  }
0x31: {  	[tilespmem:$0xC8D0] =	vst v0  }
0x32: {  	[tilespmem:$0xC8E0] =	vst v1  }
0x33: {  	[tilespmem:$0xC8F0] =	vst v2  }
0x34: {  	[tilespmem:s21], [sflag:$0x2] =	stream.indirect.gather [hbm4b:s4+s17], $0x80, s20, s17, $0xb8;
	[tilespmem:$0x18900] =	vst v63  }
0x35: {  	_ =	swait.ge [sflag:s22], $0x4000  }
0x36: {  	[sflag:s22] =	ssyncset.done $0x0  }
0x37: {  	[sflag:s22] =	ssyncadd.s32 $0xFFFFC000  }
0x38: {  	v3 =	vld [tilespmem:$0x6400]  }
0x39: {  	s14 =	simm.s32 $0xCD00;
	v2 =	vld [tilespmem:$0x6410]  }
0x3a: {  	v4 =	vld [tilespmem:s14+$0x300]  }
0x3b: {  	v5 =	vld [tilespmem:s14+$0xFFFFFD00]  }
0x3c: {  	v6 =	vld [tilespmem:s14+$0xFFFFFE00]  }
0x3d: {  	v7 =	vld [tilespmem:s14+$0xFFFFFF00]  }
0x3e: {  	v1 =	vld [tilespmem:$0x6420]  }
0x3f: {  	v0 =	vld [tilespmem:$0x6430];
	v4 =	vmul.f32 $8.000000000e+00, v4  }
0x40: {  	v8 =	vld [tilespmem:s14+$0x0];
	v5 =	vmul.f32 $8.000000000e+00, v5  }
0x41: {  	v9 =	vld [tilespmem:s14+$0x100];
	v6 =	vmul.f32 $8.000000000e+00, v6;
	v4 =	vadd.f32 v4, v3  }
0x42: {  	s0 =	simm.s32 $0x14B00;
	v10 =	vld [tilespmem:s14+$0x200];
	v7 =	vmul.f32 $8.000000000e+00, v7;
	v5 =	vadd.f32 v5, v3  }
0x43: {  	v11 =	vld [tilespmem:s14+$0xFFFFFC00];
	v6 =	vadd.f32 v6, v3;
	[tilespmem:s0+$0x180] =	vst v4  }
0x44: {  	[tilespmem:s0+$0xFFFFFE80] =	vst v5;
	v4 =	vadd.f32 v7, v3;
	v5 =	vld [tilespmem:s14+$0x310]  }
0x45: {  	v7 =	vmul.f32 $8.000000000e+00, v8;
	[tilespmem:s0+$0xFFFFFF00] =	vst v6;
	v8 =	vld [tilespmem:s14+$0xFFFFFD10]  }
0x46: {  	v6 =	vmul.f32 $8.000000000e+00, v9;
	v9 =	vld [tilespmem:s14+$0xFFFFFE10];
	[tilespmem:s0+$0xFFFFFF80] =	vst v4  }
0x47: {  	v4 =	vadd.f32 v7, v3;
	v7 =	vmul.f32 $8.000000000e+00, v10;
	v10 =	vld [tilespmem:s14+$0xFFFFFF10]  }
0x48: {  	v11 =	vmul.f32 $8.000000000e+00, v11;
	v6 =	vadd.f32 v6, v3  }
0x49: {  	[tilespmem:s0+$0x0] =	vst v4;
	v4 =	vadd.f32 v7, v3;
	v5 =	vmul.f32 $8.000000000e+00, v5  }
0x4a: {  	[tilespmem:s0+$0x80] =	vst v6;
	v6 =	vadd.f32 v11, v3;
	v7 =	vld [tilespmem:s14+$0x10];
	v8 =	vmul.f32 $8.000000000e+00, v8  }
0x4b: {  	v11 =	vld [tilespmem:s14+$0x110];
	[tilespmem:s0+$0x100] =	vst v4;
	v4 =	vmul.f32 $8.000000000e+00, v9;
	v5 =	vadd.f32 v5, v2  }
0x4c: {  	[tilespmem:s0+$0xFFFFFE00] =	vst v6;
	v6 =	vld [tilespmem:s14+$0x210];
	v8 =	vadd.f32 v8, v2;
	v9 =	vmul.f32 $8.000000000e+00, v10  }
0x4d: {  	v10 =	vld [tilespmem:s14+$0xFFFFFC10];
	v4 =	vadd.f32 v4, v2;
	[tilespmem:s0+$0x190] =	vst v5  }
0x4e: {  	[tilespmem:s0+$0xFFFFFE90] =	vst v8;
	v5 =	vadd.f32 v9, v2;
	v8 =	vld [tilespmem:s14+$0x320]  }
0x4f: {  	v7 =	vmul.f32 $8.000000000e+00, v7;
	[tilespmem:s0+$0xFFFFFF10] =	vst v4;
	v9 =	vld [tilespmem:s14+$0xFFFFFD20]  }
0x50: {  	v4 =	vmul.f32 $8.000000000e+00, v11;
	v11 =	vld [tilespmem:s14+$0xFFFFFE20];
	[tilespmem:s0+$0xFFFFFF90] =	vst v5  }
0x51: {  	v5 =	vadd.f32 v7, v2;
	v6 =	vmul.f32 $8.000000000e+00, v6;
	v7 =	vld [tilespmem:s14+$0xFFFFFF20]  }
0x52: {  	v4 =	vadd.f32 v4, v2;
	v10 =	vmul.f32 $8.000000000e+00, v10  }
0x53: {  	[tilespmem:s0+$0x10] =	vst v5;
	v5 =	vadd.f32 v6, v2;
	v6 =	vmul.f32 $8.000000000e+00, v8  }
0x54: {  	[tilespmem:s0+$0x90] =	vst v4;
	v4 =	vadd.f32 v10, v2;
	v8 =	vld [tilespmem:s14+$0x20];
	v9 =	vmul.f32 $8.000000000e+00, v9  }
0x55: {  	v10 =	vld [tilespmem:s14+$0x120];
	[tilespmem:s0+$0x110] =	vst v5;
	v5 =	vmul.f32 $8.000000000e+00, v11;
	v6 =	vadd.f32 v6, v1  }
0x56: {  	[tilespmem:s0+$0xFFFFFE10] =	vst v4;
	v4 =	vld [tilespmem:s14+$0x220];
	v9 =	vadd.f32 v9, v1;
	v7 =	vmul.f32 $8.000000000e+00, v7  }
0x57: {  	v11 =	vld [tilespmem:s14+$0xFFFFFC20];
	v5 =	vadd.f32 v5, v1;
	[tilespmem:s0+$0x1A0] =	vst v6  }
0x58: {  	[tilespmem:s0+$0xFFFFFEA0] =	vst v9;
	v6 =	vadd.f32 v7, v1;
	v7 =	vld [tilespmem:s14+$0x330]  }
0x59: {  	[tilespmem:s0+$0xFFFFFF20] =	vst v5;
	v8 =	vmul.f32 $8.000000000e+00, v8;
	v9 =	vld [tilespmem:s14+$0xFFFFFD30]  }
0x5a: {  	v5 =	vmul.f32 $8.000000000e+00, v10;
	v10 =	vld [tilespmem:s14+$0xFFFFFE30];
	[tilespmem:s0+$0xFFFFFFA0] =	vst v6  }
0x5b: {  	v4 =	vmul.f32 $8.000000000e+00, v4;
	v6 =	vadd.f32 v8, v1;
	v8 =	vld [tilespmem:s14+$0xFFFFFF30]  }
0x5c: {  	v5 =	vadd.f32 v5, v1;
	v11 =	vmul.f32 $8.000000000e+00, v11  }
0x5d: {  	v4 =	vadd.f32 v4, v1;
	[tilespmem:s0+$0x20] =	vst v6;
	v6 =	vmul.f32 $8.000000000e+00, v7  }
0x5e: {  	[tilespmem:s0+$0xA0] =	vst v5;
	v5 =	vadd.f32 v11, v1;
	v7 =	vld [tilespmem:s14+$0x30];
	v9 =	vmul.f32 $8.000000000e+00, v9  }
0x5f: {  	v11 =	vld [tilespmem:s14+$0x130];
	[tilespmem:s0+$0x120] =	vst v4;
	v4 =	vmul.f32 $8.000000000e+00, v10;
	v6 =	vadd.f32 v6, v0  }
0x60: {  	[tilespmem:s0+$0xFFFFFE20] =	vst v5;
	v5 =	vld [tilespmem:s14+$0x230];
	v9 =	vadd.f32 v9, v0;
	v8 =	vmul.f32 $8.000000000e+00, v8  }
0x61: {  	v10 =	vld [tilespmem:s14+$0xFFFFFC30];
	v4 =	vadd.f32 v4, v0;
	[tilespmem:s0+$0x1B0] =	vst v6  }
0x62: {  	[tilespmem:s0+$0xFFFFFEB0] =	vst v9;
	v6 =	vadd.f32 v8, v0;
	v8 =	vld [tilespmem:s14+$0x380]  }
0x63: {  	[tilespmem:s0+$0xFFFFFF30] =	vst v4;
	v7 =	vmul.f32 $8.000000000e+00, v7;
	v9 =	vld [tilespmem:s14+$0xFFFFFD80]  }
0x64: {  	v4 =	vmul.f32 $8.000000000e+00, v11;
	v11 =	vld [tilespmem:s14+$0xFFFFFE80];
	[tilespmem:s0+$0xFFFFFFB0] =	vst v6  }
0x65: {  	v5 =	vmul.f32 $8.000000000e+00, v5;
	v6 =	vadd.f32 v7, v0;
	v7 =	vld [tilespmem:s14+$0xFFFFFF80]  }
0x66: {  	v4 =	vadd.f32 v4, v0;
	v10 =	vmul.f32 $8.000000000e+00, v10  }
0x67: {  	v5 =	vadd.f32 v5, v0;
	[tilespmem:s0+$0x30] =	vst v6;
	v6 =	vmul.f32 $8.000000000e+00, v8  }
0x68: {  	[tilespmem:s0+$0xB0] =	vst v4;
	v4 =	vadd.f32 v10, v0;
	v8 =	vld [tilespmem:s14+$0x80];
	v9 =	vmul.f32 $8.000000000e+00, v9  }
0x69: {  	v10 =	vld [tilespmem:s14+$0x180];
	[tilespmem:s0+$0x130] =	vst v5;
	v5 =	vmul.f32 $8.000000000e+00, v11;
	v6 =	vadd.f32 v6, v3  }
0x6a: {  	[tilespmem:s0+$0xFFFFFE30] =	vst v4;
	v4 =	vld [tilespmem:s14+$0x280];
	v9 =	vadd.f32 v9, v3;
	v7 =	vmul.f32 $8.000000000e+00, v7  }
0x6b: {  	v11 =	vld [tilespmem:s14+$0xFFFFFC80];
	v5 =	vadd.f32 v5, v3;
	[tilespmem:s0+$0x1C0] =	vst v6  }
0x6c: {  	[tilespmem:s0+$0xFFFFFEC0] =	vst v9;
	v6 =	vadd.f32 v7, v3;
	v7 =	vld [tilespmem:s14+$0x390]  }
0x6d: {  	[tilespmem:s0+$0xFFFFFF40] =	vst v5;
	v8 =	vmul.f32 $8.000000000e+00, v8;
	v9 =	vld [tilespmem:s14+$0xFFFFFD90]  }
0x6e: {  	v5 =	vmul.f32 $8.000000000e+00, v10;
	v10 =	vld [tilespmem:s14+$0xFFFFFE90];
	[tilespmem:s0+$0xFFFFFFC0] =	vst v6  }
0x6f: {  	v4 =	vmul.f32 $8.000000000e+00, v4;
	v6 =	vadd.f32 v8, v3;
	v8 =	vld [tilespmem:s14+$0xFFFFFF90]  }
0x70: {  	s2 =	simm.s32 $0xD500;
	v5 =	vadd.f32 v5, v3;
	v11 =	vmul.f32 $8.000000000e+00, v11  }
0x71: {  	v12 =	vld [tilespmem:s2+$0x300];
	v4 =	vadd.f32 v4, v3;
	[tilespmem:s0+$0x40] =	vst v6;
	v6 =	vmul.f32 $8.000000000e+00, v7  }
0x72: {  	[tilespmem:s0+$0xC0] =	vst v5;
	v5 =	vadd.f32 v11, v3;
	v7 =	vld [tilespmem:s14+$0x90]  }
0x73: {  	v11 =	vld [tilespmem:s14+$0x190];
	v9 =	vmul.f32 $8.000000000e+00, v9;
	[tilespmem:s0+$0x140] =	vst v4;
	v6 =	vadd.f32 v6, v2  }
0x74: {  	v4 =	vmul.f32 $8.000000000e+00, v10;
	[tilespmem:s0+$0xFFFFFE40] =	vst v5;
	v5 =	vld [tilespmem:s14+$0x290];
	v8 =	vmul.f32 $8.000000000e+00, v8  }
0x75: {  	v9 =	vadd.f32 v9, v2;
	v10 =	vld [tilespmem:s14+$0xFFFFFC90];
	[tilespmem:s0+$0x1D0] =	vst v6  }
0x76: {  	v12 =	vmul.f32 $8.000000000e+00, v12;
	v4 =	vadd.f32 v4, v2;
	v6 =	vadd.f32 v8, v2;
	v8 =	vld [tilespmem:s14+$0x3A0]  }
0x77: {  	v13 =	vld [tilespmem:s2+$0x100];
	[tilespmem:s0+$0xFFFFFED0] =	vst v9;
	v7 =	vmul.f32 $8.000000000e+00, v7  }
0x78: {  	v12 =	vadd.f32 v12, v3;
	[tilespmem:s0+$0xFFFFFF50] =	vst v4;
	v4 =	vmul.f32 $8.000000000e+00, v11;
	v9 =	vld [tilespmem:s14+$0xFFFFFDA0]  }
0x79: {  	s13 =	simm.s32 $0x14F00;
	v11 =	vld [tilespmem:s14+$0xFFFFFEA0];
	[tilespmem:s0+$0xFFFFFFD0] =	vst v6;
	v5 =	vmul.f32 $8.000000000e+00, v5;
	v6 =	vadd.f32 v7, v2  }
0x7a: {  	[tilespmem:s13+$0x180] =	vst v12;
	v4 =	vadd.f32 v4, v2;
	v7 =	vld [tilespmem:s14+$0xFFFFFFA0];
	v10 =	vmul.f32 $8.000000000e+00, v10  }
0x7b: {  	v5 =	vadd.f32 v5, v2;
	[tilespmem:s0+$0x50] =	vst v6;
	v6 =	vld [tilespmem:s2+$0xFFFFFD00];
	v8 =	vmul.f32 $8.000000000e+00, v8  }
0x7c: {  	[tilespmem:s0+$0xD0] =	vst v4;
	v4 =	vadd.f32 v10, v2;
	v10 =	vld [tilespmem:s2+$0xFFFFFE00]  }
0x7d: {  	v9 =	vmul.f32 $8.000000000e+00, v9;
	[tilespmem:s0+$0x150] =	vst v5;
	v5 =	vld [tilespmem:s2+$0xFFFFFF00];
	v8 =	vadd.f32 v8, v1  }
0x7e: {  	v11 =	vmul.f32 $8.000000000e+00, v11;
	[tilespmem:s0+$0xFFFFFE50] =	vst v4;
	v4 =	vld [tilespmem:s2+$0x0]  }
0x7f: {  	v12 =	vld [tilespmem:s2+$0x310];
	v9 =	vadd.f32 v9, v1;
	v7 =	vmul.f32 $8.000000000e+00, v7;
	[tilespmem:s0+$0x1E0] =	vst v8  }
0x80: {  	v11 =	vadd.f32 v11, v1;
	v6 =	vmul.f32 $8.000000000e+00, v6;
	v8 =	vld [tilespmem:s14+$0x3B0]  }
0x81: {  	[tilespmem:s0+$0xFFFFFEE0] =	vst v9;
	v7 =	vadd.f32 v7, v1;
	v9 =	vmul.f32 $8.000000000e+00, v10;
	v10 =	vld [tilespmem:s2+$0x200]  }
0x82: {  	[tilespmem:s0+$0xFFFFFF60] =	vst v11;
	v11 =	vld [tilespmem:s2+$0xFFFFFC00];
	v5 =	vmul.f32 $8.000000000e+00, v5;
	v6 =	vadd.f32 v6, v3  }
0x83: {  	[tilespmem:s0+$0xFFFFFFE0] =	vst v7;
	v7 =	vadd.f32 v9, v3;
	v4 =	vmul.f32 $8.000000000e+00, v4;
	v9 =	vld [tilespmem:s14+$0xFFFFFCA0]  }
0x84: {  	v5 =	vadd.f32 v5, v3;
	[tilespmem:s13+$0xFFFFFE80] =	vst v6;
	v6 =	vmul.f32 $8.000000000e+00, v13  }
0x85: {  	[tilespmem:s13+$0xFFFFFF00] =	vst v7;
	v4 =	vadd.f32 v4, v3;
	v13 =	vld [tilespmem:s2+$0xFFFFFD10];
	v7 =	vmul.f32 $8.000000000e+00, v8  }
0x86: {  	[tilespmem:s13+$0xFFFFFF80] =	vst v5;
	v8 =	vld [tilespmem:s2+$0xFFFFFE10];
	v5 =	vadd.f32 v6, v3;
	v6 =	vmul.f32 $8.000000000e+00, v10  }
0x87: {  	v10 =	vmul.f32 $8.000000000e+00, v11;
	v11 =	vld [tilespmem:s2+$0xFFFFFF10];
	[tilespmem:s13+$0x0] =	vst v4;
	v4 =	vadd.f32 v7, v0  }
0x88: {  	v12 =	vmul.f32 $8.000000000e+00, v12;
	v7 =	vld [tilespmem:s2+$0x10];
	[tilespmem:s13+$0x80] =	vst v5;
	v5 =	vadd.f32 v6, v3;
	v6 =	vmul.f32 $8.000000000e+00, v9  }
0x89: {  	v9 =	vadd.f32 v10, v3;
	v10 =	vld [tilespmem:s2+$0x110];
	[tilespmem:s0+$0x1F0] =	vst v4  }
0x8a: {  	v12 =	vadd.f32 v12, v2;
	v4 =	vmul.f32 $8.000000000e+00, v13;
	[tilespmem:s13+$0x100] =	vst v5;
	v5 =	vadd.f32 v6, v1;
	v6 =	vld [tilespmem:s14+$0xA0]  }
0x8b: {  	[tilespmem:s13+$0xFFFFFE00] =	vst v9;
	v8 =	vmul.f32 $8.000000000e+00, v8;
	v9 =	vld [tilespmem:s2+$0x210]  }
0x8c: {  	[tilespmem:s13+$0x190] =	vst v12;
	v13 =	vld [tilespmem:s2+$0xFFFFFC10];
	v11 =	vmul.f32 $8.000000000e+00, v11;
	v4 =	vadd.f32 v4, v2  }
0x8d: {  	[tilespmem:s0+$0xFFFFFE60] =	vst v5;
	v5 =	vadd.f32 v8, v2;
	v7 =	vmul.f32 $8.000000000e+00, v7;
	v8 =	vld [tilespmem:s14+$0x1A0]  }
0x8e: {  	[tilespmem:s13+$0xFFFFFE90] =	vst v4;
	v4 =	vadd.f32 v11, v2;
	v10 =	vmul.f32 $8.000000000e+00, v10;
	v11 =	vld [tilespmem:s2+$0x320]  }
0x8f: {  	v12 =	vld [tilespmem:s2+$0xFFFFFD20];
	[tilespmem:s13+$0xFFFFFF10] =	vst v5;
	v5 =	vadd.f32 v7, v2;
	v6 =	vmul.f32 $8.000000000e+00, v6  }
0x90: {  	v7 =	vld [tilespmem:s2+$0xFFFFFE20];
	[tilespmem:s13+$0xFFFFFF90] =	vst v4;
	v4 =	vadd.f32 v10, v2;
	v9 =	vmul.f32 $8.000000000e+00, v9  }
0x91: {  	v10 =	vmul.f32 $8.000000000e+00, v13;
	v13 =	vld [tilespmem:s2+$0xFFFFFF20];
	[tilespmem:s13+$0x10] =	vst v5;
	v5 =	vadd.f32 v6, v1  }
0x92: {  	v6 =	vld [tilespmem:s2+$0x20];
	[tilespmem:s13+$0x90] =	vst v4;
	v4 =	vadd.f32 v9, v2;
	v8 =	vmul.f32 $8.000000000e+00, v8  }
0x93: {  	v9 =	vadd.f32 v10, v2;
	v10 =	vld [tilespmem:s2+$0x120];
	v11 =	vmul.f32 $8.000000000e+00, v11;
	[tilespmem:s0+$0x60] =	vst v5  }
0x94: {  	v5 =	vmul.f32 $8.000000000e+00, v12;
	[tilespmem:s13+$0x110] =	vst v4;
	v4 =	vadd.f32 v8, v1;
	v8 =	vld [tilespmem:s14+$0x2A0]  }
0x95: {  	[tilespmem:s13+$0xFFFFFE10] =	vst v9;
	v7 =	vmul.f32 $8.000000000e+00, v7;
	v9 =	vld [tilespmem:s2+$0x220];
	v11 =	vadd.f32 v11, v1  }
0x96: {  	v12 =	vld [tilespmem:s2+$0xFFFFFC20];
	v5 =	vadd.f32 v5, v1;
	v13 =	vmul.f32 $8.000000000e+00, v13;
	[tilespmem:s0+$0xE0] =	vst v4  }
0x97: {  	v4 =	vadd.f32 v7, v1;
	v6 =	vmul.f32 $8.000000000e+00, v6;
	[tilespmem:s13+$0x1A0] =	vst v11;
	v7 =	vld [tilespmem:s14+$0xFFFFFCB0]  }
0x98: {  	[tilespmem:s13+$0xFFFFFEA0] =	vst v5;
	v5 =	vadd.f32 v13, v1;
	v10 =	vmul.f32 $8.000000000e+00, v10;
	v11 =	vld [tilespmem:s2+$0x330]  }
0x99: {  	v13 =	vld [tilespmem:s2+$0xFFFFFD30];
	[tilespmem:s13+$0xFFFFFF20] =	vst v4;
	v4 =	vadd.f32 v6, v1;
	v6 =	vmul.f32 $8.000000000e+00, v8  }
0x9a: {  	v8 =	vld [tilespmem:s2+$0xFFFFFE30];
	[tilespmem:s13+$0xFFFFFFA0] =	vst v5;
	v5 =	vadd.f32 v10, v1;
	v9 =	vmul.f32 $8.000000000e+00, v9  }
0x9b: {  	v10 =	vmul.f32 $8.000000000e+00, v12;
	v12 =	vld [tilespmem:s2+$0xFFFFFF30];
	[tilespmem:s13+$0x20] =	vst v4;
	v4 =	vadd.f32 v6, v1  }
0x9c: {  	v6 =	vld [tilespmem:s2+$0x30];
	[tilespmem:s13+$0xA0] =	vst v5;
	v5 =	vadd.f32 v9, v1;
	v7 =	vmul.f32 $8.000000000e+00, v7  }
0x9d: {  	v9 =	vadd.f32 v10, v1;
	v10 =	vld [tilespmem:s2+$0x130];
	v11 =	vmul.f32 $8.000000000e+00, v11;
	[tilespmem:s0+$0x160] =	vst v4  }
0x9e: {  	v4 =	vmul.f32 $8.000000000e+00, v13;
	[tilespmem:s13+$0x120] =	vst v5;
	v5 =	vadd.f32 v7, v0;
	v7 =	vld [tilespmem:s14+$0xFFFFFDB0]  }
0x9f: {  	[tilespmem:s13+$0xFFFFFE20] =	vst v9;
	v8 =	vmul.f32 $8.000000000e+00, v8;
	v9 =	vld [tilespmem:s2+$0x230];
	v11 =	vadd.f32 v11, v0  }
0xa0: {  	v13 =	vld [tilespmem:s2+$0xFFFFFC30];
	v4 =	vadd.f32 v4, v0;
	v12 =	vmul.f32 $8.000000000e+00, v12;
	[tilespmem:s0+$0xFFFFFE70] =	vst v5  }
0xa1: {  	v5 =	vadd.f32 v8, v0;
	v6 =	vmul.f32 $8.000000000e+00, v6;
	[tilespmem:s13+$0x1B0] =	vst v11;
	v8 =	vld [tilespmem:s14+$0xFFFFFEB0]  }
0xa2: {  	[tilespmem:s13+$0xFFFFFEB0] =	vst v4;
	v4 =	vadd.f32 v12, v0;
	v10 =	vmul.f32 $8.000000000e+00, v10;
	v11 =	vld [tilespmem:s2+$0x380]  }
0xa3: {  	v12 =	vld [tilespmem:s2+$0xFFFFFD80];
	[tilespmem:s13+$0xFFFFFF30] =	vst v5;
	v5 =	vadd.f32 v6, v0;
	v6 =	vmul.f32 $8.000000000e+00, v7  }
0xa4: {  	v7 =	vld [tilespmem:s2+$0xFFFFFE80];
	[tilespmem:s13+$0xFFFFFFB0] =	vst v4;
	v4 =	vadd.f32 v10, v0;
	v9 =	vmul.f32 $8.000000000e+00, v9  }
0xa5: {  	v10 =	vmul.f32 $8.000000000e+00, v13;
	v13 =	vld [tilespmem:s2+$0xFFFFFF80];
	[tilespmem:s13+$0x30] =	vst v5;
	v5 =	vadd.f32 v6, v0  }
0xa6: {  	v6 =	vld [tilespmem:s2+$0x80];
	[tilespmem:s13+$0xB0] =	vst v4;
	v4 =	vadd.f32 v9, v0;
	v8 =	vmul.f32 $8.000000000e+00, v8  }
0xa7: {  	v9 =	vadd.f32 v10, v0;
	v10 =	vld [tilespmem:s2+$0x180];
	v11 =	vmul.f32 $8.000000000e+00, v11;
	[tilespmem:s0+$0xFFFFFEF0] =	vst v5  }
0xa8: {  	v5 =	vmul.f32 $8.000000000e+00, v12;
	[tilespmem:s13+$0x130] =	vst v4;
	v4 =	vadd.f32 v8, v0;
	v8 =	vld [tilespmem:s14+$0xFFFFFFB0]  }
0xa9: {  	[tilespmem:s13+$0xFFFFFE30] =	vst v9;
	v7 =	vmul.f32 $8.000000000e+00, v7;
	v9 =	vld [tilespmem:s2+$0x280];
	v11 =	vadd.f32 v11, v3  }
0xaa: {  	v12 =	vld [tilespmem:s2+$0xFFFFFC80];
	v5 =	vadd.f32 v5, v3;
	v13 =	vmul.f32 $8.000000000e+00, v13;
	[tilespmem:s0+$0xFFFFFF70] =	vst v4  }
0xab: {  	v4 =	vadd.f32 v7, v3;
	v6 =	vmul.f32 $8.000000000e+00, v6;
	[tilespmem:s13+$0x1C0] =	vst v11;
	v7 =	vld [tilespmem:s14+$0xB0]  }
0xac: {  	[tilespmem:s13+$0xFFFFFEC0] =	vst v5;
	v5 =	vadd.f32 v13, v3;
	v10 =	vmul.f32 $8.000000000e+00, v10;
	v11 =	vld [tilespmem:s2+$0x390]  }
0xad: {  	v13 =	vld [tilespmem:s2+$0xFFFFFD90];
	[tilespmem:s13+$0xFFFFFF40] =	vst v4;
	v4 =	vadd.f32 v6, v3;
	v6 =	vmul.f32 $8.000000000e+00, v8  }
0xae: {  	v8 =	vld [tilespmem:s2+$0xFFFFFE90];
	[tilespmem:s13+$0xFFFFFFC0] =	vst v5;
	v5 =	vadd.f32 v10, v3;
	v9 =	vmul.f32 $8.000000000e+00, v9  }
0xaf: {  	v10 =	vmul.f32 $8.000000000e+00, v12;
	v12 =	vld [tilespmem:s2+$0xFFFFFF90];
	[tilespmem:s13+$0x40] =	vst v4;
	v4 =	vadd.f32 v6, v0  }
0xb0: {  	v6 =	vld [tilespmem:s2+$0x90];
	[tilespmem:s13+$0xC0] =	vst v5;
	v5 =	vadd.f32 v9, v3;
	v7 =	vmul.f32 $8.000000000e+00, v7  }
0xb1: {  	v9 =	vadd.f32 v10, v3;
	v10 =	vld [tilespmem:s2+$0x190];
	v11 =	vmul.f32 $8.000000000e+00, v11;
	[tilespmem:s0+$0xFFFFFFF0] =	vst v4  }
0xb2: {  	v4 =	vmul.f32 $8.000000000e+00, v13;
	[tilespmem:s13+$0x140] =	vst v5;
	v5 =	vadd.f32 v7, v0;
	v7 =	vld [tilespmem:s14+$0x1B0]  }
0xb3: {  	[tilespmem:s13+$0xFFFFFE40] =	vst v9;
	v8 =	vmul.f32 $8.000000000e+00, v8;
	v13 =	vld [tilespmem:s2+$0x290];
	v9 =	vadd.f32 v11, v2  }
0xb4: {  	v14 =	vld [tilespmem:s2+$0xFFFFFC90];
	v11 =	vadd.f32 v4, v2;
	v12 =	vmul.f32 $8.000000000e+00, v12;
	[tilespmem:s0+$0x70] =	vst v5  }
0xb5: {  	v4 =	vld [tilespmem:s14+$0x2B0];
	v5 =	vadd.f32 v8, v2;
	v8 =	vmul.f32 $8.000000000e+00, v6;
	[tilespmem:s13+$0x1D0] =	vst v9  }
0xb6: {  	[tilespmem:s13+$0xFFFFFED0] =	vst v11;
	v11 =	vadd.f32 v12, v2;
	v10 =	vmul.f32 $8.000000000e+00, v10;
	v9 =	vld [tilespmem:s2+$0x3A0]  }
0xb7: {  	v6 =	vld [tilespmem:s2+$0xFFFFFDA0];
	[tilespmem:s13+$0xFFFFFF50] =	vst v5;
	v5 =	vadd.f32 v8, v2;
	v15 =	vmul.f32 $8.000000000e+00, v7  }
0xb8: {  	v7 =	vld [tilespmem:s2+$0xFFFFFEA0];
	[tilespmem:s13+$0xFFFFFFD0] =	vst v11;
	v10 =	vadd.f32 v10, v2;
	v11 =	vmul.f32 $8.000000000e+00, v13  }
0xb9: {  	s16 =	simm.s32 $0xDD00;
	s14 =	simm.s32 $0x8;
	v12 =	vmul.f32 $8.000000000e+00, v14;
	v8 =	vld [tilespmem:s2+$0xFFFFFFA0];
	[tilespmem:s13+$0x50] =	vst v5;
	v5 =	vadd.f32 v15, v0  }
.LBB2_2:
0xba: {  	v13 =	vld [tilespmem:s16+$0x300];
	s14 =	sadd.s32 $0x8, s14;
	[tilespmem:s13+$0xD0] =	vst v10;
	v10 =	vadd.f32 v11, v2;
	v4 =	vmul.f32 $8.000000000e+00, v4  }
0xbb: {  	v11 =	vld [tilespmem:s16+$0xFFFFFD00];
	p0 =	slt.u32 s14, $0x38;
	v12 =	vadd.f32 v12, v2;
	v9 =	vmul.f32 $8.000000000e+00, v9;
	[tilespmem:s0+$0xF0] =	vst v5  }
0xbc: {  	v5 =	vld [tilespmem:s16+$0xFFFFFE00];
	v6 =	vmul.f32 $8.000000000e+00, v6;
	[tilespmem:s13+$0x150] =	vst v10;
	v4 =	vadd.f32 v4, v0  }
0xbd: {  	v10 =	vld [tilespmem:s16+$0xFFFFFF00];
	[tilespmem:s13+$0xFFFFFE50] =	vst v12;
	v7 =	vmul.f32 $8.000000000e+00, v7;
	v9 =	vadd.f32 v9, v1  }
0xbe: {  	v12 =	vld [tilespmem:s16+$0x0];
	v6 =	vadd.f32 v6, v1;
	v8 =	vmul.f32 $8.000000000e+00, v8;
	[tilespmem:s0+$0x170] =	vst v4;
	s0 =	smov.u32 s13  }
0xbf: {  	v4 =	vld [tilespmem:s16+$0x100];
	v13 =	vmul.f32 $8.000000000e+00, v13;
	v7 =	vadd.f32 v7, v1;
	[tilespmem:s13+$0x1E0] =	vst v9  }
0xc0: {  	v9 =	vmul.f32 $8.000000000e+00, v11;
	[tilespmem:s13+$0xFFFFFEE0] =	vst v6;
	v6 =	vadd.f32 v8, v1;
	v8 =	vld [tilespmem:s2+$0x3B0]  }
0xc1: {  	v5 =	vmul.f32 $8.000000000e+00, v5;
	v11 =	vld [tilespmem:s16+$0x200];
	v13 =	vadd.f32 v13, v3;
	[tilespmem:s13+$0xFFFFFF60] =	vst v7  }
0xc2: {  	s13 =	sadd.s32 $0x400, s13;
	v7 =	vld [tilespmem:s16+$0xFFFFFC00];
	v9 =	vadd.f32 v9, v3;
	v10 =	vmul.f32 $8.000000000e+00, v10;
	[tilespmem:s0+$0xFFFFFFE0] =	vst v6  }
0xc3: {  	v5 =	vadd.f32 v5, v3;
	v6 =	vmul.f32 $8.000000000e+00, v12;
	[tilespmem:s13+$0x180] =	vst v13;
	v12 =	vld [tilespmem:s2+$0xFFFFFCA0]  }
0xc4: {  	[tilespmem:s13+$0xFFFFFE80] =	vst v9;
	v9 =	vadd.f32 v10, v3;
	v4 =	vmul.f32 $8.000000000e+00, v4;
	v10 =	vld [tilespmem:s16+$0x310]  }
0xc5: {  	v13 =	vld [tilespmem:s16+$0xFFFFFD10];
	[tilespmem:s13+$0xFFFFFF00] =	vst v5;
	v5 =	vadd.f32 v6, v3;
	v6 =	vmul.f32 $8.000000000e+00, v8  }
0xc6: {  	v8 =	vld [tilespmem:s16+$0xFFFFFE10];
	[tilespmem:s13+$0xFFFFFF80] =	vst v9;
	v4 =	vadd.f32 v4, v3;
	v9 =	vmul.f32 $8.000000000e+00, v11  }
0xc7: {  	v7 =	vmul.f32 $8.000000000e+00, v7;
	v11 =	vld [tilespmem:s16+$0xFFFFFF10];
	[tilespmem:s13+$0x0] =	vst v5;
	v5 =	vadd.f32 v6, v0  }
0xc8: {  	v6 =	vld [tilespmem:s16+$0x10];
	[tilespmem:s13+$0x80] =	vst v4;
	v4 =	vadd.f32 v9, v3;
	v9 =	vmul.f32 $8.000000000e+00, v12  }
0xc9: {  	v7 =	vadd.f32 v7, v3;
	v12 =	vld [tilespmem:s16+$0x110];
	v10 =	vmul.f32 $8.000000000e+00, v10;
	[tilespmem:s0+$0x1F0] =	vst v5  }
0xca: {  	v5 =	vmul.f32 $8.000000000e+00, v13;
	[tilespmem:s13+$0x100] =	vst v4;
	v4 =	vadd.f32 v9, v1;
	v9 =	vld [tilespmem:s2+$0xA0]  }
0xcb: {  	[tilespmem:s13+$0xFFFFFE00] =	vst v7;
	v7 =	vmul.f32 $8.000000000e+00, v8;
	v8 =	vld [tilespmem:s16+$0x210];
	v10 =	vadd.f32 v10, v2  }
0xcc: {  	v13 =	vld [tilespmem:s16+$0xFFFFFC10];
	v5 =	vadd.f32 v5, v2;
	v11 =	vmul.f32 $8.000000000e+00, v11;
	[tilespmem:s0+$0xFFFFFE60] =	vst v4  }
0xcd: {  	v4 =	vadd.f32 v7, v2;
	v6 =	vmul.f32 $8.000000000e+00, v6;
	[tilespmem:s13+$0x190] =	vst v10;
	v7 =	vld [tilespmem:s2+$0x1A0]  }
0xce: {  	[tilespmem:s13+$0xFFFFFE90] =	vst v5;
	v5 =	vadd.f32 v11, v2;
	v10 =	vmul.f32 $8.000000000e+00, v12;
	v11 =	vld [tilespmem:s16+$0x320]  }
0xcf: {  	v12 =	vld [tilespmem:s16+$0xFFFFFD20];
	[tilespmem:s13+$0xFFFFFF10] =	vst v4;
	v4 =	vadd.f32 v6, v2;
	v6 =	vmul.f32 $8.000000000e+00, v9  }
0xd0: {  	v9 =	vld [tilespmem:s16+$0xFFFFFE20];
	[tilespmem:s13+$0xFFFFFF90] =	vst v5;
	v5 =	vadd.f32 v10, v2;
	v8 =	vmul.f32 $8.000000000e+00, v8  }
0xd1: {  	v10 =	vmul.f32 $8.000000000e+00, v13;
	v13 =	vld [tilespmem:s16+$0xFFFFFF20];
	[tilespmem:s13+$0x10] =	vst v4;
	v4 =	vadd.f32 v6, v1  }
0xd2: {  	v6 =	vld [tilespmem:s16+$0x20];
	[tilespmem:s13+$0x90] =	vst v5;
	v5 =	vadd.f32 v8, v2;
	v7 =	vmul.f32 $8.000000000e+00, v7  }
0xd3: {  	v8 =	vadd.f32 v10, v2;
	v10 =	vld [tilespmem:s16+$0x120];
	v11 =	vmul.f32 $8.000000000e+00, v11;
	[tilespmem:s0+$0x60] =	vst v4  }
0xd4: {  	v4 =	vmul.f32 $8.000000000e+00, v12;
	[tilespmem:s13+$0x110] =	vst v5;
	v5 =	vadd.f32 v7, v1;
	v7 =	vld [tilespmem:s2+$0x2A0]  }
0xd5: {  	[tilespmem:s13+$0xFFFFFE10] =	vst v8;
	v8 =	vmul.f32 $8.000000000e+00, v9;
	v9 =	vld [tilespmem:s16+$0x220];
	v11 =	vadd.f32 v11, v1  }
0xd6: {  	v12 =	vld [tilespmem:s16+$0xFFFFFC20];
	v4 =	vadd.f32 v4, v1;
	v13 =	vmul.f32 $8.000000000e+00, v13;
	[tilespmem:s0+$0xE0] =	vst v5  }
0xd7: {  	v5 =	vadd.f32 v8, v1;
	v6 =	vmul.f32 $8.000000000e+00, v6;
	[tilespmem:s13+$0x1A0] =	vst v11;
	v8 =	vld [tilespmem:s2+$0xFFFFFCB0]  }
0xd8: {  	[tilespmem:s13+$0xFFFFFEA0] =	vst v4;
	v4 =	vadd.f32 v13, v1;
	v10 =	vmul.f32 $8.000000000e+00, v10;
	v11 =	vld [tilespmem:s16+$0x330]  }
0xd9: {  	v13 =	vld [tilespmem:s16+$0xFFFFFD30];
	[tilespmem:s13+$0xFFFFFF20] =	vst v5;
	v5 =	vadd.f32 v6, v1;
	v6 =	vmul.f32 $8.000000000e+00, v7  }
0xda: {  	v7 =	vld [tilespmem:s16+$0xFFFFFE30];
	[tilespmem:s13+$0xFFFFFFA0] =	vst v4;
	v4 =	vadd.f32 v10, v1;
	v9 =	vmul.f32 $8.000000000e+00, v9  }
0xdb: {  	v10 =	vmul.f32 $8.000000000e+00, v12;
	v12 =	vld [tilespmem:s16+$0xFFFFFF30];
	[tilespmem:s13+$0x20] =	vst v5;
	v5 =	vadd.f32 v6, v1  }
0xdc: {  	v6 =	vld [tilespmem:s16+$0x30];
	[tilespmem:s13+$0xA0] =	vst v4;
	v4 =	vadd.f32 v9, v1;
	v8 =	vmul.f32 $8.000000000e+00, v8  }
0xdd: {  	v9 =	vadd.f32 v10, v1;
	v10 =	vld [tilespmem:s16+$0x130];
	v11 =	vmul.f32 $8.000000000e+00, v11;
	[tilespmem:s0+$0x160] =	vst v5  }
0xde: {  	v5 =	vmul.f32 $8.000000000e+00, v13;
	[tilespmem:s13+$0x120] =	vst v4;
	v4 =	vadd.f32 v8, v0;
	v8 =	vld [tilespmem:s2+$0xFFFFFDB0]  }
0xdf: {  	[tilespmem:s13+$0xFFFFFE20] =	vst v9;
	v7 =	vmul.f32 $8.000000000e+00, v7;
	v9 =	vld [tilespmem:s16+$0x230];
	v11 =	vadd.f32 v11, v0  }
0xe0: {  	v13 =	vld [tilespmem:s16+$0xFFFFFC30];
	v5 =	vadd.f32 v5, v0;
	v12 =	vmul.f32 $8.000000000e+00, v12;
	[tilespmem:s0+$0xFFFFFE70] =	vst v4  }
0xe1: {  	v4 =	vadd.f32 v7, v0;
	v6 =	vmul.f32 $8.000000000e+00, v6;
	[tilespmem:s13+$0x1B0] =	vst v11;
	v7 =	vld [tilespmem:s2+$0xFFFFFEB0]  }
0xe2: {  	[tilespmem:s13+$0xFFFFFEB0] =	vst v5;
	v5 =	vadd.f32 v12, v0;
	v10 =	vmul.f32 $8.000000000e+00, v10;
	v11 =	vld [tilespmem:s16+$0x380]  }
0xe3: {  	v12 =	vld [tilespmem:s16+$0xFFFFFD80];
	[tilespmem:s13+$0xFFFFFF30] =	vst v4;
	v4 =	vadd.f32 v6, v0;
	v6 =	vmul.f32 $8.000000000e+00, v8  }
0xe4: {  	v8 =	vld [tilespmem:s16+$0xFFFFFE80];
	[tilespmem:s13+$0xFFFFFFB0] =	vst v5;
	v5 =	vadd.f32 v10, v0;
	v9 =	vmul.f32 $8.000000000e+00, v9  }
0xe5: {  	v10 =	vmul.f32 $8.000000000e+00, v13;
	v13 =	vld [tilespmem:s16+$0xFFFFFF80];
	[tilespmem:s13+$0x30] =	vst v4;
	v4 =	vadd.f32 v6, v0  }
0xe6: {  	v6 =	vld [tilespmem:s16+$0x80];
	[tilespmem:s13+$0xB0] =	vst v5;
	v5 =	vadd.f32 v9, v0;
	v7 =	vmul.f32 $8.000000000e+00, v7  }
0xe7: {  	v9 =	vadd.f32 v10, v0;
	v10 =	vld [tilespmem:s16+$0x180];
	v11 =	vmul.f32 $8.000000000e+00, v11;
	[tilespmem:s0+$0xFFFFFEF0] =	vst v4  }
0xe8: {  	v4 =	vmul.f32 $8.000000000e+00, v12;
	[tilespmem:s13+$0x130] =	vst v5;
	v5 =	vadd.f32 v7, v0;
	v7 =	vld [tilespmem:s2+$0xFFFFFFB0]  }
0xe9: {  	[tilespmem:s13+$0xFFFFFE30] =	vst v9;
	v8 =	vmul.f32 $8.000000000e+00, v8;
	v9 =	vld [tilespmem:s16+$0x280];
	v11 =	vadd.f32 v11, v3  }
0xea: {  	v12 =	vld [tilespmem:s16+$0xFFFFFC80];
	v4 =	vadd.f32 v4, v3;
	v13 =	vmul.f32 $8.000000000e+00, v13;
	[tilespmem:s0+$0xFFFFFF70] =	vst v5  }
0xeb: {  	v5 =	vadd.f32 v8, v3;
	v6 =	vmul.f32 $8.000000000e+00, v6;
	[tilespmem:s13+$0x1C0] =	vst v11;
	v8 =	vld [tilespmem:s2+$0xB0]  }
0xec: {  	[tilespmem:s13+$0xFFFFFEC0] =	vst v4;
	v4 =	vadd.f32 v13, v3;
	v10 =	vmul.f32 $8.000000000e+00, v10;
	v11 =	vld [tilespmem:s16+$0x390]  }
0xed: {  	v13 =	vld [tilespmem:s16+$0xFFFFFD90];
	[tilespmem:s13+$0xFFFFFF40] =	vst v5;
	v5 =	vadd.f32 v6, v3;
	v6 =	vmul.f32 $8.000000000e+00, v7  }
0xee: {  	v7 =	vld [tilespmem:s16+$0xFFFFFE90];
	[tilespmem:s13+$0xFFFFFFC0] =	vst v4;
	v4 =	vadd.f32 v10, v3;
	v9 =	vmul.f32 $8.000000000e+00, v9  }
0xef: {  	v10 =	vmul.f32 $8.000000000e+00, v12;
	v12 =	vld [tilespmem:s16+$0xFFFFFF90];
	[tilespmem:s13+$0x40] =	vst v5;
	v5 =	vadd.f32 v6, v0  }
0xf0: {  	v6 =	vld [tilespmem:s16+$0x90];
	[tilespmem:s13+$0xC0] =	vst v4;
	v4 =	vadd.f32 v9, v3;
	v8 =	vmul.f32 $8.000000000e+00, v8  }
0xf1: {  	v9 =	vadd.f32 v10, v3;
	v10 =	vld [tilespmem:s16+$0x190];
	v11 =	vmul.f32 $8.000000000e+00, v11;
	[tilespmem:s0+$0xFFFFFFF0] =	vst v5  }
0xf2: {  	v5 =	vmul.f32 $8.000000000e+00, v13;
	[tilespmem:s13+$0x140] =	vst v4;
	v4 =	vadd.f32 v8, v0;
	v8 =	vld [tilespmem:s2+$0x1B0]  }
0xf3: {  	[tilespmem:s13+$0xFFFFFE40] =	vst v9;
	v7 =	vmul.f32 $8.000000000e+00, v7;
	v13 =	vld [tilespmem:s16+$0x290];
	v9 =	vadd.f32 v11, v2  }
0xf4: {  	v14 =	vld [tilespmem:s16+$0xFFFFFC90];
	v5 =	vadd.f32 v5, v2;
	v11 =	vmul.f32 $8.000000000e+00, v12;
	[tilespmem:s0+$0x70] =	vst v4  }
.Ltmp0:
0xf5: {  	v7 =	vadd.f32 v7, v2;
	v12 =	vmul.f32 $8.000000000e+00, v6;
	[tilespmem:s13+$0x1D0] =	vst v9;
	v4 =	vld [tilespmem:s2+$0x2B0];
	s2 =	smov.u32 s16;
	(pc) =	sbr.rel @p0 .LBB2_2-.Ltmp0, $4  }
0xf6: {  	[tilespmem:s13+$0xFFFFFED0] =	vst v5;
	v5 =	vadd.f32 v11, v2;
	v10 =	vmul.f32 $8.000000000e+00, v10;
	v9 =	vld [tilespmem:s16+$0x3A0]  }
0xf7: {  	v6 =	vld [tilespmem:s16+$0xFFFFFDA0];
	[tilespmem:s13+$0xFFFFFF50] =	vst v7;
	v15 =	vadd.f32 v12, v2;
	v16 =	vmul.f32 $8.000000000e+00, v8  }
0xf8: {  	v7 =	vld [tilespmem:s16+$0xFFFFFEA0];
	[tilespmem:s13+$0xFFFFFFD0] =	vst v5;
	v10 =	vadd.f32 v10, v2;
	v11 =	vmul.f32 $8.000000000e+00, v13  }
0xf9: {  	s16 =	sadd.s32 $0x800, s16;
	v12 =	vmul.f32 $8.000000000e+00, v14;
	v8 =	vld [tilespmem:s2+$0xFFFFFFA0];
	[tilespmem:s13+$0x50] =	vst v15;
	v5 =	vadd.f32 v16, v0  }
0xfa: {  	_ = 	snop  }
0xfb: {  	v3 =	vadd.f32 v12, v2;
	_ =	sdelay $0x1  }
0xfc: {  	[tilespmem:s13+$0xFFFFFE50] =	vst v3  }
0xfd: {  	v3 =	vld [tilespmem:s2+$0xFFFFFCA0];
	_ =	sdelay $0x2  }
0xfe: {  	v2 =	vadd.f32 v11, v2  }
0xff: {  	[tilespmem:s13+$0xD0] =	vst v10;
	v10 =	vld [tilespmem:s2+$0xA0];
	v9 =	vmul.f32 $8.000000000e+00, v9  }
0x100: {  	[tilespmem:s13+$0x150] =	vst v2;
	v2 =	vmul.f32 $8.000000000e+00, v3;
	v3 =	vld [tilespmem:s2+$0x1A0]  }
0x101: {  	v6 =	vmul.f32 $8.000000000e+00, v6;
	v9 =	vadd.f32 v9, v1;
	v11 =	vld [tilespmem:s2+$0x2A0]  }
0x102: {  	v7 =	vmul.f32 $8.000000000e+00, v7;
	v2 =	vadd.f32 v2, v1  }
0x103: {  	v6 =	vadd.f32 v6, v1;
	v8 =	vmul.f32 $8.000000000e+00, v8;
	[tilespmem:s13+$0x1E0] =	vst v9  }
0x104: {  	v7 =	vadd.f32 v7, v1;
	v9 =	vld [tilespmem:s2+$0x3B0];
	[tilespmem:s13+$0xFFFFFE60] =	vst v2;
	v2 =	vmul.f32 $8.000000000e+00, v10  }
0x105: {  	[tilespmem:s13+$0xFFFFFEE0] =	vst v6;
	v6 =	vadd.f32 v8, v1;
	v3 =	vmul.f32 $8.000000000e+00, v3;
	v8 =	vld [tilespmem:s2+$0xFFFFFCB0]  }
0x106: {  	[tilespmem:s13+$0xFFFFFF60] =	vst v7;
	v7 =	vmul.f32 $8.000000000e+00, v11;
	v10 =	vld [tilespmem:s2+$0xFFFFFDB0];
	v2 =	vadd.f32 v2, v1  }
0x107: {  	[tilespmem:s13+$0xFFFFFFE0] =	vst v6;
	v6 =	vld [tilespmem:s2+$0xFFFFFEB0];
	v3 =	vadd.f32 v3, v1  }
0x108: {  	v4 =	vmul.f32 $8.000000000e+00, v4;
	v1 =	vadd.f32 v7, v1;
	[tilespmem:s13+$0x60] =	vst v2;
	v2 =	vld [tilespmem:s2+$0xFFFFFFB0]  }
0x109: {  	v7 =	vmul.f32 $8.000000000e+00, v9;
	[tilespmem:s13+$0xE0] =	vst v3;
	v3 =	vld [tilespmem:s2+$0xB0]  }
0x10a: {  	v4 =	vadd.f32 v4, v0;
	[tilespmem:s13+$0x160] =	vst v1;
	v8 =	vmul.f32 $8.000000000e+00, v8;
	v1 =	vld [tilespmem:s2+$0x1B0]  }
0x10b: {  	[tilespmem:s0+$0xF0] =	vst v5;
	v5 =	vadd.f32 v7, v0;
	v7 =	vmul.f32 $8.000000000e+00, v10;
	v9 =	vld [tilespmem:s2+$0x2B0]  }
0x10c: {  	[tilespmem:s0+$0x170] =	vst v4;
	v6 =	vmul.f32 $8.000000000e+00, v6;
	v4 =	vadd.f32 v8, v0  }
0x10d: {  	[tilespmem:s13+$0x1F0] =	vst v5;
	v5 =	vadd.f32 v7, v0;
	v2 =	vmul.f32 $8.000000000e+00, v2  }
0x10e: {  	[tilespmem:s13+$0xFFFFFE70] =	vst v4;
	v4 =	vadd.f32 v6, v0;
	v3 =	vmul.f32 $8.000000000e+00, v3  }
0x10f: {  	[tilespmem:s13+$0xFFFFFEF0] =	vst v5;
	v2 =	vadd.f32 v2, v0;
	v1 =	vmul.f32 $8.000000000e+00, v1  }
0x110: {  	[tilespmem:s13+$0xFFFFFF70] =	vst v4;
	v3 =	vadd.f32 v3, v0;
	v4 =	vmul.f32 $8.000000000e+00, v9  }
0x111: {  	[tilespmem:s13+$0xFFFFFFF0] =	vst v2;
	v1 =	vadd.f32 v1, v0  }
0x112: {  	[tilespmem:s13+$0x70] =	vst v3;
	v0 =	vadd.f32 v4, v0  }
0x113: {  	[tilespmem:s13+$0xF0] =	vst v1  }
0x114: {  	[tilespmem:s13+$0x170] =	vst v0  }
0x115: {  	[hbm4b:s7+s3] =	stream.linear.scatter [tilespmem:s23], [sflag:$0x3], $0x2000, $0x38;
	[tilespmem:$0x18900] =	vst v63  }
0x116: {  	v0 =	vld [tilespmem:$0x100]  }
0x117: {  	v1 =	vld [tilespmem:$0x110]  }
0x118: {  	v2 =	vld [tilespmem:$0x120]  }
0x119: {  	v3 =	vld [tilespmem:$0x130]  }
0x11a: {  	v4 =	vld [tilespmem:$0x140]  }
0x11b: {  	[tilespmem:$0xC800] =	vst v0;
	v0 =	vld [tilespmem:$0x150]  }
0x11c: {  	[tilespmem:$0xC810] =	vst v1;
	v1 =	vld [tilespmem:$0x160]  }
0x11d: {  	[tilespmem:$0xC820] =	vst v2;
	v2 =	vld [tilespmem:$0x170]  }
0x11e: {  	[tilespmem:$0xC830] =	vst v3  }
0x11f: {  	[tilespmem:$0xC840] =	vst v4  }
0x120: {  	[tilespmem:$0xC850] =	vst v0  }
0x121: {  	[tilespmem:$0xC860] =	vst v1  }
0x122: {  	[tilespmem:$0xC870] =	vst v2  }
0x123: {  	[tilespmem:s19], [sflag:$0x1] =	stream.indirect.gather [hbm4b:s4+s17], $0x80, s18, s17, $0xb8;
	[tilespmem:$0x18900] =	vst v63  }
0x124: {  	_ =	swait.ge [sflag:s24], $0x4000  }
0x125: {  	[sflag:s24] =	ssyncset.done $0x0  }
0x126: {  	[sflag:s24] =	ssyncadd.s32 $0xFFFFC000  }
0x127: {  	v3 =	vld [tilespmem:$0x6480]  }
0x128: {  	s14 =	simm.s32 $0x10D00;
	v2 =	vld [tilespmem:$0x6490]  }
0x129: {  	v4 =	vld [tilespmem:s14+$0x300]  }
0x12a: {  	v5 =	vld [tilespmem:s14+$0xFFFFFD00]  }
0x12b: {  	v6 =	vld [tilespmem:s14+$0xFFFFFE00]  }
0x12c: {  	v7 =	vld [tilespmem:s14+$0xFFFFFF00]  }
0x12d: {  	v1 =	vld [tilespmem:$0x64A0]  }
0x12e: {  	v0 =	vld [tilespmem:$0x64B0];
	v4 =	vmul.f32 $8.000000000e+00, v4  }
0x12f: {  	v8 =	vld [tilespmem:s14+$0x0];
	v5 =	vmul.f32 $8.000000000e+00, v5  }
0x130: {  	v9 =	vld [tilespmem:s14+$0x100];
	v6 =	vmul.f32 $8.000000000e+00, v6;
	v4 =	vadd.f32 v4, v3  }
0x131: {  	s0 =	simm.s32 $0x16B00;
	v10 =	vld [tilespmem:s14+$0x200];
	v7 =	vmul.f32 $8.000000000e+00, v7;
	v5 =	vadd.f32 v5, v3  }
0x132: {  	v11 =	vld [tilespmem:s14+$0xFFFFFC00];
	v6 =	vadd.f32 v6, v3;
	[tilespmem:s0+$0x180] =	vst v4  }
0x133: {  	[tilespmem:s0+$0xFFFFFE80] =	vst v5;
	v4 =	vadd.f32 v7, v3;
	v5 =	vld [tilespmem:s14+$0x310]  }
0x134: {  	v7 =	vmul.f32 $8.000000000e+00, v8;
	[tilespmem:s0+$0xFFFFFF00] =	vst v6;
	v8 =	vld [tilespmem:s14+$0xFFFFFD10]  }
0x135: {  	v6 =	vmul.f32 $8.000000000e+00, v9;
	v9 =	vld [tilespmem:s14+$0xFFFFFE10];
	[tilespmem:s0+$0xFFFFFF80] =	vst v4  }
0x136: {  	v4 =	vadd.f32 v7, v3;
	v7 =	vmul.f32 $8.000000000e+00, v10;
	v10 =	vld [tilespmem:s14+$0xFFFFFF10]  }
0x137: {  	v11 =	vmul.f32 $8.000000000e+00, v11;
	v6 =	vadd.f32 v6, v3  }
0x138: {  	[tilespmem:s0+$0x0] =	vst v4;
	v4 =	vadd.f32 v7, v3;
	v5 =	vmul.f32 $8.000000000e+00, v5  }
0x139: {  	[tilespmem:s0+$0x80] =	vst v6;
	v6 =	vadd.f32 v11, v3;
	v7 =	vld [tilespmem:s14+$0x10];
	v8 =	vmul.f32 $8.000000000e+00, v8  }
0x13a: {  	v11 =	vld [tilespmem:s14+$0x110];
	[tilespmem:s0+$0x100] =	vst v4;
	v4 =	vmul.f32 $8.000000000e+00, v9;
	v5 =	vadd.f32 v5, v2  }
0x13b: {  	[tilespmem:s0+$0xFFFFFE00] =	vst v6;
	v6 =	vld [tilespmem:s14+$0x210];
	v8 =	vadd.f32 v8, v2;
	v9 =	vmul.f32 $8.000000000e+00, v10  }
0x13c: {  	v10 =	vld [tilespmem:s14+$0xFFFFFC10];
	v4 =	vadd.f32 v4, v2;
	[tilespmem:s0+$0x190] =	vst v5  }
0x13d: {  	[tilespmem:s0+$0xFFFFFE90] =	vst v8;
	v5 =	vadd.f32 v9, v2;
	v8 =	vld [tilespmem:s14+$0x320]  }
0x13e: {  	v7 =	vmul.f32 $8.000000000e+00, v7;
	[tilespmem:s0+$0xFFFFFF10] =	vst v4;
	v9 =	vld [tilespmem:s14+$0xFFFFFD20]  }
0x13f: {  	v4 =	vmul.f32 $8.000000000e+00, v11;
	v11 =	vld [tilespmem:s14+$0xFFFFFE20];
	[tilespmem:s0+$0xFFFFFF90] =	vst v5  }
0x140: {  	v5 =	vadd.f32 v7, v2;
	v6 =	vmul.f32 $8.000000000e+00, v6;
	v7 =	vld [tilespmem:s14+$0xFFFFFF20]  }
0x141: {  	v4 =	vadd.f32 v4, v2;
	v10 =	vmul.f32 $8.000000000e+00, v10  }
0x142: {  	[tilespmem:s0+$0x10] =	vst v5;
	v5 =	vadd.f32 v6, v2;
	v6 =	vmul.f32 $8.000000000e+00, v8  }
0x143: {  	[tilespmem:s0+$0x90] =	vst v4;
	v4 =	vadd.f32 v10, v2;
	v8 =	vld [tilespmem:s14+$0x20];
	v9 =	vmul.f32 $8.000000000e+00, v9  }
0x144: {  	v10 =	vld [tilespmem:s14+$0x120];
	[tilespmem:s0+$0x110] =	vst v5;
	v5 =	vmul.f32 $8.000000000e+00, v11;
	v6 =	vadd.f32 v6, v1  }
0x145: {  	[tilespmem:s0+$0xFFFFFE10] =	vst v4;
	v4 =	vld [tilespmem:s14+$0x220];
	v9 =	vadd.f32 v9, v1;
	v7 =	vmul.f32 $8.000000000e+00, v7  }
0x146: {  	v11 =	vld [tilespmem:s14+$0xFFFFFC20];
	v5 =	vadd.f32 v5, v1;
	[tilespmem:s0+$0x1A0] =	vst v6  }
0x147: {  	[tilespmem:s0+$0xFFFFFEA0] =	vst v9;
	v6 =	vadd.f32 v7, v1;
	v7 =	vld [tilespmem:s14+$0x330]  }
0x148: {  	[tilespmem:s0+$0xFFFFFF20] =	vst v5;
	v8 =	vmul.f32 $8.000000000e+00, v8;
	v9 =	vld [tilespmem:s14+$0xFFFFFD30]  }
0x149: {  	v5 =	vmul.f32 $8.000000000e+00, v10;
	v10 =	vld [tilespmem:s14+$0xFFFFFE30];
	[tilespmem:s0+$0xFFFFFFA0] =	vst v6  }
0x14a: {  	v4 =	vmul.f32 $8.000000000e+00, v4;
	v6 =	vadd.f32 v8, v1;
	v8 =	vld [tilespmem:s14+$0xFFFFFF30]  }
0x14b: {  	v5 =	vadd.f32 v5, v1;
	v11 =	vmul.f32 $8.000000000e+00, v11  }
0x14c: {  	v4 =	vadd.f32 v4, v1;
	[tilespmem:s0+$0x20] =	vst v6;
	v6 =	vmul.f32 $8.000000000e+00, v7  }
0x14d: {  	[tilespmem:s0+$0xA0] =	vst v5;
	v5 =	vadd.f32 v11, v1;
	v7 =	vld [tilespmem:s14+$0x30];
	v9 =	vmul.f32 $8.000000000e+00, v9  }
0x14e: {  	v11 =	vld [tilespmem:s14+$0x130];
	[tilespmem:s0+$0x120] =	vst v4;
	v4 =	vmul.f32 $8.000000000e+00, v10;
	v6 =	vadd.f32 v6, v0  }
0x14f: {  	[tilespmem:s0+$0xFFFFFE20] =	vst v5;
	v5 =	vld [tilespmem:s14+$0x230];
	v9 =	vadd.f32 v9, v0;
	v8 =	vmul.f32 $8.000000000e+00, v8  }
0x150: {  	v10 =	vld [tilespmem:s14+$0xFFFFFC30];
	v4 =	vadd.f32 v4, v0;
	[tilespmem:s0+$0x1B0] =	vst v6  }
0x151: {  	[tilespmem:s0+$0xFFFFFEB0] =	vst v9;
	v6 =	vadd.f32 v8, v0;
	v8 =	vld [tilespmem:s14+$0x380]  }
0x152: {  	[tilespmem:s0+$0xFFFFFF30] =	vst v4;
	v7 =	vmul.f32 $8.000000000e+00, v7;
	v9 =	vld [tilespmem:s14+$0xFFFFFD80]  }
0x153: {  	v4 =	vmul.f32 $8.000000000e+00, v11;
	v11 =	vld [tilespmem:s14+$0xFFFFFE80];
	[tilespmem:s0+$0xFFFFFFB0] =	vst v6  }
0x154: {  	v5 =	vmul.f32 $8.000000000e+00, v5;
	v6 =	vadd.f32 v7, v0;
	v7 =	vld [tilespmem:s14+$0xFFFFFF80]  }
0x155: {  	v4 =	vadd.f32 v4, v0;
	v10 =	vmul.f32 $8.000000000e+00, v10  }
0x156: {  	v5 =	vadd.f32 v5, v0;
	[tilespmem:s0+$0x30] =	vst v6;
	v6 =	vmul.f32 $8.000000000e+00, v8  }
0x157: {  	[tilespmem:s0+$0xB0] =	vst v4;
	v4 =	vadd.f32 v10, v0;
	v8 =	vld [tilespmem:s14+$0x80];
	v9 =	vmul.f32 $8.000000000e+00, v9  }
0x158: {  	v10 =	vld [tilespmem:s14+$0x180];
	[tilespmem:s0+$0x130] =	vst v5;
	v5 =	vmul.f32 $8.000000000e+00, v11;
	v6 =	vadd.f32 v6, v3  }
0x159: {  	[tilespmem:s0+$0xFFFFFE30] =	vst v4;
	v4 =	vld [tilespmem:s14+$0x280];
	v9 =	vadd.f32 v9, v3;
	v7 =	vmul.f32 $8.000000000e+00, v7  }
0x15a: {  	v11 =	vld [tilespmem:s14+$0xFFFFFC80];
	v5 =	vadd.f32 v5, v3;
	[tilespmem:s0+$0x1C0] =	vst v6  }
0x15b: {  	[tilespmem:s0+$0xFFFFFEC0] =	vst v9;
	v6 =	vadd.f32 v7, v3;
	v7 =	vld [tilespmem:s14+$0x390]  }
0x15c: {  	[tilespmem:s0+$0xFFFFFF40] =	vst v5;
	v8 =	vmul.f32 $8.000000000e+00, v8;
	v9 =	vld [tilespmem:s14+$0xFFFFFD90]  }
0x15d: {  	v5 =	vmul.f32 $8.000000000e+00, v10;
	v10 =	vld [tilespmem:s14+$0xFFFFFE90];
	[tilespmem:s0+$0xFFFFFFC0] =	vst v6  }
0x15e: {  	v4 =	vmul.f32 $8.000000000e+00, v4;
	v6 =	vadd.f32 v8, v3;
	v8 =	vld [tilespmem:s14+$0xFFFFFF90]  }
0x15f: {  	s2 =	simm.s32 $0x11500;
	v5 =	vadd.f32 v5, v3;
	v11 =	vmul.f32 $8.000000000e+00, v11  }
0x160: {  	v12 =	vld [tilespmem:s2+$0x300];
	v4 =	vadd.f32 v4, v3;
	[tilespmem:s0+$0x40] =	vst v6;
	v6 =	vmul.f32 $8.000000000e+00, v7  }
0x161: {  	[tilespmem:s0+$0xC0] =	vst v5;
	v5 =	vadd.f32 v11, v3;
	v7 =	vld [tilespmem:s14+$0x90]  }
0x162: {  	v11 =	vld [tilespmem:s14+$0x190];
	v9 =	vmul.f32 $8.000000000e+00, v9;
	[tilespmem:s0+$0x140] =	vst v4;
	v6 =	vadd.f32 v6, v2  }
0x163: {  	v4 =	vmul.f32 $8.000000000e+00, v10;
	[tilespmem:s0+$0xFFFFFE40] =	vst v5;
	v5 =	vld [tilespmem:s14+$0x290];
	v8 =	vmul.f32 $8.000000000e+00, v8  }
0x164: {  	v9 =	vadd.f32 v9, v2;
	v10 =	vld [tilespmem:s14+$0xFFFFFC90];
	[tilespmem:s0+$0x1D0] =	vst v6  }
0x165: {  	v12 =	vmul.f32 $8.000000000e+00, v12;
	v4 =	vadd.f32 v4, v2;
	v6 =	vadd.f32 v8, v2;
	v8 =	vld [tilespmem:s14+$0x3A0]  }
0x166: {  	v13 =	vld [tilespmem:s2+$0x100];
	[tilespmem:s0+$0xFFFFFED0] =	vst v9;
	v7 =	vmul.f32 $8.000000000e+00, v7  }
0x167: {  	v12 =	vadd.f32 v12, v3;
	[tilespmem:s0+$0xFFFFFF50] =	vst v4;
	v4 =	vmul.f32 $8.000000000e+00, v11;
	v9 =	vld [tilespmem:s14+$0xFFFFFDA0]  }
0x168: {  	s13 =	simm.s32 $0x16F00;
	v11 =	vld [tilespmem:s14+$0xFFFFFEA0];
	[tilespmem:s0+$0xFFFFFFD0] =	vst v6;
	v5 =	vmul.f32 $8.000000000e+00, v5;
	v6 =	vadd.f32 v7, v2  }
0x169: {  	[tilespmem:s13+$0x180] =	vst v12;
	v4 =	vadd.f32 v4, v2;
	v7 =	vld [tilespmem:s14+$0xFFFFFFA0];
	v10 =	vmul.f32 $8.000000000e+00, v10  }
0x16a: {  	v5 =	vadd.f32 v5, v2;
	[tilespmem:s0+$0x50] =	vst v6;
	v6 =	vld [tilespmem:s2+$0xFFFFFD00];
	v8 =	vmul.f32 $8.000000000e+00, v8  }
0x16b: {  	[tilespmem:s0+$0xD0] =	vst v4;
	v4 =	vadd.f32 v10, v2;
	v10 =	vld [tilespmem:s2+$0xFFFFFE00]  }
0x16c: {  	v9 =	vmul.f32 $8.000000000e+00, v9;
	[tilespmem:s0+$0x150] =	vst v5;
	v5 =	vld [tilespmem:s2+$0xFFFFFF00];
	v8 =	vadd.f32 v8, v1  }
0x16d: {  	v11 =	vmul.f32 $8.000000000e+00, v11;
	[tilespmem:s0+$0xFFFFFE50] =	vst v4;
	v4 =	vld [tilespmem:s2+$0x0]  }
0x16e: {  	v12 =	vld [tilespmem:s2+$0x310];
	v9 =	vadd.f32 v9, v1;
	v7 =	vmul.f32 $8.000000000e+00, v7;
	[tilespmem:s0+$0x1E0] =	vst v8  }
0x16f: {  	v11 =	vadd.f32 v11, v1;
	v6 =	vmul.f32 $8.000000000e+00, v6;
	v8 =	vld [tilespmem:s14+$0x3B0]  }
0x170: {  	[tilespmem:s0+$0xFFFFFEE0] =	vst v9;
	v7 =	vadd.f32 v7, v1;
	v9 =	vmul.f32 $8.000000000e+00, v10;
	v10 =	vld [tilespmem:s2+$0x200]  }
0x171: {  	[tilespmem:s0+$0xFFFFFF60] =	vst v11;
	v11 =	vld [tilespmem:s2+$0xFFFFFC00];
	v5 =	vmul.f32 $8.000000000e+00, v5;
	v6 =	vadd.f32 v6, v3  }
0x172: {  	[tilespmem:s0+$0xFFFFFFE0] =	vst v7;
	v7 =	vadd.f32 v9, v3;
	v4 =	vmul.f32 $8.000000000e+00, v4;
	v9 =	vld [tilespmem:s14+$0xFFFFFCA0]  }
0x173: {  	v5 =	vadd.f32 v5, v3;
	[tilespmem:s13+$0xFFFFFE80] =	vst v6;
	v6 =	vmul.f32 $8.000000000e+00, v13  }
0x174: {  	[tilespmem:s13+$0xFFFFFF00] =	vst v7;
	v4 =	vadd.f32 v4, v3;
	v13 =	vld [tilespmem:s2+$0xFFFFFD10];
	v7 =	vmul.f32 $8.000000000e+00, v8  }
0x175: {  	[tilespmem:s13+$0xFFFFFF80] =	vst v5;
	v8 =	vld [tilespmem:s2+$0xFFFFFE10];
	v5 =	vadd.f32 v6, v3;
	v6 =	vmul.f32 $8.000000000e+00, v10  }
0x176: {  	v10 =	vmul.f32 $8.000000000e+00, v11;
	v11 =	vld [tilespmem:s2+$0xFFFFFF10];
	[tilespmem:s13+$0x0] =	vst v4;
	v4 =	vadd.f32 v7, v0  }
0x177: {  	v12 =	vmul.f32 $8.000000000e+00, v12;
	v7 =	vld [tilespmem:s2+$0x10];
	[tilespmem:s13+$0x80] =	vst v5;
	v5 =	vadd.f32 v6, v3;
	v6 =	vmul.f32 $8.000000000e+00, v9  }
0x178: {  	v9 =	vadd.f32 v10, v3;
	v10 =	vld [tilespmem:s2+$0x110];
	[tilespmem:s0+$0x1F0] =	vst v4  }
0x179: {  	v12 =	vadd.f32 v12, v2;
	v4 =	vmul.f32 $8.000000000e+00, v13;
	[tilespmem:s13+$0x100] =	vst v5;
	v5 =	vadd.f32 v6, v1;
	v6 =	vld [tilespmem:s14+$0xA0]  }
0x17a: {  	[tilespmem:s13+$0xFFFFFE00] =	vst v9;
	v8 =	vmul.f32 $8.000000000e+00, v8;
	v9 =	vld [tilespmem:s2+$0x210]  }
0x17b: {  	[tilespmem:s13+$0x190] =	vst v12;
	v13 =	vld [tilespmem:s2+$0xFFFFFC10];
	v11 =	vmul.f32 $8.000000000e+00, v11;
	v4 =	vadd.f32 v4, v2  }
0x17c: {  	[tilespmem:s0+$0xFFFFFE60] =	vst v5;
	v5 =	vadd.f32 v8, v2;
	v7 =	vmul.f32 $8.000000000e+00, v7;
	v8 =	vld [tilespmem:s14+$0x1A0]  }
0x17d: {  	[tilespmem:s13+$0xFFFFFE90] =	vst v4;
	v4 =	vadd.f32 v11, v2;
	v10 =	vmul.f32 $8.000000000e+00, v10;
	v11 =	vld [tilespmem:s2+$0x320]  }
0x17e: {  	v12 =	vld [tilespmem:s2+$0xFFFFFD20];
	[tilespmem:s13+$0xFFFFFF10] =	vst v5;
	v5 =	vadd.f32 v7, v2;
	v6 =	vmul.f32 $8.000000000e+00, v6  }
0x17f: {  	v7 =	vld [tilespmem:s2+$0xFFFFFE20];
	[tilespmem:s13+$0xFFFFFF90] =	vst v4;
	v4 =	vadd.f32 v10, v2;
	v9 =	vmul.f32 $8.000000000e+00, v9  }
0x180: {  	v10 =	vmul.f32 $8.000000000e+00, v13;
	v13 =	vld [tilespmem:s2+$0xFFFFFF20];
	[tilespmem:s13+$0x10] =	vst v5;
	v5 =	vadd.f32 v6, v1  }
0x181: {  	v6 =	vld [tilespmem:s2+$0x20];
	[tilespmem:s13+$0x90] =	vst v4;
	v4 =	vadd.f32 v9, v2;
	v8 =	vmul.f32 $8.000000000e+00, v8  }
0x182: {  	v9 =	vadd.f32 v10, v2;
	v10 =	vld [tilespmem:s2+$0x120];
	v11 =	vmul.f32 $8.000000000e+00, v11;
	[tilespmem:s0+$0x60] =	vst v5  }
0x183: {  	v5 =	vmul.f32 $8.000000000e+00, v12;
	[tilespmem:s13+$0x110] =	vst v4;
	v4 =	vadd.f32 v8, v1;
	v8 =	vld [tilespmem:s14+$0x2A0]  }
0x184: {  	[tilespmem:s13+$0xFFFFFE10] =	vst v9;
	v7 =	vmul.f32 $8.000000000e+00, v7;
	v9 =	vld [tilespmem:s2+$0x220];
	v11 =	vadd.f32 v11, v1  }
0x185: {  	v12 =	vld [tilespmem:s2+$0xFFFFFC20];
	v5 =	vadd.f32 v5, v1;
	v13 =	vmul.f32 $8.000000000e+00, v13;
	[tilespmem:s0+$0xE0] =	vst v4  }
0x186: {  	v4 =	vadd.f32 v7, v1;
	v6 =	vmul.f32 $8.000000000e+00, v6;
	[tilespmem:s13+$0x1A0] =	vst v11;
	v7 =	vld [tilespmem:s14+$0xFFFFFCB0]  }
0x187: {  	[tilespmem:s13+$0xFFFFFEA0] =	vst v5;
	v5 =	vadd.f32 v13, v1;
	v10 =	vmul.f32 $8.000000000e+00, v10;
	v11 =	vld [tilespmem:s2+$0x330]  }
0x188: {  	v13 =	vld [tilespmem:s2+$0xFFFFFD30];
	[tilespmem:s13+$0xFFFFFF20] =	vst v4;
	v4 =	vadd.f32 v6, v1;
	v6 =	vmul.f32 $8.000000000e+00, v8  }
0x189: {  	v8 =	vld [tilespmem:s2+$0xFFFFFE30];
	[tilespmem:s13+$0xFFFFFFA0] =	vst v5;
	v5 =	vadd.f32 v10, v1;
	v9 =	vmul.f32 $8.000000000e+00, v9  }
0x18a: {  	v10 =	vmul.f32 $8.000000000e+00, v12;
	v12 =	vld [tilespmem:s2+$0xFFFFFF30];
	[tilespmem:s13+$0x20] =	vst v4;
	v4 =	vadd.f32 v6, v1  }
0x18b: {  	v6 =	vld [tilespmem:s2+$0x30];
	[tilespmem:s13+$0xA0] =	vst v5;
	v5 =	vadd.f32 v9, v1;
	v7 =	vmul.f32 $8.000000000e+00, v7  }
0x18c: {  	v9 =	vadd.f32 v10, v1;
	v10 =	vld [tilespmem:s2+$0x130];
	v11 =	vmul.f32 $8.000000000e+00, v11;
	[tilespmem:s0+$0x160] =	vst v4  }
0x18d: {  	v4 =	vmul.f32 $8.000000000e+00, v13;
	[tilespmem:s13+$0x120] =	vst v5;
	v5 =	vadd.f32 v7, v0;
	v7 =	vld [tilespmem:s14+$0xFFFFFDB0]  }
0x18e: {  	[tilespmem:s13+$0xFFFFFE20] =	vst v9;
	v8 =	vmul.f32 $8.000000000e+00, v8;
	v9 =	vld [tilespmem:s2+$0x230];
	v11 =	vadd.f32 v11, v0  }
0x18f: {  	v13 =	vld [tilespmem:s2+$0xFFFFFC30];
	v4 =	vadd.f32 v4, v0;
	v12 =	vmul.f32 $8.000000000e+00, v12;
	[tilespmem:s0+$0xFFFFFE70] =	vst v5  }
0x190: {  	v5 =	vadd.f32 v8, v0;
	v6 =	vmul.f32 $8.000000000e+00, v6;
	[tilespmem:s13+$0x1B0] =	vst v11;
	v8 =	vld [tilespmem:s14+$0xFFFFFEB0]  }
0x191: {  	[tilespmem:s13+$0xFFFFFEB0] =	vst v4;
	v4 =	vadd.f32 v12, v0;
	v10 =	vmul.f32 $8.000000000e+00, v10;
	v11 =	vld [tilespmem:s2+$0x380]  }
0x192: {  	v12 =	vld [tilespmem:s2+$0xFFFFFD80];
	[tilespmem:s13+$0xFFFFFF30] =	vst v5;
	v5 =	vadd.f32 v6, v0;
	v6 =	vmul.f32 $8.000000000e+00, v7  }
0x193: {  	v7 =	vld [tilespmem:s2+$0xFFFFFE80];
	[tilespmem:s13+$0xFFFFFFB0] =	vst v4;
	v4 =	vadd.f32 v10, v0;
	v9 =	vmul.f32 $8.000000000e+00, v9  }
0x194: {  	v10 =	vmul.f32 $8.000000000e+00, v13;
	v13 =	vld [tilespmem:s2+$0xFFFFFF80];
	[tilespmem:s13+$0x30] =	vst v5;
	v5 =	vadd.f32 v6, v0  }
0x195: {  	v6 =	vld [tilespmem:s2+$0x80];
	[tilespmem:s13+$0xB0] =	vst v4;
	v4 =	vadd.f32 v9, v0;
	v8 =	vmul.f32 $8.000000000e+00, v8  }
0x196: {  	v9 =	vadd.f32 v10, v0;
	v10 =	vld [tilespmem:s2+$0x180];
	v11 =	vmul.f32 $8.000000000e+00, v11;
	[tilespmem:s0+$0xFFFFFEF0] =	vst v5  }
0x197: {  	v5 =	vmul.f32 $8.000000000e+00, v12;
	[tilespmem:s13+$0x130] =	vst v4;
	v4 =	vadd.f32 v8, v0;
	v8 =	vld [tilespmem:s14+$0xFFFFFFB0]  }
0x198: {  	[tilespmem:s13+$0xFFFFFE30] =	vst v9;
	v7 =	vmul.f32 $8.000000000e+00, v7;
	v9 =	vld [tilespmem:s2+$0x280];
	v11 =	vadd.f32 v11, v3  }
0x199: {  	v12 =	vld [tilespmem:s2+$0xFFFFFC80];
	v5 =	vadd.f32 v5, v3;
	v13 =	vmul.f32 $8.000000000e+00, v13;
	[tilespmem:s0+$0xFFFFFF70] =	vst v4  }
0x19a: {  	v4 =	vadd.f32 v7, v3;
	v6 =	vmul.f32 $8.000000000e+00, v6;
	[tilespmem:s13+$0x1C0] =	vst v11;
	v7 =	vld [tilespmem:s14+$0xB0]  }
0x19b: {  	[tilespmem:s13+$0xFFFFFEC0] =	vst v5;
	v5 =	vadd.f32 v13, v3;
	v10 =	vmul.f32 $8.000000000e+00, v10;
	v11 =	vld [tilespmem:s2+$0x390]  }
0x19c: {  	v13 =	vld [tilespmem:s2+$0xFFFFFD90];
	[tilespmem:s13+$0xFFFFFF40] =	vst v4;
	v4 =	vadd.f32 v6, v3;
	v6 =	vmul.f32 $8.000000000e+00, v8  }
0x19d: {  	v8 =	vld [tilespmem:s2+$0xFFFFFE90];
	[tilespmem:s13+$0xFFFFFFC0] =	vst v5;
	v5 =	vadd.f32 v10, v3;
	v9 =	vmul.f32 $8.000000000e+00, v9  }
0x19e: {  	v10 =	vmul.f32 $8.000000000e+00, v12;
	v12 =	vld [tilespmem:s2+$0xFFFFFF90];
	[tilespmem:s13+$0x40] =	vst v4;
	v4 =	vadd.f32 v6, v0  }
0x19f: {  	v6 =	vld [tilespmem:s2+$0x90];
	[tilespmem:s13+$0xC0] =	vst v5;
	v5 =	vadd.f32 v9, v3;
	v7 =	vmul.f32 $8.000000000e+00, v7  }
0x1a0: {  	v9 =	vadd.f32 v10, v3;
	v10 =	vld [tilespmem:s2+$0x190];
	v11 =	vmul.f32 $8.000000000e+00, v11;
	[tilespmem:s0+$0xFFFFFFF0] =	vst v4  }
0x1a1: {  	v4 =	vmul.f32 $8.000000000e+00, v13;
	[tilespmem:s13+$0x140] =	vst v5;
	v5 =	vadd.f32 v7, v0;
	v7 =	vld [tilespmem:s14+$0x1B0]  }
0x1a2: {  	[tilespmem:s13+$0xFFFFFE40] =	vst v9;
	v8 =	vmul.f32 $8.000000000e+00, v8;
	v13 =	vld [tilespmem:s2+$0x290];
	v9 =	vadd.f32 v11, v2  }
0x1a3: {  	v14 =	vld [tilespmem:s2+$0xFFFFFC90];
	v11 =	vadd.f32 v4, v2;
	v12 =	vmul.f32 $8.000000000e+00, v12;
	[tilespmem:s0+$0x70] =	vst v5  }
0x1a4: {  	v4 =	vld [tilespmem:s14+$0x2B0];
	v5 =	vadd.f32 v8, v2;
	v8 =	vmul.f32 $8.000000000e+00, v6;
	[tilespmem:s13+$0x1D0] =	vst v9  }
0x1a5: {  	[tilespmem:s13+$0xFFFFFED0] =	vst v11;
	v11 =	vadd.f32 v12, v2;
	v10 =	vmul.f32 $8.000000000e+00, v10;
	v9 =	vld [tilespmem:s2+$0x3A0]  }
0x1a6: {  	v6 =	vld [tilespmem:s2+$0xFFFFFDA0];
	[tilespmem:s13+$0xFFFFFF50] =	vst v5;
	v5 =	vadd.f32 v8, v2;
	v15 =	vmul.f32 $8.000000000e+00, v7  }
0x1a7: {  	v7 =	vld [tilespmem:s2+$0xFFFFFEA0];
	[tilespmem:s13+$0xFFFFFFD0] =	vst v11;
	v10 =	vadd.f32 v10, v2;
	v11 =	vmul.f32 $8.000000000e+00, v13  }
0x1a8: {  	s16 =	simm.s32 $0x11D00;
	s14 =	simm.s32 $0x8;
	v12 =	vmul.f32 $8.000000000e+00, v14;
	v8 =	vld [tilespmem:s2+$0xFFFFFFA0];
	[tilespmem:s13+$0x50] =	vst v5;
	v5 =	vadd.f32 v15, v0  }
.LBB2_4:
0x1a9: {  	v13 =	vld [tilespmem:s16+$0x300];
	s14 =	sadd.s32 $0x8, s14;
	[tilespmem:s13+$0xD0] =	vst v10;
	v10 =	vadd.f32 v11, v2;
	v4 =	vmul.f32 $8.000000000e+00, v4  }
0x1aa: {  	v11 =	vld [tilespmem:s16+$0xFFFFFD00];
	p0 =	slt.u32 s14, $0x38;
	v12 =	vadd.f32 v12, v2;
	v9 =	vmul.f32 $8.000000000e+00, v9;
	[tilespmem:s0+$0xF0] =	vst v5  }
0x1ab: {  	v5 =	vld [tilespmem:s16+$0xFFFFFE00];
	v6 =	vmul.f32 $8.000000000e+00, v6;
	[tilespmem:s13+$0x150] =	vst v10;
	v4 =	vadd.f32 v4, v0  }
0x1ac: {  	v10 =	vld [tilespmem:s16+$0xFFFFFF00];
	[tilespmem:s13+$0xFFFFFE50] =	vst v12;
	v7 =	vmul.f32 $8.000000000e+00, v7;
	v9 =	vadd.f32 v9, v1  }
0x1ad: {  	v12 =	vld [tilespmem:s16+$0x0];
	v6 =	vadd.f32 v6, v1;
	v8 =	vmul.f32 $8.000000000e+00, v8;
	[tilespmem:s0+$0x170] =	vst v4;
	s0 =	smov.u32 s13  }
0x1ae: {  	v4 =	vld [tilespmem:s16+$0x100];
	v13 =	vmul.f32 $8.000000000e+00, v13;
	v7 =	vadd.f32 v7, v1;
	[tilespmem:s13+$0x1E0] =	vst v9  }
0x1af: {  	v9 =	vmul.f32 $8.000000000e+00, v11;
	[tilespmem:s13+$0xFFFFFEE0] =	vst v6;
	v6 =	vadd.f32 v8, v1;
	v8 =	vld [tilespmem:s2+$0x3B0]  }
0x1b0: {  	v5 =	vmul.f32 $8.000000000e+00, v5;
	v11 =	vld [tilespmem:s16+$0x200];
	v13 =	vadd.f32 v13, v3;
	[tilespmem:s13+$0xFFFFFF60] =	vst v7  }
0x1b1: {  	s13 =	sadd.s32 $0x400, s13;
	v7 =	vld [tilespmem:s16+$0xFFFFFC00];
	v9 =	vadd.f32 v9, v3;
	v10 =	vmul.f32 $8.000000000e+00, v10;
	[tilespmem:s0+$0xFFFFFFE0] =	vst v6  }
0x1b2: {  	v5 =	vadd.f32 v5, v3;
	v6 =	vmul.f32 $8.000000000e+00, v12;
	[tilespmem:s13+$0x180] =	vst v13;
	v12 =	vld [tilespmem:s2+$0xFFFFFCA0]  }
0x1b3: {  	[tilespmem:s13+$0xFFFFFE80] =	vst v9;
	v9 =	vadd.f32 v10, v3;
	v4 =	vmul.f32 $8.000000000e+00, v4;
	v10 =	vld [tilespmem:s16+$0x310]  }
0x1b4: {  	v13 =	vld [tilespmem:s16+$0xFFFFFD10];
	[tilespmem:s13+$0xFFFFFF00] =	vst v5;
	v5 =	vadd.f32 v6, v3;
	v6 =	vmul.f32 $8.000000000e+00, v8  }
0x1b5: {  	v8 =	vld [tilespmem:s16+$0xFFFFFE10];
	[tilespmem:s13+$0xFFFFFF80] =	vst v9;
	v4 =	vadd.f32 v4, v3;
	v9 =	vmul.f32 $8.000000000e+00, v11  }
0x1b6: {  	v7 =	vmul.f32 $8.000000000e+00, v7;
	v11 =	vld [tilespmem:s16+$0xFFFFFF10];
	[tilespmem:s13+$0x0] =	vst v5;
	v5 =	vadd.f32 v6, v0  }
0x1b7: {  	v6 =	vld [tilespmem:s16+$0x10];
	[tilespmem:s13+$0x80] =	vst v4;
	v4 =	vadd.f32 v9, v3;
	v9 =	vmul.f32 $8.000000000e+00, v12  }
0x1b8: {  	v7 =	vadd.f32 v7, v3;
	v12 =	vld [tilespmem:s16+$0x110];
	v10 =	vmul.f32 $8.000000000e+00, v10;
	[tilespmem:s0+$0x1F0] =	vst v5  }
0x1b9: {  	v5 =	vmul.f32 $8.000000000e+00, v13;
	[tilespmem:s13+$0x100] =	vst v4;
	v4 =	vadd.f32 v9, v1;
	v9 =	vld [tilespmem:s2+$0xA0]  }
0x1ba: {  	[tilespmem:s13+$0xFFFFFE00] =	vst v7;
	v7 =	vmul.f32 $8.000000000e+00, v8;
	v8 =	vld [tilespmem:s16+$0x210];
	v10 =	vadd.f32 v10, v2  }
0x1bb: {  	v13 =	vld [tilespmem:s16+$0xFFFFFC10];
	v5 =	vadd.f32 v5, v2;
	v11 =	vmul.f32 $8.000000000e+00, v11;
	[tilespmem:s0+$0xFFFFFE60] =	vst v4  }
0x1bc: {  	v4 =	vadd.f32 v7, v2;
	v6 =	vmul.f32 $8.000000000e+00, v6;
	[tilespmem:s13+$0x190] =	vst v10;
	v7 =	vld [tilespmem:s2+$0x1A0]  }
0x1bd: {  	[tilespmem:s13+$0xFFFFFE90] =	vst v5;
	v5 =	vadd.f32 v11, v2;
	v10 =	vmul.f32 $8.000000000e+00, v12;
	v11 =	vld [tilespmem:s16+$0x320]  }
0x1be: {  	v12 =	vld [tilespmem:s16+$0xFFFFFD20];
	[tilespmem:s13+$0xFFFFFF10] =	vst v4;
	v4 =	vadd.f32 v6, v2;
	v6 =	vmul.f32 $8.000000000e+00, v9  }
0x1bf: {  	v9 =	vld [tilespmem:s16+$0xFFFFFE20];
	[tilespmem:s13+$0xFFFFFF90] =	vst v5;
	v5 =	vadd.f32 v10, v2;
	v8 =	vmul.f32 $8.000000000e+00, v8  }
0x1c0: {  	v10 =	vmul.f32 $8.000000000e+00, v13;
	v13 =	vld [tilespmem:s16+$0xFFFFFF20];
	[tilespmem:s13+$0x10] =	vst v4;
	v4 =	vadd.f32 v6, v1  }
0x1c1: {  	v6 =	vld [tilespmem:s16+$0x20];
	[tilespmem:s13+$0x90] =	vst v5;
	v5 =	vadd.f32 v8, v2;
	v7 =	vmul.f32 $8.000000000e+00, v7  }
0x1c2: {  	v8 =	vadd.f32 v10, v2;
	v10 =	vld [tilespmem:s16+$0x120];
	v11 =	vmul.f32 $8.000000000e+00, v11;
	[tilespmem:s0+$0x60] =	vst v4  }
0x1c3: {  	v4 =	vmul.f32 $8.000000000e+00, v12;
	[tilespmem:s13+$0x110] =	vst v5;
	v5 =	vadd.f32 v7, v1;
	v7 =	vld [tilespmem:s2+$0x2A0]  }
0x1c4: {  	[tilespmem:s13+$0xFFFFFE10] =	vst v8;
	v8 =	vmul.f32 $8.000000000e+00, v9;
	v9 =	vld [tilespmem:s16+$0x220];
	v11 =	vadd.f32 v11, v1  }
0x1c5: {  	v12 =	vld [tilespmem:s16+$0xFFFFFC20];
	v4 =	vadd.f32 v4, v1;
	v13 =	vmul.f32 $8.000000000e+00, v13;
	[tilespmem:s0+$0xE0] =	vst v5  }
0x1c6: {  	v5 =	vadd.f32 v8, v1;
	v6 =	vmul.f32 $8.000000000e+00, v6;
	[tilespmem:s13+$0x1A0] =	vst v11;
	v8 =	vld [tilespmem:s2+$0xFFFFFCB0]  }
0x1c7: {  	[tilespmem:s13+$0xFFFFFEA0] =	vst v4;
	v4 =	vadd.f32 v13, v1;
	v10 =	vmul.f32 $8.000000000e+00, v10;
	v11 =	vld [tilespmem:s16+$0x330]  }
0x1c8: {  	v13 =	vld [tilespmem:s16+$0xFFFFFD30];
	[tilespmem:s13+$0xFFFFFF20] =	vst v5;
	v5 =	vadd.f32 v6, v1;
	v6 =	vmul.f32 $8.000000000e+00, v7  }
0x1c9: {  	v7 =	vld [tilespmem:s16+$0xFFFFFE30];
	[tilespmem:s13+$0xFFFFFFA0] =	vst v4;
	v4 =	vadd.f32 v10, v1;
	v9 =	vmul.f32 $8.000000000e+00, v9  }
0x1ca: {  	v10 =	vmul.f32 $8.000000000e+00, v12;
	v12 =	vld [tilespmem:s16+$0xFFFFFF30];
	[tilespmem:s13+$0x20] =	vst v5;
	v5 =	vadd.f32 v6, v1  }
0x1cb: {  	v6 =	vld [tilespmem:s16+$0x30];
	[tilespmem:s13+$0xA0] =	vst v4;
	v4 =	vadd.f32 v9, v1;
	v8 =	vmul.f32 $8.000000000e+00, v8  }
0x1cc: {  	v9 =	vadd.f32 v10, v1;
	v10 =	vld [tilespmem:s16+$0x130];
	v11 =	vmul.f32 $8.000000000e+00, v11;
	[tilespmem:s0+$0x160] =	vst v5  }
0x1cd: {  	v5 =	vmul.f32 $8.000000000e+00, v13;
	[tilespmem:s13+$0x120] =	vst v4;
	v4 =	vadd.f32 v8, v0;
	v8 =	vld [tilespmem:s2+$0xFFFFFDB0]  }
0x1ce: {  	[tilespmem:s13+$0xFFFFFE20] =	vst v9;
	v7 =	vmul.f32 $8.000000000e+00, v7;
	v9 =	vld [tilespmem:s16+$0x230];
	v11 =	vadd.f32 v11, v0  }
0x1cf: {  	v13 =	vld [tilespmem:s16+$0xFFFFFC30];
	v5 =	vadd.f32 v5, v0;
	v12 =	vmul.f32 $8.000000000e+00, v12;
	[tilespmem:s0+$0xFFFFFE70] =	vst v4  }
0x1d0: {  	v4 =	vadd.f32 v7, v0;
	v6 =	vmul.f32 $8.000000000e+00, v6;
	[tilespmem:s13+$0x1B0] =	vst v11;
	v7 =	vld [tilespmem:s2+$0xFFFFFEB0]  }
0x1d1: {  	[tilespmem:s13+$0xFFFFFEB0] =	vst v5;
	v5 =	vadd.f32 v12, v0;
	v10 =	vmul.f32 $8.000000000e+00, v10;
	v11 =	vld [tilespmem:s16+$0x380]  }
0x1d2: {  	v12 =	vld [tilespmem:s16+$0xFFFFFD80];
	[tilespmem:s13+$0xFFFFFF30] =	vst v4;
	v4 =	vadd.f32 v6, v0;
	v6 =	vmul.f32 $8.000000000e+00, v8  }
0x1d3: {  	v8 =	vld [tilespmem:s16+$0xFFFFFE80];
	[tilespmem:s13+$0xFFFFFFB0] =	vst v5;
	v5 =	vadd.f32 v10, v0;
	v9 =	vmul.f32 $8.000000000e+00, v9  }
0x1d4: {  	v10 =	vmul.f32 $8.000000000e+00, v13;
	v13 =	vld [tilespmem:s16+$0xFFFFFF80];
	[tilespmem:s13+$0x30] =	vst v4;
	v4 =	vadd.f32 v6, v0  }
0x1d5: {  	v6 =	vld [tilespmem:s16+$0x80];
	[tilespmem:s13+$0xB0] =	vst v5;
	v5 =	vadd.f32 v9, v0;
	v7 =	vmul.f32 $8.000000000e+00, v7  }
0x1d6: {  	v9 =	vadd.f32 v10, v0;
	v10 =	vld [tilespmem:s16+$0x180];
	v11 =	vmul.f32 $8.000000000e+00, v11;
	[tilespmem:s0+$0xFFFFFEF0] =	vst v4  }
0x1d7: {  	v4 =	vmul.f32 $8.000000000e+00, v12;
	[tilespmem:s13+$0x130] =	vst v5;
	v5 =	vadd.f32 v7, v0;
	v7 =	vld [tilespmem:s2+$0xFFFFFFB0]  }
0x1d8: {  	[tilespmem:s13+$0xFFFFFE30] =	vst v9;
	v8 =	vmul.f32 $8.000000000e+00, v8;
	v9 =	vld [tilespmem:s16+$0x280];
	v11 =	vadd.f32 v11, v3  }
0x1d9: {  	v12 =	vld [tilespmem:s16+$0xFFFFFC80];
	v4 =	vadd.f32 v4, v3;
	v13 =	vmul.f32 $8.000000000e+00, v13;
	[tilespmem:s0+$0xFFFFFF70] =	vst v5  }
0x1da: {  	v5 =	vadd.f32 v8, v3;
	v6 =	vmul.f32 $8.000000000e+00, v6;
	[tilespmem:s13+$0x1C0] =	vst v11;
	v8 =	vld [tilespmem:s2+$0xB0]  }
0x1db: {  	[tilespmem:s13+$0xFFFFFEC0] =	vst v4;
	v4 =	vadd.f32 v13, v3;
	v10 =	vmul.f32 $8.000000000e+00, v10;
	v11 =	vld [tilespmem:s16+$0x390]  }
0x1dc: {  	v13 =	vld [tilespmem:s16+$0xFFFFFD90];
	[tilespmem:s13+$0xFFFFFF40] =	vst v5;
	v5 =	vadd.f32 v6, v3;
	v6 =	vmul.f32 $8.000000000e+00, v7  }
0x1dd: {  	v7 =	vld [tilespmem:s16+$0xFFFFFE90];
	[tilespmem:s13+$0xFFFFFFC0] =	vst v4;
	v4 =	vadd.f32 v10, v3;
	v9 =	vmul.f32 $8.000000000e+00, v9  }
0x1de: {  	v10 =	vmul.f32 $8.000000000e+00, v12;
	v12 =	vld [tilespmem:s16+$0xFFFFFF90];
	[tilespmem:s13+$0x40] =	vst v5;
	v5 =	vadd.f32 v6, v0  }
0x1df: {  	v6 =	vld [tilespmem:s16+$0x90];
	[tilespmem:s13+$0xC0] =	vst v4;
	v4 =	vadd.f32 v9, v3;
	v8 =	vmul.f32 $8.000000000e+00, v8  }
0x1e0: {  	v9 =	vadd.f32 v10, v3;
	v10 =	vld [tilespmem:s16+$0x190];
	v11 =	vmul.f32 $8.000000000e+00, v11;
	[tilespmem:s0+$0xFFFFFFF0] =	vst v5  }
0x1e1: {  	v5 =	vmul.f32 $8.000000000e+00, v13;
	[tilespmem:s13+$0x140] =	vst v4;
	v4 =	vadd.f32 v8, v0;
	v8 =	vld [tilespmem:s2+$0x1B0]  }
0x1e2: {  	[tilespmem:s13+$0xFFFFFE40] =	vst v9;
	v7 =	vmul.f32 $8.000000000e+00, v7;
	v13 =	vld [tilespmem:s16+$0x290];
	v9 =	vadd.f32 v11, v2  }
0x1e3: {  	v14 =	vld [tilespmem:s16+$0xFFFFFC90];
	v5 =	vadd.f32 v5, v2;
	v11 =	vmul.f32 $8.000000000e+00, v12;
	[tilespmem:s0+$0x70] =	vst v4  }
.Ltmp1:
0x1e4: {  	v7 =	vadd.f32 v7, v2;
	v12 =	vmul.f32 $8.000000000e+00, v6;
	[tilespmem:s13+$0x1D0] =	vst v9;
	v4 =	vld [tilespmem:s2+$0x2B0];
	s2 =	smov.u32 s16;
	(pc) =	sbr.rel @p0 .LBB2_4-.Ltmp1, $4  }
0x1e5: {  	[tilespmem:s13+$0xFFFFFED0] =	vst v5;
	v5 =	vadd.f32 v11, v2;
	v10 =	vmul.f32 $8.000000000e+00, v10;
	v9 =	vld [tilespmem:s16+$0x3A0]  }
0x1e6: {  	v6 =	vld [tilespmem:s16+$0xFFFFFDA0];
	[tilespmem:s13+$0xFFFFFF50] =	vst v7;
	v15 =	vadd.f32 v12, v2;
	v16 =	vmul.f32 $8.000000000e+00, v8  }
0x1e7: {  	v7 =	vld [tilespmem:s16+$0xFFFFFEA0];
	[tilespmem:s13+$0xFFFFFFD0] =	vst v5;
	v10 =	vadd.f32 v10, v2;
	v11 =	vmul.f32 $8.000000000e+00, v13  }
0x1e8: {  	s16 =	sadd.s32 $0x800, s16;
	v12 =	vmul.f32 $8.000000000e+00, v14;
	v8 =	vld [tilespmem:s2+$0xFFFFFFA0];
	[tilespmem:s13+$0x50] =	vst v15;
	v5 =	vadd.f32 v16, v0  }
0x1e9: {  	v36 =	vadd.f32 v11, v2  }
0x1ea: {  	v3 =	vadd.f32 v12, v2  }
0x1eb: {  	[tilespmem:s13+$0x150] =	vst v36  }
0x1ec: {  	[tilespmem:s13+$0xFFFFFE50] =	vst v3;
	v40 =	vld [tilespmem:s2+$0x2A0]  }
0x1ed: {  	[tilespmem:s13+$0xD0] =	vst v10;
	v9 =	vmul.f32 $8.000000000e+00, v9;
	v3 =	vld [tilespmem:s2+$0xFFFFFCA0]  }
0x1ee: {  	v39 =	vld [tilespmem:s2+$0x1A0];
	v6 =	vmul.f32 $8.000000000e+00, v6  }
0x1ef: {  	v37 =	vld [tilespmem:s2+$0xA0];
	v9 =	vadd.f32 v9, v1;
	v7 =	vmul.f32 $8.000000000e+00, v7  }
0x1f0: {  	v6 =	vadd.f32 v6, v1;
	v8 =	vmul.f32 $8.000000000e+00, v8  }
0x1f1: {  	[tilespmem:s13+$0x1E0] =	vst v9;
	v7 =	vadd.f32 v7, v1;
	v44 =	vmul.f32 $8.000000000e+00, v40  }
0x1f2: {  	v9 =	vld [tilespmem:s2+$0x3B0];
	[tilespmem:s13+$0xFFFFFEE0] =	vst v6;
	v42 =	vadd.f32 v8, v1;
	v38 =	vmul.f32 $8.000000000e+00, v3  }
0x1f3: {  	[tilespmem:s13+$0xFFFFFF60] =	vst v7;
	v45 =	vld [tilespmem:s2+$0xFFFFFDB0];
	v3 =	vmul.f32 $8.000000000e+00, v39;
	v47 =	vadd.f32 v44, v1  }
0x1f4: {  	v41 =	vmul.f32 $8.000000000e+00, v37;
	[tilespmem:s13+$0xFFFFFFE0] =	vst v42;
	v46 =	vld [tilespmem:s2+$0xFFFFFEB0];
	v2 =	vadd.f32 v38, v1  }
0x1f5: {  	v48 =	vld [tilespmem:s2+$0xFFFFFFB0];
	v3 =	vadd.f32 v3, v1;
	[tilespmem:s13+$0x160] =	vst v47  }
0x1f6: {  	v4 =	vmul.f32 $8.000000000e+00, v4;
	[tilespmem:s13+$0xFFFFFE60] =	vst v2;
	v2 =	vadd.f32 v41, v1;
	v54 =	vld [tilespmem:s2+$0x2B0]  }
0x1f7: {  	v49 =	vmul.f32 $8.000000000e+00, v9;
	[tilespmem:s13+$0xE0] =	vst v3;
	v43 =	vld [tilespmem:s2+$0xFFFFFCB0]  }
0x1f8: {  	v4 =	vadd.f32 v4, v0;
	v53 =	vmul.f32 $8.000000000e+00, v45;
	v51 =	vld [tilespmem:s2+$0x1B0];
	[tilespmem:s13+$0x60] =	vst v2  }
0x1f9: {  	[tilespmem:s0+$0xF0] =	vst v5;
	v52 =	vadd.f32 v49, v0;
	v6 =	vmul.f32 $8.000000000e+00, v46;
	v50 =	vld [tilespmem:s2+$0xB0]  }
0x1fa: {  	[tilespmem:s0+$0x170] =	vst v4;
	v56 =	vadd.f32 v53, v0;
	v2 =	vmul.f32 $8.000000000e+00, v48  }
0x1fb: {  	[tilespmem:s13+$0x1F0] =	vst v52;
	v57 =	vadd.f32 v6, v0;
	v58 =	vmul.f32 $8.000000000e+00, v54  }
0x1fc: {  	[tilespmem:s13+$0xFFFFFEF0] =	vst v56;
	v2 =	vadd.f32 v2, v0;
	v8 =	vmul.f32 $8.000000000e+00, v43  }
0x1fd: {  	[tilespmem:s13+$0xFFFFFF70] =	vst v57;
	v1 =	vmul.f32 $8.000000000e+00, v51;
	v59 =	vadd.f32 v58, v0  }
0x1fe: {  	[tilespmem:s13+$0xFFFFFFF0] =	vst v2;
	v55 =	vadd.f32 v8, v0;
	v3 =	vmul.f32 $8.000000000e+00, v50  }
0x1ff: {  	v1 =	vadd.f32 v1, v0;
	[tilespmem:s13+$0x170] =	vst v59  }
0x200: {  	[tilespmem:s13+$0xFFFFFE70] =	vst v55;
	v3 =	vadd.f32 v3, v0  }
0x201: {  	[tilespmem:s13+$0xF0] =	vst v1  }
0x202: {  	[tilespmem:s13+$0x70] =	vst v3  }
0x203: {  	[hbm4b:s9+s3] =	stream.linear.scatter [tilespmem:s25], [sflag:$0x4], $0x2000, $0x38;
	[tilespmem:$0x18900] =	vst v63  }
0x204: {  	v0 =	vld [tilespmem:$0x180]  }
0x205: {  	v1 =	vld [tilespmem:$0x190]  }
0x206: {  	v2 =	vld [tilespmem:$0x1A0]  }
0x207: {  	v3 =	vld [tilespmem:$0x1B0]  }
0x208: {  	v60 =	vld [tilespmem:$0x1C0]  }
0x209: {  	v61 =	vld [tilespmem:$0x1D0];
	[tilespmem:$0xC880] =	vst v0  }
0x20a: {  	v62 =	vld [tilespmem:$0x1E0];
	[tilespmem:$0xC890] =	vst v1  }
0x20b: {  	v63 =	vld [tilespmem:$0x1F0];
	[tilespmem:$0xC8A0] =	vst v2  }
0x20c: {  	[tilespmem:$0xC8B0] =	vst v3  }
0x20d: {  	[tilespmem:$0xC8C0] =	vst v60  }
0x20e: {  	[tilespmem:$0xC8D0] =	vst v61  }
0x20f: {  	[tilespmem:$0xC8E0] =	vst v62  }
0x210: {  	s30 =	simm.s32 $0x1;
	[tilespmem:$0xC8F0] =	vst v63  }
0x211: {  	[tilespmem:s21], [sflag:$0x2] =	stream.indirect.gather [hbm4b:s4+s17], $0x80, s20, s17, $0xb8;
	[tilespmem:$0x18900] =	vst v63  }
.LBB2_6:
0x212: {  	_ =	swait.ge [sflag:s22], $0x4000  }
0x213: {  	[sflag:s22] =	ssyncset.done $0x0  }
0x214: {  	[sflag:s22] =	ssyncadd.s32 $0xFFFFC000  }
0x215: {  	_ =	swait.ge [sflag:s26], $0x2000  }
0x216: {  	[sflag:s26] =	ssyncset.done $0x0  }
0x217: {  	s31 =	sshll.u32 s30, $0x8;
	[sflag:s26] =	ssyncadd.s32 $0xFFFFE000  }
0x218: {  	v3 =	vld [tilespmem:s31+$0x6400]  }
0x219: {  	s14 =	simm.s32 $0xCD00;
	v2 =	vld [tilespmem:s31+$0x6410]  }
0x21a: {  	v4 =	vld [tilespmem:s14+$0x300]  }
0x21b: {  	v5 =	vld [tilespmem:s14+$0xFFFFFD00]  }
0x21c: {  	v6 =	vld [tilespmem:s14+$0xFFFFFE00]  }
0x21d: {  	v7 =	vld [tilespmem:s14+$0xFFFFFF00]  }
0x21e: {  	v1 =	vld [tilespmem:s31+$0x6420]  }
0x21f: {  	v0 =	vld [tilespmem:s31+$0x6430];
	v4 =	vmul.f32 $8.000000000e+00, v4  }
0x220: {  	v8 =	vld [tilespmem:s14+$0x0];
	v5 =	vmul.f32 $8.000000000e+00, v5  }
0x221: {  	v9 =	vld [tilespmem:s14+$0x100];
	v6 =	vmul.f32 $8.000000000e+00, v6;
	v4 =	vadd.f32 v4, v3  }
0x222: {  	s0 =	simm.s32 $0x14B00;
	v10 =	vld [tilespmem:s14+$0x200];
	v7 =	vmul.f32 $8.000000000e+00, v7;
	v5 =	vadd.f32 v5, v3  }
0x223: {  	v11 =	vld [tilespmem:s14+$0xFFFFFC00];
	v6 =	vadd.f32 v6, v3;
	[tilespmem:s0+$0x180] =	vst v4  }
0x224: {  	[tilespmem:s0+$0xFFFFFE80] =	vst v5;
	v4 =	vadd.f32 v7, v3;
	v5 =	vld [tilespmem:s14+$0x310]  }
0x225: {  	v7 =	vmul.f32 $8.000000000e+00, v8;
	[tilespmem:s0+$0xFFFFFF00] =	vst v6;
	v8 =	vld [tilespmem:s14+$0xFFFFFD10]  }
0x226: {  	v6 =	vmul.f32 $8.000000000e+00, v9;
	v9 =	vld [tilespmem:s14+$0xFFFFFE10];
	[tilespmem:s0+$0xFFFFFF80] =	vst v4  }
0x227: {  	v4 =	vadd.f32 v7, v3;
	v7 =	vmul.f32 $8.000000000e+00, v10;
	v10 =	vld [tilespmem:s14+$0xFFFFFF10]  }
0x228: {  	v11 =	vmul.f32 $8.000000000e+00, v11;
	v6 =	vadd.f32 v6, v3  }
0x229: {  	[tilespmem:s0+$0x0] =	vst v4;
	v4 =	vadd.f32 v7, v3;
	v5 =	vmul.f32 $8.000000000e+00, v5  }
0x22a: {  	[tilespmem:s0+$0x80] =	vst v6;
	v6 =	vadd.f32 v11, v3;
	v7 =	vld [tilespmem:s14+$0x10];
	v8 =	vmul.f32 $8.000000000e+00, v8  }
0x22b: {  	v11 =	vld [tilespmem:s14+$0x110];
	[tilespmem:s0+$0x100] =	vst v4;
	v4 =	vmul.f32 $8.000000000e+00, v9;
	v5 =	vadd.f32 v5, v2  }
0x22c: {  	[tilespmem:s0+$0xFFFFFE00] =	vst v6;
	v6 =	vld [tilespmem:s14+$0x210];
	v8 =	vadd.f32 v8, v2;
	v9 =	vmul.f32 $8.000000000e+00, v10  }
0x22d: {  	v10 =	vld [tilespmem:s14+$0xFFFFFC10];
	v4 =	vadd.f32 v4, v2;
	[tilespmem:s0+$0x190] =	vst v5  }
0x22e: {  	[tilespmem:s0+$0xFFFFFE90] =	vst v8;
	v5 =	vadd.f32 v9, v2;
	v8 =	vld [tilespmem:s14+$0x320]  }
0x22f: {  	v7 =	vmul.f32 $8.000000000e+00, v7;
	[tilespmem:s0+$0xFFFFFF10] =	vst v4;
	v9 =	vld [tilespmem:s14+$0xFFFFFD20]  }
0x230: {  	v4 =	vmul.f32 $8.000000000e+00, v11;
	v11 =	vld [tilespmem:s14+$0xFFFFFE20];
	[tilespmem:s0+$0xFFFFFF90] =	vst v5  }
0x231: {  	v5 =	vadd.f32 v7, v2;
	v6 =	vmul.f32 $8.000000000e+00, v6;
	v7 =	vld [tilespmem:s14+$0xFFFFFF20]  }
0x232: {  	v4 =	vadd.f32 v4, v2;
	v10 =	vmul.f32 $8.000000000e+00, v10  }
0x233: {  	[tilespmem:s0+$0x10] =	vst v5;
	v5 =	vadd.f32 v6, v2;
	v6 =	vmul.f32 $8.000000000e+00, v8  }
0x234: {  	[tilespmem:s0+$0x90] =	vst v4;
	v4 =	vadd.f32 v10, v2;
	v8 =	vld [tilespmem:s14+$0x20];
	v9 =	vmul.f32 $8.000000000e+00, v9  }
0x235: {  	v10 =	vld [tilespmem:s14+$0x120];
	[tilespmem:s0+$0x110] =	vst v5;
	v5 =	vmul.f32 $8.000000000e+00, v11;
	v6 =	vadd.f32 v6, v1  }
0x236: {  	[tilespmem:s0+$0xFFFFFE10] =	vst v4;
	v4 =	vld [tilespmem:s14+$0x220];
	v9 =	vadd.f32 v9, v1;
	v7 =	vmul.f32 $8.000000000e+00, v7  }
0x237: {  	v11 =	vld [tilespmem:s14+$0xFFFFFC20];
	v5 =	vadd.f32 v5, v1;
	[tilespmem:s0+$0x1A0] =	vst v6  }
0x238: {  	[tilespmem:s0+$0xFFFFFEA0] =	vst v9;
	v6 =	vadd.f32 v7, v1;
	v7 =	vld [tilespmem:s14+$0x330]  }
0x239: {  	[tilespmem:s0+$0xFFFFFF20] =	vst v5;
	v8 =	vmul.f32 $8.000000000e+00, v8;
	v9 =	vld [tilespmem:s14+$0xFFFFFD30]  }
0x23a: {  	v5 =	vmul.f32 $8.000000000e+00, v10;
	v10 =	vld [tilespmem:s14+$0xFFFFFE30];
	[tilespmem:s0+$0xFFFFFFA0] =	vst v6  }
0x23b: {  	v4 =	vmul.f32 $8.000000000e+00, v4;
	v6 =	vadd.f32 v8, v1;
	v8 =	vld [tilespmem:s14+$0xFFFFFF30]  }
0x23c: {  	v5 =	vadd.f32 v5, v1;
	v11 =	vmul.f32 $8.000000000e+00, v11  }
0x23d: {  	v4 =	vadd.f32 v4, v1;
	[tilespmem:s0+$0x20] =	vst v6;
	v6 =	vmul.f32 $8.000000000e+00, v7  }
0x23e: {  	[tilespmem:s0+$0xA0] =	vst v5;
	v5 =	vadd.f32 v11, v1;
	v7 =	vld [tilespmem:s14+$0x30];
	v9 =	vmul.f32 $8.000000000e+00, v9  }
0x23f: {  	v11 =	vld [tilespmem:s14+$0x130];
	[tilespmem:s0+$0x120] =	vst v4;
	v4 =	vmul.f32 $8.000000000e+00, v10;
	v6 =	vadd.f32 v6, v0  }
0x240: {  	[tilespmem:s0+$0xFFFFFE20] =	vst v5;
	v5 =	vld [tilespmem:s14+$0x230];
	v9 =	vadd.f32 v9, v0;
	v8 =	vmul.f32 $8.000000000e+00, v8  }
0x241: {  	v10 =	vld [tilespmem:s14+$0xFFFFFC30];
	v4 =	vadd.f32 v4, v0;
	[tilespmem:s0+$0x1B0] =	vst v6  }
0x242: {  	[tilespmem:s0+$0xFFFFFEB0] =	vst v9;
	v6 =	vadd.f32 v8, v0;
	v8 =	vld [tilespmem:s14+$0x380]  }
0x243: {  	[tilespmem:s0+$0xFFFFFF30] =	vst v4;
	v7 =	vmul.f32 $8.000000000e+00, v7;
	v9 =	vld [tilespmem:s14+$0xFFFFFD80]  }
0x244: {  	v4 =	vmul.f32 $8.000000000e+00, v11;
	v11 =	vld [tilespmem:s14+$0xFFFFFE80];
	[tilespmem:s0+$0xFFFFFFB0] =	vst v6  }
0x245: {  	v5 =	vmul.f32 $8.000000000e+00, v5;
	v6 =	vadd.f32 v7, v0;
	v7 =	vld [tilespmem:s14+$0xFFFFFF80]  }
0x246: {  	v4 =	vadd.f32 v4, v0;
	v10 =	vmul.f32 $8.000000000e+00, v10  }
0x247: {  	v5 =	vadd.f32 v5, v0;
	[tilespmem:s0+$0x30] =	vst v6;
	v6 =	vmul.f32 $8.000000000e+00, v8  }
0x248: {  	[tilespmem:s0+$0xB0] =	vst v4;
	v4 =	vadd.f32 v10, v0;
	v8 =	vld [tilespmem:s14+$0x80];
	v9 =	vmul.f32 $8.000000000e+00, v9  }
0x249: {  	v10 =	vld [tilespmem:s14+$0x180];
	[tilespmem:s0+$0x130] =	vst v5;
	v5 =	vmul.f32 $8.000000000e+00, v11;
	v6 =	vadd.f32 v6, v3  }
0x24a: {  	[tilespmem:s0+$0xFFFFFE30] =	vst v4;
	v4 =	vld [tilespmem:s14+$0x280];
	v9 =	vadd.f32 v9, v3;
	v7 =	vmul.f32 $8.000000000e+00, v7  }
0x24b: {  	v11 =	vld [tilespmem:s14+$0xFFFFFC80];
	v5 =	vadd.f32 v5, v3;
	[tilespmem:s0+$0x1C0] =	vst v6  }
0x24c: {  	[tilespmem:s0+$0xFFFFFEC0] =	vst v9;
	v6 =	vadd.f32 v7, v3;
	v7 =	vld [tilespmem:s14+$0x390]  }
0x24d: {  	[tilespmem:s0+$0xFFFFFF40] =	vst v5;
	v8 =	vmul.f32 $8.000000000e+00, v8;
	v9 =	vld [tilespmem:s14+$0xFFFFFD90]  }
0x24e: {  	v5 =	vmul.f32 $8.000000000e+00, v10;
	v10 =	vld [tilespmem:s14+$0xFFFFFE90];
	[tilespmem:s0+$0xFFFFFFC0] =	vst v6  }
0x24f: {  	v4 =	vmul.f32 $8.000000000e+00, v4;
	v6 =	vadd.f32 v8, v3;
	v8 =	vld [tilespmem:s14+$0xFFFFFF90]  }
0x250: {  	s2 =	simm.s32 $0xD500;
	v5 =	vadd.f32 v5, v3;
	v11 =	vmul.f32 $8.000000000e+00, v11  }
0x251: {  	v12 =	vld [tilespmem:s2+$0x300];
	v4 =	vadd.f32 v4, v3;
	[tilespmem:s0+$0x40] =	vst v6;
	v6 =	vmul.f32 $8.000000000e+00, v7  }
0x252: {  	[tilespmem:s0+$0xC0] =	vst v5;
	v5 =	vadd.f32 v11, v3;
	v7 =	vld [tilespmem:s14+$0x90]  }
0x253: {  	v11 =	vld [tilespmem:s14+$0x190];
	v9 =	vmul.f32 $8.000000000e+00, v9;
	[tilespmem:s0+$0x140] =	vst v4;
	v6 =	vadd.f32 v6, v2  }
0x254: {  	v4 =	vmul.f32 $8.000000000e+00, v10;
	[tilespmem:s0+$0xFFFFFE40] =	vst v5;
	v5 =	vld [tilespmem:s14+$0x290];
	v8 =	vmul.f32 $8.000000000e+00, v8  }
0x255: {  	v9 =	vadd.f32 v9, v2;
	v10 =	vld [tilespmem:s14+$0xFFFFFC90];
	[tilespmem:s0+$0x1D0] =	vst v6  }
0x256: {  	v12 =	vmul.f32 $8.000000000e+00, v12;
	v4 =	vadd.f32 v4, v2;
	v6 =	vadd.f32 v8, v2;
	v8 =	vld [tilespmem:s14+$0x3A0]  }
0x257: {  	v13 =	vld [tilespmem:s2+$0x100];
	[tilespmem:s0+$0xFFFFFED0] =	vst v9;
	v7 =	vmul.f32 $8.000000000e+00, v7  }
0x258: {  	v12 =	vadd.f32 v12, v3;
	[tilespmem:s0+$0xFFFFFF50] =	vst v4;
	v4 =	vmul.f32 $8.000000000e+00, v11;
	v9 =	vld [tilespmem:s14+$0xFFFFFDA0]  }
0x259: {  	s13 =	simm.s32 $0x14F00;
	v11 =	vld [tilespmem:s14+$0xFFFFFEA0];
	[tilespmem:s0+$0xFFFFFFD0] =	vst v6;
	v5 =	vmul.f32 $8.000000000e+00, v5;
	v6 =	vadd.f32 v7, v2  }
0x25a: {  	[tilespmem:s13+$0x180] =	vst v12;
	v4 =	vadd.f32 v4, v2;
	v7 =	vld [tilespmem:s14+$0xFFFFFFA0];
	v10 =	vmul.f32 $8.000000000e+00, v10  }
0x25b: {  	v5 =	vadd.f32 v5, v2;
	[tilespmem:s0+$0x50] =	vst v6;
	v6 =	vld [tilespmem:s2+$0xFFFFFD00];
	v8 =	vmul.f32 $8.000000000e+00, v8  }
0x25c: {  	[tilespmem:s0+$0xD0] =	vst v4;
	v4 =	vadd.f32 v10, v2;
	v10 =	vld [tilespmem:s2+$0xFFFFFE00]  }
0x25d: {  	v9 =	vmul.f32 $8.000000000e+00, v9;
	[tilespmem:s0+$0x150] =	vst v5;
	v5 =	vld [tilespmem:s2+$0xFFFFFF00];
	v8 =	vadd.f32 v8, v1  }
0x25e: {  	v11 =	vmul.f32 $8.000000000e+00, v11;
	[tilespmem:s0+$0xFFFFFE50] =	vst v4;
	v4 =	vld [tilespmem:s2+$0x0]  }
0x25f: {  	v12 =	vld [tilespmem:s2+$0x310];
	v9 =	vadd.f32 v9, v1;
	v7 =	vmul.f32 $8.000000000e+00, v7;
	[tilespmem:s0+$0x1E0] =	vst v8  }
0x260: {  	v11 =	vadd.f32 v11, v1;
	v6 =	vmul.f32 $8.000000000e+00, v6;
	v8 =	vld [tilespmem:s14+$0x3B0]  }
0x261: {  	[tilespmem:s0+$0xFFFFFEE0] =	vst v9;
	v7 =	vadd.f32 v7, v1;
	v9 =	vmul.f32 $8.000000000e+00, v10;
	v10 =	vld [tilespmem:s2+$0x200]  }
0x262: {  	[tilespmem:s0+$0xFFFFFF60] =	vst v11;
	v11 =	vld [tilespmem:s2+$0xFFFFFC00];
	v5 =	vmul.f32 $8.000000000e+00, v5;
	v6 =	vadd.f32 v6, v3  }
0x263: {  	[tilespmem:s0+$0xFFFFFFE0] =	vst v7;
	v7 =	vadd.f32 v9, v3;
	v4 =	vmul.f32 $8.000000000e+00, v4;
	v9 =	vld [tilespmem:s14+$0xFFFFFCA0]  }
0x264: {  	v5 =	vadd.f32 v5, v3;
	[tilespmem:s13+$0xFFFFFE80] =	vst v6;
	v6 =	vmul.f32 $8.000000000e+00, v13  }
0x265: {  	[tilespmem:s13+$0xFFFFFF00] =	vst v7;
	v4 =	vadd.f32 v4, v3;
	v13 =	vld [tilespmem:s2+$0xFFFFFD10];
	v7 =	vmul.f32 $8.000000000e+00, v8  }
0x266: {  	[tilespmem:s13+$0xFFFFFF80] =	vst v5;
	v8 =	vld [tilespmem:s2+$0xFFFFFE10];
	v5 =	vadd.f32 v6, v3;
	v6 =	vmul.f32 $8.000000000e+00, v10  }
0x267: {  	v10 =	vmul.f32 $8.000000000e+00, v11;
	v11 =	vld [tilespmem:s2+$0xFFFFFF10];
	[tilespmem:s13+$0x0] =	vst v4;
	v4 =	vadd.f32 v7, v0  }
0x268: {  	v12 =	vmul.f32 $8.000000000e+00, v12;
	v7 =	vld [tilespmem:s2+$0x10];
	[tilespmem:s13+$0x80] =	vst v5;
	v5 =	vadd.f32 v6, v3;
	v6 =	vmul.f32 $8.000000000e+00, v9  }
0x269: {  	v9 =	vadd.f32 v10, v3;
	v10 =	vld [tilespmem:s2+$0x110];
	[tilespmem:s0+$0x1F0] =	vst v4  }
0x26a: {  	v12 =	vadd.f32 v12, v2;
	v4 =	vmul.f32 $8.000000000e+00, v13;
	[tilespmem:s13+$0x100] =	vst v5;
	v5 =	vadd.f32 v6, v1;
	v6 =	vld [tilespmem:s14+$0xA0]  }
0x26b: {  	[tilespmem:s13+$0xFFFFFE00] =	vst v9;
	v8 =	vmul.f32 $8.000000000e+00, v8;
	v9 =	vld [tilespmem:s2+$0x210]  }
0x26c: {  	[tilespmem:s13+$0x190] =	vst v12;
	v13 =	vld [tilespmem:s2+$0xFFFFFC10];
	v11 =	vmul.f32 $8.000000000e+00, v11;
	v4 =	vadd.f32 v4, v2  }
0x26d: {  	[tilespmem:s0+$0xFFFFFE60] =	vst v5;
	v5 =	vadd.f32 v8, v2;
	v7 =	vmul.f32 $8.000000000e+00, v7;
	v8 =	vld [tilespmem:s14+$0x1A0]  }
0x26e: {  	[tilespmem:s13+$0xFFFFFE90] =	vst v4;
	v4 =	vadd.f32 v11, v2;
	v10 =	vmul.f32 $8.000000000e+00, v10;
	v11 =	vld [tilespmem:s2+$0x320]  }
0x26f: {  	v12 =	vld [tilespmem:s2+$0xFFFFFD20];
	[tilespmem:s13+$0xFFFFFF10] =	vst v5;
	v5 =	vadd.f32 v7, v2;
	v6 =	vmul.f32 $8.000000000e+00, v6  }
0x270: {  	v7 =	vld [tilespmem:s2+$0xFFFFFE20];
	[tilespmem:s13+$0xFFFFFF90] =	vst v4;
	v4 =	vadd.f32 v10, v2;
	v9 =	vmul.f32 $8.000000000e+00, v9  }
0x271: {  	v10 =	vmul.f32 $8.000000000e+00, v13;
	v13 =	vld [tilespmem:s2+$0xFFFFFF20];
	[tilespmem:s13+$0x10] =	vst v5;
	v5 =	vadd.f32 v6, v1  }
0x272: {  	v6 =	vld [tilespmem:s2+$0x20];
	[tilespmem:s13+$0x90] =	vst v4;
	v4 =	vadd.f32 v9, v2;
	v8 =	vmul.f32 $8.000000000e+00, v8  }
0x273: {  	v9 =	vadd.f32 v10, v2;
	v10 =	vld [tilespmem:s2+$0x120];
	v11 =	vmul.f32 $8.000000000e+00, v11;
	[tilespmem:s0+$0x60] =	vst v5  }
0x274: {  	v5 =	vmul.f32 $8.000000000e+00, v12;
	[tilespmem:s13+$0x110] =	vst v4;
	v4 =	vadd.f32 v8, v1;
	v8 =	vld [tilespmem:s14+$0x2A0]  }
0x275: {  	[tilespmem:s13+$0xFFFFFE10] =	vst v9;
	v7 =	vmul.f32 $8.000000000e+00, v7;
	v9 =	vld [tilespmem:s2+$0x220];
	v11 =	vadd.f32 v11, v1  }
0x276: {  	v12 =	vld [tilespmem:s2+$0xFFFFFC20];
	v5 =	vadd.f32 v5, v1;
	v13 =	vmul.f32 $8.000000000e+00, v13;
	[tilespmem:s0+$0xE0] =	vst v4  }
0x277: {  	v4 =	vadd.f32 v7, v1;
	v6 =	vmul.f32 $8.000000000e+00, v6;
	[tilespmem:s13+$0x1A0] =	vst v11;
	v7 =	vld [tilespmem:s14+$0xFFFFFCB0]  }
0x278: {  	[tilespmem:s13+$0xFFFFFEA0] =	vst v5;
	v5 =	vadd.f32 v13, v1;
	v10 =	vmul.f32 $8.000000000e+00, v10;
	v11 =	vld [tilespmem:s2+$0x330]  }
0x279: {  	v13 =	vld [tilespmem:s2+$0xFFFFFD30];
	[tilespmem:s13+$0xFFFFFF20] =	vst v4;
	v4 =	vadd.f32 v6, v1;
	v6 =	vmul.f32 $8.000000000e+00, v8  }
0x27a: {  	v8 =	vld [tilespmem:s2+$0xFFFFFE30];
	[tilespmem:s13+$0xFFFFFFA0] =	vst v5;
	v5 =	vadd.f32 v10, v1;
	v9 =	vmul.f32 $8.000000000e+00, v9  }
0x27b: {  	v10 =	vmul.f32 $8.000000000e+00, v12;
	v12 =	vld [tilespmem:s2+$0xFFFFFF30];
	[tilespmem:s13+$0x20] =	vst v4;
	v4 =	vadd.f32 v6, v1  }
0x27c: {  	v6 =	vld [tilespmem:s2+$0x30];
	[tilespmem:s13+$0xA0] =	vst v5;
	v5 =	vadd.f32 v9, v1;
	v7 =	vmul.f32 $8.000000000e+00, v7  }
0x27d: {  	v9 =	vadd.f32 v10, v1;
	v10 =	vld [tilespmem:s2+$0x130];
	v11 =	vmul.f32 $8.000000000e+00, v11;
	[tilespmem:s0+$0x160] =	vst v4  }
0x27e: {  	v4 =	vmul.f32 $8.000000000e+00, v13;
	[tilespmem:s13+$0x120] =	vst v5;
	v5 =	vadd.f32 v7, v0;
	v7 =	vld [tilespmem:s14+$0xFFFFFDB0]  }
0x27f: {  	[tilespmem:s13+$0xFFFFFE20] =	vst v9;
	v8 =	vmul.f32 $8.000000000e+00, v8;
	v9 =	vld [tilespmem:s2+$0x230];
	v11 =	vadd.f32 v11, v0  }
0x280: {  	v13 =	vld [tilespmem:s2+$0xFFFFFC30];
	v4 =	vadd.f32 v4, v0;
	v12 =	vmul.f32 $8.000000000e+00, v12;
	[tilespmem:s0+$0xFFFFFE70] =	vst v5  }
0x281: {  	v5 =	vadd.f32 v8, v0;
	v6 =	vmul.f32 $8.000000000e+00, v6;
	[tilespmem:s13+$0x1B0] =	vst v11;
	v8 =	vld [tilespmem:s14+$0xFFFFFEB0]  }
0x282: {  	[tilespmem:s13+$0xFFFFFEB0] =	vst v4;
	v4 =	vadd.f32 v12, v0;
	v10 =	vmul.f32 $8.000000000e+00, v10;
	v11 =	vld [tilespmem:s2+$0x380]  }
0x283: {  	v12 =	vld [tilespmem:s2+$0xFFFFFD80];
	[tilespmem:s13+$0xFFFFFF30] =	vst v5;
	v5 =	vadd.f32 v6, v0;
	v6 =	vmul.f32 $8.000000000e+00, v7  }
0x284: {  	v7 =	vld [tilespmem:s2+$0xFFFFFE80];
	[tilespmem:s13+$0xFFFFFFB0] =	vst v4;
	v4 =	vadd.f32 v10, v0;
	v9 =	vmul.f32 $8.000000000e+00, v9  }
0x285: {  	v10 =	vmul.f32 $8.000000000e+00, v13;
	v13 =	vld [tilespmem:s2+$0xFFFFFF80];
	[tilespmem:s13+$0x30] =	vst v5;
	v5 =	vadd.f32 v6, v0  }
0x286: {  	v6 =	vld [tilespmem:s2+$0x80];
	[tilespmem:s13+$0xB0] =	vst v4;
	v4 =	vadd.f32 v9, v0;
	v8 =	vmul.f32 $8.000000000e+00, v8  }
0x287: {  	v9 =	vadd.f32 v10, v0;
	v10 =	vld [tilespmem:s2+$0x180];
	v11 =	vmul.f32 $8.000000000e+00, v11;
	[tilespmem:s0+$0xFFFFFEF0] =	vst v5  }
0x288: {  	v5 =	vmul.f32 $8.000000000e+00, v12;
	[tilespmem:s13+$0x130] =	vst v4;
	v4 =	vadd.f32 v8, v0;
	v8 =	vld [tilespmem:s14+$0xFFFFFFB0]  }
0x289: {  	[tilespmem:s13+$0xFFFFFE30] =	vst v9;
	v7 =	vmul.f32 $8.000000000e+00, v7;
	v9 =	vld [tilespmem:s2+$0x280];
	v11 =	vadd.f32 v11, v3  }
0x28a: {  	v12 =	vld [tilespmem:s2+$0xFFFFFC80];
	v5 =	vadd.f32 v5, v3;
	v13 =	vmul.f32 $8.000000000e+00, v13;
	[tilespmem:s0+$0xFFFFFF70] =	vst v4  }
0x28b: {  	v4 =	vadd.f32 v7, v3;
	v6 =	vmul.f32 $8.000000000e+00, v6;
	[tilespmem:s13+$0x1C0] =	vst v11;
	v7 =	vld [tilespmem:s14+$0xB0]  }
0x28c: {  	[tilespmem:s13+$0xFFFFFEC0] =	vst v5;
	v5 =	vadd.f32 v13, v3;
	v10 =	vmul.f32 $8.000000000e+00, v10;
	v11 =	vld [tilespmem:s2+$0x390]  }
0x28d: {  	v13 =	vld [tilespmem:s2+$0xFFFFFD90];
	[tilespmem:s13+$0xFFFFFF40] =	vst v4;
	v4 =	vadd.f32 v6, v3;
	v6 =	vmul.f32 $8.000000000e+00, v8  }
0x28e: {  	v8 =	vld [tilespmem:s2+$0xFFFFFE90];
	[tilespmem:s13+$0xFFFFFFC0] =	vst v5;
	v5 =	vadd.f32 v10, v3;
	v9 =	vmul.f32 $8.000000000e+00, v9  }
0x28f: {  	v10 =	vmul.f32 $8.000000000e+00, v12;
	v12 =	vld [tilespmem:s2+$0xFFFFFF90];
	[tilespmem:s13+$0x40] =	vst v4;
	v4 =	vadd.f32 v6, v0  }
0x290: {  	v6 =	vld [tilespmem:s2+$0x90];
	[tilespmem:s13+$0xC0] =	vst v5;
	v5 =	vadd.f32 v9, v3;
	v7 =	vmul.f32 $8.000000000e+00, v7  }
0x291: {  	v9 =	vadd.f32 v10, v3;
	v10 =	vld [tilespmem:s2+$0x190];
	v11 =	vmul.f32 $8.000000000e+00, v11;
	[tilespmem:s0+$0xFFFFFFF0] =	vst v4  }
0x292: {  	v4 =	vmul.f32 $8.000000000e+00, v13;
	[tilespmem:s13+$0x140] =	vst v5;
	v5 =	vadd.f32 v7, v0;
	v7 =	vld [tilespmem:s14+$0x1B0]  }
0x293: {  	[tilespmem:s13+$0xFFFFFE40] =	vst v9;
	v8 =	vmul.f32 $8.000000000e+00, v8;
	v13 =	vld [tilespmem:s2+$0x290];
	v9 =	vadd.f32 v11, v2  }
0x294: {  	v14 =	vld [tilespmem:s2+$0xFFFFFC90];
	v11 =	vadd.f32 v4, v2;
	v12 =	vmul.f32 $8.000000000e+00, v12;
	[tilespmem:s0+$0x70] =	vst v5  }
0x295: {  	v4 =	vld [tilespmem:s14+$0x2B0];
	v5 =	vadd.f32 v8, v2;
	v8 =	vmul.f32 $8.000000000e+00, v6;
	[tilespmem:s13+$0x1D0] =	vst v9  }
0x296: {  	[tilespmem:s13+$0xFFFFFED0] =	vst v11;
	v11 =	vadd.f32 v12, v2;
	v10 =	vmul.f32 $8.000000000e+00, v10;
	v9 =	vld [tilespmem:s2+$0x3A0]  }
0x297: {  	v6 =	vld [tilespmem:s2+$0xFFFFFDA0];
	[tilespmem:s13+$0xFFFFFF50] =	vst v5;
	v5 =	vadd.f32 v8, v2;
	v15 =	vmul.f32 $8.000000000e+00, v7  }
0x298: {  	v7 =	vld [tilespmem:s2+$0xFFFFFEA0];
	[tilespmem:s13+$0xFFFFFFD0] =	vst v11;
	v10 =	vadd.f32 v10, v2;
	v11 =	vmul.f32 $8.000000000e+00, v13  }
0x299: {  	s16 =	simm.s32 $0xDD00;
	s14 =	simm.s32 $0x8;
	v12 =	vmul.f32 $8.000000000e+00, v14;
	v8 =	vld [tilespmem:s2+$0xFFFFFFA0];
	[tilespmem:s13+$0x50] =	vst v5;
	v5 =	vadd.f32 v15, v0  }
.LBB2_7:
0x29a: {  	v13 =	vld [tilespmem:s16+$0x300];
	s14 =	sadd.s32 $0x8, s14;
	[tilespmem:s13+$0xD0] =	vst v10;
	v10 =	vadd.f32 v11, v2;
	v4 =	vmul.f32 $8.000000000e+00, v4  }
0x29b: {  	v11 =	vld [tilespmem:s16+$0xFFFFFD00];
	p0 =	slt.u32 s14, $0x38;
	v12 =	vadd.f32 v12, v2;
	v9 =	vmul.f32 $8.000000000e+00, v9;
	[tilespmem:s0+$0xF0] =	vst v5  }
0x29c: {  	v5 =	vld [tilespmem:s16+$0xFFFFFE00];
	v6 =	vmul.f32 $8.000000000e+00, v6;
	[tilespmem:s13+$0x150] =	vst v10;
	v4 =	vadd.f32 v4, v0  }
0x29d: {  	v10 =	vld [tilespmem:s16+$0xFFFFFF00];
	[tilespmem:s13+$0xFFFFFE50] =	vst v12;
	v7 =	vmul.f32 $8.000000000e+00, v7;
	v9 =	vadd.f32 v9, v1  }
0x29e: {  	v12 =	vld [tilespmem:s16+$0x0];
	v6 =	vadd.f32 v6, v1;
	v8 =	vmul.f32 $8.000000000e+00, v8;
	[tilespmem:s0+$0x170] =	vst v4;
	s0 =	smov.u32 s13  }
0x29f: {  	v4 =	vld [tilespmem:s16+$0x100];
	v13 =	vmul.f32 $8.000000000e+00, v13;
	v7 =	vadd.f32 v7, v1;
	[tilespmem:s13+$0x1E0] =	vst v9  }
0x2a0: {  	v9 =	vmul.f32 $8.000000000e+00, v11;
	[tilespmem:s13+$0xFFFFFEE0] =	vst v6;
	v6 =	vadd.f32 v8, v1;
	v8 =	vld [tilespmem:s2+$0x3B0]  }
0x2a1: {  	v5 =	vmul.f32 $8.000000000e+00, v5;
	v11 =	vld [tilespmem:s16+$0x200];
	v13 =	vadd.f32 v13, v3;
	[tilespmem:s13+$0xFFFFFF60] =	vst v7  }
0x2a2: {  	s13 =	sadd.s32 $0x400, s13;
	v7 =	vld [tilespmem:s16+$0xFFFFFC00];
	v9 =	vadd.f32 v9, v3;
	v10 =	vmul.f32 $8.000000000e+00, v10;
	[tilespmem:s0+$0xFFFFFFE0] =	vst v6  }
0x2a3: {  	v5 =	vadd.f32 v5, v3;
	v6 =	vmul.f32 $8.000000000e+00, v12;
	[tilespmem:s13+$0x180] =	vst v13;
	v12 =	vld [tilespmem:s2+$0xFFFFFCA0]  }
0x2a4: {  	[tilespmem:s13+$0xFFFFFE80] =	vst v9;
	v9 =	vadd.f32 v10, v3;
	v4 =	vmul.f32 $8.000000000e+00, v4;
	v10 =	vld [tilespmem:s16+$0x310]  }
0x2a5: {  	v13 =	vld [tilespmem:s16+$0xFFFFFD10];
	[tilespmem:s13+$0xFFFFFF00] =	vst v5;
	v5 =	vadd.f32 v6, v3;
	v6 =	vmul.f32 $8.000000000e+00, v8  }
0x2a6: {  	v8 =	vld [tilespmem:s16+$0xFFFFFE10];
	[tilespmem:s13+$0xFFFFFF80] =	vst v9;
	v4 =	vadd.f32 v4, v3;
	v9 =	vmul.f32 $8.000000000e+00, v11  }
0x2a7: {  	v7 =	vmul.f32 $8.000000000e+00, v7;
	v11 =	vld [tilespmem:s16+$0xFFFFFF10];
	[tilespmem:s13+$0x0] =	vst v5;
	v5 =	vadd.f32 v6, v0  }
0x2a8: {  	v6 =	vld [tilespmem:s16+$0x10];
	[tilespmem:s13+$0x80] =	vst v4;
	v4 =	vadd.f32 v9, v3;
	v9 =	vmul.f32 $8.000000000e+00, v12  }
0x2a9: {  	v7 =	vadd.f32 v7, v3;
	v12 =	vld [tilespmem:s16+$0x110];
	v10 =	vmul.f32 $8.000000000e+00, v10;
	[tilespmem:s0+$0x1F0] =	vst v5  }
0x2aa: {  	v5 =	vmul.f32 $8.000000000e+00, v13;
	[tilespmem:s13+$0x100] =	vst v4;
	v4 =	vadd.f32 v9, v1;
	v9 =	vld [tilespmem:s2+$0xA0]  }
0x2ab: {  	[tilespmem:s13+$0xFFFFFE00] =	vst v7;
	v7 =	vmul.f32 $8.000000000e+00, v8;
	v8 =	vld [tilespmem:s16+$0x210];
	v10 =	vadd.f32 v10, v2  }
0x2ac: {  	v13 =	vld [tilespmem:s16+$0xFFFFFC10];
	v5 =	vadd.f32 v5, v2;
	v11 =	vmul.f32 $8.000000000e+00, v11;
	[tilespmem:s0+$0xFFFFFE60] =	vst v4  }
0x2ad: {  	v4 =	vadd.f32 v7, v2;
	v6 =	vmul.f32 $8.000000000e+00, v6;
	[tilespmem:s13+$0x190] =	vst v10;
	v7 =	vld [tilespmem:s2+$0x1A0]  }
0x2ae: {  	[tilespmem:s13+$0xFFFFFE90] =	vst v5;
	v5 =	vadd.f32 v11, v2;
	v10 =	vmul.f32 $8.000000000e+00, v12;
	v11 =	vld [tilespmem:s16+$0x320]  }
0x2af: {  	v12 =	vld [tilespmem:s16+$0xFFFFFD20];
	[tilespmem:s13+$0xFFFFFF10] =	vst v4;
	v4 =	vadd.f32 v6, v2;
	v6 =	vmul.f32 $8.000000000e+00, v9  }
0x2b0: {  	v9 =	vld [tilespmem:s16+$0xFFFFFE20];
	[tilespmem:s13+$0xFFFFFF90] =	vst v5;
	v5 =	vadd.f32 v10, v2;
	v8 =	vmul.f32 $8.000000000e+00, v8  }
0x2b1: {  	v10 =	vmul.f32 $8.000000000e+00, v13;
	v13 =	vld [tilespmem:s16+$0xFFFFFF20];
	[tilespmem:s13+$0x10] =	vst v4;
	v4 =	vadd.f32 v6, v1  }
0x2b2: {  	v6 =	vld [tilespmem:s16+$0x20];
	[tilespmem:s13+$0x90] =	vst v5;
	v5 =	vadd.f32 v8, v2;
	v7 =	vmul.f32 $8.000000000e+00, v7  }
0x2b3: {  	v8 =	vadd.f32 v10, v2;
	v10 =	vld [tilespmem:s16+$0x120];
	v11 =	vmul.f32 $8.000000000e+00, v11;
	[tilespmem:s0+$0x60] =	vst v4  }
0x2b4: {  	v4 =	vmul.f32 $8.000000000e+00, v12;
	[tilespmem:s13+$0x110] =	vst v5;
	v5 =	vadd.f32 v7, v1;
	v7 =	vld [tilespmem:s2+$0x2A0]  }
0x2b5: {  	[tilespmem:s13+$0xFFFFFE10] =	vst v8;
	v8 =	vmul.f32 $8.000000000e+00, v9;
	v9 =	vld [tilespmem:s16+$0x220];
	v11 =	vadd.f32 v11, v1  }
0x2b6: {  	v12 =	vld [tilespmem:s16+$0xFFFFFC20];
	v4 =	vadd.f32 v4, v1;
	v13 =	vmul.f32 $8.000000000e+00, v13;
	[tilespmem:s0+$0xE0] =	vst v5  }
0x2b7: {  	v5 =	vadd.f32 v8, v1;
	v6 =	vmul.f32 $8.000000000e+00, v6;
	[tilespmem:s13+$0x1A0] =	vst v11;
	v8 =	vld [tilespmem:s2+$0xFFFFFCB0]  }
0x2b8: {  	[tilespmem:s13+$0xFFFFFEA0] =	vst v4;
	v4 =	vadd.f32 v13, v1;
	v10 =	vmul.f32 $8.000000000e+00, v10;
	v11 =	vld [tilespmem:s16+$0x330]  }
0x2b9: {  	v13 =	vld [tilespmem:s16+$0xFFFFFD30];
	[tilespmem:s13+$0xFFFFFF20] =	vst v5;
	v5 =	vadd.f32 v6, v1;
	v6 =	vmul.f32 $8.000000000e+00, v7  }
0x2ba: {  	v7 =	vld [tilespmem:s16+$0xFFFFFE30];
	[tilespmem:s13+$0xFFFFFFA0] =	vst v4;
	v4 =	vadd.f32 v10, v1;
	v9 =	vmul.f32 $8.000000000e+00, v9  }
0x2bb: {  	v10 =	vmul.f32 $8.000000000e+00, v12;
	v12 =	vld [tilespmem:s16+$0xFFFFFF30];
	[tilespmem:s13+$0x20] =	vst v5;
	v5 =	vadd.f32 v6, v1  }
0x2bc: {  	v6 =	vld [tilespmem:s16+$0x30];
	[tilespmem:s13+$0xA0] =	vst v4;
	v4 =	vadd.f32 v9, v1;
	v8 =	vmul.f32 $8.000000000e+00, v8  }
0x2bd: {  	v9 =	vadd.f32 v10, v1;
	v10 =	vld [tilespmem:s16+$0x130];
	v11 =	vmul.f32 $8.000000000e+00, v11;
	[tilespmem:s0+$0x160] =	vst v5  }
0x2be: {  	v5 =	vmul.f32 $8.000000000e+00, v13;
	[tilespmem:s13+$0x120] =	vst v4;
	v4 =	vadd.f32 v8, v0;
	v8 =	vld [tilespmem:s2+$0xFFFFFDB0]  }
0x2bf: {  	[tilespmem:s13+$0xFFFFFE20] =	vst v9;
	v7 =	vmul.f32 $8.000000000e+00, v7;
	v9 =	vld [tilespmem:s16+$0x230];
	v11 =	vadd.f32 v11, v0  }
0x2c0: {  	v13 =	vld [tilespmem:s16+$0xFFFFFC30];
	v5 =	vadd.f32 v5, v0;
	v12 =	vmul.f32 $8.000000000e+00, v12;
	[tilespmem:s0+$0xFFFFFE70] =	vst v4  }
0x2c1: {  	v4 =	vadd.f32 v7, v0;
	v6 =	vmul.f32 $8.000000000e+00, v6;
	[tilespmem:s13+$0x1B0] =	vst v11;
	v7 =	vld [tilespmem:s2+$0xFFFFFEB0]  }
0x2c2: {  	[tilespmem:s13+$0xFFFFFEB0] =	vst v5;
	v5 =	vadd.f32 v12, v0;
	v10 =	vmul.f32 $8.000000000e+00, v10;
	v11 =	vld [tilespmem:s16+$0x380]  }
0x2c3: {  	v12 =	vld [tilespmem:s16+$0xFFFFFD80];
	[tilespmem:s13+$0xFFFFFF30] =	vst v4;
	v4 =	vadd.f32 v6, v0;
	v6 =	vmul.f32 $8.000000000e+00, v8  }
0x2c4: {  	v8 =	vld [tilespmem:s16+$0xFFFFFE80];
	[tilespmem:s13+$0xFFFFFFB0] =	vst v5;
	v5 =	vadd.f32 v10, v0;
	v9 =	vmul.f32 $8.000000000e+00, v9  }
0x2c5: {  	v10 =	vmul.f32 $8.000000000e+00, v13;
	v13 =	vld [tilespmem:s16+$0xFFFFFF80];
	[tilespmem:s13+$0x30] =	vst v4;
	v4 =	vadd.f32 v6, v0  }
0x2c6: {  	v6 =	vld [tilespmem:s16+$0x80];
	[tilespmem:s13+$0xB0] =	vst v5;
	v5 =	vadd.f32 v9, v0;
	v7 =	vmul.f32 $8.000000000e+00, v7  }
0x2c7: {  	v9 =	vadd.f32 v10, v0;
	v10 =	vld [tilespmem:s16+$0x180];
	v11 =	vmul.f32 $8.000000000e+00, v11;
	[tilespmem:s0+$0xFFFFFEF0] =	vst v4  }
0x2c8: {  	v4 =	vmul.f32 $8.000000000e+00, v12;
	[tilespmem:s13+$0x130] =	vst v5;
	v5 =	vadd.f32 v7, v0;
	v7 =	vld [tilespmem:s2+$0xFFFFFFB0]  }
0x2c9: {  	[tilespmem:s13+$0xFFFFFE30] =	vst v9;
	v8 =	vmul.f32 $8.000000000e+00, v8;
	v9 =	vld [tilespmem:s16+$0x280];
	v11 =	vadd.f32 v11, v3  }
0x2ca: {  	v12 =	vld [tilespmem:s16+$0xFFFFFC80];
	v4 =	vadd.f32 v4, v3;
	v13 =	vmul.f32 $8.000000000e+00, v13;
	[tilespmem:s0+$0xFFFFFF70] =	vst v5  }
0x2cb: {  	v5 =	vadd.f32 v8, v3;
	v6 =	vmul.f32 $8.000000000e+00, v6;
	[tilespmem:s13+$0x1C0] =	vst v11;
	v8 =	vld [tilespmem:s2+$0xB0]  }
0x2cc: {  	[tilespmem:s13+$0xFFFFFEC0] =	vst v4;
	v4 =	vadd.f32 v13, v3;
	v10 =	vmul.f32 $8.000000000e+00, v10;
	v11 =	vld [tilespmem:s16+$0x390]  }
0x2cd: {  	v13 =	vld [tilespmem:s16+$0xFFFFFD90];
	[tilespmem:s13+$0xFFFFFF40] =	vst v5;
	v5 =	vadd.f32 v6, v3;
	v6 =	vmul.f32 $8.000000000e+00, v7  }
0x2ce: {  	v7 =	vld [tilespmem:s16+$0xFFFFFE90];
	[tilespmem:s13+$0xFFFFFFC0] =	vst v4;
	v4 =	vadd.f32 v10, v3;
	v9 =	vmul.f32 $8.000000000e+00, v9  }
0x2cf: {  	v10 =	vmul.f32 $8.000000000e+00, v12;
	v12 =	vld [tilespmem:s16+$0xFFFFFF90];
	[tilespmem:s13+$0x40] =	vst v5;
	v5 =	vadd.f32 v6, v0  }
0x2d0: {  	v6 =	vld [tilespmem:s16+$0x90];
	[tilespmem:s13+$0xC0] =	vst v4;
	v4 =	vadd.f32 v9, v3;
	v8 =	vmul.f32 $8.000000000e+00, v8  }
0x2d1: {  	v9 =	vadd.f32 v10, v3;
	v10 =	vld [tilespmem:s16+$0x190];
	v11 =	vmul.f32 $8.000000000e+00, v11;
	[tilespmem:s0+$0xFFFFFFF0] =	vst v5  }
0x2d2: {  	v5 =	vmul.f32 $8.000000000e+00, v13;
	[tilespmem:s13+$0x140] =	vst v4;
	v4 =	vadd.f32 v8, v0;
	v8 =	vld [tilespmem:s2+$0x1B0]  }
0x2d3: {  	[tilespmem:s13+$0xFFFFFE40] =	vst v9;
	v7 =	vmul.f32 $8.000000000e+00, v7;
	v13 =	vld [tilespmem:s16+$0x290];
	v9 =	vadd.f32 v11, v2  }
0x2d4: {  	v14 =	vld [tilespmem:s16+$0xFFFFFC90];
	v5 =	vadd.f32 v5, v2;
	v11 =	vmul.f32 $8.000000000e+00, v12;
	[tilespmem:s0+$0x70] =	vst v4  }
.Ltmp2:
0x2d5: {  	v7 =	vadd.f32 v7, v2;
	v12 =	vmul.f32 $8.000000000e+00, v6;
	[tilespmem:s13+$0x1D0] =	vst v9;
	v4 =	vld [tilespmem:s2+$0x2B0];
	s2 =	smov.u32 s16;
	(pc) =	sbr.rel @p0 .LBB2_7-.Ltmp2, $4  }
0x2d6: {  	[tilespmem:s13+$0xFFFFFED0] =	vst v5;
	v5 =	vadd.f32 v11, v2;
	v10 =	vmul.f32 $8.000000000e+00, v10;
	v9 =	vld [tilespmem:s16+$0x3A0]  }
0x2d7: {  	v6 =	vld [tilespmem:s16+$0xFFFFFDA0];
	[tilespmem:s13+$0xFFFFFF50] =	vst v7;
	v15 =	vadd.f32 v12, v2;
	v16 =	vmul.f32 $8.000000000e+00, v8  }
0x2d8: {  	v7 =	vld [tilespmem:s16+$0xFFFFFEA0];
	[tilespmem:s13+$0xFFFFFFD0] =	vst v5;
	v10 =	vadd.f32 v10, v2;
	v11 =	vmul.f32 $8.000000000e+00, v13  }
0x2d9: {  	s16 =	sadd.s32 $0x800, s16;
	v12 =	vmul.f32 $8.000000000e+00, v14;
	v8 =	vld [tilespmem:s2+$0xFFFFFFA0];
	[tilespmem:s13+$0x50] =	vst v15;
	v5 =	vadd.f32 v16, v0  }
0x2da: {  	_ = 	snop  }
0x2db: {  	v3 =	vadd.f32 v12, v2;
	_ =	sdelay $0x1  }
0x2dc: {  	[tilespmem:s13+$0xFFFFFE50] =	vst v3  }
0x2dd: {  	v3 =	vld [tilespmem:s2+$0xFFFFFCA0];
	_ =	sdelay $0x2  }
0x2de: {  	v2 =	vadd.f32 v11, v2  }
0x2df: {  	[tilespmem:s13+$0xD0] =	vst v10;
	v10 =	vld [tilespmem:s2+$0xA0];
	v9 =	vmul.f32 $8.000000000e+00, v9  }
0x2e0: {  	[tilespmem:s13+$0x150] =	vst v2;
	v2 =	vmul.f32 $8.000000000e+00, v3;
	v3 =	vld [tilespmem:s2+$0x1A0]  }
0x2e1: {  	v6 =	vmul.f32 $8.000000000e+00, v6;
	v9 =	vadd.f32 v9, v1;
	v11 =	vld [tilespmem:s2+$0x2A0]  }
0x2e2: {  	v7 =	vmul.f32 $8.000000000e+00, v7;
	v2 =	vadd.f32 v2, v1  }
0x2e3: {  	v6 =	vadd.f32 v6, v1;
	v8 =	vmul.f32 $8.000000000e+00, v8;
	[tilespmem:s13+$0x1E0] =	vst v9  }
0x2e4: {  	v7 =	vadd.f32 v7, v1;
	v9 =	vld [tilespmem:s2+$0x3B0];
	[tilespmem:s13+$0xFFFFFE60] =	vst v2;
	v2 =	vmul.f32 $8.000000000e+00, v10  }
0x2e5: {  	[tilespmem:s13+$0xFFFFFEE0] =	vst v6;
	v6 =	vadd.f32 v8, v1;
	v3 =	vmul.f32 $8.000000000e+00, v3;
	v8 =	vld [tilespmem:s2+$0xFFFFFCB0]  }
0x2e6: {  	[tilespmem:s13+$0xFFFFFF60] =	vst v7;
	v7 =	vmul.f32 $8.000000000e+00, v11;
	v10 =	vld [tilespmem:s2+$0xFFFFFDB0];
	v2 =	vadd.f32 v2, v1  }
0x2e7: {  	[tilespmem:s13+$0xFFFFFFE0] =	vst v6;
	v6 =	vld [tilespmem:s2+$0xFFFFFEB0];
	v3 =	vadd.f32 v3, v1  }
0x2e8: {  	v4 =	vmul.f32 $8.000000000e+00, v4;
	v1 =	vadd.f32 v7, v1;
	[tilespmem:s13+$0x60] =	vst v2;
	v2 =	vld [tilespmem:s2+$0xFFFFFFB0]  }
0x2e9: {  	v7 =	vmul.f32 $8.000000000e+00, v9;
	[tilespmem:s13+$0xE0] =	vst v3;
	v3 =	vld [tilespmem:s2+$0xB0]  }
0x2ea: {  	v4 =	vadd.f32 v4, v0;
	[tilespmem:s13+$0x160] =	vst v1;
	v8 =	vmul.f32 $8.000000000e+00, v8;
	v1 =	vld [tilespmem:s2+$0x1B0]  }
0x2eb: {  	[tilespmem:s0+$0xF0] =	vst v5;
	v5 =	vadd.f32 v7, v0;
	v7 =	vmul.f32 $8.000000000e+00, v10;
	v9 =	vld [tilespmem:s2+$0x2B0]  }
0x2ec: {  	[tilespmem:s0+$0x170] =	vst v4;
	v6 =	vmul.f32 $8.000000000e+00, v6;
	v4 =	vadd.f32 v8, v0  }
0x2ed: {  	[tilespmem:s13+$0x1F0] =	vst v5;
	v5 =	vadd.f32 v7, v0;
	v2 =	vmul.f32 $8.000000000e+00, v2  }
0x2ee: {  	[tilespmem:s13+$0xFFFFFE70] =	vst v4;
	v4 =	vadd.f32 v6, v0;
	v3 =	vmul.f32 $8.000000000e+00, v3  }
0x2ef: {  	[tilespmem:s13+$0xFFFFFEF0] =	vst v5;
	v2 =	vadd.f32 v2, v0;
	v1 =	vmul.f32 $8.000000000e+00, v1  }
0x2f0: {  	[tilespmem:s13+$0xFFFFFF70] =	vst v4;
	v3 =	vadd.f32 v3, v0;
	v4 =	vmul.f32 $8.000000000e+00, v9  }
0x2f1: {  	s14 =	sshll.u32 s30, $0x13;
	[tilespmem:s13+$0xFFFFFFF0] =	vst v2;
	v1 =	vadd.f32 v1, v0  }
0x2f2: {  	s0 =	sor.u32 s8, s14;
	[tilespmem:s13+$0x70] =	vst v3;
	v0 =	vadd.f32 v4, v0  }
0x2f3: {  	s0 =	sshrl.u32 s0, $0x3;
	[tilespmem:s13+$0xF0] =	vst v1  }
0x2f4: {  	s0 =	sadd.s32 s1, s0;
	[tilespmem:s13+$0x170] =	vst v0  }
0x2f5: {  	[hbm4b:s0+s3] =	stream.linear.scatter [tilespmem:s23], [sflag:$0x3], $0x2000, $0x38;
	[tilespmem:$0x18900] =	vst v63  }
0x2f6: {  	v0 =	vld [tilespmem:s31+$0x100];
	_ =	sdelay $0x4  }
0x2f7: {  	[tilespmem:$0xC800] =	vst v0  }
0x2f8: {  	v0 =	vld [tilespmem:s31+$0x110];
	_ =	sdelay $0x4  }
0x2f9: {  	[tilespmem:$0xC810] =	vst v0  }
0x2fa: {  	v0 =	vld [tilespmem:s31+$0x120];
	_ =	sdelay $0x4  }
0x2fb: {  	[tilespmem:$0xC820] =	vst v0  }
0x2fc: {  	v0 =	vld [tilespmem:s31+$0x130];
	_ =	sdelay $0x4  }
0x2fd: {  	[tilespmem:$0xC830] =	vst v0  }
0x2fe: {  	v0 =	vld [tilespmem:s31+$0x140];
	_ =	sdelay $0x4  }
0x2ff: {  	[tilespmem:$0xC840] =	vst v0  }
0x300: {  	v0 =	vld [tilespmem:s31+$0x150];
	_ =	sdelay $0x4  }
0x301: {  	[tilespmem:$0xC850] =	vst v0  }
0x302: {  	v0 =	vld [tilespmem:s31+$0x160];
	_ =	sdelay $0x4  }
0x303: {  	[tilespmem:$0xC860] =	vst v0  }
0x304: {  	v0 =	vld [tilespmem:s31+$0x170];
	_ =	sdelay $0x4  }
0x305: {  	[tilespmem:$0xC870] =	vst v0  }
0x306: {  	[tilespmem:s19], [sflag:$0x1] =	stream.indirect.gather [hbm4b:s4+s17], $0x80, s18, s17, $0xb8;
	[tilespmem:$0x18900] =	vst v63  }
0x307: {  	_ =	swait.ge [sflag:s24], $0x4000  }
0x308: {  	[sflag:s24] =	ssyncset.done $0x0  }
0x309: {  	[sflag:s24] =	ssyncadd.s32 $0xFFFFC000  }
0x30a: {  	s0 =	sshllo.u32 s30, $0x1;
	_ =	swait.ge [sflag:s28], $0x2000  }
0x30b: {  	s16 =	sshll.u32 s0, $0x7;
	[sflag:s28] =	ssyncset.done $0x0  }
0x30c: {  	s2 =	sand.u32 $0x3FFFFF80, s16;
	[sflag:s28] =	ssyncadd.s32 $0xFFFFE000  }
0x30d: {  	v3 =	vld [tilespmem:s2+$0x6400]  }
0x30e: {  	s16 =	simm.s32 $0x10D00;
	v2 =	vld [tilespmem:s2+$0x6410]  }
0x30f: {  	v4 =	vld [tilespmem:s16+$0x300]  }
0x310: {  	v5 =	vld [tilespmem:s16+$0xFFFFFD00]  }
0x311: {  	v6 =	vld [tilespmem:s16+$0xFFFFFE00]  }
0x312: {  	v7 =	vld [tilespmem:s16+$0xFFFFFF00]  }
0x313: {  	v1 =	vld [tilespmem:s2+$0x6420]  }
0x314: {  	v0 =	vld [tilespmem:s2+$0x6430];
	v4 =	vmul.f32 $8.000000000e+00, v4  }
0x315: {  	v8 =	vld [tilespmem:s16+$0x0];
	v5 =	vmul.f32 $8.000000000e+00, v5  }
0x316: {  	v9 =	vld [tilespmem:s16+$0x100];
	v6 =	vmul.f32 $8.000000000e+00, v6;
	v4 =	vadd.f32 v4, v3  }
0x317: {  	s2 =	simm.s32 $0x16B00;
	v10 =	vld [tilespmem:s16+$0x200];
	v7 =	vmul.f32 $8.000000000e+00, v7;
	v5 =	vadd.f32 v5, v3  }
0x318: {  	v11 =	vld [tilespmem:s16+$0xFFFFFC00];
	v6 =	vadd.f32 v6, v3;
	[tilespmem:s2+$0x180] =	vst v4  }
0x319: {  	[tilespmem:s2+$0xFFFFFE80] =	vst v5;
	v4 =	vadd.f32 v7, v3;
	v5 =	vld [tilespmem:s16+$0x310]  }
0x31a: {  	v7 =	vmul.f32 $8.000000000e+00, v8;
	[tilespmem:s2+$0xFFFFFF00] =	vst v6;
	v8 =	vld [tilespmem:s16+$0xFFFFFD10]  }
0x31b: {  	v6 =	vmul.f32 $8.000000000e+00, v9;
	v9 =	vld [tilespmem:s16+$0xFFFFFE10];
	[tilespmem:s2+$0xFFFFFF80] =	vst v4  }
0x31c: {  	v4 =	vadd.f32 v7, v3;
	v7 =	vmul.f32 $8.000000000e+00, v10;
	v10 =	vld [tilespmem:s16+$0xFFFFFF10]  }
0x31d: {  	v11 =	vmul.f32 $8.000000000e+00, v11;
	v6 =	vadd.f32 v6, v3  }
0x31e: {  	[tilespmem:s2+$0x0] =	vst v4;
	v4 =	vadd.f32 v7, v3;
	v5 =	vmul.f32 $8.000000000e+00, v5  }
0x31f: {  	[tilespmem:s2+$0x80] =	vst v6;
	v6 =	vadd.f32 v11, v3;
	v7 =	vld [tilespmem:s16+$0x10];
	v8 =	vmul.f32 $8.000000000e+00, v8  }
0x320: {  	v11 =	vld [tilespmem:s16+$0x110];
	[tilespmem:s2+$0x100] =	vst v4;
	v4 =	vmul.f32 $8.000000000e+00, v9;
	v5 =	vadd.f32 v5, v2  }
0x321: {  	[tilespmem:s2+$0xFFFFFE00] =	vst v6;
	v6 =	vld [tilespmem:s16+$0x210];
	v8 =	vadd.f32 v8, v2;
	v9 =	vmul.f32 $8.000000000e+00, v10  }
0x322: {  	v10 =	vld [tilespmem:s16+$0xFFFFFC10];
	v4 =	vadd.f32 v4, v2;
	[tilespmem:s2+$0x190] =	vst v5  }
0x323: {  	[tilespmem:s2+$0xFFFFFE90] =	vst v8;
	v5 =	vadd.f32 v9, v2;
	v8 =	vld [tilespmem:s16+$0x320]  }
0x324: {  	v7 =	vmul.f32 $8.000000000e+00, v7;
	[tilespmem:s2+$0xFFFFFF10] =	vst v4;
	v9 =	vld [tilespmem:s16+$0xFFFFFD20]  }
0x325: {  	v4 =	vmul.f32 $8.000000000e+00, v11;
	v11 =	vld [tilespmem:s16+$0xFFFFFE20];
	[tilespmem:s2+$0xFFFFFF90] =	vst v5  }
0x326: {  	v5 =	vadd.f32 v7, v2;
	v6 =	vmul.f32 $8.000000000e+00, v6;
	v7 =	vld [tilespmem:s16+$0xFFFFFF20]  }
0x327: {  	v4 =	vadd.f32 v4, v2;
	v10 =	vmul.f32 $8.000000000e+00, v10  }
0x328: {  	[tilespmem:s2+$0x10] =	vst v5;
	v5 =	vadd.f32 v6, v2;
	v6 =	vmul.f32 $8.000000000e+00, v8  }
0x329: {  	[tilespmem:s2+$0x90] =	vst v4;
	v4 =	vadd.f32 v10, v2;
	v8 =	vld [tilespmem:s16+$0x20];
	v9 =	vmul.f32 $8.000000000e+00, v9  }
0x32a: {  	v10 =	vld [tilespmem:s16+$0x120];
	[tilespmem:s2+$0x110] =	vst v5;
	v5 =	vmul.f32 $8.000000000e+00, v11;
	v6 =	vadd.f32 v6, v1  }
0x32b: {  	[tilespmem:s2+$0xFFFFFE10] =	vst v4;
	v4 =	vld [tilespmem:s16+$0x220];
	v9 =	vadd.f32 v9, v1;
	v7 =	vmul.f32 $8.000000000e+00, v7  }
0x32c: {  	v11 =	vld [tilespmem:s16+$0xFFFFFC20];
	v5 =	vadd.f32 v5, v1;
	[tilespmem:s2+$0x1A0] =	vst v6  }
0x32d: {  	[tilespmem:s2+$0xFFFFFEA0] =	vst v9;
	v6 =	vadd.f32 v7, v1;
	v7 =	vld [tilespmem:s16+$0x330]  }
0x32e: {  	[tilespmem:s2+$0xFFFFFF20] =	vst v5;
	v8 =	vmul.f32 $8.000000000e+00, v8;
	v9 =	vld [tilespmem:s16+$0xFFFFFD30]  }
0x32f: {  	v5 =	vmul.f32 $8.000000000e+00, v10;
	v10 =	vld [tilespmem:s16+$0xFFFFFE30];
	[tilespmem:s2+$0xFFFFFFA0] =	vst v6  }
0x330: {  	v4 =	vmul.f32 $8.000000000e+00, v4;
	v6 =	vadd.f32 v8, v1;
	v8 =	vld [tilespmem:s16+$0xFFFFFF30]  }
0x331: {  	v5 =	vadd.f32 v5, v1;
	v11 =	vmul.f32 $8.000000000e+00, v11  }
0x332: {  	v4 =	vadd.f32 v4, v1;
	[tilespmem:s2+$0x20] =	vst v6;
	v6 =	vmul.f32 $8.000000000e+00, v7  }
0x333: {  	[tilespmem:s2+$0xA0] =	vst v5;
	v5 =	vadd.f32 v11, v1;
	v7 =	vld [tilespmem:s16+$0x30];
	v9 =	vmul.f32 $8.000000000e+00, v9  }
0x334: {  	v11 =	vld [tilespmem:s16+$0x130];
	[tilespmem:s2+$0x120] =	vst v4;
	v4 =	vmul.f32 $8.000000000e+00, v10;
	v6 =	vadd.f32 v6, v0  }
0x335: {  	[tilespmem:s2+$0xFFFFFE20] =	vst v5;
	v5 =	vld [tilespmem:s16+$0x230];
	v9 =	vadd.f32 v9, v0;
	v8 =	vmul.f32 $8.000000000e+00, v8  }
0x336: {  	v10 =	vld [tilespmem:s16+$0xFFFFFC30];
	v4 =	vadd.f32 v4, v0;
	[tilespmem:s2+$0x1B0] =	vst v6  }
0x337: {  	[tilespmem:s2+$0xFFFFFEB0] =	vst v9;
	v6 =	vadd.f32 v8, v0;
	v8 =	vld [tilespmem:s16+$0x380]  }
0x338: {  	[tilespmem:s2+$0xFFFFFF30] =	vst v4;
	v7 =	vmul.f32 $8.000000000e+00, v7;
	v9 =	vld [tilespmem:s16+$0xFFFFFD80]  }
0x339: {  	v4 =	vmul.f32 $8.000000000e+00, v11;
	v11 =	vld [tilespmem:s16+$0xFFFFFE80];
	[tilespmem:s2+$0xFFFFFFB0] =	vst v6  }
0x33a: {  	v5 =	vmul.f32 $8.000000000e+00, v5;
	v6 =	vadd.f32 v7, v0;
	v7 =	vld [tilespmem:s16+$0xFFFFFF80]  }
0x33b: {  	v4 =	vadd.f32 v4, v0;
	v10 =	vmul.f32 $8.000000000e+00, v10  }
0x33c: {  	v5 =	vadd.f32 v5, v0;
	[tilespmem:s2+$0x30] =	vst v6;
	v6 =	vmul.f32 $8.000000000e+00, v8  }
0x33d: {  	[tilespmem:s2+$0xB0] =	vst v4;
	v4 =	vadd.f32 v10, v0;
	v8 =	vld [tilespmem:s16+$0x80];
	v9 =	vmul.f32 $8.000000000e+00, v9  }
0x33e: {  	v10 =	vld [tilespmem:s16+$0x180];
	[tilespmem:s2+$0x130] =	vst v5;
	v5 =	vmul.f32 $8.000000000e+00, v11;
	v6 =	vadd.f32 v6, v3  }
0x33f: {  	[tilespmem:s2+$0xFFFFFE30] =	vst v4;
	v4 =	vld [tilespmem:s16+$0x280];
	v9 =	vadd.f32 v9, v3;
	v7 =	vmul.f32 $8.000000000e+00, v7  }
0x340: {  	v11 =	vld [tilespmem:s16+$0xFFFFFC80];
	v5 =	vadd.f32 v5, v3;
	[tilespmem:s2+$0x1C0] =	vst v6  }
0x341: {  	[tilespmem:s2+$0xFFFFFEC0] =	vst v9;
	v6 =	vadd.f32 v7, v3;
	v7 =	vld [tilespmem:s16+$0x390]  }
0x342: {  	[tilespmem:s2+$0xFFFFFF40] =	vst v5;
	v8 =	vmul.f32 $8.000000000e+00, v8;
	v9 =	vld [tilespmem:s16+$0xFFFFFD90]  }
0x343: {  	v5 =	vmul.f32 $8.000000000e+00, v10;
	v10 =	vld [tilespmem:s16+$0xFFFFFE90];
	[tilespmem:s2+$0xFFFFFFC0] =	vst v6  }
0x344: {  	v4 =	vmul.f32 $8.000000000e+00, v4;
	v6 =	vadd.f32 v8, v3;
	v8 =	vld [tilespmem:s16+$0xFFFFFF90]  }
0x345: {  	s13 =	simm.s32 $0x11500;
	v5 =	vadd.f32 v5, v3;
	v11 =	vmul.f32 $8.000000000e+00, v11  }
0x346: {  	v12 =	vld [tilespmem:s13+$0x300];
	v4 =	vadd.f32 v4, v3;
	[tilespmem:s2+$0x40] =	vst v6;
	v6 =	vmul.f32 $8.000000000e+00, v7  }
0x347: {  	[tilespmem:s2+$0xC0] =	vst v5;
	v5 =	vadd.f32 v11, v3;
	v7 =	vld [tilespmem:s16+$0x90]  }
0x348: {  	v11 =	vld [tilespmem:s16+$0x190];
	v9 =	vmul.f32 $8.000000000e+00, v9;
	[tilespmem:s2+$0x140] =	vst v4;
	v6 =	vadd.f32 v6, v2  }
0x349: {  	v4 =	vmul.f32 $8.000000000e+00, v10;
	[tilespmem:s2+$0xFFFFFE40] =	vst v5;
	v5 =	vld [tilespmem:s16+$0x290];
	v8 =	vmul.f32 $8.000000000e+00, v8  }
0x34a: {  	v9 =	vadd.f32 v9, v2;
	v10 =	vld [tilespmem:s16+$0xFFFFFC90];
	[tilespmem:s2+$0x1D0] =	vst v6  }
0x34b: {  	v12 =	vmul.f32 $8.000000000e+00, v12;
	v4 =	vadd.f32 v4, v2;
	v6 =	vadd.f32 v8, v2;
	v8 =	vld [tilespmem:s16+$0x3A0]  }
0x34c: {  	v13 =	vld [tilespmem:s13+$0x100];
	[tilespmem:s2+$0xFFFFFED0] =	vst v9;
	v7 =	vmul.f32 $8.000000000e+00, v7  }
0x34d: {  	v12 =	vadd.f32 v12, v3;
	[tilespmem:s2+$0xFFFFFF50] =	vst v4;
	v4 =	vmul.f32 $8.000000000e+00, v11;
	v9 =	vld [tilespmem:s16+$0xFFFFFDA0]  }
0x34e: {  	s14 =	simm.s32 $0x16F00;
	v11 =	vld [tilespmem:s16+$0xFFFFFEA0];
	[tilespmem:s2+$0xFFFFFFD0] =	vst v6;
	v5 =	vmul.f32 $8.000000000e+00, v5;
	v6 =	vadd.f32 v7, v2  }
0x34f: {  	[tilespmem:s14+$0x180] =	vst v12;
	v4 =	vadd.f32 v4, v2;
	v7 =	vld [tilespmem:s16+$0xFFFFFFA0];
	v10 =	vmul.f32 $8.000000000e+00, v10  }
0x350: {  	v5 =	vadd.f32 v5, v2;
	[tilespmem:s2+$0x50] =	vst v6;
	v6 =	vld [tilespmem:s13+$0xFFFFFD00];
	v8 =	vmul.f32 $8.000000000e+00, v8  }
0x351: {  	[tilespmem:s2+$0xD0] =	vst v4;
	v4 =	vadd.f32 v10, v2;
	v10 =	vld [tilespmem:s13+$0xFFFFFE00]  }
0x352: {  	v9 =	vmul.f32 $8.000000000e+00, v9;
	[tilespmem:s2+$0x150] =	vst v5;
	v5 =	vld [tilespmem:s13+$0xFFFFFF00];
	v8 =	vadd.f32 v8, v1  }
0x353: {  	v11 =	vmul.f32 $8.000000000e+00, v11;
	[tilespmem:s2+$0xFFFFFE50] =	vst v4;
	v4 =	vld [tilespmem:s13+$0x0]  }
0x354: {  	v12 =	vld [tilespmem:s13+$0x310];
	v9 =	vadd.f32 v9, v1;
	v7 =	vmul.f32 $8.000000000e+00, v7;
	[tilespmem:s2+$0x1E0] =	vst v8  }
0x355: {  	v11 =	vadd.f32 v11, v1;
	v6 =	vmul.f32 $8.000000000e+00, v6;
	v8 =	vld [tilespmem:s16+$0x3B0]  }
0x356: {  	[tilespmem:s2+$0xFFFFFEE0] =	vst v9;
	v7 =	vadd.f32 v7, v1;
	v9 =	vmul.f32 $8.000000000e+00, v10;
	v10 =	vld [tilespmem:s13+$0x200]  }
0x357: {  	[tilespmem:s2+$0xFFFFFF60] =	vst v11;
	v11 =	vld [tilespmem:s13+$0xFFFFFC00];
	v5 =	vmul.f32 $8.000000000e+00, v5;
	v6 =	vadd.f32 v6, v3  }
0x358: {  	[tilespmem:s2+$0xFFFFFFE0] =	vst v7;
	v7 =	vadd.f32 v9, v3;
	v4 =	vmul.f32 $8.000000000e+00, v4;
	v9 =	vld [tilespmem:s16+$0xFFFFFCA0]  }
0x359: {  	v5 =	vadd.f32 v5, v3;
	[tilespmem:s14+$0xFFFFFE80] =	vst v6;
	v6 =	vmul.f32 $8.000000000e+00, v13  }
0x35a: {  	[tilespmem:s14+$0xFFFFFF00] =	vst v7;
	v4 =	vadd.f32 v4, v3;
	v13 =	vld [tilespmem:s13+$0xFFFFFD10];
	v7 =	vmul.f32 $8.000000000e+00, v8  }
0x35b: {  	[tilespmem:s14+$0xFFFFFF80] =	vst v5;
	v8 =	vld [tilespmem:s13+$0xFFFFFE10];
	v5 =	vadd.f32 v6, v3;
	v6 =	vmul.f32 $8.000000000e+00, v10  }
0x35c: {  	v10 =	vmul.f32 $8.000000000e+00, v11;
	v11 =	vld [tilespmem:s13+$0xFFFFFF10];
	[tilespmem:s14+$0x0] =	vst v4;
	v4 =	vadd.f32 v7, v0  }
0x35d: {  	v12 =	vmul.f32 $8.000000000e+00, v12;
	v7 =	vld [tilespmem:s13+$0x10];
	[tilespmem:s14+$0x80] =	vst v5;
	v5 =	vadd.f32 v6, v3;
	v6 =	vmul.f32 $8.000000000e+00, v9  }
0x35e: {  	v9 =	vadd.f32 v10, v3;
	v10 =	vld [tilespmem:s13+$0x110];
	[tilespmem:s2+$0x1F0] =	vst v4  }
0x35f: {  	v12 =	vadd.f32 v12, v2;
	v4 =	vmul.f32 $8.000000000e+00, v13;
	[tilespmem:s14+$0x100] =	vst v5;
	v5 =	vadd.f32 v6, v1;
	v6 =	vld [tilespmem:s16+$0xA0]  }
0x360: {  	[tilespmem:s14+$0xFFFFFE00] =	vst v9;
	v8 =	vmul.f32 $8.000000000e+00, v8;
	v9 =	vld [tilespmem:s13+$0x210]  }
0x361: {  	[tilespmem:s14+$0x190] =	vst v12;
	v13 =	vld [tilespmem:s13+$0xFFFFFC10];
	v11 =	vmul.f32 $8.000000000e+00, v11;
	v4 =	vadd.f32 v4, v2  }
0x362: {  	[tilespmem:s2+$0xFFFFFE60] =	vst v5;
	v5 =	vadd.f32 v8, v2;
	v7 =	vmul.f32 $8.000000000e+00, v7;
	v8 =	vld [tilespmem:s16+$0x1A0]  }
0x363: {  	[tilespmem:s14+$0xFFFFFE90] =	vst v4;
	v4 =	vadd.f32 v11, v2;
	v10 =	vmul.f32 $8.000000000e+00, v10;
	v11 =	vld [tilespmem:s13+$0x320]  }
0x364: {  	v12 =	vld [tilespmem:s13+$0xFFFFFD20];
	[tilespmem:s14+$0xFFFFFF10] =	vst v5;
	v5 =	vadd.f32 v7, v2;
	v6 =	vmul.f32 $8.000000000e+00, v6  }
0x365: {  	v7 =	vld [tilespmem:s13+$0xFFFFFE20];
	[tilespmem:s14+$0xFFFFFF90] =	vst v4;
	v4 =	vadd.f32 v10, v2;
	v9 =	vmul.f32 $8.000000000e+00, v9  }
0x366: {  	v10 =	vmul.f32 $8.000000000e+00, v13;
	v13 =	vld [tilespmem:s13+$0xFFFFFF20];
	[tilespmem:s14+$0x10] =	vst v5;
	v5 =	vadd.f32 v6, v1  }
0x367: {  	v6 =	vld [tilespmem:s13+$0x20];
	[tilespmem:s14+$0x90] =	vst v4;
	v4 =	vadd.f32 v9, v2;
	v8 =	vmul.f32 $8.000000000e+00, v8  }
0x368: {  	v9 =	vadd.f32 v10, v2;
	v10 =	vld [tilespmem:s13+$0x120];
	v11 =	vmul.f32 $8.000000000e+00, v11;
	[tilespmem:s2+$0x60] =	vst v5  }
0x369: {  	v5 =	vmul.f32 $8.000000000e+00, v12;
	[tilespmem:s14+$0x110] =	vst v4;
	v4 =	vadd.f32 v8, v1;
	v8 =	vld [tilespmem:s16+$0x2A0]  }
0x36a: {  	[tilespmem:s14+$0xFFFFFE10] =	vst v9;
	v7 =	vmul.f32 $8.000000000e+00, v7;
	v9 =	vld [tilespmem:s13+$0x220];
	v11 =	vadd.f32 v11, v1  }
0x36b: {  	v12 =	vld [tilespmem:s13+$0xFFFFFC20];
	v5 =	vadd.f32 v5, v1;
	v13 =	vmul.f32 $8.000000000e+00, v13;
	[tilespmem:s2+$0xE0] =	vst v4  }
0x36c: {  	v4 =	vadd.f32 v7, v1;
	v6 =	vmul.f32 $8.000000000e+00, v6;
	[tilespmem:s14+$0x1A0] =	vst v11;
	v7 =	vld [tilespmem:s16+$0xFFFFFCB0]  }
0x36d: {  	[tilespmem:s14+$0xFFFFFEA0] =	vst v5;
	v5 =	vadd.f32 v13, v1;
	v10 =	vmul.f32 $8.000000000e+00, v10;
	v11 =	vld [tilespmem:s13+$0x330]  }
0x36e: {  	v13 =	vld [tilespmem:s13+$0xFFFFFD30];
	[tilespmem:s14+$0xFFFFFF20] =	vst v4;
	v4 =	vadd.f32 v6, v1;
	v6 =	vmul.f32 $8.000000000e+00, v8  }
0x36f: {  	v8 =	vld [tilespmem:s13+$0xFFFFFE30];
	[tilespmem:s14+$0xFFFFFFA0] =	vst v5;
	v5 =	vadd.f32 v10, v1;
	v9 =	vmul.f32 $8.000000000e+00, v9  }
0x370: {  	v10 =	vmul.f32 $8.000000000e+00, v12;
	v12 =	vld [tilespmem:s13+$0xFFFFFF30];
	[tilespmem:s14+$0x20] =	vst v4;
	v4 =	vadd.f32 v6, v1  }
0x371: {  	v6 =	vld [tilespmem:s13+$0x30];
	[tilespmem:s14+$0xA0] =	vst v5;
	v5 =	vadd.f32 v9, v1;
	v7 =	vmul.f32 $8.000000000e+00, v7  }
0x372: {  	v9 =	vadd.f32 v10, v1;
	v10 =	vld [tilespmem:s13+$0x130];
	v11 =	vmul.f32 $8.000000000e+00, v11;
	[tilespmem:s2+$0x160] =	vst v4  }
0x373: {  	v4 =	vmul.f32 $8.000000000e+00, v13;
	[tilespmem:s14+$0x120] =	vst v5;
	v5 =	vadd.f32 v7, v0;
	v7 =	vld [tilespmem:s16+$0xFFFFFDB0]  }
0x374: {  	[tilespmem:s14+$0xFFFFFE20] =	vst v9;
	v8 =	vmul.f32 $8.000000000e+00, v8;
	v9 =	vld [tilespmem:s13+$0x230];
	v11 =	vadd.f32 v11, v0  }
0x375: {  	v13 =	vld [tilespmem:s13+$0xFFFFFC30];
	v4 =	vadd.f32 v4, v0;
	v12 =	vmul.f32 $8.000000000e+00, v12;
	[tilespmem:s2+$0xFFFFFE70] =	vst v5  }
0x376: {  	v5 =	vadd.f32 v8, v0;
	v6 =	vmul.f32 $8.000000000e+00, v6;
	[tilespmem:s14+$0x1B0] =	vst v11;
	v8 =	vld [tilespmem:s16+$0xFFFFFEB0]  }
0x377: {  	[tilespmem:s14+$0xFFFFFEB0] =	vst v4;
	v4 =	vadd.f32 v12, v0;
	v10 =	vmul.f32 $8.000000000e+00, v10;
	v11 =	vld [tilespmem:s13+$0x380]  }
0x378: {  	v12 =	vld [tilespmem:s13+$0xFFFFFD80];
	[tilespmem:s14+$0xFFFFFF30] =	vst v5;
	v5 =	vadd.f32 v6, v0;
	v6 =	vmul.f32 $8.000000000e+00, v7  }
0x379: {  	v7 =	vld [tilespmem:s13+$0xFFFFFE80];
	[tilespmem:s14+$0xFFFFFFB0] =	vst v4;
	v4 =	vadd.f32 v10, v0;
	v9 =	vmul.f32 $8.000000000e+00, v9  }
0x37a: {  	v10 =	vmul.f32 $8.000000000e+00, v13;
	v13 =	vld [tilespmem:s13+$0xFFFFFF80];
	[tilespmem:s14+$0x30] =	vst v5;
	v5 =	vadd.f32 v6, v0  }
0x37b: {  	v6 =	vld [tilespmem:s13+$0x80];
	[tilespmem:s14+$0xB0] =	vst v4;
	v4 =	vadd.f32 v9, v0;
	v8 =	vmul.f32 $8.000000000e+00, v8  }
0x37c: {  	v9 =	vadd.f32 v10, v0;
	v10 =	vld [tilespmem:s13+$0x180];
	v11 =	vmul.f32 $8.000000000e+00, v11;
	[tilespmem:s2+$0xFFFFFEF0] =	vst v5  }
0x37d: {  	v5 =	vmul.f32 $8.000000000e+00, v12;
	[tilespmem:s14+$0x130] =	vst v4;
	v4 =	vadd.f32 v8, v0;
	v8 =	vld [tilespmem:s16+$0xFFFFFFB0]  }
0x37e: {  	[tilespmem:s14+$0xFFFFFE30] =	vst v9;
	v7 =	vmul.f32 $8.000000000e+00, v7;
	v9 =	vld [tilespmem:s13+$0x280];
	v11 =	vadd.f32 v11, v3  }
0x37f: {  	v12 =	vld [tilespmem:s13+$0xFFFFFC80];
	v5 =	vadd.f32 v5, v3;
	v13 =	vmul.f32 $8.000000000e+00, v13;
	[tilespmem:s2+$0xFFFFFF70] =	vst v4  }
0x380: {  	v4 =	vadd.f32 v7, v3;
	v6 =	vmul.f32 $8.000000000e+00, v6;
	[tilespmem:s14+$0x1C0] =	vst v11;
	v7 =	vld [tilespmem:s16+$0xB0]  }
0x381: {  	[tilespmem:s14+$0xFFFFFEC0] =	vst v5;
	v5 =	vadd.f32 v13, v3;
	v10 =	vmul.f32 $8.000000000e+00, v10;
	v11 =	vld [tilespmem:s13+$0x390]  }
0x382: {  	v13 =	vld [tilespmem:s13+$0xFFFFFD90];
	[tilespmem:s14+$0xFFFFFF40] =	vst v4;
	v4 =	vadd.f32 v6, v3;
	v6 =	vmul.f32 $8.000000000e+00, v8  }
0x383: {  	v8 =	vld [tilespmem:s13+$0xFFFFFE90];
	[tilespmem:s14+$0xFFFFFFC0] =	vst v5;
	v5 =	vadd.f32 v10, v3;
	v9 =	vmul.f32 $8.000000000e+00, v9  }
0x384: {  	v10 =	vmul.f32 $8.000000000e+00, v12;
	v12 =	vld [tilespmem:s13+$0xFFFFFF90];
	[tilespmem:s14+$0x40] =	vst v4;
	v4 =	vadd.f32 v6, v0  }
0x385: {  	v6 =	vld [tilespmem:s13+$0x90];
	[tilespmem:s14+$0xC0] =	vst v5;
	v5 =	vadd.f32 v9, v3;
	v7 =	vmul.f32 $8.000000000e+00, v7  }
0x386: {  	v9 =	vadd.f32 v10, v3;
	v10 =	vld [tilespmem:s13+$0x190];
	v11 =	vmul.f32 $8.000000000e+00, v11;
	[tilespmem:s2+$0xFFFFFFF0] =	vst v4  }
0x387: {  	v4 =	vmul.f32 $8.000000000e+00, v13;
	[tilespmem:s14+$0x140] =	vst v5;
	v5 =	vadd.f32 v7, v0;
	v7 =	vld [tilespmem:s16+$0x1B0]  }
0x388: {  	[tilespmem:s14+$0xFFFFFE40] =	vst v9;
	v8 =	vmul.f32 $8.000000000e+00, v8;
	v13 =	vld [tilespmem:s13+$0x290];
	v9 =	vadd.f32 v11, v2  }
0x389: {  	v14 =	vld [tilespmem:s13+$0xFFFFFC90];
	v11 =	vadd.f32 v4, v2;
	v12 =	vmul.f32 $8.000000000e+00, v12;
	[tilespmem:s2+$0x70] =	vst v5  }
0x38a: {  	v4 =	vld [tilespmem:s16+$0x2B0];
	v5 =	vadd.f32 v8, v2;
	v8 =	vmul.f32 $8.000000000e+00, v6;
	[tilespmem:s14+$0x1D0] =	vst v9  }
0x38b: {  	[tilespmem:s14+$0xFFFFFED0] =	vst v11;
	v11 =	vadd.f32 v12, v2;
	v10 =	vmul.f32 $8.000000000e+00, v10;
	v9 =	vld [tilespmem:s13+$0x3A0]  }
0x38c: {  	v6 =	vld [tilespmem:s13+$0xFFFFFDA0];
	[tilespmem:s14+$0xFFFFFF50] =	vst v5;
	v5 =	vadd.f32 v8, v2;
	v15 =	vmul.f32 $8.000000000e+00, v7  }
0x38d: {  	v7 =	vld [tilespmem:s13+$0xFFFFFEA0];
	[tilespmem:s14+$0xFFFFFFD0] =	vst v11;
	v10 =	vadd.f32 v10, v2;
	v11 =	vmul.f32 $8.000000000e+00, v13  }
0x38e: {  	s5 =	simm.s32 $0x11D00;
	s16 =	simm.s32 $0x8;
	v12 =	vmul.f32 $8.000000000e+00, v14;
	v8 =	vld [tilespmem:s13+$0xFFFFFFA0];
	[tilespmem:s14+$0x50] =	vst v5;
	v5 =	vadd.f32 v15, v0  }
.LBB2_9:
0x38f: {  	v13 =	vld [tilespmem:s5+$0x300];
	s16 =	sadd.s32 $0x8, s16;
	[tilespmem:s14+$0xD0] =	vst v10;
	v10 =	vadd.f32 v11, v2;
	v4 =	vmul.f32 $8.000000000e+00, v4  }
0x390: {  	v11 =	vld [tilespmem:s5+$0xFFFFFD00];
	p0 =	slt.u32 s16, $0x38;
	v12 =	vadd.f32 v12, v2;
	v9 =	vmul.f32 $8.000000000e+00, v9;
	[tilespmem:s2+$0xF0] =	vst v5  }
0x391: {  	v5 =	vld [tilespmem:s5+$0xFFFFFE00];
	v6 =	vmul.f32 $8.000000000e+00, v6;
	[tilespmem:s14+$0x150] =	vst v10;
	v4 =	vadd.f32 v4, v0  }
0x392: {  	v10 =	vld [tilespmem:s5+$0xFFFFFF00];
	[tilespmem:s14+$0xFFFFFE50] =	vst v12;
	v7 =	vmul.f32 $8.000000000e+00, v7;
	v9 =	vadd.f32 v9, v1  }
0x393: {  	v12 =	vld [tilespmem:s5+$0x0];
	v6 =	vadd.f32 v6, v1;
	v8 =	vmul.f32 $8.000000000e+00, v8;
	[tilespmem:s2+$0x170] =	vst v4;
	s2 =	smov.u32 s14  }
0x394: {  	v4 =	vld [tilespmem:s5+$0x100];
	v13 =	vmul.f32 $8.000000000e+00, v13;
	v7 =	vadd.f32 v7, v1;
	[tilespmem:s14+$0x1E0] =	vst v9  }
0x395: {  	v9 =	vmul.f32 $8.000000000e+00, v11;
	[tilespmem:s14+$0xFFFFFEE0] =	vst v6;
	v6 =	vadd.f32 v8, v1;
	v8 =	vld [tilespmem:s13+$0x3B0]  }
0x396: {  	v5 =	vmul.f32 $8.000000000e+00, v5;
	v11 =	vld [tilespmem:s5+$0x200];
	v13 =	vadd.f32 v13, v3;
	[tilespmem:s14+$0xFFFFFF60] =	vst v7  }
0x397: {  	s14 =	sadd.s32 $0x400, s14;
	v7 =	vld [tilespmem:s5+$0xFFFFFC00];
	v9 =	vadd.f32 v9, v3;
	v10 =	vmul.f32 $8.000000000e+00, v10;
	[tilespmem:s2+$0xFFFFFFE0] =	vst v6  }
0x398: {  	v5 =	vadd.f32 v5, v3;
	v6 =	vmul.f32 $8.000000000e+00, v12;
	[tilespmem:s14+$0x180] =	vst v13;
	v12 =	vld [tilespmem:s13+$0xFFFFFCA0]  }
0x399: {  	[tilespmem:s14+$0xFFFFFE80] =	vst v9;
	v9 =	vadd.f32 v10, v3;
	v4 =	vmul.f32 $8.000000000e+00, v4;
	v10 =	vld [tilespmem:s5+$0x310]  }
0x39a: {  	v13 =	vld [tilespmem:s5+$0xFFFFFD10];
	[tilespmem:s14+$0xFFFFFF00] =	vst v5;
	v5 =	vadd.f32 v6, v3;
	v6 =	vmul.f32 $8.000000000e+00, v8  }
0x39b: {  	v8 =	vld [tilespmem:s5+$0xFFFFFE10];
	[tilespmem:s14+$0xFFFFFF80] =	vst v9;
	v4 =	vadd.f32 v4, v3;
	v9 =	vmul.f32 $8.000000000e+00, v11  }
0x39c: {  	v7 =	vmul.f32 $8.000000000e+00, v7;
	v11 =	vld [tilespmem:s5+$0xFFFFFF10];
	[tilespmem:s14+$0x0] =	vst v5;
	v5 =	vadd.f32 v6, v0  }
0x39d: {  	v6 =	vld [tilespmem:s5+$0x10];
	[tilespmem:s14+$0x80] =	vst v4;
	v4 =	vadd.f32 v9, v3;
	v9 =	vmul.f32 $8.000000000e+00, v12  }
0x39e: {  	v7 =	vadd.f32 v7, v3;
	v12 =	vld [tilespmem:s5+$0x110];
	v10 =	vmul.f32 $8.000000000e+00, v10;
	[tilespmem:s2+$0x1F0] =	vst v5  }
0x39f: {  	v5 =	vmul.f32 $8.000000000e+00, v13;
	[tilespmem:s14+$0x100] =	vst v4;
	v4 =	vadd.f32 v9, v1;
	v9 =	vld [tilespmem:s13+$0xA0]  }
0x3a0: {  	[tilespmem:s14+$0xFFFFFE00] =	vst v7;
	v7 =	vmul.f32 $8.000000000e+00, v8;
	v8 =	vld [tilespmem:s5+$0x210];
	v10 =	vadd.f32 v10, v2  }
0x3a1: {  	v13 =	vld [tilespmem:s5+$0xFFFFFC10];
	v5 =	vadd.f32 v5, v2;
	v11 =	vmul.f32 $8.000000000e+00, v11;
	[tilespmem:s2+$0xFFFFFE60] =	vst v4  }
0x3a2: {  	v4 =	vadd.f32 v7, v2;
	v6 =	vmul.f32 $8.000000000e+00, v6;
	[tilespmem:s14+$0x190] =	vst v10;
	v7 =	vld [tilespmem:s13+$0x1A0]  }
0x3a3: {  	[tilespmem:s14+$0xFFFFFE90] =	vst v5;
	v5 =	vadd.f32 v11, v2;
	v10 =	vmul.f32 $8.000000000e+00, v12;
	v11 =	vld [tilespmem:s5+$0x320]  }
0x3a4: {  	v12 =	vld [tilespmem:s5+$0xFFFFFD20];
	[tilespmem:s14+$0xFFFFFF10] =	vst v4;
	v4 =	vadd.f32 v6, v2;
	v6 =	vmul.f32 $8.000000000e+00, v9  }
0x3a5: {  	v9 =	vld [tilespmem:s5+$0xFFFFFE20];
	[tilespmem:s14+$0xFFFFFF90] =	vst v5;
	v5 =	vadd.f32 v10, v2;
	v8 =	vmul.f32 $8.000000000e+00, v8  }
0x3a6: {  	v10 =	vmul.f32 $8.000000000e+00, v13;
	v13 =	vld [tilespmem:s5+$0xFFFFFF20];
	[tilespmem:s14+$0x10] =	vst v4;
	v4 =	vadd.f32 v6, v1  }
0x3a7: {  	v6 =	vld [tilespmem:s5+$0x20];
	[tilespmem:s14+$0x90] =	vst v5;
	v5 =	vadd.f32 v8, v2;
	v7 =	vmul.f32 $8.000000000e+00, v7  }
0x3a8: {  	v8 =	vadd.f32 v10, v2;
	v10 =	vld [tilespmem:s5+$0x120];
	v11 =	vmul.f32 $8.000000000e+00, v11;
	[tilespmem:s2+$0x60] =	vst v4  }
0x3a9: {  	v4 =	vmul.f32 $8.000000000e+00, v12;
	[tilespmem:s14+$0x110] =	vst v5;
	v5 =	vadd.f32 v7, v1;
	v7 =	vld [tilespmem:s13+$0x2A0]  }
0x3aa: {  	[tilespmem:s14+$0xFFFFFE10] =	vst v8;
	v8 =	vmul.f32 $8.000000000e+00, v9;
	v9 =	vld [tilespmem:s5+$0x220];
	v11 =	vadd.f32 v11, v1  }
0x3ab: {  	v12 =	vld [tilespmem:s5+$0xFFFFFC20];
	v4 =	vadd.f32 v4, v1;
	v13 =	vmul.f32 $8.000000000e+00, v13;
	[tilespmem:s2+$0xE0] =	vst v5  }
0x3ac: {  	v5 =	vadd.f32 v8, v1;
	v6 =	vmul.f32 $8.000000000e+00, v6;
	[tilespmem:s14+$0x1A0] =	vst v11;
	v8 =	vld [tilespmem:s13+$0xFFFFFCB0]  }
0x3ad: {  	[tilespmem:s14+$0xFFFFFEA0] =	vst v4;
	v4 =	vadd.f32 v13, v1;
	v10 =	vmul.f32 $8.000000000e+00, v10;
	v11 =	vld [tilespmem:s5+$0x330]  }
0x3ae: {  	v13 =	vld [tilespmem:s5+$0xFFFFFD30];
	[tilespmem:s14+$0xFFFFFF20] =	vst v5;
	v5 =	vadd.f32 v6, v1;
	v6 =	vmul.f32 $8.000000000e+00, v7  }
0x3af: {  	v7 =	vld [tilespmem:s5+$0xFFFFFE30];
	[tilespmem:s14+$0xFFFFFFA0] =	vst v4;
	v4 =	vadd.f32 v10, v1;
	v9 =	vmul.f32 $8.000000000e+00, v9  }
0x3b0: {  	v10 =	vmul.f32 $8.000000000e+00, v12;
	v12 =	vld [tilespmem:s5+$0xFFFFFF30];
	[tilespmem:s14+$0x20] =	vst v5;
	v5 =	vadd.f32 v6, v1  }
0x3b1: {  	v6 =	vld [tilespmem:s5+$0x30];
	[tilespmem:s14+$0xA0] =	vst v4;
	v4 =	vadd.f32 v9, v1;
	v8 =	vmul.f32 $8.000000000e+00, v8  }
0x3b2: {  	v9 =	vadd.f32 v10, v1;
	v10 =	vld [tilespmem:s5+$0x130];
	v11 =	vmul.f32 $8.000000000e+00, v11;
	[tilespmem:s2+$0x160] =	vst v5  }
0x3b3: {  	v5 =	vmul.f32 $8.000000000e+00, v13;
	[tilespmem:s14+$0x120] =	vst v4;
	v4 =	vadd.f32 v8, v0;
	v8 =	vld [tilespmem:s13+$0xFFFFFDB0]  }
0x3b4: {  	[tilespmem:s14+$0xFFFFFE20] =	vst v9;
	v7 =	vmul.f32 $8.000000000e+00, v7;
	v9 =	vld [tilespmem:s5+$0x230];
	v11 =	vadd.f32 v11, v0  }
0x3b5: {  	v13 =	vld [tilespmem:s5+$0xFFFFFC30];
	v5 =	vadd.f32 v5, v0;
	v12 =	vmul.f32 $8.000000000e+00, v12;
	[tilespmem:s2+$0xFFFFFE70] =	vst v4  }
0x3b6: {  	v4 =	vadd.f32 v7, v0;
	v6 =	vmul.f32 $8.000000000e+00, v6;
	[tilespmem:s14+$0x1B0] =	vst v11;
	v7 =	vld [tilespmem:s13+$0xFFFFFEB0]  }
0x3b7: {  	[tilespmem:s14+$0xFFFFFEB0] =	vst v5;
	v5 =	vadd.f32 v12, v0;
	v10 =	vmul.f32 $8.000000000e+00, v10;
	v11 =	vld [tilespmem:s5+$0x380]  }
0x3b8: {  	v12 =	vld [tilespmem:s5+$0xFFFFFD80];
	[tilespmem:s14+$0xFFFFFF30] =	vst v4;
	v4 =	vadd.f32 v6, v0;
	v6 =	vmul.f32 $8.000000000e+00, v8  }
0x3b9: {  	v8 =	vld [tilespmem:s5+$0xFFFFFE80];
	[tilespmem:s14+$0xFFFFFFB0] =	vst v5;
	v5 =	vadd.f32 v10, v0;
	v9 =	vmul.f32 $8.000000000e+00, v9  }
0x3ba: {  	v10 =	vmul.f32 $8.000000000e+00, v13;
	v13 =	vld [tilespmem:s5+$0xFFFFFF80];
	[tilespmem:s14+$0x30] =	vst v4;
	v4 =	vadd.f32 v6, v0  }
0x3bb: {  	v6 =	vld [tilespmem:s5+$0x80];
	[tilespmem:s14+$0xB0] =	vst v5;
	v5 =	vadd.f32 v9, v0;
	v7 =	vmul.f32 $8.000000000e+00, v7  }
0x3bc: {  	v9 =	vadd.f32 v10, v0;
	v10 =	vld [tilespmem:s5+$0x180];
	v11 =	vmul.f32 $8.000000000e+00, v11;
	[tilespmem:s2+$0xFFFFFEF0] =	vst v4  }
0x3bd: {  	v4 =	vmul.f32 $8.000000000e+00, v12;
	[tilespmem:s14+$0x130] =	vst v5;
	v5 =	vadd.f32 v7, v0;
	v7 =	vld [tilespmem:s13+$0xFFFFFFB0]  }
0x3be: {  	[tilespmem:s14+$0xFFFFFE30] =	vst v9;
	v8 =	vmul.f32 $8.000000000e+00, v8;
	v9 =	vld [tilespmem:s5+$0x280];
	v11 =	vadd.f32 v11, v3  }
0x3bf: {  	v12 =	vld [tilespmem:s5+$0xFFFFFC80];
	v4 =	vadd.f32 v4, v3;
	v13 =	vmul.f32 $8.000000000e+00, v13;
	[tilespmem:s2+$0xFFFFFF70] =	vst v5  }
0x3c0: {  	v5 =	vadd.f32 v8, v3;
	v6 =	vmul.f32 $8.000000000e+00, v6;
	[tilespmem:s14+$0x1C0] =	vst v11;
	v8 =	vld [tilespmem:s13+$0xB0]  }
0x3c1: {  	[tilespmem:s14+$0xFFFFFEC0] =	vst v4;
	v4 =	vadd.f32 v13, v3;
	v10 =	vmul.f32 $8.000000000e+00, v10;
	v11 =	vld [tilespmem:s5+$0x390]  }
0x3c2: {  	v13 =	vld [tilespmem:s5+$0xFFFFFD90];
	[tilespmem:s14+$0xFFFFFF40] =	vst v5;
	v5 =	vadd.f32 v6, v3;
	v6 =	vmul.f32 $8.000000000e+00, v7  }
0x3c3: {  	v7 =	vld [tilespmem:s5+$0xFFFFFE90];
	[tilespmem:s14+$0xFFFFFFC0] =	vst v4;
	v4 =	vadd.f32 v10, v3;
	v9 =	vmul.f32 $8.000000000e+00, v9  }
0x3c4: {  	v10 =	vmul.f32 $8.000000000e+00, v12;
	v12 =	vld [tilespmem:s5+$0xFFFFFF90];
	[tilespmem:s14+$0x40] =	vst v5;
	v5 =	vadd.f32 v6, v0  }
0x3c5: {  	v6 =	vld [tilespmem:s5+$0x90];
	[tilespmem:s14+$0xC0] =	vst v4;
	v4 =	vadd.f32 v9, v3;
	v8 =	vmul.f32 $8.000000000e+00, v8  }
0x3c6: {  	v9 =	vadd.f32 v10, v3;
	v10 =	vld [tilespmem:s5+$0x190];
	v11 =	vmul.f32 $8.000000000e+00, v11;
	[tilespmem:s2+$0xFFFFFFF0] =	vst v5  }
0x3c7: {  	v5 =	vmul.f32 $8.000000000e+00, v13;
	[tilespmem:s14+$0x140] =	vst v4;
	v4 =	vadd.f32 v8, v0;
	v8 =	vld [tilespmem:s13+$0x1B0]  }
0x3c8: {  	[tilespmem:s14+$0xFFFFFE40] =	vst v9;
	v7 =	vmul.f32 $8.000000000e+00, v7;
	v13 =	vld [tilespmem:s5+$0x290];
	v9 =	vadd.f32 v11, v2  }
0x3c9: {  	v14 =	vld [tilespmem:s5+$0xFFFFFC90];
	v5 =	vadd.f32 v5, v2;
	v11 =	vmul.f32 $8.000000000e+00, v12;
	[tilespmem:s2+$0x70] =	vst v4  }
.Ltmp3:
0x3ca: {  	v7 =	vadd.f32 v7, v2;
	v12 =	vmul.f32 $8.000000000e+00, v6;
	[tilespmem:s14+$0x1D0] =	vst v9;
	v4 =	vld [tilespmem:s13+$0x2B0];
	s13 =	smov.u32 s5;
	(pc) =	sbr.rel @p0 .LBB2_9-.Ltmp3, $4  }
0x3cb: {  	[tilespmem:s14+$0xFFFFFED0] =	vst v5;
	v5 =	vadd.f32 v11, v2;
	v10 =	vmul.f32 $8.000000000e+00, v10;
	v9 =	vld [tilespmem:s5+$0x3A0]  }
0x3cc: {  	v6 =	vld [tilespmem:s5+$0xFFFFFDA0];
	[tilespmem:s14+$0xFFFFFF50] =	vst v7;
	v15 =	vadd.f32 v12, v2;
	v16 =	vmul.f32 $8.000000000e+00, v8  }
0x3cd: {  	v7 =	vld [tilespmem:s5+$0xFFFFFEA0];
	[tilespmem:s14+$0xFFFFFFD0] =	vst v5;
	v10 =	vadd.f32 v10, v2;
	v11 =	vmul.f32 $8.000000000e+00, v13  }
0x3ce: {  	s5 =	sadd.s32 $0x800, s5;
	v12 =	vmul.f32 $8.000000000e+00, v14;
	v8 =	vld [tilespmem:s13+$0xFFFFFFA0];
	[tilespmem:s14+$0x50] =	vst v15;
	v5 =	vadd.f32 v16, v0  }
0x3cf: {  	v40 =	vadd.f32 v11, v2  }
0x3d0: {  	v3 =	vadd.f32 v12, v2  }
0x3d1: {  	[tilespmem:s14+$0x150] =	vst v40  }
0x3d2: {  	[tilespmem:s14+$0xFFFFFE50] =	vst v3;
	v44 =	vld [tilespmem:s13+$0x2A0]  }
0x3d3: {  	[tilespmem:s14+$0xD0] =	vst v10;
	v9 =	vmul.f32 $8.000000000e+00, v9;
	v3 =	vld [tilespmem:s13+$0xFFFFFCA0]  }
0x3d4: {  	v43 =	vld [tilespmem:s13+$0x1A0];
	v6 =	vmul.f32 $8.000000000e+00, v6  }
0x3d5: {  	v41 =	vld [tilespmem:s13+$0xA0];
	v9 =	vadd.f32 v9, v1;
	v7 =	vmul.f32 $8.000000000e+00, v7  }
0x3d6: {  	v6 =	vadd.f32 v6, v1;
	v8 =	vmul.f32 $8.000000000e+00, v8  }
0x3d7: {  	[tilespmem:s14+$0x1E0] =	vst v9;
	v7 =	vadd.f32 v7, v1;
	v48 =	vmul.f32 $8.000000000e+00, v44  }
0x3d8: {  	v9 =	vld [tilespmem:s13+$0x3B0];
	[tilespmem:s14+$0xFFFFFEE0] =	vst v6;
	v46 =	vadd.f32 v8, v1;
	v42 =	vmul.f32 $8.000000000e+00, v3  }
0x3d9: {  	[tilespmem:s14+$0xFFFFFF60] =	vst v7;
	v49 =	vld [tilespmem:s13+$0xFFFFFDB0];
	v3 =	vmul.f32 $8.000000000e+00, v43;
	v51 =	vadd.f32 v48, v1  }
0x3da: {  	v45 =	vmul.f32 $8.000000000e+00, v41;
	[tilespmem:s14+$0xFFFFFFE0] =	vst v46;
	v50 =	vld [tilespmem:s13+$0xFFFFFEB0];
	v2 =	vadd.f32 v42, v1  }
0x3db: {  	v52 =	vld [tilespmem:s13+$0xFFFFFFB0];
	v3 =	vadd.f32 v3, v1;
	[tilespmem:s14+$0x160] =	vst v51  }
0x3dc: {  	v4 =	vmul.f32 $8.000000000e+00, v4;
	[tilespmem:s14+$0xFFFFFE60] =	vst v2;
	v2 =	vadd.f32 v45, v1;
	v58 =	vld [tilespmem:s13+$0x2B0]  }
0x3dd: {  	v53 =	vmul.f32 $8.000000000e+00, v9;
	[tilespmem:s14+$0xE0] =	vst v3;
	v47 =	vld [tilespmem:s13+$0xFFFFFCB0]  }
0x3de: {  	v4 =	vadd.f32 v4, v0;
	v57 =	vmul.f32 $8.000000000e+00, v49;
	v55 =	vld [tilespmem:s13+$0x1B0];
	[tilespmem:s14+$0x60] =	vst v2  }
0x3df: {  	[tilespmem:s2+$0xF0] =	vst v5;
	v56 =	vadd.f32 v53, v0;
	v6 =	vmul.f32 $8.000000000e+00, v50;
	v54 =	vld [tilespmem:s13+$0xB0]  }
0x3e0: {  	[tilespmem:s2+$0x170] =	vst v4;
	v60 =	vadd.f32 v57, v0;
	v2 =	vmul.f32 $8.000000000e+00, v52  }
0x3e1: {  	[tilespmem:s14+$0x1F0] =	vst v56;
	v61 =	vadd.f32 v6, v0;
	v62 =	vmul.f32 $8.000000000e+00, v58  }
0x3e2: {  	[tilespmem:s14+$0xFFFFFEF0] =	vst v60;
	v2 =	vadd.f32 v2, v0;
	v8 =	vmul.f32 $8.000000000e+00, v47  }
0x3e3: {  	[tilespmem:s14+$0xFFFFFF70] =	vst v61;
	v1 =	vmul.f32 $8.000000000e+00, v55;
	v63 =	vadd.f32 v62, v0  }
0x3e4: {  	[tilespmem:s14+$0xFFFFFFF0] =	vst v2;
	v59 =	vadd.f32 v8, v0;
	v3 =	vmul.f32 $8.000000000e+00, v54  }
0x3e5: {  	s0 =	sshll.u32 s0, $0x12;
	v1 =	vadd.f32 v1, v0;
	[tilespmem:s14+$0x170] =	vst v63  }
0x3e6: {  	s0 =	sor.u32 s8, s0;
	[tilespmem:s14+$0xFFFFFE70] =	vst v59;
	v3 =	vadd.f32 v3, v0  }
0x3e7: {  	s0 =	sshrl.u32 s0, $0x3;
	[tilespmem:s14+$0xF0] =	vst v1  }
0x3e8: {  	s0 =	sadd.s32 s1, s0;
	[tilespmem:s14+$0x70] =	vst v3  }
0x3e9: {  	[hbm4b:s0+s3] =	stream.linear.scatter [tilespmem:s25], [sflag:$0x4], $0x2000, $0x38;
	[tilespmem:$0x18900] =	vst v63  }
0x3ea: {  	v0 =	vld [tilespmem:s31+$0x180];
	_ =	sdelay $0x4  }
0x3eb: {  	[tilespmem:$0xC880] =	vst v0  }
0x3ec: {  	v0 =	vld [tilespmem:s31+$0x190];
	_ =	sdelay $0x4  }
0x3ed: {  	[tilespmem:$0xC890] =	vst v0  }
0x3ee: {  	v0 =	vld [tilespmem:s31+$0x1A0];
	_ =	sdelay $0x4  }
0x3ef: {  	[tilespmem:$0xC8A0] =	vst v0  }
0x3f0: {  	v0 =	vld [tilespmem:s31+$0x1B0];
	_ =	sdelay $0x4  }
0x3f1: {  	[tilespmem:$0xC8B0] =	vst v0  }
0x3f2: {  	v0 =	vld [tilespmem:s31+$0x1C0];
	_ =	sdelay $0x4  }
0x3f3: {  	[tilespmem:$0xC8C0] =	vst v0  }
0x3f4: {  	v0 =	vld [tilespmem:s31+$0x1D0];
	_ =	sdelay $0x4  }
0x3f5: {  	[tilespmem:$0xC8D0] =	vst v0  }
0x3f6: {  	v0 =	vld [tilespmem:s31+$0x1E0];
	_ =	sdelay $0x4  }
0x3f7: {  	[tilespmem:$0xC8E0] =	vst v0  }
0x3f8: {  	s30 =	sadd.s32 $0x1, s30;
	v0 =	vld [tilespmem:s31+$0x1F0]  }
0x3f9: {  	p0 =	sne.s32 s30, $0x63  }
.Ltmp4:
0x3fa: {  	_ = 	snop;
	(pc) =	sbr.rel @p0 .LBB2_6-.Ltmp4, $3  }
0x3fb: {  	_ =	sdelay $0x1  }
0x3fc: {  	[tilespmem:$0xC8F0] =	vst v0  }
0x3fd: {  	[tilespmem:s21], [sflag:$0x2] =	stream.indirect.gather [hbm4b:s4+s17], $0x80, s20, s17, $0xb8;
	[tilespmem:$0x18900] =	vst v63  }
0x3fe: {  	_ =	swait.ge [sflag:s22], $0x4000  }
0x3ff: {  	[sflag:s22] =	ssyncset.done $0x0  }
0x400: {  	[sflag:s22] =	ssyncadd.s32 $0xFFFFC000  }
0x401: {  	_ =	swait.ge [sflag:s26], $0x2000  }
0x402: {  	[sflag:s26] =	ssyncset.done $0x0  }
0x403: {  	[sflag:s26] =	ssyncadd.s32 $0xFFFFE000  }
0x404: {  	v3 =	vld [tilespmem:$0xC700]  }
0x405: {  	s14 =	simm.s32 $0xCD00;
	v2 =	vld [tilespmem:$0xC710]  }
0x406: {  	v4 =	vld [tilespmem:s14+$0x300]  }
0x407: {  	v5 =	vld [tilespmem:s14+$0xFFFFFD00]  }
0x408: {  	v6 =	vld [tilespmem:s14+$0xFFFFFE00]  }
0x409: {  	v7 =	vld [tilespmem:s14+$0xFFFFFF00]  }
0x40a: {  	v1 =	vld [tilespmem:$0xC720]  }
0x40b: {  	v0 =	vld [tilespmem:$0xC730];
	v4 =	vmul.f32 $8.000000000e+00, v4  }
0x40c: {  	v8 =	vld [tilespmem:s14+$0x0];
	v5 =	vmul.f32 $8.000000000e+00, v5  }
0x40d: {  	v9 =	vld [tilespmem:s14+$0x100];
	v6 =	vmul.f32 $8.000000000e+00, v6;
	v4 =	vadd.f32 v4, v3  }
0x40e: {  	s0 =	simm.s32 $0x14B00;
	v10 =	vld [tilespmem:s14+$0x200];
	v7 =	vmul.f32 $8.000000000e+00, v7;
	v5 =	vadd.f32 v5, v3  }
0x40f: {  	v11 =	vld [tilespmem:s14+$0xFFFFFC00];
	v6 =	vadd.f32 v6, v3;
	[tilespmem:s0+$0x180] =	vst v4  }
0x410: {  	[tilespmem:s0+$0xFFFFFE80] =	vst v5;
	v4 =	vadd.f32 v7, v3;
	v5 =	vld [tilespmem:s14+$0x310]  }
0x411: {  	v7 =	vmul.f32 $8.000000000e+00, v8;
	[tilespmem:s0+$0xFFFFFF00] =	vst v6;
	v8 =	vld [tilespmem:s14+$0xFFFFFD10]  }
0x412: {  	v6 =	vmul.f32 $8.000000000e+00, v9;
	v9 =	vld [tilespmem:s14+$0xFFFFFE10];
	[tilespmem:s0+$0xFFFFFF80] =	vst v4  }
0x413: {  	v4 =	vadd.f32 v7, v3;
	v7 =	vmul.f32 $8.000000000e+00, v10;
	v10 =	vld [tilespmem:s14+$0xFFFFFF10]  }
0x414: {  	v11 =	vmul.f32 $8.000000000e+00, v11;
	v6 =	vadd.f32 v6, v3  }
0x415: {  	[tilespmem:s0+$0x0] =	vst v4;
	v4 =	vadd.f32 v7, v3;
	v5 =	vmul.f32 $8.000000000e+00, v5  }
0x416: {  	[tilespmem:s0+$0x80] =	vst v6;
	v6 =	vadd.f32 v11, v3;
	v7 =	vld [tilespmem:s14+$0x10];
	v8 =	vmul.f32 $8.000000000e+00, v8  }
0x417: {  	v11 =	vld [tilespmem:s14+$0x110];
	[tilespmem:s0+$0x100] =	vst v4;
	v4 =	vmul.f32 $8.000000000e+00, v9;
	v5 =	vadd.f32 v5, v2  }
0x418: {  	[tilespmem:s0+$0xFFFFFE00] =	vst v6;
	v6 =	vld [tilespmem:s14+$0x210];
	v8 =	vadd.f32 v8, v2;
	v9 =	vmul.f32 $8.000000000e+00, v10  }
0x419: {  	v10 =	vld [tilespmem:s14+$0xFFFFFC10];
	v4 =	vadd.f32 v4, v2;
	[tilespmem:s0+$0x190] =	vst v5  }
0x41a: {  	[tilespmem:s0+$0xFFFFFE90] =	vst v8;
	v5 =	vadd.f32 v9, v2;
	v8 =	vld [tilespmem:s14+$0x320]  }
0x41b: {  	v7 =	vmul.f32 $8.000000000e+00, v7;
	[tilespmem:s0+$0xFFFFFF10] =	vst v4;
	v9 =	vld [tilespmem:s14+$0xFFFFFD20]  }
0x41c: {  	v4 =	vmul.f32 $8.000000000e+00, v11;
	v11 =	vld [tilespmem:s14+$0xFFFFFE20];
	[tilespmem:s0+$0xFFFFFF90] =	vst v5  }
0x41d: {  	v5 =	vadd.f32 v7, v2;
	v6 =	vmul.f32 $8.000000000e+00, v6;
	v7 =	vld [tilespmem:s14+$0xFFFFFF20]  }
0x41e: {  	v4 =	vadd.f32 v4, v2;
	v10 =	vmul.f32 $8.000000000e+00, v10  }
0x41f: {  	[tilespmem:s0+$0x10] =	vst v5;
	v5 =	vadd.f32 v6, v2;
	v6 =	vmul.f32 $8.000000000e+00, v8  }
0x420: {  	[tilespmem:s0+$0x90] =	vst v4;
	v4 =	vadd.f32 v10, v2;
	v8 =	vld [tilespmem:s14+$0x20];
	v9 =	vmul.f32 $8.000000000e+00, v9  }
0x421: {  	v10 =	vld [tilespmem:s14+$0x120];
	[tilespmem:s0+$0x110] =	vst v5;
	v5 =	vmul.f32 $8.000000000e+00, v11;
	v6 =	vadd.f32 v6, v1  }
0x422: {  	[tilespmem:s0+$0xFFFFFE10] =	vst v4;
	v4 =	vld [tilespmem:s14+$0x220];
	v9 =	vadd.f32 v9, v1;
	v7 =	vmul.f32 $8.000000000e+00, v7  }
0x423: {  	v11 =	vld [tilespmem:s14+$0xFFFFFC20];
	v5 =	vadd.f32 v5, v1;
	[tilespmem:s0+$0x1A0] =	vst v6  }
0x424: {  	[tilespmem:s0+$0xFFFFFEA0] =	vst v9;
	v6 =	vadd.f32 v7, v1;
	v7 =	vld [tilespmem:s14+$0x330]  }
0x425: {  	[tilespmem:s0+$0xFFFFFF20] =	vst v5;
	v8 =	vmul.f32 $8.000000000e+00, v8;
	v9 =	vld [tilespmem:s14+$0xFFFFFD30]  }
0x426: {  	v5 =	vmul.f32 $8.000000000e+00, v10;
	v10 =	vld [tilespmem:s14+$0xFFFFFE30];
	[tilespmem:s0+$0xFFFFFFA0] =	vst v6  }
0x427: {  	v4 =	vmul.f32 $8.000000000e+00, v4;
	v6 =	vadd.f32 v8, v1;
	v8 =	vld [tilespmem:s14+$0xFFFFFF30]  }
0x428: {  	v5 =	vadd.f32 v5, v1;
	v11 =	vmul.f32 $8.000000000e+00, v11  }
0x429: {  	v4 =	vadd.f32 v4, v1;
	[tilespmem:s0+$0x20] =	vst v6;
	v6 =	vmul.f32 $8.000000000e+00, v7  }
0x42a: {  	[tilespmem:s0+$0xA0] =	vst v5;
	v5 =	vadd.f32 v11, v1;
	v7 =	vld [tilespmem:s14+$0x30];
	v9 =	vmul.f32 $8.000000000e+00, v9  }
0x42b: {  	v11 =	vld [tilespmem:s14+$0x130];
	[tilespmem:s0+$0x120] =	vst v4;
	v4 =	vmul.f32 $8.000000000e+00, v10;
	v6 =	vadd.f32 v6, v0  }
0x42c: {  	[tilespmem:s0+$0xFFFFFE20] =	vst v5;
	v5 =	vld [tilespmem:s14+$0x230];
	v9 =	vadd.f32 v9, v0;
	v8 =	vmul.f32 $8.000000000e+00, v8  }
0x42d: {  	v10 =	vld [tilespmem:s14+$0xFFFFFC30];
	v4 =	vadd.f32 v4, v0;
	[tilespmem:s0+$0x1B0] =	vst v6  }
0x42e: {  	[tilespmem:s0+$0xFFFFFEB0] =	vst v9;
	v6 =	vadd.f32 v8, v0;
	v8 =	vld [tilespmem:s14+$0x380]  }
0x42f: {  	[tilespmem:s0+$0xFFFFFF30] =	vst v4;
	v7 =	vmul.f32 $8.000000000e+00, v7;
	v9 =	vld [tilespmem:s14+$0xFFFFFD80]  }
0x430: {  	v4 =	vmul.f32 $8.000000000e+00, v11;
	v11 =	vld [tilespmem:s14+$0xFFFFFE80];
	[tilespmem:s0+$0xFFFFFFB0] =	vst v6  }
0x431: {  	v5 =	vmul.f32 $8.000000000e+00, v5;
	v6 =	vadd.f32 v7, v0;
	v7 =	vld [tilespmem:s14+$0xFFFFFF80]  }
0x432: {  	v4 =	vadd.f32 v4, v0;
	v10 =	vmul.f32 $8.000000000e+00, v10  }
0x433: {  	v5 =	vadd.f32 v5, v0;
	[tilespmem:s0+$0x30] =	vst v6;
	v6 =	vmul.f32 $8.000000000e+00, v8  }
0x434: {  	[tilespmem:s0+$0xB0] =	vst v4;
	v4 =	vadd.f32 v10, v0;
	v8 =	vld [tilespmem:s14+$0x80];
	v9 =	vmul.f32 $8.000000000e+00, v9  }
0x435: {  	v10 =	vld [tilespmem:s14+$0x180];
	[tilespmem:s0+$0x130] =	vst v5;
	v5 =	vmul.f32 $8.000000000e+00, v11;
	v6 =	vadd.f32 v6, v3  }
0x436: {  	[tilespmem:s0+$0xFFFFFE30] =	vst v4;
	v4 =	vld [tilespmem:s14+$0x280];
	v9 =	vadd.f32 v9, v3;
	v7 =	vmul.f32 $8.000000000e+00, v7  }
0x437: {  	v11 =	vld [tilespmem:s14+$0xFFFFFC80];
	v5 =	vadd.f32 v5, v3;
	[tilespmem:s0+$0x1C0] =	vst v6  }
0x438: {  	[tilespmem:s0+$0xFFFFFEC0] =	vst v9;
	v6 =	vadd.f32 v7, v3;
	v7 =	vld [tilespmem:s14+$0x390]  }
0x439: {  	[tilespmem:s0+$0xFFFFFF40] =	vst v5;
	v8 =	vmul.f32 $8.000000000e+00, v8;
	v9 =	vld [tilespmem:s14+$0xFFFFFD90]  }
0x43a: {  	v5 =	vmul.f32 $8.000000000e+00, v10;
	v10 =	vld [tilespmem:s14+$0xFFFFFE90];
	[tilespmem:s0+$0xFFFFFFC0] =	vst v6  }
0x43b: {  	v4 =	vmul.f32 $8.000000000e+00, v4;
	v6 =	vadd.f32 v8, v3;
	v8 =	vld [tilespmem:s14+$0xFFFFFF90]  }
0x43c: {  	s2 =	simm.s32 $0xD500;
	v5 =	vadd.f32 v5, v3;
	v11 =	vmul.f32 $8.000000000e+00, v11  }
0x43d: {  	v12 =	vld [tilespmem:s2+$0x300];
	v4 =	vadd.f32 v4, v3;
	[tilespmem:s0+$0x40] =	vst v6;
	v6 =	vmul.f32 $8.000000000e+00, v7  }
0x43e: {  	[tilespmem:s0+$0xC0] =	vst v5;
	v5 =	vadd.f32 v11, v3;
	v7 =	vld [tilespmem:s14+$0x90]  }
0x43f: {  	v11 =	vld [tilespmem:s14+$0x190];
	v9 =	vmul.f32 $8.000000000e+00, v9;
	[tilespmem:s0+$0x140] =	vst v4;
	v6 =	vadd.f32 v6, v2  }
0x440: {  	v4 =	vmul.f32 $8.000000000e+00, v10;
	[tilespmem:s0+$0xFFFFFE40] =	vst v5;
	v5 =	vld [tilespmem:s14+$0x290];
	v8 =	vmul.f32 $8.000000000e+00, v8  }
0x441: {  	v9 =	vadd.f32 v9, v2;
	v10 =	vld [tilespmem:s14+$0xFFFFFC90];
	[tilespmem:s0+$0x1D0] =	vst v6  }
0x442: {  	v12 =	vmul.f32 $8.000000000e+00, v12;
	v4 =	vadd.f32 v4, v2;
	v6 =	vadd.f32 v8, v2;
	v8 =	vld [tilespmem:s14+$0x3A0]  }
0x443: {  	v13 =	vld [tilespmem:s2+$0x100];
	[tilespmem:s0+$0xFFFFFED0] =	vst v9;
	v7 =	vmul.f32 $8.000000000e+00, v7  }
0x444: {  	v12 =	vadd.f32 v12, v3;
	[tilespmem:s0+$0xFFFFFF50] =	vst v4;
	v4 =	vmul.f32 $8.000000000e+00, v11;
	v9 =	vld [tilespmem:s14+$0xFFFFFDA0]  }
0x445: {  	s13 =	simm.s32 $0x14F00;
	v11 =	vld [tilespmem:s14+$0xFFFFFEA0];
	[tilespmem:s0+$0xFFFFFFD0] =	vst v6;
	v5 =	vmul.f32 $8.000000000e+00, v5;
	v6 =	vadd.f32 v7, v2  }
0x446: {  	[tilespmem:s13+$0x180] =	vst v12;
	v4 =	vadd.f32 v4, v2;
	v7 =	vld [tilespmem:s14+$0xFFFFFFA0];
	v10 =	vmul.f32 $8.000000000e+00, v10  }
0x447: {  	v5 =	vadd.f32 v5, v2;
	[tilespmem:s0+$0x50] =	vst v6;
	v6 =	vld [tilespmem:s2+$0xFFFFFD00];
	v8 =	vmul.f32 $8.000000000e+00, v8  }
0x448: {  	[tilespmem:s0+$0xD0] =	vst v4;
	v4 =	vadd.f32 v10, v2;
	v10 =	vld [tilespmem:s2+$0xFFFFFE00]  }
0x449: {  	v9 =	vmul.f32 $8.000000000e+00, v9;
	[tilespmem:s0+$0x150] =	vst v5;
	v5 =	vld [tilespmem:s2+$0xFFFFFF00];
	v8 =	vadd.f32 v8, v1  }
0x44a: {  	v11 =	vmul.f32 $8.000000000e+00, v11;
	[tilespmem:s0+$0xFFFFFE50] =	vst v4;
	v4 =	vld [tilespmem:s2+$0x0]  }
0x44b: {  	v12 =	vld [tilespmem:s2+$0x310];
	v9 =	vadd.f32 v9, v1;
	v7 =	vmul.f32 $8.000000000e+00, v7;
	[tilespmem:s0+$0x1E0] =	vst v8  }
0x44c: {  	v11 =	vadd.f32 v11, v1;
	v6 =	vmul.f32 $8.000000000e+00, v6;
	v8 =	vld [tilespmem:s14+$0x3B0]  }
0x44d: {  	[tilespmem:s0+$0xFFFFFEE0] =	vst v9;
	v7 =	vadd.f32 v7, v1;
	v9 =	vmul.f32 $8.000000000e+00, v10;
	v10 =	vld [tilespmem:s2+$0x200]  }
0x44e: {  	[tilespmem:s0+$0xFFFFFF60] =	vst v11;
	v11 =	vld [tilespmem:s2+$0xFFFFFC00];
	v5 =	vmul.f32 $8.000000000e+00, v5;
	v6 =	vadd.f32 v6, v3  }
0x44f: {  	[tilespmem:s0+$0xFFFFFFE0] =	vst v7;
	v7 =	vadd.f32 v9, v3;
	v4 =	vmul.f32 $8.000000000e+00, v4;
	v9 =	vld [tilespmem:s14+$0xFFFFFCA0]  }
0x450: {  	v5 =	vadd.f32 v5, v3;
	[tilespmem:s13+$0xFFFFFE80] =	vst v6;
	v6 =	vmul.f32 $8.000000000e+00, v13  }
0x451: {  	[tilespmem:s13+$0xFFFFFF00] =	vst v7;
	v4 =	vadd.f32 v4, v3;
	v13 =	vld [tilespmem:s2+$0xFFFFFD10];
	v7 =	vmul.f32 $8.000000000e+00, v8  }
0x452: {  	[tilespmem:s13+$0xFFFFFF80] =	vst v5;
	v8 =	vld [tilespmem:s2+$0xFFFFFE10];
	v5 =	vadd.f32 v6, v3;
	v6 =	vmul.f32 $8.000000000e+00, v10  }
0x453: {  	v10 =	vmul.f32 $8.000000000e+00, v11;
	v11 =	vld [tilespmem:s2+$0xFFFFFF10];
	[tilespmem:s13+$0x0] =	vst v4;
	v4 =	vadd.f32 v7, v0  }
0x454: {  	v12 =	vmul.f32 $8.000000000e+00, v12;
	v7 =	vld [tilespmem:s2+$0x10];
	[tilespmem:s13+$0x80] =	vst v5;
	v5 =	vadd.f32 v6, v3;
	v6 =	vmul.f32 $8.000000000e+00, v9  }
0x455: {  	v9 =	vadd.f32 v10, v3;
	v10 =	vld [tilespmem:s2+$0x110];
	[tilespmem:s0+$0x1F0] =	vst v4  }
0x456: {  	v12 =	vadd.f32 v12, v2;
	v4 =	vmul.f32 $8.000000000e+00, v13;
	[tilespmem:s13+$0x100] =	vst v5;
	v5 =	vadd.f32 v6, v1;
	v6 =	vld [tilespmem:s14+$0xA0]  }
0x457: {  	[tilespmem:s13+$0xFFFFFE00] =	vst v9;
	v8 =	vmul.f32 $8.000000000e+00, v8;
	v9 =	vld [tilespmem:s2+$0x210]  }
0x458: {  	[tilespmem:s13+$0x190] =	vst v12;
	v13 =	vld [tilespmem:s2+$0xFFFFFC10];
	v11 =	vmul.f32 $8.000000000e+00, v11;
	v4 =	vadd.f32 v4, v2  }
0x459: {  	[tilespmem:s0+$0xFFFFFE60] =	vst v5;
	v5 =	vadd.f32 v8, v2;
	v7 =	vmul.f32 $8.000000000e+00, v7;
	v8 =	vld [tilespmem:s14+$0x1A0]  }
0x45a: {  	[tilespmem:s13+$0xFFFFFE90] =	vst v4;
	v4 =	vadd.f32 v11, v2;
	v10 =	vmul.f32 $8.000000000e+00, v10;
	v11 =	vld [tilespmem:s2+$0x320]  }
0x45b: {  	v12 =	vld [tilespmem:s2+$0xFFFFFD20];
	[tilespmem:s13+$0xFFFFFF10] =	vst v5;
	v5 =	vadd.f32 v7, v2;
	v6 =	vmul.f32 $8.000000000e+00, v6  }
0x45c: {  	v7 =	vld [tilespmem:s2+$0xFFFFFE20];
	[tilespmem:s13+$0xFFFFFF90] =	vst v4;
	v4 =	vadd.f32 v10, v2;
	v9 =	vmul.f32 $8.000000000e+00, v9  }
0x45d: {  	v10 =	vmul.f32 $8.000000000e+00, v13;
	v13 =	vld [tilespmem:s2+$0xFFFFFF20];
	[tilespmem:s13+$0x10] =	vst v5;
	v5 =	vadd.f32 v6, v1  }
0x45e: {  	v6 =	vld [tilespmem:s2+$0x20];
	[tilespmem:s13+$0x90] =	vst v4;
	v4 =	vadd.f32 v9, v2;
	v8 =	vmul.f32 $8.000000000e+00, v8  }
0x45f: {  	v9 =	vadd.f32 v10, v2;
	v10 =	vld [tilespmem:s2+$0x120];
	v11 =	vmul.f32 $8.000000000e+00, v11;
	[tilespmem:s0+$0x60] =	vst v5  }
0x460: {  	v5 =	vmul.f32 $8.000000000e+00, v12;
	[tilespmem:s13+$0x110] =	vst v4;
	v4 =	vadd.f32 v8, v1;
	v8 =	vld [tilespmem:s14+$0x2A0]  }
0x461: {  	[tilespmem:s13+$0xFFFFFE10] =	vst v9;
	v7 =	vmul.f32 $8.000000000e+00, v7;
	v9 =	vld [tilespmem:s2+$0x220];
	v11 =	vadd.f32 v11, v1  }
0x462: {  	v12 =	vld [tilespmem:s2+$0xFFFFFC20];
	v5 =	vadd.f32 v5, v1;
	v13 =	vmul.f32 $8.000000000e+00, v13;
	[tilespmem:s0+$0xE0] =	vst v4  }
0x463: {  	v4 =	vadd.f32 v7, v1;
	v6 =	vmul.f32 $8.000000000e+00, v6;
	[tilespmem:s13+$0x1A0] =	vst v11;
	v7 =	vld [tilespmem:s14+$0xFFFFFCB0]  }
0x464: {  	[tilespmem:s13+$0xFFFFFEA0] =	vst v5;
	v5 =	vadd.f32 v13, v1;
	v10 =	vmul.f32 $8.000000000e+00, v10;
	v11 =	vld [tilespmem:s2+$0x330]  }
0x465: {  	v13 =	vld [tilespmem:s2+$0xFFFFFD30];
	[tilespmem:s13+$0xFFFFFF20] =	vst v4;
	v4 =	vadd.f32 v6, v1;
	v6 =	vmul.f32 $8.000000000e+00, v8  }
0x466: {  	v8 =	vld [tilespmem:s2+$0xFFFFFE30];
	[tilespmem:s13+$0xFFFFFFA0] =	vst v5;
	v5 =	vadd.f32 v10, v1;
	v9 =	vmul.f32 $8.000000000e+00, v9  }
0x467: {  	v10 =	vmul.f32 $8.000000000e+00, v12;
	v12 =	vld [tilespmem:s2+$0xFFFFFF30];
	[tilespmem:s13+$0x20] =	vst v4;
	v4 =	vadd.f32 v6, v1  }
0x468: {  	v6 =	vld [tilespmem:s2+$0x30];
	[tilespmem:s13+$0xA0] =	vst v5;
	v5 =	vadd.f32 v9, v1;
	v7 =	vmul.f32 $8.000000000e+00, v7  }
0x469: {  	v9 =	vadd.f32 v10, v1;
	v10 =	vld [tilespmem:s2+$0x130];
	v11 =	vmul.f32 $8.000000000e+00, v11;
	[tilespmem:s0+$0x160] =	vst v4  }
0x46a: {  	v4 =	vmul.f32 $8.000000000e+00, v13;
	[tilespmem:s13+$0x120] =	vst v5;
	v5 =	vadd.f32 v7, v0;
	v7 =	vld [tilespmem:s14+$0xFFFFFDB0]  }
0x46b: {  	[tilespmem:s13+$0xFFFFFE20] =	vst v9;
	v8 =	vmul.f32 $8.000000000e+00, v8;
	v9 =	vld [tilespmem:s2+$0x230];
	v11 =	vadd.f32 v11, v0  }
0x46c: {  	v13 =	vld [tilespmem:s2+$0xFFFFFC30];
	v4 =	vadd.f32 v4, v0;
	v12 =	vmul.f32 $8.000000000e+00, v12;
	[tilespmem:s0+$0xFFFFFE70] =	vst v5  }
0x46d: {  	v5 =	vadd.f32 v8, v0;
	v6 =	vmul.f32 $8.000000000e+00, v6;
	[tilespmem:s13+$0x1B0] =	vst v11;
	v8 =	vld [tilespmem:s14+$0xFFFFFEB0]  }
0x46e: {  	[tilespmem:s13+$0xFFFFFEB0] =	vst v4;
	v4 =	vadd.f32 v12, v0;
	v10 =	vmul.f32 $8.000000000e+00, v10;
	v11 =	vld [tilespmem:s2+$0x380]  }
0x46f: {  	v12 =	vld [tilespmem:s2+$0xFFFFFD80];
	[tilespmem:s13+$0xFFFFFF30] =	vst v5;
	v5 =	vadd.f32 v6, v0;
	v6 =	vmul.f32 $8.000000000e+00, v7  }
0x470: {  	v7 =	vld [tilespmem:s2+$0xFFFFFE80];
	[tilespmem:s13+$0xFFFFFFB0] =	vst v4;
	v4 =	vadd.f32 v10, v0;
	v9 =	vmul.f32 $8.000000000e+00, v9  }
0x471: {  	v10 =	vmul.f32 $8.000000000e+00, v13;
	v13 =	vld [tilespmem:s2+$0xFFFFFF80];
	[tilespmem:s13+$0x30] =	vst v5;
	v5 =	vadd.f32 v6, v0  }
0x472: {  	v6 =	vld [tilespmem:s2+$0x80];
	[tilespmem:s13+$0xB0] =	vst v4;
	v4 =	vadd.f32 v9, v0;
	v8 =	vmul.f32 $8.000000000e+00, v8  }
0x473: {  	v9 =	vadd.f32 v10, v0;
	v10 =	vld [tilespmem:s2+$0x180];
	v11 =	vmul.f32 $8.000000000e+00, v11;
	[tilespmem:s0+$0xFFFFFEF0] =	vst v5  }
0x474: {  	v5 =	vmul.f32 $8.000000000e+00, v12;
	[tilespmem:s13+$0x130] =	vst v4;
	v4 =	vadd.f32 v8, v0;
	v8 =	vld [tilespmem:s14+$0xFFFFFFB0]  }
0x475: {  	[tilespmem:s13+$0xFFFFFE30] =	vst v9;
	v7 =	vmul.f32 $8.000000000e+00, v7;
	v9 =	vld [tilespmem:s2+$0x280];
	v11 =	vadd.f32 v11, v3  }
0x476: {  	v12 =	vld [tilespmem:s2+$0xFFFFFC80];
	v5 =	vadd.f32 v5, v3;
	v13 =	vmul.f32 $8.000000000e+00, v13;
	[tilespmem:s0+$0xFFFFFF70] =	vst v4  }
0x477: {  	v4 =	vadd.f32 v7, v3;
	v6 =	vmul.f32 $8.000000000e+00, v6;
	[tilespmem:s13+$0x1C0] =	vst v11;
	v7 =	vld [tilespmem:s14+$0xB0]  }
0x478: {  	[tilespmem:s13+$0xFFFFFEC0] =	vst v5;
	v5 =	vadd.f32 v13, v3;
	v10 =	vmul.f32 $8.000000000e+00, v10;
	v11 =	vld [tilespmem:s2+$0x390]  }
0x479: {  	v13 =	vld [tilespmem:s2+$0xFFFFFD90];
	[tilespmem:s13+$0xFFFFFF40] =	vst v4;
	v4 =	vadd.f32 v6, v3;
	v6 =	vmul.f32 $8.000000000e+00, v8  }
0x47a: {  	v8 =	vld [tilespmem:s2+$0xFFFFFE90];
	[tilespmem:s13+$0xFFFFFFC0] =	vst v5;
	v5 =	vadd.f32 v10, v3;
	v9 =	vmul.f32 $8.000000000e+00, v9  }
0x47b: {  	v10 =	vmul.f32 $8.000000000e+00, v12;
	v12 =	vld [tilespmem:s2+$0xFFFFFF90];
	[tilespmem:s13+$0x40] =	vst v4;
	v4 =	vadd.f32 v6, v0  }
0x47c: {  	v6 =	vld [tilespmem:s2+$0x90];
	[tilespmem:s13+$0xC0] =	vst v5;
	v5 =	vadd.f32 v9, v3;
	v7 =	vmul.f32 $8.000000000e+00, v7  }
0x47d: {  	v9 =	vadd.f32 v10, v3;
	v10 =	vld [tilespmem:s2+$0x190];
	v11 =	vmul.f32 $8.000000000e+00, v11;
	[tilespmem:s0+$0xFFFFFFF0] =	vst v4  }
0x47e: {  	v4 =	vmul.f32 $8.000000000e+00, v13;
	[tilespmem:s13+$0x140] =	vst v5;
	v5 =	vadd.f32 v7, v0;
	v7 =	vld [tilespmem:s14+$0x1B0]  }
0x47f: {  	[tilespmem:s13+$0xFFFFFE40] =	vst v9;
	v8 =	vmul.f32 $8.000000000e+00, v8;
	v13 =	vld [tilespmem:s2+$0x290];
	v9 =	vadd.f32 v11, v2  }
0x480: {  	v14 =	vld [tilespmem:s2+$0xFFFFFC90];
	v11 =	vadd.f32 v4, v2;
	v12 =	vmul.f32 $8.000000000e+00, v12;
	[tilespmem:s0+$0x70] =	vst v5  }
0x481: {  	v4 =	vld [tilespmem:s14+$0x2B0];
	v5 =	vadd.f32 v8, v2;
	v8 =	vmul.f32 $8.000000000e+00, v6;
	[tilespmem:s13+$0x1D0] =	vst v9  }
0x482: {  	[tilespmem:s13+$0xFFFFFED0] =	vst v11;
	v11 =	vadd.f32 v12, v2;
	v10 =	vmul.f32 $8.000000000e+00, v10;
	v9 =	vld [tilespmem:s2+$0x3A0]  }
0x483: {  	v6 =	vld [tilespmem:s2+$0xFFFFFDA0];
	[tilespmem:s13+$0xFFFFFF50] =	vst v5;
	v5 =	vadd.f32 v8, v2;
	v15 =	vmul.f32 $8.000000000e+00, v7  }
0x484: {  	v7 =	vld [tilespmem:s2+$0xFFFFFEA0];
	[tilespmem:s13+$0xFFFFFFD0] =	vst v11;
	v10 =	vadd.f32 v10, v2;
	v11 =	vmul.f32 $8.000000000e+00, v13  }
0x485: {  	s5 =	simm.s32 $0xDD00;
	s14 =	simm.s32 $0x8;
	v12 =	vmul.f32 $8.000000000e+00, v14;
	v8 =	vld [tilespmem:s2+$0xFFFFFFA0];
	[tilespmem:s13+$0x50] =	vst v5;
	v5 =	vadd.f32 v15, v0  }
.LBB2_12:
0x486: {  	v13 =	vld [tilespmem:s5+$0x300];
	s14 =	sadd.s32 $0x8, s14;
	[tilespmem:s13+$0xD0] =	vst v10;
	v10 =	vadd.f32 v11, v2;
	v4 =	vmul.f32 $8.000000000e+00, v4  }
0x487: {  	v11 =	vld [tilespmem:s5+$0xFFFFFD00];
	p0 =	slt.u32 s14, $0x38;
	v12 =	vadd.f32 v12, v2;
	v9 =	vmul.f32 $8.000000000e+00, v9;
	[tilespmem:s0+$0xF0] =	vst v5  }
0x488: {  	v5 =	vld [tilespmem:s5+$0xFFFFFE00];
	v6 =	vmul.f32 $8.000000000e+00, v6;
	[tilespmem:s13+$0x150] =	vst v10;
	v4 =	vadd.f32 v4, v0  }
0x489: {  	v10 =	vld [tilespmem:s5+$0xFFFFFF00];
	[tilespmem:s13+$0xFFFFFE50] =	vst v12;
	v7 =	vmul.f32 $8.000000000e+00, v7;
	v9 =	vadd.f32 v9, v1  }
0x48a: {  	v12 =	vld [tilespmem:s5+$0x0];
	v6 =	vadd.f32 v6, v1;
	v8 =	vmul.f32 $8.000000000e+00, v8;
	[tilespmem:s0+$0x170] =	vst v4;
	s0 =	smov.u32 s13  }
0x48b: {  	v4 =	vld [tilespmem:s5+$0x100];
	v13 =	vmul.f32 $8.000000000e+00, v13;
	v7 =	vadd.f32 v7, v1;
	[tilespmem:s13+$0x1E0] =	vst v9  }
0x48c: {  	v9 =	vmul.f32 $8.000000000e+00, v11;
	[tilespmem:s13+$0xFFFFFEE0] =	vst v6;
	v6 =	vadd.f32 v8, v1;
	v8 =	vld [tilespmem:s2+$0x3B0]  }
0x48d: {  	v5 =	vmul.f32 $8.000000000e+00, v5;
	v11 =	vld [tilespmem:s5+$0x200];
	v13 =	vadd.f32 v13, v3;
	[tilespmem:s13+$0xFFFFFF60] =	vst v7  }
0x48e: {  	s13 =	sadd.s32 $0x400, s13;
	v7 =	vld [tilespmem:s5+$0xFFFFFC00];
	v9 =	vadd.f32 v9, v3;
	v10 =	vmul.f32 $8.000000000e+00, v10;
	[tilespmem:s0+$0xFFFFFFE0] =	vst v6  }
0x48f: {  	v5 =	vadd.f32 v5, v3;
	v6 =	vmul.f32 $8.000000000e+00, v12;
	[tilespmem:s13+$0x180] =	vst v13;
	v12 =	vld [tilespmem:s2+$0xFFFFFCA0]  }
0x490: {  	[tilespmem:s13+$0xFFFFFE80] =	vst v9;
	v9 =	vadd.f32 v10, v3;
	v4 =	vmul.f32 $8.000000000e+00, v4;
	v10 =	vld [tilespmem:s5+$0x310]  }
0x491: {  	v13 =	vld [tilespmem:s5+$0xFFFFFD10];
	[tilespmem:s13+$0xFFFFFF00] =	vst v5;
	v5 =	vadd.f32 v6, v3;
	v6 =	vmul.f32 $8.000000000e+00, v8  }
0x492: {  	v8 =	vld [tilespmem:s5+$0xFFFFFE10];
	[tilespmem:s13+$0xFFFFFF80] =	vst v9;
	v4 =	vadd.f32 v4, v3;
	v9 =	vmul.f32 $8.000000000e+00, v11  }
0x493: {  	v7 =	vmul.f32 $8.000000000e+00, v7;
	v11 =	vld [tilespmem:s5+$0xFFFFFF10];
	[tilespmem:s13+$0x0] =	vst v5;
	v5 =	vadd.f32 v6, v0  }
0x494: {  	v6 =	vld [tilespmem:s5+$0x10];
	[tilespmem:s13+$0x80] =	vst v4;
	v4 =	vadd.f32 v9, v3;
	v9 =	vmul.f32 $8.000000000e+00, v12  }
0x495: {  	v7 =	vadd.f32 v7, v3;
	v12 =	vld [tilespmem:s5+$0x110];
	v10 =	vmul.f32 $8.000000000e+00, v10;
	[tilespmem:s0+$0x1F0] =	vst v5  }
0x496: {  	v5 =	vmul.f32 $8.000000000e+00, v13;
	[tilespmem:s13+$0x100] =	vst v4;
	v4 =	vadd.f32 v9, v1;
	v9 =	vld [tilespmem:s2+$0xA0]  }
0x497: {  	[tilespmem:s13+$0xFFFFFE00] =	vst v7;
	v7 =	vmul.f32 $8.000000000e+00, v8;
	v8 =	vld [tilespmem:s5+$0x210];
	v10 =	vadd.f32 v10, v2  }
0x498: {  	v13 =	vld [tilespmem:s5+$0xFFFFFC10];
	v5 =	vadd.f32 v5, v2;
	v11 =	vmul.f32 $8.000000000e+00, v11;
	[tilespmem:s0+$0xFFFFFE60] =	vst v4  }
0x499: {  	v4 =	vadd.f32 v7, v2;
	v6 =	vmul.f32 $8.000000000e+00, v6;
	[tilespmem:s13+$0x190] =	vst v10;
	v7 =	vld [tilespmem:s2+$0x1A0]  }
0x49a: {  	[tilespmem:s13+$0xFFFFFE90] =	vst v5;
	v5 =	vadd.f32 v11, v2;
	v10 =	vmul.f32 $8.000000000e+00, v12;
	v11 =	vld [tilespmem:s5+$0x320]  }
0x49b: {  	v12 =	vld [tilespmem:s5+$0xFFFFFD20];
	[tilespmem:s13+$0xFFFFFF10] =	vst v4;
	v4 =	vadd.f32 v6, v2;
	v6 =	vmul.f32 $8.000000000e+00, v9  }
0x49c: {  	v9 =	vld [tilespmem:s5+$0xFFFFFE20];
	[tilespmem:s13+$0xFFFFFF90] =	vst v5;
	v5 =	vadd.f32 v10, v2;
	v8 =	vmul.f32 $8.000000000e+00, v8  }
0x49d: {  	v10 =	vmul.f32 $8.000000000e+00, v13;
	v13 =	vld [tilespmem:s5+$0xFFFFFF20];
	[tilespmem:s13+$0x10] =	vst v4;
	v4 =	vadd.f32 v6, v1  }
0x49e: {  	v6 =	vld [tilespmem:s5+$0x20];
	[tilespmem:s13+$0x90] =	vst v5;
	v5 =	vadd.f32 v8, v2;
	v7 =	vmul.f32 $8.000000000e+00, v7  }
0x49f: {  	v8 =	vadd.f32 v10, v2;
	v10 =	vld [tilespmem:s5+$0x120];
	v11 =	vmul.f32 $8.000000000e+00, v11;
	[tilespmem:s0+$0x60] =	vst v4  }
0x4a0: {  	v4 =	vmul.f32 $8.000000000e+00, v12;
	[tilespmem:s13+$0x110] =	vst v5;
	v5 =	vadd.f32 v7, v1;
	v7 =	vld [tilespmem:s2+$0x2A0]  }
0x4a1: {  	[tilespmem:s13+$0xFFFFFE10] =	vst v8;
	v8 =	vmul.f32 $8.000000000e+00, v9;
	v9 =	vld [tilespmem:s5+$0x220];
	v11 =	vadd.f32 v11, v1  }
0x4a2: {  	v12 =	vld [tilespmem:s5+$0xFFFFFC20];
	v4 =	vadd.f32 v4, v1;
	v13 =	vmul.f32 $8.000000000e+00, v13;
	[tilespmem:s0+$0xE0] =	vst v5  }
0x4a3: {  	v5 =	vadd.f32 v8, v1;
	v6 =	vmul.f32 $8.000000000e+00, v6;
	[tilespmem:s13+$0x1A0] =	vst v11;
	v8 =	vld [tilespmem:s2+$0xFFFFFCB0]  }
0x4a4: {  	[tilespmem:s13+$0xFFFFFEA0] =	vst v4;
	v4 =	vadd.f32 v13, v1;
	v10 =	vmul.f32 $8.000000000e+00, v10;
	v11 =	vld [tilespmem:s5+$0x330]  }
0x4a5: {  	v13 =	vld [tilespmem:s5+$0xFFFFFD30];
	[tilespmem:s13+$0xFFFFFF20] =	vst v5;
	v5 =	vadd.f32 v6, v1;
	v6 =	vmul.f32 $8.000000000e+00, v7  }
0x4a6: {  	v7 =	vld [tilespmem:s5+$0xFFFFFE30];
	[tilespmem:s13+$0xFFFFFFA0] =	vst v4;
	v4 =	vadd.f32 v10, v1;
	v9 =	vmul.f32 $8.000000000e+00, v9  }
0x4a7: {  	v10 =	vmul.f32 $8.000000000e+00, v12;
	v12 =	vld [tilespmem:s5+$0xFFFFFF30];
	[tilespmem:s13+$0x20] =	vst v5;
	v5 =	vadd.f32 v6, v1  }
0x4a8: {  	v6 =	vld [tilespmem:s5+$0x30];
	[tilespmem:s13+$0xA0] =	vst v4;
	v4 =	vadd.f32 v9, v1;
	v8 =	vmul.f32 $8.000000000e+00, v8  }
0x4a9: {  	v9 =	vadd.f32 v10, v1;
	v10 =	vld [tilespmem:s5+$0x130];
	v11 =	vmul.f32 $8.000000000e+00, v11;
	[tilespmem:s0+$0x160] =	vst v5  }
0x4aa: {  	v5 =	vmul.f32 $8.000000000e+00, v13;
	[tilespmem:s13+$0x120] =	vst v4;
	v4 =	vadd.f32 v8, v0;
	v8 =	vld [tilespmem:s2+$0xFFFFFDB0]  }
0x4ab: {  	[tilespmem:s13+$0xFFFFFE20] =	vst v9;
	v7 =	vmul.f32 $8.000000000e+00, v7;
	v9 =	vld [tilespmem:s5+$0x230];
	v11 =	vadd.f32 v11, v0  }
0x4ac: {  	v13 =	vld [tilespmem:s5+$0xFFFFFC30];
	v5 =	vadd.f32 v5, v0;
	v12 =	vmul.f32 $8.000000000e+00, v12;
	[tilespmem:s0+$0xFFFFFE70] =	vst v4  }
0x4ad: {  	v4 =	vadd.f32 v7, v0;
	v6 =	vmul.f32 $8.000000000e+00, v6;
	[tilespmem:s13+$0x1B0] =	vst v11;
	v7 =	vld [tilespmem:s2+$0xFFFFFEB0]  }
0x4ae: {  	[tilespmem:s13+$0xFFFFFEB0] =	vst v5;
	v5 =	vadd.f32 v12, v0;
	v10 =	vmul.f32 $8.000000000e+00, v10;
	v11 =	vld [tilespmem:s5+$0x380]  }
0x4af: {  	v12 =	vld [tilespmem:s5+$0xFFFFFD80];
	[tilespmem:s13+$0xFFFFFF30] =	vst v4;
	v4 =	vadd.f32 v6, v0;
	v6 =	vmul.f32 $8.000000000e+00, v8  }
0x4b0: {  	v8 =	vld [tilespmem:s5+$0xFFFFFE80];
	[tilespmem:s13+$0xFFFFFFB0] =	vst v5;
	v5 =	vadd.f32 v10, v0;
	v9 =	vmul.f32 $8.000000000e+00, v9  }
0x4b1: {  	v10 =	vmul.f32 $8.000000000e+00, v13;
	v13 =	vld [tilespmem:s5+$0xFFFFFF80];
	[tilespmem:s13+$0x30] =	vst v4;
	v4 =	vadd.f32 v6, v0  }
0x4b2: {  	v6 =	vld [tilespmem:s5+$0x80];
	[tilespmem:s13+$0xB0] =	vst v5;
	v5 =	vadd.f32 v9, v0;
	v7 =	vmul.f32 $8.000000000e+00, v7  }
0x4b3: {  	v9 =	vadd.f32 v10, v0;
	v10 =	vld [tilespmem:s5+$0x180];
	v11 =	vmul.f32 $8.000000000e+00, v11;
	[tilespmem:s0+$0xFFFFFEF0] =	vst v4  }
0x4b4: {  	v4 =	vmul.f32 $8.000000000e+00, v12;
	[tilespmem:s13+$0x130] =	vst v5;
	v5 =	vadd.f32 v7, v0;
	v7 =	vld [tilespmem:s2+$0xFFFFFFB0]  }
0x4b5: {  	[tilespmem:s13+$0xFFFFFE30] =	vst v9;
	v8 =	vmul.f32 $8.000000000e+00, v8;
	v9 =	vld [tilespmem:s5+$0x280];
	v11 =	vadd.f32 v11, v3  }
0x4b6: {  	v12 =	vld [tilespmem:s5+$0xFFFFFC80];
	v4 =	vadd.f32 v4, v3;
	v13 =	vmul.f32 $8.000000000e+00, v13;
	[tilespmem:s0+$0xFFFFFF70] =	vst v5  }
0x4b7: {  	v5 =	vadd.f32 v8, v3;
	v6 =	vmul.f32 $8.000000000e+00, v6;
	[tilespmem:s13+$0x1C0] =	vst v11;
	v8 =	vld [tilespmem:s2+$0xB0]  }
0x4b8: {  	[tilespmem:s13+$0xFFFFFEC0] =	vst v4;
	v4 =	vadd.f32 v13, v3;
	v10 =	vmul.f32 $8.000000000e+00, v10;
	v11 =	vld [tilespmem:s5+$0x390]  }
0x4b9: {  	v13 =	vld [tilespmem:s5+$0xFFFFFD90];
	[tilespmem:s13+$0xFFFFFF40] =	vst v5;
	v5 =	vadd.f32 v6, v3;
	v6 =	vmul.f32 $8.000000000e+00, v7  }
0x4ba: {  	v7 =	vld [tilespmem:s5+$0xFFFFFE90];
	[tilespmem:s13+$0xFFFFFFC0] =	vst v4;
	v4 =	vadd.f32 v10, v3;
	v9 =	vmul.f32 $8.000000000e+00, v9  }
0x4bb: {  	v10 =	vmul.f32 $8.000000000e+00, v12;
	v12 =	vld [tilespmem:s5+$0xFFFFFF90];
	[tilespmem:s13+$0x40] =	vst v5;
	v5 =	vadd.f32 v6, v0  }
0x4bc: {  	v6 =	vld [tilespmem:s5+$0x90];
	[tilespmem:s13+$0xC0] =	vst v4;
	v4 =	vadd.f32 v9, v3;
	v8 =	vmul.f32 $8.000000000e+00, v8  }
0x4bd: {  	v9 =	vadd.f32 v10, v3;
	v10 =	vld [tilespmem:s5+$0x190];
	v11 =	vmul.f32 $8.000000000e+00, v11;
	[tilespmem:s0+$0xFFFFFFF0] =	vst v5  }
0x4be: {  	v5 =	vmul.f32 $8.000000000e+00, v13;
	[tilespmem:s13+$0x140] =	vst v4;
	v4 =	vadd.f32 v8, v0;
	v8 =	vld [tilespmem:s2+$0x1B0]  }
0x4bf: {  	[tilespmem:s13+$0xFFFFFE40] =	vst v9;
	v7 =	vmul.f32 $8.000000000e+00, v7;
	v13 =	vld [tilespmem:s5+$0x290];
	v9 =	vadd.f32 v11, v2  }
0x4c0: {  	v14 =	vld [tilespmem:s5+$0xFFFFFC90];
	v5 =	vadd.f32 v5, v2;
	v11 =	vmul.f32 $8.000000000e+00, v12;
	[tilespmem:s0+$0x70] =	vst v4  }
.Ltmp5:
0x4c1: {  	v7 =	vadd.f32 v7, v2;
	v12 =	vmul.f32 $8.000000000e+00, v6;
	[tilespmem:s13+$0x1D0] =	vst v9;
	v4 =	vld [tilespmem:s2+$0x2B0];
	s2 =	smov.u32 s5;
	(pc) =	sbr.rel @p0 .LBB2_12-.Ltmp5, $4  }
0x4c2: {  	[tilespmem:s13+$0xFFFFFED0] =	vst v5;
	v5 =	vadd.f32 v11, v2;
	v10 =	vmul.f32 $8.000000000e+00, v10;
	v9 =	vld [tilespmem:s5+$0x3A0]  }
0x4c3: {  	v6 =	vld [tilespmem:s5+$0xFFFFFDA0];
	[tilespmem:s13+$0xFFFFFF50] =	vst v7;
	v15 =	vadd.f32 v12, v2;
	v16 =	vmul.f32 $8.000000000e+00, v8  }
0x4c4: {  	v7 =	vld [tilespmem:s5+$0xFFFFFEA0];
	[tilespmem:s13+$0xFFFFFFD0] =	vst v5;
	v10 =	vadd.f32 v10, v2;
	v11 =	vmul.f32 $8.000000000e+00, v13  }
0x4c5: {  	s5 =	sadd.s32 $0x800, s5;
	v12 =	vmul.f32 $8.000000000e+00, v14;
	v8 =	vld [tilespmem:s2+$0xFFFFFFA0];
	[tilespmem:s13+$0x50] =	vst v15;
	v5 =	vadd.f32 v16, v0  }
0x4c6: {  	_ = 	snop  }
0x4c7: {  	v3 =	vadd.f32 v12, v2;
	_ =	sdelay $0x1  }
0x4c8: {  	[tilespmem:s13+$0xFFFFFE50] =	vst v3  }
0x4c9: {  	v3 =	vld [tilespmem:s2+$0xFFFFFCA0];
	_ =	sdelay $0x2  }
0x4ca: {  	v2 =	vadd.f32 v11, v2  }
0x4cb: {  	[tilespmem:s13+$0xD0] =	vst v10;
	v10 =	vld [tilespmem:s2+$0xA0];
	v9 =	vmul.f32 $8.000000000e+00, v9  }
0x4cc: {  	[tilespmem:s13+$0x150] =	vst v2;
	v2 =	vmul.f32 $8.000000000e+00, v3;
	v3 =	vld [tilespmem:s2+$0x1A0]  }
0x4cd: {  	v6 =	vmul.f32 $8.000000000e+00, v6;
	v9 =	vadd.f32 v9, v1;
	v11 =	vld [tilespmem:s2+$0x2A0]  }
0x4ce: {  	v7 =	vmul.f32 $8.000000000e+00, v7;
	v2 =	vadd.f32 v2, v1  }
0x4cf: {  	v6 =	vadd.f32 v6, v1;
	v8 =	vmul.f32 $8.000000000e+00, v8;
	[tilespmem:s13+$0x1E0] =	vst v9  }
0x4d0: {  	v7 =	vadd.f32 v7, v1;
	v9 =	vld [tilespmem:s2+$0x3B0];
	[tilespmem:s13+$0xFFFFFE60] =	vst v2;
	v2 =	vmul.f32 $8.000000000e+00, v10  }
0x4d1: {  	[tilespmem:s13+$0xFFFFFEE0] =	vst v6;
	v6 =	vadd.f32 v8, v1;
	v3 =	vmul.f32 $8.000000000e+00, v3;
	v8 =	vld [tilespmem:s2+$0xFFFFFCB0]  }
0x4d2: {  	[tilespmem:s13+$0xFFFFFF60] =	vst v7;
	v7 =	vmul.f32 $8.000000000e+00, v11;
	v10 =	vld [tilespmem:s2+$0xFFFFFDB0];
	v2 =	vadd.f32 v2, v1  }
0x4d3: {  	[tilespmem:s13+$0xFFFFFFE0] =	vst v6;
	v6 =	vld [tilespmem:s2+$0xFFFFFEB0];
	v3 =	vadd.f32 v3, v1  }
0x4d4: {  	v4 =	vmul.f32 $8.000000000e+00, v4;
	v1 =	vadd.f32 v7, v1;
	[tilespmem:s13+$0x60] =	vst v2;
	v2 =	vld [tilespmem:s2+$0xFFFFFFB0]  }
0x4d5: {  	v7 =	vmul.f32 $8.000000000e+00, v9;
	[tilespmem:s13+$0xE0] =	vst v3;
	v3 =	vld [tilespmem:s2+$0xB0]  }
0x4d6: {  	v4 =	vadd.f32 v4, v0;
	[tilespmem:s13+$0x160] =	vst v1;
	v8 =	vmul.f32 $8.000000000e+00, v8;
	v1 =	vld [tilespmem:s2+$0x1B0]  }
0x4d7: {  	[tilespmem:s0+$0xF0] =	vst v5;
	v5 =	vadd.f32 v7, v0;
	v7 =	vmul.f32 $8.000000000e+00, v10;
	v9 =	vld [tilespmem:s2+$0x2B0]  }
0x4d8: {  	[tilespmem:s0+$0x170] =	vst v4;
	v6 =	vmul.f32 $8.000000000e+00, v6;
	v4 =	vadd.f32 v8, v0  }
0x4d9: {  	[tilespmem:s13+$0x1F0] =	vst v5;
	v5 =	vadd.f32 v7, v0;
	v2 =	vmul.f32 $8.000000000e+00, v2  }
0x4da: {  	[tilespmem:s13+$0xFFFFFE70] =	vst v4;
	v4 =	vadd.f32 v6, v0;
	v3 =	vmul.f32 $8.000000000e+00, v3  }
0x4db: {  	[tilespmem:s13+$0xFFFFFEF0] =	vst v5;
	v2 =	vadd.f32 v2, v0;
	v1 =	vmul.f32 $8.000000000e+00, v1  }
0x4dc: {  	[tilespmem:s13+$0xFFFFFF70] =	vst v4;
	v3 =	vadd.f32 v3, v0;
	v4 =	vmul.f32 $8.000000000e+00, v9  }
0x4dd: {  	[tilespmem:s13+$0xFFFFFFF0] =	vst v2;
	v1 =	vadd.f32 v1, v0  }
0x4de: {  	[tilespmem:s13+$0x70] =	vst v3;
	v0 =	vadd.f32 v4, v0  }
0x4df: {  	[tilespmem:s13+$0xF0] =	vst v1  }
0x4e0: {  	[tilespmem:s13+$0x170] =	vst v0  }
0x4e1: {  	[hbm4b:s10+s3] =	stream.linear.scatter [tilespmem:s23], [sflag:$0x3], $0x2000, $0x38;
	[tilespmem:$0x18900] =	vst v63  }
0x4e2: {  	_ =	swait.ge [sflag:s24], $0x4000  }
0x4e3: {  	[sflag:s24] =	ssyncset.done $0x0  }
0x4e4: {  	[sflag:s24] =	ssyncadd.s32 $0xFFFFC000  }
0x4e5: {  	_ =	swait.ge [sflag:s28], $0x2000  }
0x4e6: {  	[sflag:s28] =	ssyncset.done $0x0  }
0x4e7: {  	[sflag:s28] =	ssyncadd.s32 $0xFFFFE000  }
0x4e8: {  	v3 =	vld [tilespmem:$0xC780]  }
0x4e9: {  	s14 =	simm.s32 $0x10D00;
	v2 =	vld [tilespmem:$0xC790]  }
0x4ea: {  	v4 =	vld [tilespmem:s14+$0x300]  }
0x4eb: {  	v5 =	vld [tilespmem:s14+$0xFFFFFD00]  }
0x4ec: {  	v6 =	vld [tilespmem:s14+$0xFFFFFE00]  }
0x4ed: {  	v7 =	vld [tilespmem:s14+$0xFFFFFF00]  }
0x4ee: {  	v1 =	vld [tilespmem:$0xC7A0]  }
0x4ef: {  	v0 =	vld [tilespmem:$0xC7B0];
	v4 =	vmul.f32 $8.000000000e+00, v4  }
0x4f0: {  	v8 =	vld [tilespmem:s14+$0x0];
	v5 =	vmul.f32 $8.000000000e+00, v5  }
0x4f1: {  	v9 =	vld [tilespmem:s14+$0x100];
	v6 =	vmul.f32 $8.000000000e+00, v6;
	v4 =	vadd.f32 v4, v3  }
0x4f2: {  	s0 =	simm.s32 $0x16B00;
	v10 =	vld [tilespmem:s14+$0x200];
	v7 =	vmul.f32 $8.000000000e+00, v7;
	v5 =	vadd.f32 v5, v3  }
0x4f3: {  	v11 =	vld [tilespmem:s14+$0xFFFFFC00];
	v6 =	vadd.f32 v6, v3;
	[tilespmem:s0+$0x180] =	vst v4  }
0x4f4: {  	[tilespmem:s0+$0xFFFFFE80] =	vst v5;
	v4 =	vadd.f32 v7, v3;
	v5 =	vld [tilespmem:s14+$0x310]  }
0x4f5: {  	v7 =	vmul.f32 $8.000000000e+00, v8;
	[tilespmem:s0+$0xFFFFFF00] =	vst v6;
	v8 =	vld [tilespmem:s14+$0xFFFFFD10]  }
0x4f6: {  	v6 =	vmul.f32 $8.000000000e+00, v9;
	v9 =	vld [tilespmem:s14+$0xFFFFFE10];
	[tilespmem:s0+$0xFFFFFF80] =	vst v4  }
0x4f7: {  	v4 =	vadd.f32 v7, v3;
	v7 =	vmul.f32 $8.000000000e+00, v10;
	v10 =	vld [tilespmem:s14+$0xFFFFFF10]  }
0x4f8: {  	v11 =	vmul.f32 $8.000000000e+00, v11;
	v6 =	vadd.f32 v6, v3  }
0x4f9: {  	[tilespmem:s0+$0x0] =	vst v4;
	v4 =	vadd.f32 v7, v3;
	v5 =	vmul.f32 $8.000000000e+00, v5  }
0x4fa: {  	[tilespmem:s0+$0x80] =	vst v6;
	v6 =	vadd.f32 v11, v3;
	v7 =	vld [tilespmem:s14+$0x10];
	v8 =	vmul.f32 $8.000000000e+00, v8  }
0x4fb: {  	v11 =	vld [tilespmem:s14+$0x110];
	[tilespmem:s0+$0x100] =	vst v4;
	v4 =	vmul.f32 $8.000000000e+00, v9;
	v5 =	vadd.f32 v5, v2  }
0x4fc: {  	[tilespmem:s0+$0xFFFFFE00] =	vst v6;
	v6 =	vld [tilespmem:s14+$0x210];
	v8 =	vadd.f32 v8, v2;
	v9 =	vmul.f32 $8.000000000e+00, v10  }
0x4fd: {  	v10 =	vld [tilespmem:s14+$0xFFFFFC10];
	v4 =	vadd.f32 v4, v2;
	[tilespmem:s0+$0x190] =	vst v5  }
0x4fe: {  	[tilespmem:s0+$0xFFFFFE90] =	vst v8;
	v5 =	vadd.f32 v9, v2;
	v8 =	vld [tilespmem:s14+$0x320]  }
0x4ff: {  	v7 =	vmul.f32 $8.000000000e+00, v7;
	[tilespmem:s0+$0xFFFFFF10] =	vst v4;
	v9 =	vld [tilespmem:s14+$0xFFFFFD20]  }
0x500: {  	v4 =	vmul.f32 $8.000000000e+00, v11;
	v11 =	vld [tilespmem:s14+$0xFFFFFE20];
	[tilespmem:s0+$0xFFFFFF90] =	vst v5  }
0x501: {  	v5 =	vadd.f32 v7, v2;
	v6 =	vmul.f32 $8.000000000e+00, v6;
	v7 =	vld [tilespmem:s14+$0xFFFFFF20]  }
0x502: {  	v4 =	vadd.f32 v4, v2;
	v10 =	vmul.f32 $8.000000000e+00, v10  }
0x503: {  	[tilespmem:s0+$0x10] =	vst v5;
	v5 =	vadd.f32 v6, v2;
	v6 =	vmul.f32 $8.000000000e+00, v8  }
0x504: {  	[tilespmem:s0+$0x90] =	vst v4;
	v4 =	vadd.f32 v10, v2;
	v8 =	vld [tilespmem:s14+$0x20];
	v9 =	vmul.f32 $8.000000000e+00, v9  }
0x505: {  	v10 =	vld [tilespmem:s14+$0x120];
	[tilespmem:s0+$0x110] =	vst v5;
	v5 =	vmul.f32 $8.000000000e+00, v11;
	v6 =	vadd.f32 v6, v1  }
0x506: {  	[tilespmem:s0+$0xFFFFFE10] =	vst v4;
	v4 =	vld [tilespmem:s14+$0x220];
	v9 =	vadd.f32 v9, v1;
	v7 =	vmul.f32 $8.000000000e+00, v7  }
0x507: {  	v11 =	vld [tilespmem:s14+$0xFFFFFC20];
	v5 =	vadd.f32 v5, v1;
	[tilespmem:s0+$0x1A0] =	vst v6  }
0x508: {  	[tilespmem:s0+$0xFFFFFEA0] =	vst v9;
	v6 =	vadd.f32 v7, v1;
	v7 =	vld [tilespmem:s14+$0x330]  }
0x509: {  	[tilespmem:s0+$0xFFFFFF20] =	vst v5;
	v8 =	vmul.f32 $8.000000000e+00, v8;
	v9 =	vld [tilespmem:s14+$0xFFFFFD30]  }
0x50a: {  	v5 =	vmul.f32 $8.000000000e+00, v10;
	v10 =	vld [tilespmem:s14+$0xFFFFFE30];
	[tilespmem:s0+$0xFFFFFFA0] =	vst v6  }
0x50b: {  	v4 =	vmul.f32 $8.000000000e+00, v4;
	v6 =	vadd.f32 v8, v1;
	v8 =	vld [tilespmem:s14+$0xFFFFFF30]  }
0x50c: {  	v5 =	vadd.f32 v5, v1;
	v11 =	vmul.f32 $8.000000000e+00, v11  }
0x50d: {  	v4 =	vadd.f32 v4, v1;
	[tilespmem:s0+$0x20] =	vst v6;
	v6 =	vmul.f32 $8.000000000e+00, v7  }
0x50e: {  	[tilespmem:s0+$0xA0] =	vst v5;
	v5 =	vadd.f32 v11, v1;
	v7 =	vld [tilespmem:s14+$0x30];
	v9 =	vmul.f32 $8.000000000e+00, v9  }
0x50f: {  	v11 =	vld [tilespmem:s14+$0x130];
	[tilespmem:s0+$0x120] =	vst v4;
	v4 =	vmul.f32 $8.000000000e+00, v10;
	v6 =	vadd.f32 v6, v0  }
0x510: {  	[tilespmem:s0+$0xFFFFFE20] =	vst v5;
	v5 =	vld [tilespmem:s14+$0x230];
	v9 =	vadd.f32 v9, v0;
	v8 =	vmul.f32 $8.000000000e+00, v8  }
0x511: {  	v10 =	vld [tilespmem:s14+$0xFFFFFC30];
	v4 =	vadd.f32 v4, v0;
	[tilespmem:s0+$0x1B0] =	vst v6  }
0x512: {  	[tilespmem:s0+$0xFFFFFEB0] =	vst v9;
	v6 =	vadd.f32 v8, v0;
	v8 =	vld [tilespmem:s14+$0x380]  }
0x513: {  	[tilespmem:s0+$0xFFFFFF30] =	vst v4;
	v7 =	vmul.f32 $8.000000000e+00, v7;
	v9 =	vld [tilespmem:s14+$0xFFFFFD80]  }
0x514: {  	v4 =	vmul.f32 $8.000000000e+00, v11;
	v11 =	vld [tilespmem:s14+$0xFFFFFE80];
	[tilespmem:s0+$0xFFFFFFB0] =	vst v6  }
0x515: {  	v5 =	vmul.f32 $8.000000000e+00, v5;
	v6 =	vadd.f32 v7, v0;
	v7 =	vld [tilespmem:s14+$0xFFFFFF80]  }
0x516: {  	v4 =	vadd.f32 v4, v0;
	v10 =	vmul.f32 $8.000000000e+00, v10  }
0x517: {  	v5 =	vadd.f32 v5, v0;
	[tilespmem:s0+$0x30] =	vst v6;
	v6 =	vmul.f32 $8.000000000e+00, v8  }
0x518: {  	[tilespmem:s0+$0xB0] =	vst v4;
	v4 =	vadd.f32 v10, v0;
	v8 =	vld [tilespmem:s14+$0x80];
	v9 =	vmul.f32 $8.000000000e+00, v9  }
0x519: {  	v10 =	vld [tilespmem:s14+$0x180];
	[tilespmem:s0+$0x130] =	vst v5;
	v5 =	vmul.f32 $8.000000000e+00, v11;
	v6 =	vadd.f32 v6, v3  }
0x51a: {  	[tilespmem:s0+$0xFFFFFE30] =	vst v4;
	v4 =	vld [tilespmem:s14+$0x280];
	v9 =	vadd.f32 v9, v3;
	v7 =	vmul.f32 $8.000000000e+00, v7  }
0x51b: {  	v11 =	vld [tilespmem:s14+$0xFFFFFC80];
	v5 =	vadd.f32 v5, v3;
	[tilespmem:s0+$0x1C0] =	vst v6  }
0x51c: {  	[tilespmem:s0+$0xFFFFFEC0] =	vst v9;
	v6 =	vadd.f32 v7, v3;
	v7 =	vld [tilespmem:s14+$0x390]  }
0x51d: {  	[tilespmem:s0+$0xFFFFFF40] =	vst v5;
	v8 =	vmul.f32 $8.000000000e+00, v8;
	v9 =	vld [tilespmem:s14+$0xFFFFFD90]  }
0x51e: {  	v5 =	vmul.f32 $8.000000000e+00, v10;
	v10 =	vld [tilespmem:s14+$0xFFFFFE90];
	[tilespmem:s0+$0xFFFFFFC0] =	vst v6  }
0x51f: {  	v4 =	vmul.f32 $8.000000000e+00, v4;
	v6 =	vadd.f32 v8, v3;
	v8 =	vld [tilespmem:s14+$0xFFFFFF90]  }
0x520: {  	s2 =	simm.s32 $0x11500;
	v5 =	vadd.f32 v5, v3;
	v11 =	vmul.f32 $8.000000000e+00, v11  }
0x521: {  	v12 =	vld [tilespmem:s2+$0x300];
	v4 =	vadd.f32 v4, v3;
	[tilespmem:s0+$0x40] =	vst v6;
	v6 =	vmul.f32 $8.000000000e+00, v7  }
0x522: {  	[tilespmem:s0+$0xC0] =	vst v5;
	v5 =	vadd.f32 v11, v3;
	v7 =	vld [tilespmem:s14+$0x90]  }
0x523: {  	v11 =	vld [tilespmem:s14+$0x190];
	v9 =	vmul.f32 $8.000000000e+00, v9;
	[tilespmem:s0+$0x140] =	vst v4;
	v6 =	vadd.f32 v6, v2  }
0x524: {  	v4 =	vmul.f32 $8.000000000e+00, v10;
	[tilespmem:s0+$0xFFFFFE40] =	vst v5;
	v5 =	vld [tilespmem:s14+$0x290];
	v8 =	vmul.f32 $8.000000000e+00, v8  }
0x525: {  	v9 =	vadd.f32 v9, v2;
	v10 =	vld [tilespmem:s14+$0xFFFFFC90];
	[tilespmem:s0+$0x1D0] =	vst v6  }
0x526: {  	v12 =	vmul.f32 $8.000000000e+00, v12;
	v4 =	vadd.f32 v4, v2;
	v6 =	vadd.f32 v8, v2;
	v8 =	vld [tilespmem:s14+$0x3A0]  }
0x527: {  	v13 =	vld [tilespmem:s2+$0x100];
	[tilespmem:s0+$0xFFFFFED0] =	vst v9;
	v7 =	vmul.f32 $8.000000000e+00, v7  }
0x528: {  	v12 =	vadd.f32 v12, v3;
	[tilespmem:s0+$0xFFFFFF50] =	vst v4;
	v4 =	vmul.f32 $8.000000000e+00, v11;
	v9 =	vld [tilespmem:s14+$0xFFFFFDA0]  }
0x529: {  	s13 =	simm.s32 $0x16F00;
	v11 =	vld [tilespmem:s14+$0xFFFFFEA0];
	[tilespmem:s0+$0xFFFFFFD0] =	vst v6;
	v5 =	vmul.f32 $8.000000000e+00, v5;
	v6 =	vadd.f32 v7, v2  }
0x52a: {  	[tilespmem:s13+$0x180] =	vst v12;
	v4 =	vadd.f32 v4, v2;
	v7 =	vld [tilespmem:s14+$0xFFFFFFA0];
	v10 =	vmul.f32 $8.000000000e+00, v10  }
0x52b: {  	v5 =	vadd.f32 v5, v2;
	[tilespmem:s0+$0x50] =	vst v6;
	v6 =	vld [tilespmem:s2+$0xFFFFFD00];
	v8 =	vmul.f32 $8.000000000e+00, v8  }
0x52c: {  	[tilespmem:s0+$0xD0] =	vst v4;
	v4 =	vadd.f32 v10, v2;
	v10 =	vld [tilespmem:s2+$0xFFFFFE00]  }
0x52d: {  	v9 =	vmul.f32 $8.000000000e+00, v9;
	[tilespmem:s0+$0x150] =	vst v5;
	v5 =	vld [tilespmem:s2+$0xFFFFFF00];
	v8 =	vadd.f32 v8, v1  }
0x52e: {  	v11 =	vmul.f32 $8.000000000e+00, v11;
	[tilespmem:s0+$0xFFFFFE50] =	vst v4;
	v4 =	vld [tilespmem:s2+$0x0]  }
0x52f: {  	v12 =	vld [tilespmem:s2+$0x310];
	v9 =	vadd.f32 v9, v1;
	v7 =	vmul.f32 $8.000000000e+00, v7;
	[tilespmem:s0+$0x1E0] =	vst v8  }
0x530: {  	v11 =	vadd.f32 v11, v1;
	v6 =	vmul.f32 $8.000000000e+00, v6;
	v8 =	vld [tilespmem:s14+$0x3B0]  }
0x531: {  	[tilespmem:s0+$0xFFFFFEE0] =	vst v9;
	v7 =	vadd.f32 v7, v1;
	v9 =	vmul.f32 $8.000000000e+00, v10;
	v10 =	vld [tilespmem:s2+$0x200]  }
0x532: {  	[tilespmem:s0+$0xFFFFFF60] =	vst v11;
	v11 =	vld [tilespmem:s2+$0xFFFFFC00];
	v5 =	vmul.f32 $8.000000000e+00, v5;
	v6 =	vadd.f32 v6, v3  }
0x533: {  	[tilespmem:s0+$0xFFFFFFE0] =	vst v7;
	v7 =	vadd.f32 v9, v3;
	v4 =	vmul.f32 $8.000000000e+00, v4;
	v9 =	vld [tilespmem:s14+$0xFFFFFCA0]  }
0x534: {  	v5 =	vadd.f32 v5, v3;
	[tilespmem:s13+$0xFFFFFE80] =	vst v6;
	v6 =	vmul.f32 $8.000000000e+00, v13  }
0x535: {  	[tilespmem:s13+$0xFFFFFF00] =	vst v7;
	v4 =	vadd.f32 v4, v3;
	v13 =	vld [tilespmem:s2+$0xFFFFFD10];
	v7 =	vmul.f32 $8.000000000e+00, v8  }
0x536: {  	[tilespmem:s13+$0xFFFFFF80] =	vst v5;
	v8 =	vld [tilespmem:s2+$0xFFFFFE10];
	v5 =	vadd.f32 v6, v3;
	v6 =	vmul.f32 $8.000000000e+00, v10  }
0x537: {  	v10 =	vmul.f32 $8.000000000e+00, v11;
	v11 =	vld [tilespmem:s2+$0xFFFFFF10];
	[tilespmem:s13+$0x0] =	vst v4;
	v4 =	vadd.f32 v7, v0  }
0x538: {  	v12 =	vmul.f32 $8.000000000e+00, v12;
	v7 =	vld [tilespmem:s2+$0x10];
	[tilespmem:s13+$0x80] =	vst v5;
	v5 =	vadd.f32 v6, v3;
	v6 =	vmul.f32 $8.000000000e+00, v9  }
0x539: {  	v9 =	vadd.f32 v10, v3;
	v10 =	vld [tilespmem:s2+$0x110];
	[tilespmem:s0+$0x1F0] =	vst v4  }
0x53a: {  	v12 =	vadd.f32 v12, v2;
	v4 =	vmul.f32 $8.000000000e+00, v13;
	[tilespmem:s13+$0x100] =	vst v5;
	v5 =	vadd.f32 v6, v1;
	v6 =	vld [tilespmem:s14+$0xA0]  }
0x53b: {  	[tilespmem:s13+$0xFFFFFE00] =	vst v9;
	v8 =	vmul.f32 $8.000000000e+00, v8;
	v9 =	vld [tilespmem:s2+$0x210]  }
0x53c: {  	[tilespmem:s13+$0x190] =	vst v12;
	v13 =	vld [tilespmem:s2+$0xFFFFFC10];
	v11 =	vmul.f32 $8.000000000e+00, v11;
	v4 =	vadd.f32 v4, v2  }
0x53d: {  	[tilespmem:s0+$0xFFFFFE60] =	vst v5;
	v5 =	vadd.f32 v8, v2;
	v7 =	vmul.f32 $8.000000000e+00, v7;
	v8 =	vld [tilespmem:s14+$0x1A0]  }
0x53e: {  	[tilespmem:s13+$0xFFFFFE90] =	vst v4;
	v4 =	vadd.f32 v11, v2;
	v10 =	vmul.f32 $8.000000000e+00, v10;
	v11 =	vld [tilespmem:s2+$0x320]  }
0x53f: {  	v12 =	vld [tilespmem:s2+$0xFFFFFD20];
	[tilespmem:s13+$0xFFFFFF10] =	vst v5;
	v5 =	vadd.f32 v7, v2;
	v6 =	vmul.f32 $8.000000000e+00, v6  }
0x540: {  	v7 =	vld [tilespmem:s2+$0xFFFFFE20];
	[tilespmem:s13+$0xFFFFFF90] =	vst v4;
	v4 =	vadd.f32 v10, v2;
	v9 =	vmul.f32 $8.000000000e+00, v9  }
0x541: {  	v10 =	vmul.f32 $8.000000000e+00, v13;
	v13 =	vld [tilespmem:s2+$0xFFFFFF20];
	[tilespmem:s13+$0x10] =	vst v5;
	v5 =	vadd.f32 v6, v1  }
0x542: {  	v6 =	vld [tilespmem:s2+$0x20];
	[tilespmem:s13+$0x90] =	vst v4;
	v4 =	vadd.f32 v9, v2;
	v8 =	vmul.f32 $8.000000000e+00, v8  }
0x543: {  	v9 =	vadd.f32 v10, v2;
	v10 =	vld [tilespmem:s2+$0x120];
	v11 =	vmul.f32 $8.000000000e+00, v11;
	[tilespmem:s0+$0x60] =	vst v5  }
0x544: {  	v5 =	vmul.f32 $8.000000000e+00, v12;
	[tilespmem:s13+$0x110] =	vst v4;
	v4 =	vadd.f32 v8, v1;
	v8 =	vld [tilespmem:s14+$0x2A0]  }
0x545: {  	[tilespmem:s13+$0xFFFFFE10] =	vst v9;
	v7 =	vmul.f32 $8.000000000e+00, v7;
	v9 =	vld [tilespmem:s2+$0x220];
	v11 =	vadd.f32 v11, v1  }
0x546: {  	v12 =	vld [tilespmem:s2+$0xFFFFFC20];
	v5 =	vadd.f32 v5, v1;
	v13 =	vmul.f32 $8.000000000e+00, v13;
	[tilespmem:s0+$0xE0] =	vst v4  }
0x547: {  	v4 =	vadd.f32 v7, v1;
	v6 =	vmul.f32 $8.000000000e+00, v6;
	[tilespmem:s13+$0x1A0] =	vst v11;
	v7 =	vld [tilespmem:s14+$0xFFFFFCB0]  }
0x548: {  	[tilespmem:s13+$0xFFFFFEA0] =	vst v5;
	v5 =	vadd.f32 v13, v1;
	v10 =	vmul.f32 $8.000000000e+00, v10;
	v11 =	vld [tilespmem:s2+$0x330]  }
0x549: {  	v13 =	vld [tilespmem:s2+$0xFFFFFD30];
	[tilespmem:s13+$0xFFFFFF20] =	vst v4;
	v4 =	vadd.f32 v6, v1;
	v6 =	vmul.f32 $8.000000000e+00, v8  }
0x54a: {  	v8 =	vld [tilespmem:s2+$0xFFFFFE30];
	[tilespmem:s13+$0xFFFFFFA0] =	vst v5;
	v5 =	vadd.f32 v10, v1;
	v9 =	vmul.f32 $8.000000000e+00, v9  }
0x54b: {  	v10 =	vmul.f32 $8.000000000e+00, v12;
	v12 =	vld [tilespmem:s2+$0xFFFFFF30];
	[tilespmem:s13+$0x20] =	vst v4;
	v4 =	vadd.f32 v6, v1  }
0x54c: {  	v6 =	vld [tilespmem:s2+$0x30];
	[tilespmem:s13+$0xA0] =	vst v5;
	v5 =	vadd.f32 v9, v1;
	v7 =	vmul.f32 $8.000000000e+00, v7  }
0x54d: {  	v9 =	vadd.f32 v10, v1;
	v10 =	vld [tilespmem:s2+$0x130];
	v11 =	vmul.f32 $8.000000000e+00, v11;
	[tilespmem:s0+$0x160] =	vst v4  }
0x54e: {  	v4 =	vmul.f32 $8.000000000e+00, v13;
	[tilespmem:s13+$0x120] =	vst v5;
	v5 =	vadd.f32 v7, v0;
	v7 =	vld [tilespmem:s14+$0xFFFFFDB0]  }
0x54f: {  	[tilespmem:s13+$0xFFFFFE20] =	vst v9;
	v8 =	vmul.f32 $8.000000000e+00, v8;
	v9 =	vld [tilespmem:s2+$0x230];
	v11 =	vadd.f32 v11, v0  }
0x550: {  	v13 =	vld [tilespmem:s2+$0xFFFFFC30];
	v4 =	vadd.f32 v4, v0;
	v12 =	vmul.f32 $8.000000000e+00, v12;
	[tilespmem:s0+$0xFFFFFE70] =	vst v5  }
0x551: {  	v5 =	vadd.f32 v8, v0;
	v6 =	vmul.f32 $8.000000000e+00, v6;
	[tilespmem:s13+$0x1B0] =	vst v11;
	v8 =	vld [tilespmem:s14+$0xFFFFFEB0]  }
0x552: {  	[tilespmem:s13+$0xFFFFFEB0] =	vst v4;
	v4 =	vadd.f32 v12, v0;
	v10 =	vmul.f32 $8.000000000e+00, v10;
	v11 =	vld [tilespmem:s2+$0x380]  }
0x553: {  	v12 =	vld [tilespmem:s2+$0xFFFFFD80];
	[tilespmem:s13+$0xFFFFFF30] =	vst v5;
	v5 =	vadd.f32 v6, v0;
	v6 =	vmul.f32 $8.000000000e+00, v7  }
0x554: {  	v7 =	vld [tilespmem:s2+$0xFFFFFE80];
	[tilespmem:s13+$0xFFFFFFB0] =	vst v4;
	v4 =	vadd.f32 v10, v0;
	v9 =	vmul.f32 $8.000000000e+00, v9  }
0x555: {  	v10 =	vmul.f32 $8.000000000e+00, v13;
	v13 =	vld [tilespmem:s2+$0xFFFFFF80];
	[tilespmem:s13+$0x30] =	vst v5;
	v5 =	vadd.f32 v6, v0  }
0x556: {  	v6 =	vld [tilespmem:s2+$0x80];
	[tilespmem:s13+$0xB0] =	vst v4;
	v4 =	vadd.f32 v9, v0;
	v8 =	vmul.f32 $8.000000000e+00, v8  }
0x557: {  	v9 =	vadd.f32 v10, v0;
	v10 =	vld [tilespmem:s2+$0x180];
	v11 =	vmul.f32 $8.000000000e+00, v11;
	[tilespmem:s0+$0xFFFFFEF0] =	vst v5  }
0x558: {  	v5 =	vmul.f32 $8.000000000e+00, v12;
	[tilespmem:s13+$0x130] =	vst v4;
	v4 =	vadd.f32 v8, v0;
	v8 =	vld [tilespmem:s14+$0xFFFFFFB0]  }
0x559: {  	[tilespmem:s13+$0xFFFFFE30] =	vst v9;
	v7 =	vmul.f32 $8.000000000e+00, v7;
	v9 =	vld [tilespmem:s2+$0x280];
	v11 =	vadd.f32 v11, v3  }
0x55a: {  	v12 =	vld [tilespmem:s2+$0xFFFFFC80];
	v5 =	vadd.f32 v5, v3;
	v13 =	vmul.f32 $8.000000000e+00, v13;
	[tilespmem:s0+$0xFFFFFF70] =	vst v4  }
0x55b: {  	v4 =	vadd.f32 v7, v3;
	v6 =	vmul.f32 $8.000000000e+00, v6;
	[tilespmem:s13+$0x1C0] =	vst v11;
	v7 =	vld [tilespmem:s14+$0xB0]  }
0x55c: {  	[tilespmem:s13+$0xFFFFFEC0] =	vst v5;
	v5 =	vadd.f32 v13, v3;
	v10 =	vmul.f32 $8.000000000e+00, v10;
	v11 =	vld [tilespmem:s2+$0x390]  }
0x55d: {  	v13 =	vld [tilespmem:s2+$0xFFFFFD90];
	[tilespmem:s13+$0xFFFFFF40] =	vst v4;
	v4 =	vadd.f32 v6, v3;
	v6 =	vmul.f32 $8.000000000e+00, v8  }
0x55e: {  	v8 =	vld [tilespmem:s2+$0xFFFFFE90];
	[tilespmem:s13+$0xFFFFFFC0] =	vst v5;
	v5 =	vadd.f32 v10, v3;
	v9 =	vmul.f32 $8.000000000e+00, v9  }
0x55f: {  	v10 =	vmul.f32 $8.000000000e+00, v12;
	v12 =	vld [tilespmem:s2+$0xFFFFFF90];
	[tilespmem:s13+$0x40] =	vst v4;
	v4 =	vadd.f32 v6, v0  }
0x560: {  	v6 =	vld [tilespmem:s2+$0x90];
	[tilespmem:s13+$0xC0] =	vst v5;
	v5 =	vadd.f32 v9, v3;
	v7 =	vmul.f32 $8.000000000e+00, v7  }
0x561: {  	v9 =	vadd.f32 v10, v3;
	v10 =	vld [tilespmem:s2+$0x190];
	v11 =	vmul.f32 $8.000000000e+00, v11;
	[tilespmem:s0+$0xFFFFFFF0] =	vst v4  }
0x562: {  	v4 =	vmul.f32 $8.000000000e+00, v13;
	[tilespmem:s13+$0x140] =	vst v5;
	v5 =	vadd.f32 v7, v0;
	v7 =	vld [tilespmem:s14+$0x1B0]  }
0x563: {  	[tilespmem:s13+$0xFFFFFE40] =	vst v9;
	v8 =	vmul.f32 $8.000000000e+00, v8;
	v13 =	vld [tilespmem:s2+$0x290];
	v9 =	vadd.f32 v11, v2  }
0x564: {  	v14 =	vld [tilespmem:s2+$0xFFFFFC90];
	v11 =	vadd.f32 v4, v2;
	v12 =	vmul.f32 $8.000000000e+00, v12;
	[tilespmem:s0+$0x70] =	vst v5  }
0x565: {  	v4 =	vld [tilespmem:s14+$0x2B0];
	v5 =	vadd.f32 v8, v2;
	v8 =	vmul.f32 $8.000000000e+00, v6;
	[tilespmem:s13+$0x1D0] =	vst v9  }
0x566: {  	[tilespmem:s13+$0xFFFFFED0] =	vst v11;
	v11 =	vadd.f32 v12, v2;
	v10 =	vmul.f32 $8.000000000e+00, v10;
	v9 =	vld [tilespmem:s2+$0x3A0]  }
0x567: {  	v6 =	vld [tilespmem:s2+$0xFFFFFDA0];
	[tilespmem:s13+$0xFFFFFF50] =	vst v5;
	v5 =	vadd.f32 v8, v2;
	v15 =	vmul.f32 $8.000000000e+00, v7  }
0x568: {  	v7 =	vld [tilespmem:s2+$0xFFFFFEA0];
	[tilespmem:s13+$0xFFFFFFD0] =	vst v11;
	v10 =	vadd.f32 v10, v2;
	v11 =	vmul.f32 $8.000000000e+00, v13  }
0x569: {  	s5 =	simm.s32 $0x11D00;
	s14 =	simm.s32 $0x8;
	v12 =	vmul.f32 $8.000000000e+00, v14;
	v8 =	vld [tilespmem:s2+$0xFFFFFFA0];
	[tilespmem:s13+$0x50] =	vst v5;
	v5 =	vadd.f32 v15, v0  }
.LBB2_14:
0x56a: {  	v13 =	vld [tilespmem:s5+$0x300];
	s14 =	sadd.s32 $0x8, s14;
	[tilespmem:s13+$0xD0] =	vst v10;
	v10 =	vadd.f32 v11, v2;
	v4 =	vmul.f32 $8.000000000e+00, v4  }
0x56b: {  	v11 =	vld [tilespmem:s5+$0xFFFFFD00];
	p0 =	slt.u32 s14, $0x38;
	v12 =	vadd.f32 v12, v2;
	v9 =	vmul.f32 $8.000000000e+00, v9;
	[tilespmem:s0+$0xF0] =	vst v5  }
0x56c: {  	v5 =	vld [tilespmem:s5+$0xFFFFFE00];
	v6 =	vmul.f32 $8.000000000e+00, v6;
	[tilespmem:s13+$0x150] =	vst v10;
	v4 =	vadd.f32 v4, v0  }
0x56d: {  	v10 =	vld [tilespmem:s5+$0xFFFFFF00];
	[tilespmem:s13+$0xFFFFFE50] =	vst v12;
	v7 =	vmul.f32 $8.000000000e+00, v7;
	v9 =	vadd.f32 v9, v1  }
0x56e: {  	v12 =	vld [tilespmem:s5+$0x0];
	v6 =	vadd.f32 v6, v1;
	v8 =	vmul.f32 $8.000000000e+00, v8;
	[tilespmem:s0+$0x170] =	vst v4;
	s0 =	smov.u32 s13  }
0x56f: {  	v4 =	vld [tilespmem:s5+$0x100];
	v13 =	vmul.f32 $8.000000000e+00, v13;
	v7 =	vadd.f32 v7, v1;
	[tilespmem:s13+$0x1E0] =	vst v9  }
0x570: {  	v9 =	vmul.f32 $8.000000000e+00, v11;
	[tilespmem:s13+$0xFFFFFEE0] =	vst v6;
	v6 =	vadd.f32 v8, v1;
	v8 =	vld [tilespmem:s2+$0x3B0]  }
0x571: {  	v5 =	vmul.f32 $8.000000000e+00, v5;
	v11 =	vld [tilespmem:s5+$0x200];
	v13 =	vadd.f32 v13, v3;
	[tilespmem:s13+$0xFFFFFF60] =	vst v7  }
0x572: {  	s13 =	sadd.s32 $0x400, s13;
	v7 =	vld [tilespmem:s5+$0xFFFFFC00];
	v9 =	vadd.f32 v9, v3;
	v10 =	vmul.f32 $8.000000000e+00, v10;
	[tilespmem:s0+$0xFFFFFFE0] =	vst v6  }
0x573: {  	v5 =	vadd.f32 v5, v3;
	v6 =	vmul.f32 $8.000000000e+00, v12;
	[tilespmem:s13+$0x180] =	vst v13;
	v12 =	vld [tilespmem:s2+$0xFFFFFCA0]  }
0x574: {  	[tilespmem:s13+$0xFFFFFE80] =	vst v9;
	v9 =	vadd.f32 v10, v3;
	v4 =	vmul.f32 $8.000000000e+00, v4;
	v10 =	vld [tilespmem:s5+$0x310]  }
0x575: {  	v13 =	vld [tilespmem:s5+$0xFFFFFD10];
	[tilespmem:s13+$0xFFFFFF00] =	vst v5;
	v5 =	vadd.f32 v6, v3;
	v6 =	vmul.f32 $8.000000000e+00, v8  }
0x576: {  	v8 =	vld [tilespmem:s5+$0xFFFFFE10];
	[tilespmem:s13+$0xFFFFFF80] =	vst v9;
	v4 =	vadd.f32 v4, v3;
	v9 =	vmul.f32 $8.000000000e+00, v11  }
0x577: {  	v7 =	vmul.f32 $8.000000000e+00, v7;
	v11 =	vld [tilespmem:s5+$0xFFFFFF10];
	[tilespmem:s13+$0x0] =	vst v5;
	v5 =	vadd.f32 v6, v0  }
0x578: {  	v6 =	vld [tilespmem:s5+$0x10];
	[tilespmem:s13+$0x80] =	vst v4;
	v4 =	vadd.f32 v9, v3;
	v9 =	vmul.f32 $8.000000000e+00, v12  }
0x579: {  	v7 =	vadd.f32 v7, v3;
	v12 =	vld [tilespmem:s5+$0x110];
	v10 =	vmul.f32 $8.000000000e+00, v10;
	[tilespmem:s0+$0x1F0] =	vst v5  }
0x57a: {  	v5 =	vmul.f32 $8.000000000e+00, v13;
	[tilespmem:s13+$0x100] =	vst v4;
	v4 =	vadd.f32 v9, v1;
	v9 =	vld [tilespmem:s2+$0xA0]  }
0x57b: {  	[tilespmem:s13+$0xFFFFFE00] =	vst v7;
	v7 =	vmul.f32 $8.000000000e+00, v8;
	v8 =	vld [tilespmem:s5+$0x210];
	v10 =	vadd.f32 v10, v2  }
0x57c: {  	v13 =	vld [tilespmem:s5+$0xFFFFFC10];
	v5 =	vadd.f32 v5, v2;
	v11 =	vmul.f32 $8.000000000e+00, v11;
	[tilespmem:s0+$0xFFFFFE60] =	vst v4  }
0x57d: {  	v4 =	vadd.f32 v7, v2;
	v6 =	vmul.f32 $8.000000000e+00, v6;
	[tilespmem:s13+$0x190] =	vst v10;
	v7 =	vld [tilespmem:s2+$0x1A0]  }
0x57e: {  	[tilespmem:s13+$0xFFFFFE90] =	vst v5;
	v5 =	vadd.f32 v11, v2;
	v10 =	vmul.f32 $8.000000000e+00, v12;
	v11 =	vld [tilespmem:s5+$0x320]  }
0x57f: {  	v12 =	vld [tilespmem:s5+$0xFFFFFD20];
	[tilespmem:s13+$0xFFFFFF10] =	vst v4;
	v4 =	vadd.f32 v6, v2;
	v6 =	vmul.f32 $8.000000000e+00, v9  }
0x580: {  	v9 =	vld [tilespmem:s5+$0xFFFFFE20];
	[tilespmem:s13+$0xFFFFFF90] =	vst v5;
	v5 =	vadd.f32 v10, v2;
	v8 =	vmul.f32 $8.000000000e+00, v8  }
0x581: {  	v10 =	vmul.f32 $8.000000000e+00, v13;
	v13 =	vld [tilespmem:s5+$0xFFFFFF20];
	[tilespmem:s13+$0x10] =	vst v4;
	v4 =	vadd.f32 v6, v1  }
0x582: {  	v6 =	vld [tilespmem:s5+$0x20];
	[tilespmem:s13+$0x90] =	vst v5;
	v5 =	vadd.f32 v8, v2;
	v7 =	vmul.f32 $8.000000000e+00, v7  }
0x583: {  	v8 =	vadd.f32 v10, v2;
	v10 =	vld [tilespmem:s5+$0x120];
	v11 =	vmul.f32 $8.000000000e+00, v11;
	[tilespmem:s0+$0x60] =	vst v4  }
0x584: {  	v4 =	vmul.f32 $8.000000000e+00, v12;
	[tilespmem:s13+$0x110] =	vst v5;
	v5 =	vadd.f32 v7, v1;
	v7 =	vld [tilespmem:s2+$0x2A0]  }
0x585: {  	[tilespmem:s13+$0xFFFFFE10] =	vst v8;
	v8 =	vmul.f32 $8.000000000e+00, v9;
	v9 =	vld [tilespmem:s5+$0x220];
	v11 =	vadd.f32 v11, v1  }
0x586: {  	v12 =	vld [tilespmem:s5+$0xFFFFFC20];
	v4 =	vadd.f32 v4, v1;
	v13 =	vmul.f32 $8.000000000e+00, v13;
	[tilespmem:s0+$0xE0] =	vst v5  }
0x587: {  	v5 =	vadd.f32 v8, v1;
	v6 =	vmul.f32 $8.000000000e+00, v6;
	[tilespmem:s13+$0x1A0] =	vst v11;
	v8 =	vld [tilespmem:s2+$0xFFFFFCB0]  }
0x588: {  	[tilespmem:s13+$0xFFFFFEA0] =	vst v4;
	v4 =	vadd.f32 v13, v1;
	v10 =	vmul.f32 $8.000000000e+00, v10;
	v11 =	vld [tilespmem:s5+$0x330]  }
0x589: {  	v13 =	vld [tilespmem:s5+$0xFFFFFD30];
	[tilespmem:s13+$0xFFFFFF20] =	vst v5;
	v5 =	vadd.f32 v6, v1;
	v6 =	vmul.f32 $8.000000000e+00, v7  }
0x58a: {  	v7 =	vld [tilespmem:s5+$0xFFFFFE30];
	[tilespmem:s13+$0xFFFFFFA0] =	vst v4;
	v4 =	vadd.f32 v10, v1;
	v9 =	vmul.f32 $8.000000000e+00, v9  }
0x58b: {  	v10 =	vmul.f32 $8.000000000e+00, v12;
	v12 =	vld [tilespmem:s5+$0xFFFFFF30];
	[tilespmem:s13+$0x20] =	vst v5;
	v5 =	vadd.f32 v6, v1  }
0x58c: {  	v6 =	vld [tilespmem:s5+$0x30];
	[tilespmem:s13+$0xA0] =	vst v4;
	v4 =	vadd.f32 v9, v1;
	v8 =	vmul.f32 $8.000000000e+00, v8  }
0x58d: {  	v9 =	vadd.f32 v10, v1;
	v10 =	vld [tilespmem:s5+$0x130];
	v11 =	vmul.f32 $8.000000000e+00, v11;
	[tilespmem:s0+$0x160] =	vst v5  }
0x58e: {  	v5 =	vmul.f32 $8.000000000e+00, v13;
	[tilespmem:s13+$0x120] =	vst v4;
	v4 =	vadd.f32 v8, v0;
	v8 =	vld [tilespmem:s2+$0xFFFFFDB0]  }
0x58f: {  	[tilespmem:s13+$0xFFFFFE20] =	vst v9;
	v7 =	vmul.f32 $8.000000000e+00, v7;
	v9 =	vld [tilespmem:s5+$0x230];
	v11 =	vadd.f32 v11, v0  }
0x590: {  	v13 =	vld [tilespmem:s5+$0xFFFFFC30];
	v5 =	vadd.f32 v5, v0;
	v12 =	vmul.f32 $8.000000000e+00, v12;
	[tilespmem:s0+$0xFFFFFE70] =	vst v4  }
0x591: {  	v4 =	vadd.f32 v7, v0;
	v6 =	vmul.f32 $8.000000000e+00, v6;
	[tilespmem:s13+$0x1B0] =	vst v11;
	v7 =	vld [tilespmem:s2+$0xFFFFFEB0]  }
0x592: {  	[tilespmem:s13+$0xFFFFFEB0] =	vst v5;
	v5 =	vadd.f32 v12, v0;
	v10 =	vmul.f32 $8.000000000e+00, v10;
	v11 =	vld [tilespmem:s5+$0x380]  }
0x593: {  	v12 =	vld [tilespmem:s5+$0xFFFFFD80];
	[tilespmem:s13+$0xFFFFFF30] =	vst v4;
	v4 =	vadd.f32 v6, v0;
	v6 =	vmul.f32 $8.000000000e+00, v8  }
0x594: {  	v8 =	vld [tilespmem:s5+$0xFFFFFE80];
	[tilespmem:s13+$0xFFFFFFB0] =	vst v5;
	v5 =	vadd.f32 v10, v0;
	v9 =	vmul.f32 $8.000000000e+00, v9  }
0x595: {  	v10 =	vmul.f32 $8.000000000e+00, v13;
	v13 =	vld [tilespmem:s5+$0xFFFFFF80];
	[tilespmem:s13+$0x30] =	vst v4;
	v4 =	vadd.f32 v6, v0  }
0x596: {  	v6 =	vld [tilespmem:s5+$0x80];
	[tilespmem:s13+$0xB0] =	vst v5;
	v5 =	vadd.f32 v9, v0;
	v7 =	vmul.f32 $8.000000000e+00, v7  }
0x597: {  	v9 =	vadd.f32 v10, v0;
	v10 =	vld [tilespmem:s5+$0x180];
	v11 =	vmul.f32 $8.000000000e+00, v11;
	[tilespmem:s0+$0xFFFFFEF0] =	vst v4  }
0x598: {  	v4 =	vmul.f32 $8.000000000e+00, v12;
	[tilespmem:s13+$0x130] =	vst v5;
	v5 =	vadd.f32 v7, v0;
	v7 =	vld [tilespmem:s2+$0xFFFFFFB0]  }
0x599: {  	[tilespmem:s13+$0xFFFFFE30] =	vst v9;
	v8 =	vmul.f32 $8.000000000e+00, v8;
	v9 =	vld [tilespmem:s5+$0x280];
	v11 =	vadd.f32 v11, v3  }
0x59a: {  	v12 =	vld [tilespmem:s5+$0xFFFFFC80];
	v4 =	vadd.f32 v4, v3;
	v13 =	vmul.f32 $8.000000000e+00, v13;
	[tilespmem:s0+$0xFFFFFF70] =	vst v5  }
0x59b: {  	v5 =	vadd.f32 v8, v3;
	v6 =	vmul.f32 $8.000000000e+00, v6;
	[tilespmem:s13+$0x1C0] =	vst v11;
	v8 =	vld [tilespmem:s2+$0xB0]  }
0x59c: {  	[tilespmem:s13+$0xFFFFFEC0] =	vst v4;
	v4 =	vadd.f32 v13, v3;
	v10 =	vmul.f32 $8.000000000e+00, v10;
	v11 =	vld [tilespmem:s5+$0x390]  }
0x59d: {  	v13 =	vld [tilespmem:s5+$0xFFFFFD90];
	[tilespmem:s13+$0xFFFFFF40] =	vst v5;
	v5 =	vadd.f32 v6, v3;
	v6 =	vmul.f32 $8.000000000e+00, v7  }
0x59e: {  	v7 =	vld [tilespmem:s5+$0xFFFFFE90];
	[tilespmem:s13+$0xFFFFFFC0] =	vst v4;
	v4 =	vadd.f32 v10, v3;
	v9 =	vmul.f32 $8.000000000e+00, v9  }
0x59f: {  	v10 =	vmul.f32 $8.000000000e+00, v12;
	v12 =	vld [tilespmem:s5+$0xFFFFFF90];
	[tilespmem:s13+$0x40] =	vst v5;
	v5 =	vadd.f32 v6, v0  }
0x5a0: {  	v6 =	vld [tilespmem:s5+$0x90];
	[tilespmem:s13+$0xC0] =	vst v4;
	v4 =	vadd.f32 v9, v3;
	v8 =	vmul.f32 $8.000000000e+00, v8  }
0x5a1: {  	v9 =	vadd.f32 v10, v3;
	v10 =	vld [tilespmem:s5+$0x190];
	v11 =	vmul.f32 $8.000000000e+00, v11;
	[tilespmem:s0+$0xFFFFFFF0] =	vst v5  }
0x5a2: {  	v5 =	vmul.f32 $8.000000000e+00, v13;
	[tilespmem:s13+$0x140] =	vst v4;
	v4 =	vadd.f32 v8, v0;
	v8 =	vld [tilespmem:s2+$0x1B0]  }
0x5a3: {  	[tilespmem:s13+$0xFFFFFE40] =	vst v9;
	v7 =	vmul.f32 $8.000000000e+00, v7;
	v13 =	vld [tilespmem:s5+$0x290];
	v9 =	vadd.f32 v11, v2  }
0x5a4: {  	v14 =	vld [tilespmem:s5+$0xFFFFFC90];
	v5 =	vadd.f32 v5, v2;
	v11 =	vmul.f32 $8.000000000e+00, v12;
	[tilespmem:s0+$0x70] =	vst v4  }
.Ltmp6:
0x5a5: {  	v7 =	vadd.f32 v7, v2;
	v12 =	vmul.f32 $8.000000000e+00, v6;
	[tilespmem:s13+$0x1D0] =	vst v9;
	v4 =	vld [tilespmem:s2+$0x2B0];
	s2 =	smov.u32 s5;
	(pc) =	sbr.rel @p0 .LBB2_14-.Ltmp6, $4  }
0x5a6: {  	[tilespmem:s13+$0xFFFFFED0] =	vst v5;
	v5 =	vadd.f32 v11, v2;
	v10 =	vmul.f32 $8.000000000e+00, v10;
	v9 =	vld [tilespmem:s5+$0x3A0]  }
0x5a7: {  	v6 =	vld [tilespmem:s5+$0xFFFFFDA0];
	[tilespmem:s13+$0xFFFFFF50] =	vst v7;
	v15 =	vadd.f32 v12, v2;
	v16 =	vmul.f32 $8.000000000e+00, v8  }
0x5a8: {  	v7 =	vld [tilespmem:s5+$0xFFFFFEA0];
	[tilespmem:s13+$0xFFFFFFD0] =	vst v5;
	v10 =	vadd.f32 v10, v2;
	v11 =	vmul.f32 $8.000000000e+00, v13  }
0x5a9: {  	s5 =	sadd.s32 $0x800, s5;
	v12 =	vmul.f32 $8.000000000e+00, v14;
	v8 =	vld [tilespmem:s2+$0xFFFFFFA0];
	[tilespmem:s13+$0x50] =	vst v15;
	v5 =	vadd.f32 v16, v0  }
0x5aa: {  	v40 =	vadd.f32 v11, v2  }
0x5ab: {  	v3 =	vadd.f32 v12, v2  }
0x5ac: {  	[tilespmem:s13+$0x150] =	vst v40  }
0x5ad: {  	[tilespmem:s13+$0xFFFFFE50] =	vst v3;
	v44 =	vld [tilespmem:s2+$0x2A0]  }
0x5ae: {  	[tilespmem:s13+$0xD0] =	vst v10;
	v9 =	vmul.f32 $8.000000000e+00, v9;
	v3 =	vld [tilespmem:s2+$0xFFFFFCA0]  }
0x5af: {  	v43 =	vld [tilespmem:s2+$0x1A0];
	v6 =	vmul.f32 $8.000000000e+00, v6  }
0x5b0: {  	v41 =	vld [tilespmem:s2+$0xA0];
	v9 =	vadd.f32 v9, v1;
	v7 =	vmul.f32 $8.000000000e+00, v7  }
0x5b1: {  	v6 =	vadd.f32 v6, v1;
	v8 =	vmul.f32 $8.000000000e+00, v8  }
0x5b2: {  	[tilespmem:s13+$0x1E0] =	vst v9;
	v7 =	vadd.f32 v7, v1;
	v48 =	vmul.f32 $8.000000000e+00, v44  }
0x5b3: {  	v9 =	vld [tilespmem:s2+$0x3B0];
	[tilespmem:s13+$0xFFFFFEE0] =	vst v6;
	v46 =	vadd.f32 v8, v1;
	v42 =	vmul.f32 $8.000000000e+00, v3  }
0x5b4: {  	[tilespmem:s13+$0xFFFFFF60] =	vst v7;
	v49 =	vld [tilespmem:s2+$0xFFFFFDB0];
	v3 =	vmul.f32 $8.000000000e+00, v43;
	v51 =	vadd.f32 v48, v1  }
0x5b5: {  	v45 =	vmul.f32 $8.000000000e+00, v41;
	[tilespmem:s13+$0xFFFFFFE0] =	vst v46;
	v50 =	vld [tilespmem:s2+$0xFFFFFEB0];
	v2 =	vadd.f32 v42, v1  }
0x5b6: {  	v52 =	vld [tilespmem:s2+$0xFFFFFFB0];
	v3 =	vadd.f32 v3, v1;
	[tilespmem:s13+$0x160] =	vst v51  }
0x5b7: {  	v4 =	vmul.f32 $8.000000000e+00, v4;
	[tilespmem:s13+$0xFFFFFE60] =	vst v2;
	v2 =	vadd.f32 v45, v1;
	v58 =	vld [tilespmem:s2+$0x2B0]  }
0x5b8: {  	v53 =	vmul.f32 $8.000000000e+00, v9;
	[tilespmem:s13+$0xE0] =	vst v3;
	v47 =	vld [tilespmem:s2+$0xFFFFFCB0]  }
0x5b9: {  	v4 =	vadd.f32 v4, v0;
	v57 =	vmul.f32 $8.000000000e+00, v49;
	v55 =	vld [tilespmem:s2+$0x1B0];
	[tilespmem:s13+$0x60] =	vst v2  }
0x5ba: {  	[tilespmem:s0+$0xF0] =	vst v5;
	v56 =	vadd.f32 v53, v0;
	v6 =	vmul.f32 $8.000000000e+00, v50;
	v54 =	vld [tilespmem:s2+$0xB0]  }
0x5bb: {  	[tilespmem:s0+$0x170] =	vst v4;
	v60 =	vadd.f32 v57, v0;
	v2 =	vmul.f32 $8.000000000e+00, v52  }
0x5bc: {  	[tilespmem:s13+$0x1F0] =	vst v56;
	v61 =	vadd.f32 v6, v0;
	v62 =	vmul.f32 $8.000000000e+00, v58  }
0x5bd: {  	[tilespmem:s13+$0xFFFFFEF0] =	vst v60;
	v2 =	vadd.f32 v2, v0;
	v8 =	vmul.f32 $8.000000000e+00, v47  }
0x5be: {  	[tilespmem:s13+$0xFFFFFF70] =	vst v61;
	v1 =	vmul.f32 $8.000000000e+00, v55;
	v63 =	vadd.f32 v62, v0  }
0x5bf: {  	[tilespmem:s13+$0xFFFFFFF0] =	vst v2;
	v59 =	vadd.f32 v8, v0;
	v3 =	vmul.f32 $8.000000000e+00, v54  }
0x5c0: {  	v1 =	vadd.f32 v1, v0;
	[tilespmem:s13+$0x170] =	vst v63  }
0x5c1: {  	[tilespmem:s13+$0xFFFFFE70] =	vst v59;
	v3 =	vadd.f32 v3, v0  }
0x5c2: {  	[tilespmem:s13+$0xF0] =	vst v1  }
0x5c3: {  	s29 =	sadd.s32 $0x1, s29;
	[tilespmem:s13+$0x70] =	vst v3  }
0x5c4: {  	[hbm4b:s11+s3] =	stream.linear.scatter [tilespmem:s25], [sflag:$0x4], $0x2000, $0x38;
	[tilespmem:$0x18900] =	vst v63  }
0x5c5: {  	p0 =	sne.s32 s29, s12;
	_ =	swait.ge [sflag:s26], $0x2000  }
.Ltmp7:
0x5c6: {  	[sflag:s26] =	ssyncset.done $0x0;
	(pc) =	sbr.rel @p0 .LBB2_1-.Ltmp7, $4  }
0x5c7: {  	[sflag:s26] =	ssyncadd.s32 $0xFFFFE000  }
0x5c8: {  	_ =	swait.ge [sflag:s28], $0x2000  }
0x5c9: {  	[sflag:s28] =	ssyncset.done $0x0  }
0x5ca: {  	[sflag:s28] =	ssyncadd.s32 $0xFFFFE000  }
0x5cb: {  	_ =	sfence.sel $0x180000  }
0x5cc: {  	[bflag:$0x0] =	sbarrier.arrive $0xFFFF  }
0x5cd: {  	_ =	strace $0x90000047  }
0x5ce: {  	s0 =	stileid.u32;
	[bflag:$0x2] =	sbarrier.arrive $0xFFFF  }
0x5cf: {  	p0 =	sne.s32 s0, $0x0;
	s0 =	rddreg [dreg:$0x3]  }
0x5d0: {  	s0 =	sadd.s32 @!p0 $0x100000, s0  }
0x5d1: {  	[sflag:s0] =	ssyncadd.tile.s32 @!p0 $0x1;
	_ =	shalt  }
.Lfunc_end2:
_tile_overlayer_lowered:
.L_overlay_start_2:
0x5d2: {  	(tag) =	ssettag $0x2  }
0x5d3: {  	s0 =	rddreg [dreg:$0x0];
	s2 =	stileid.u32  }
0x5d4: {  	s1 =	rddreg [dreg:$0x1];
	p0 =	sne.s32 s2, $0x0  }
0x5d5: {  	s3 =	rddreg [dreg:$0x2];
	[bflag:$0x3] =	sbarrier.arrive $0xFFFF;
	s2 =	simm.s32 @!p0 $0x1C05  }
0x5d6: {  	[timem:s3], [sflag:s2] =	dma.local @!p0 [hbm:s0], s1  }
0x5d7: {  	s0 =	simm.s32 @!p0 $0x5  }
0x5d8: {  	_ =	swait.ge @!p0 [sflag:s0], s1  }
0x5d9: {  	s1 =	ssub.s32 @!p0 $0x0, s1;
	[sflag:s0] =	ssyncset.done @!p0 $0x0  }
0x5da: {  	[sflag:s0] =	ssyncadd.s32 @!p0 s1  }
0x5db: {  	[bflag:$0x3] =	sbarrier.arrive $0xFFFF  }
0x5dc: {  	_ =	shalt  }

// kernel: sparse-core-data-format-call.cloned.1.call-start
scs
called_computation_lowered:
.L_overlay_start_0:
0x0: {  	s2 =	sld [smem:$0x3FD9]  }
0x1: {  	s3 =	sld [smem:$0x3FFE];
	_ =	sdelay $0x1  }
0x2: {  	s1 =	srdreg.scid  }
0x3: {  	s0 =	sand.u32 $0x1, s1  }
0x4: {  	s18 =	sshll.u32 s0, $0xA;
	s2 =	sadd.s32 s3, s2  }
0x5: {  	s2 =	sadd.s32 s2, s18  }
0x6: {  	[smem:$0x3FC6] =	sst s2  }
0x7: {  	_ = 	snop  }
0x8: {  	s2 =	sld [smem:$0x3FD0];
	(tm) =	ssettm $0x1  }
0x9: {  	s19 =	sld [smem:$0x3FFB];
	_ =	sdelay $0x3  }
0xa: {  	_ =	strace s19  }
0xb: {  	s3 =	sld [smem:$0x3FFC];
	_ =	sdelay $0x3  }
0xc: {  	_ =	strace s3  }
0xd: {  	s3 =	sld [smem:$0x3FFD];
	_ =	sdelay $0x3  }
0xe: {  	_ =	strace s3  }
0xf: {  	_ =	strace $0x8FFFFFFF  }
0x10: {  	s20 =	sld [smem:$0x3FDB];
	_ =	sdelay $0x1  }
0x11: {  	s4 =	simm.s32 $_scs_section_size  }
0x12: {  	s5 =	simm.s32 $_size__tile_overlayer_lowered;
	s6 =	simm.s32 $_tile_overlayer_lowered  }
0x13: {  	s23 =	simm.s32 $0x1BFF;
	s22 =	sshll.u32 s6, $0x1;
	s3 =	sadd.s32 s4, s20  }
0x14: {  	s7 =	simm.s32 $0x0;
	s21 =	sshll.u32 s5, $0x1;
	s5 =	sadd.s32 s22, s3  }
0x15: {  	[timem:s7], [sflag:s23] =	dma.local [hbm:s5], s21  }
0x16: {  	_ =	swait.ge [sflag:s23], s21  }
0x17: {  	s4 =	ssub.s32 $0x0, s21;
	[sflag:s23] =	ssyncset.done $0x0  }
0x18: {  	[sflag:s23] =	ssyncadd.s32 s4;
	_ =	sdelay $0x1  }
0x19: {  	s24 =	simm.s32 $0x1B8B  }
0x1a: {  	_ =	swait.ge [sflag:s24], $0x1  }
0x1b: {  	[sflag:s24] =	ssyncset.done $0x0  }
0x1c: {  	s26 =	simm.s32 $0x1B8E;
	s25 =	sld [smem:$0x3FFE];
	[sflag:s24] =	ssyncadd.s32 $0xFFFFFFFF  }
0x1d: {  	s27 =	simm.s32 $execute0_lowered;
	[smem:$0x3FD2] =	sst s26  }
0x1e: {  	s5 =	sshll.u32 s27, $0x1;
	_ =	strace $0x80000049;
	[dreg:$0x1] =	wrdreg $0xFFFFFFFF  }
0x1f: {  	s28 =	simm.s32 $_size_execute0_lowered;
	s3 =	sadd.s32 s3, s5;
	[dreg:$0x0] =	wrdreg $0x0  }
0x20: {  	s5 =	sshll.u32 s28, $0x1;
	[dreg:$0x2] =	wrdreg s3  }
0x21: {  	[dreg:$0x3] =	wrdreg s5  }
0x22: {  	[dreg:$0x4] =	wrdreg $0xC0  }
0x23: {  	_ =	task [dreg:s7], $0x5FFFF  }
0x24: {  	[dreg:$0x1] =	wrdreg $0xFFFFFFFF  }
0x25: {  	[dreg:$0x0] =	wrdreg $0x60  }
0x26: {  	[dreg:$0x2] =	wrdreg s25  }
0x27: {  	[dreg:$0x3] =	wrdreg s2  }
0x28: {  	[dreg:$0x4] =	wrdreg $0x9  }
0x29: {  	_ =	task.clear_ibuf [dreg:s7], $0x5FFFF;
	_ =	strace $0x90000049  }
0x2a: {  	s29 =	simm.s32 $0x9;
	_ =	strace $0x8000004B  }
0x2b: {  	_ =	swait.ge [sflag:s29], $0x1  }
0x2c: {  	[sflag:s29] =	ssyncadd.s32 $0xFFFFFFFF  }
0x2d: {  	_ =	strace $0x9000004B  }
0x2e: {  	_ =	sfence  }
0x2f: {  	s30 =	sld [smem:$0x0];
	_ =	sdelay $0x2  }
0x30: {  	s31 =	sshll.u32 s1, $0xD;
	s1 =	sshrl.u32 s1, $0x2  }
0x31: {  	s3 =	sand.u32 $0x4000, s31;
	s1 =	sadd.s32 s1, s30  }
0x32: {  	s0 =	sor.u32 s3, s0;
	s1 =	sshll.u32 s1, $0x11  }
0x33: {  	s0 =	sor.u32 s1, s0  }
0x34: {  	s0 =	sadd.s32 $0x8F2B, s0  }
0x35: {  	[sflag:s0] =	ssyncadd.remote.s32 $0x1  }
0x36: {  	_ =	sfence.sel $0xFFFF  }
0x37: {  	[dreg:$0x0] =	wrdreg $0xFFFFFFFF;
	(pc) =	sbr.abs _section_cstart, $3  }
0x38: {  	[dreg:$0x1] =	wrdreg $0xFFFFFFFF  }
0x39: {  	_ =	task.clear_ibuf [dreg:s7], $0x2FFFF;
	_ =	strace $0x9FFFFFFF  }
0x3a: {  	(tm) =	ssettm $0x7FFFFFFF  }
0x3b: {  	_ =	shalt  }
tec
execute0_lowered:
.L_overlay_start_1:
0x0: {  	(tag) =	ssettag $0x1  }
0x1: {  	s5 =	rddreg [dreg:$0x0]  }
0x2: {  	s0 =	srdreg.scid;
	s3 =	rddreg [dreg:$0x1];
	s7 =	simm.s32 $0x1  }
0x3: {  	s8 =	simm.s32 $0x2;
	s18 =	simm.s32 $0x0;
	s1 =	sshll.u32 s0, $0x4  }
0x4: {  	s17 =	simm.s32 $0x0;
	s0 =	stileid.u32;
	s1 =	sand.u32 $0x10, s1  }
0x5: {  	s16 =	simm.s32 $0x0;
	s9 =	simm.s32 $0x0;
	s1 =	sor.u32 s0, s1  }
0x6: {  	s10 =	simm.s32 $0x0;
	s11 =	simm.s32 $0x0;
	s2 =	sshll.u32 s1, $0x7  }
0x7: {  	s12 =	simm.s32 $0x0;
	s13 =	simm.s32 $0x0;
	s6 =	ssub.s32 $0x1000, s2  }
0x8: {  	s15 =	simm.s32 $0x0;
	s5 =	sadd.s32 $0xA00, s5;
	s4 =	sand.u32 $0xF80, s6  }
.Ltmp0:
0x9: {  	s1 =	rddreg [dreg:$0x2];
	p0 =	sne.s32 s4, $0x0;
	(pc) =	sbr.rel .LBB1_1-.Ltmp0, $4  }
0xa: {  	_ =	strace $0x8000004A;
	s6 =	sshrl.u32 s6, $0xC;
	s7 =	simm.s32 @!p0 $0x0  }
0xb: {  	s14 =	smov.u32 s2;
	s4 =	simm.s32 $0x1;
	s6 =	sadd.s32 s7, s6  }
0xc: {  	[sflag:s4] =	ssyncpa.u1 $0x0;
	p0 =	por $0x0, $0x0;
	s6 =	sshll.u32 s6, $0x7  }
0xd: {  	[sflag:s8] =	ssyncpa.u1 $0x0;
	s8 =	simm.s32 $0x40000;
	s7 =	sor.u32 $0x1, s6  }
.LBB1_4:
0xe: {  	s23 =	sshra.s32 s23, $0x2;
	s24 =	sshll.u32 s11, $0x3  }
0xf: {  	s28 =	sand.u32 $0x78, s11;
	p2 =	sgt.s32 s10, $0x3F;
	s26 =	sshra.s32 s10, $0x1F  }
0x10: {  	p1 =	sgt.s32 s9, $0x48;
	s27 =	sshra.s32 s11, $0x1F;
	s25 =	sand.u32 $0xC00, s24  }
0x11: {  	s22 =	sadd.s32 s23, s22;
	s23 =	sor.u32 s28, s25;
	s25 =	smov.u32 s10  }
0x12: {  	s29 =	sshra.s32 s9, $0x1F;
	s26 =	sand.u32 s26, s10;
	s25 =	simm.s32 @!p2 $0x3F  }
0x13: {  	p2 =	sgt.s32 s11, $0xF80;
	s25 =	ssub.s32 s25, s26;
	s26 =	smov.u32 s11  }
0x14: {  	s27 =	sand.u32 s27, s11;
	s28 =	sadd.s32 $0xFFFFFFC1, s25;
	s26 =	simm.s32 @!p2 $0xF80  }
0x15: {  	v5 =	vld [tilespmem:s20+$0xFFFFFFD0];
	[tilespmem:s21+$0x2040 ss:$0x81] =	vst.msk $0xffff, v4;
	s25 =	ssub.s32 $0x40, s25;
	p2 =	sgt.s32 s28, $0x0;
	s28 =	smov.u32 s9  }
0x16: {  	v58 =	vld [tilespmem:s20+$0xFFFFFFE0];
	[tilespmem:s21+$0x2850 ss:$0x81] =	vst.msk $0xffff, v3;
	s26 =	ssub.s32 s26, s27;
	s27 =	sand.u32 s29, s9;
	s29 =	sshll.u32 s10, $0x7  }
0x17: {  	v59 =	vld [tilespmem:s20+$0xFFFFFFF0];
	[tilespmem:s21+$0x3060 ss:$0x81] =	vst.msk $0xffff, v2;
	s28 =	simm.s32 @!p1 $0x48;
	s25 =	simm.s32 @p2 $0x0;
	s30 =	sadd.s32 $0xFFFFF080, s26  }
0x18: {  	[tilespmem:s21+$0x0 ss:$0x81] =	vst.msk $0xffff, v1;
	v60 =	vld [tilespmem:s20+$0x0];
	s26 =	ssub.s32 $0x1000, s26;
	s27 =	ssub.s32 s28, s27;
	p1 =	sgt.s32 s30, $0x7F  }
0x19: {  	v61 =	vld [tilespmem:s20+$0x10];
	[tilespmem:s22+$0x3870 ss:$0x81] =	vst.msk $0xffff, v0;
	s28 =	sshll.u32 s10, $0xC;
	s30 =	sand.u32 $0x3FC00, s24;
	s31 =	sadd.s32 $0xFFFFFFB8, s27  }
0x1a: {  	v62 =	vld [tilespmem:s20+$0x20];
	[tilespmem:s22+$0x810 ss:$0x81] =	vst.msk $0xffff, v5;
	s26 =	simm.s32 @p1 $0x0;
	s21 =	sand.u32 $0x38000, s28;
	s28 =	sand.u32 $0x7, s11  }
0x1b: {  	v63 =	vld [tilespmem:s20+$0xFFFFFFC0];
	[tilespmem:s22+$0x1020 ss:$0x81] =	vst.msk $0xffff, v58;
	p1 =	sgt.s32 s31, $0x7F;
	s25 =	smul.u32 s26, s25;
	s31 =	sand.u32 $0x380, s29  }
0x1c: {  	[tilespmem:s22+$0x1830 ss:$0x81] =	vst.msk $0xffff, v59;
	s26 =	ssub.s32 $0xC8, s27;
	s20 =	sadd.s32 s30, s21;
	s27 =	sshll.u32 s9, $0xF  }
0x1d: {  	[tilespmem:s22+$0x2040 ss:$0x81] =	vst.msk $0xffff, v60;
	s23 =	sor.u32 s31, s23;
	s26 =	simm.s32 @p1 $0x0;
	s20 =	sshrl.u32 s20, $0x3  }
0x1e: {  	[tilespmem:s22+$0x2850 ss:$0x81] =	vst.msk $0xffff, v61;
	s24 =	sadd.s32 s3, s27;
	s26 =	smul.u32 s26, s25;
	s20 =	sand.u32 $0x7E00, s20  }
0x1f: {  	[tilespmem:s22+$0x3060 ss:$0x81] =	vst.msk $0xffff, v62;
	s29 =	sshll.u32 s28, $0x12;
	s21 =	sshrl.u32 s23, $0x3;
	s20 =	sadd.s32 s20, s24  }
0x20: {  	[tilespmem:s22+$0x0 ss:$0x81] =	vst.msk $0xffff, v63;
	s31 =	sor.u32 $0x80, s29;
	s30 =	sand.u32 $0x3FFFFFFF, s26;
	s20 =	sadd.s32 s21, s20  }
0x21: {  	[hbm4b:s20+s31] =	stream.strided.scatter [tilespmem:s19], [sflag:$0x2], s30, s8, s31, $0x20;
	[tilespmem:$0x10100] =	vst v63  }
.LBB1_5:
0x22: {  	p1 =	slt.u32 s15, $0x2  }
0x23: {  	p2 =	sgt.s32 @!p1 s18, $0x48  }
0x24: {  	s19 =	smov.u32 s18;
	s20 =	sshra.s32 @!p1 s18, $0x1F;
	p2 =	por !p2, p1  }
0x25: {  	s18 =	sand.u32 @!p1 s20, s18;
	s19 =	simm.s32 @p2 $0x48  }
0x26: {  	s20 =	sshra.s32 @!p1 s17, $0x1F;
	p2 =	sgt.s32 @!p1 s17, $0x3F;
	s18 =	ssub.s32 @!p1 s19, s18  }
0x27: {  	p2 =	por !p2, p1;
	s19 =	smov.u32 s17;
	s17 =	sand.u32 @!p1 s20, s17  }
0x28: {  	s20 =	sshra.s32 @!p1 s16, $0x1F;
	s19 =	simm.s32 @p2 $0x3F;
	p2 =	sgt.s32 @!p1 s16, $0xF80  }
0x29: {  	s17 =	ssub.s32 @!p1 s19, s17;
	p2 =	por !p2, p1;
	s19 =	smov.u32 s16  }
0x2a: {  	s16 =	sand.u32 @!p1 s20, s16;
	s20 =	sadd.s32 @!p1 $0xFFFFFFC1, s17;
	s19 =	simm.s32 @p2 $0xF80  }
0x2b: {  	p2 =	sgt.s32 @!p1 s20, $0x0;
	s16 =	ssub.s32 @!p1 s19, s16  }
0x2c: {  	s17 =	ssub.s32 @!p1 $0x40, s17;
	p2 =	por !p2, p1;
	s19 =	sadd.s32 @!p1 $0xFFFFF080, s16  }
0x2d: {  	s17 =	simm.s32 @!p2 $0x0;
	p2 =	sgt.s32 @!p1 s19, $0x7F  }
0x2e: {  	s21 =	smov.u32 s14;
	s16 =	ssub.s32 @!p1 $0x1000, s16;
	p2 =	por !p2, p1  }
0x2f: {  	s20 =	sadd.s32 @!p1 $0xFFFFFFB8, s18;
	s19 =	sadd.s32 $0x80, s12;
	s16 =	simm.s32 @!p2 $0x0  }
0x30: {  	p2 =	sgt.s32 s19, $0xC7;
	s16 =	smul.u32 @!p1 s16, s17;
	s17 =	simm.s32 $0x1  }
0x31: {  	p0 =	por !p0, !p0;
	p3 =	sgt.s32 @!p1 s20, $0x7F;
	s17 =	simm.s32 @!p2 $0x0  }
0x32: {  	s18 =	ssub.s32 @!p1 $0xC8, s18;
	p3 =	por !p3, p1;
	s20 =	sadd.s32 s17, s13  }
0x33: {  	s18 =	simm.s32 @!p3 $0x0;
	s17 =	sadd.s32 $0x1000, s14;
	p3 =	sgt.s32 s20, $0x3F  }
0x34: {  	s22 =	simm.s32 @!p1 $0x2;
	s19 =	simm.s32 @p2 $0x0;
	s21 =	smov.u32 @p3 s17  }
0x35: {  	s16 =	smul.u32 @!p1 s18, s16;
	s18 =	smov.u32 s9;
	p2 =	sgt.s32 s21, $0xFFF  }
0x36: {  	s9 =	smov.u32 s12;
	s21 =	smov.u32 @p2 s2;
	p2 =	sne.s32 s15, s7  }
.Ltmp1:
0x37: {  	s12 =	smov.u32 s19;
	s16 =	sand.u32 @!p1 $0x3FFFFFFF, s16;
	(pc) =	sbr.rel @!p2 .LBB1_6-.Ltmp1, $4  }
0x38: {  	s20 =	simm.s32 @p3 $0x0;
	s17 =	smov.u32 s10;
	s10 =	smov.u32 s13  }
0x39: {  	_ =	swait.ge @!p1 [sflag:s22], s16;
	s23 =	ssub.s32 @!p1 $0x0, s16;
	s16 =	smov.u32 s11  }
0x3a: {  	s11 =	smov.u32 s14;
	s13 =	smov.u32 s20;
	[sflag:s22] =	ssyncset.done @!p1 $0x0  }
0x3b: {  	s15 =	sadd.s32 $0x1, s15;
	[sflag:s22] =	ssyncadd.s32 @!p1 s23;
	s14 =	smov.u32 s21  }
.LBB1_1:
0x3c: {  	p1 =	sge.u32 s15, s6  }
0x3d: {  	s31 =	sadd.s32 $0xFFFFFFFF, s15;
	s19 =	sxor.u32 @!p1 $0xFFFFFFFF, s15  }
0x3e: {  	s20 =	sshll.u32 @!p1 s13, $0x8;
	s21 =	sshll.u32 @!p1 s12, $0x3;
	s22 =	sshll.u32 @!p1 s13, $0x7  }
0x3f: {  	s23 =	sand.u32 @!p1 $0x78, s12;
	s20 =	sand.u32 @!p1 $0x3800, s20;
	s21 =	sand.u32 @!p1 $0x3C00, s21  }
0x40: {  	s19 =	sshll.u32 @!p1 s19, $0xE;
	s20 =	sadd.s32 @!p1 s20, s21;
	s21 =	sand.u32 @!p1 $0x300, s22  }
0x41: {  	s19 =	sand.u32 @!p1 $0x4000, s19;
	s20 =	sor.u32 @!p1 s21, s20;
	s21 =	sand.u32 @!p1 $0x80, s22  }
0x42: {  	s22 =	sshll.u32 @!p1 s14, $0xB;
	s21 =	sor.u32 @!p1 s23, s21;
	s20 =	sshrl.u32 @!p1 s20, $0x3  }
0x43: {  	s22 =	sadd.s32 @!p1 s5, s22;
	s23 =	sand.u32 @!p1 $0x7, s12;
	s21 =	sshrl.u32 @!p1 s21, $0x3  }
0x44: {  	s20 =	sand.u32 @!p1 $0x7E0, s20;
	s21 =	sadd.s32 @!p1 s21, s22;
	s22 =	sshll.u32 @!p1 s23, $0x12  }
0x45: {  	s20 =	sadd.s32 @!p1 s20, s21;
	s21 =	sor.u32 @!p1 $0x80, s22;
	s22 =	simm.s32 @!p1 $0x4000  }
0x46: {  	[tilespmem:s19], [sflag:$0x1] =	stream.strided.gather @!p1 [hbm4b:s20+s21], $0x4000, s22, s21, $0x38;
	[tilespmem:$0x10100] =	vst v63  }
0x47: {  	p1 =	sge.u32 s31, s6  }
.Ltmp2:
0x48: {  	_ = 	snop;
	(pc) =	sbr.rel @p1 .LBB1_5-.Ltmp2, $1  }
0x49: {  	_ =	sdelay $0x3  }
0x4a: {  	s19 =	simm.s32 $0x1  }
0x4b: {  	_ =	swait.ge [sflag:s4], $0x4000;
	s19 =	simm.s32 @!p0 $0x0  }
0x4c: {  	[sflag:s4] =	ssyncset.done $0x0;
	s20 =	sshll.u32 s19, $0xE  }
0x4d: {  	[sflag:s4] =	ssyncadd.s32 $0xFFFFC000;
	s20 =	sor.u32 $0x40, s20  }
0x4e: {  	s19 =	smul.u32 $0x10200, s19;
	v0 =	vld [tilespmem:s20+$0x30]  }
0x4f: {  	v1 =	vld [tilespmem:s20+$0xFFFFFFD0]  }
0x50: {  	s19 =	sshrl.u32 s19, $0x2;
	v5 =	vld [tilespmem:s20+$0xFFFFFFE0]  }
0x51: {  	v6 =	vld [tilespmem:s20+$0xFFFFFFF0];
	s22 =	sor.u32 $0x8000, s19  }
0x52: {  	s31 =	sand.u32 $0x1, s15;
	v4 =	vld [tilespmem:s20+$0x0];
	s21 =	sadd.s32 $0x0, s22  }
0x53: {  	v3 =	vld [tilespmem:s20+$0x10];
	s19 =	smul.u32 $0x10200, s31;
	[tilespmem:s21+$0x3870 ss:$0x81] =	vst.msk $0xffff, v0  }
0x54: {  	v2 =	vld [tilespmem:s20+$0x20];
	[tilespmem:s21+$0x810 ss:$0x81] =	vst.msk $0xffff, v1  }
0x55: {  	s19 =	sshrl.u32 s19, $0x2;
	v1 =	vld [tilespmem:s20+$0xFFFFFFC0];
	[tilespmem:s21+$0x1020 ss:$0x81] =	vst.msk $0xffff, v5;
	s20 =	sadd.s32 $0x80, s20  }
0x56: {  	s23 =	simm.s32 $0x4;
	s24 =	simm.s32 $0x8;
	s19 =	sor.u32 $0x8000, s19;
	[tilespmem:s21+$0x1830 ss:$0x81] =	vst.msk $0xffff, v6;
	v0 =	vld [tilespmem:s20+$0x30]  }
.LBB1_3:
0x57: {  	p1 =	sne.s32 s24, $0x1FC;
	v5 =	vld [tilespmem:s20+$0xFFFFFFD0];
	[tilespmem:s21+$0x2040 ss:$0x81] =	vst.msk $0xffff, v4  }
0x58: {  	v6 =	vld [tilespmem:s20+$0xFFFFFFE0];
	[tilespmem:s21+$0x2850 ss:$0x81] =	vst.msk $0xffff, v3  }
0x59: {  	s25 =	sshra.s32 s23, $0x2;
	s23 =	smov.u32 s24;
	v7 =	vld [tilespmem:s20+$0xFFFFFFF0];
	[tilespmem:s21+$0x3060 ss:$0x81] =	vst.msk $0xffff, v2  }
.Ltmp3:
0x5a: {  	v4 =	vld [tilespmem:s20+$0x0];
	[tilespmem:s21+$0x0 ss:$0x81] =	vst.msk $0xffff, v1;
	s21 =	sadd.s32 s25, s22;
	(pc) =	sbr.rel @p1 .LBB1_3-.Ltmp3, $4  }
0x5b: {  	v3 =	vld [tilespmem:s20+$0x10];
	[tilespmem:s21+$0x3870 ss:$0x81] =	vst.msk $0xffff, v0  }
0x5c: {  	[tilespmem:s21+$0x810 ss:$0x81] =	vst.msk $0xffff, v5;
	v2 =	vld [tilespmem:s20+$0x20]  }
0x5d: {  	v1 =	vld [tilespmem:s20+$0xFFFFFFC0];
	[tilespmem:s21+$0x1020 ss:$0x81] =	vst.msk $0xffff, v6;
	s20 =	sadd.s32 $0x80, s20  }
0x5e: {  	s24 =	sadd.s32 $0x4, s24;
	v0 =	vld [tilespmem:s20+$0x30];
	[tilespmem:s21+$0x1830 ss:$0x81] =	vst.msk $0xffff, v7  }
.Ltmp4:
0x5f: {  	_ = 	snop;
	(pc) =	sbr.rel .LBB1_4-.Ltmp4, $1  }
0x60: {  	_ =	sdelay $0x3  }
.LBB1_6:
0x61: {  	_ =	sfence.sel $0x180000  }
0x62: {  	s2 =	simm.s32 $0x1;
	[bflag:$0x0] =	sbarrier.arrive $0xFFFF  }
0x63: {  	s31 =	simm.s32 $0x2;
	[sflag:s2] =	ssyncpa.u1 $0x1  }
0x64: {  	[sflag:s31] =	ssyncpa.u1 $0x1  }
0x65: {  	p0 =	sne.s32 s0, $0x0;
	_ =	strace $0x9000004A  }
0x66: {  	s0 =	sadd.s32 @!p0 $0x100000, s1;
	[bflag:$0x2] =	sbarrier.arrive $0xFFFF  }
0x67: {  	[sflag:s0] =	ssyncadd.tile.s32 @!p0 $0x1;
	_ =	shalt  }
.Lfunc_end1:
_tile_overlayer_lowered:
.L_overlay_start_2:
0x68: {  	(tag) =	ssettag $0x2  }
0x69: {  	s0 =	rddreg [dreg:$0x0];
	s2 =	stileid.u32  }
0x6a: {  	s1 =	rddreg [dreg:$0x1];
	p0 =	sne.s32 s2, $0x0  }
0x6b: {  	s3 =	rddreg [dreg:$0x2];
	[bflag:$0x3] =	sbarrier.arrive $0xFFFF;
	s2 =	simm.s32 @!p0 $0x1C01  }
0x6c: {  	[timem:s3], [sflag:s2] =	dma.local @!p0 [hbm:s0], s1  }
0x6d: {  	s0 =	simm.s32 @!p0 $0x1  }
0x6e: {  	_ =	swait.ge @!p0 [sflag:s0], s1  }
0x6f: {  	s1 =	ssub.s32 @!p0 $0x0, s1;
	[sflag:s0] =	ssyncset.done @!p0 $0x0  }
0x70: {  	[sflag:s0] =	ssyncadd.s32 @!p0 s1  }
0x71: {  	[bflag:$0x3] =	sbarrier.arrive $0xFFFF  }
0x72: {  	_ =	shalt  }

</sc_bundles>
